<compile_context>
chip_gen: v7x
topology: tpu7x:2x2x1
jax: 0.10.2.dev20260603
libtpu: 0.0.44.dev20260713+nightly
codegen_flags: <defaults>
</compile_context>

<pallas_src>
import functools

import jax
import jax.numpy as jnp
from jax import lax
from jax.experimental import pallas as pl
from jax.experimental.pallas import tpu as pltpu
from jax.experimental.pallas import tpu_sc as plsc

KNN = 20
EPS = 1e-5
F32 = jnp.float32
I32 = jnp.int32
_IMIN = -(2 ** 31)
_LOWMASK = 2047



def _knn_topk(X, xx):
    B, N, C = X.shape
    R = 256

    def kern(xr_ref, xf_ref, xx_ref, xxc_ref, out_ref):
        b = pl.program_id(0)
        xr = xr_ref[0]
        xf = xf_ref[0]
        dot = lax.dot_general(xr.astype(jnp.bfloat16),
                              xf.astype(jnp.bfloat16),
                              (((1,), (1,)), ((), ())),
                              preferred_element_type=F32)
        inner = -2.0 * dot
        nf = xx_ref[0]
        nr = xxc_ref[0]
        pd = -nf - inner - nr
        col = lax.broadcasted_iota(I32, (R, N), 1)
        cols = []
        for _ in range(KNN):
            arg = jnp.argmax(pd, axis=1).astype(I32)[:, None]
            cols.append(arg)
            pd = jnp.where(col == arg, -jnp.inf, pd)
        out_ref[0] = jnp.concatenate(cols, axis=1) + b * N

    return pl.pallas_call(
        kern,
        grid=(B, N // R),
        in_specs=[
            pl.BlockSpec((1, R, C), lambda b, r: (b, r, 0)),
            pl.BlockSpec((1, N, C), lambda b, r: (b, 0, 0)),
            pl.BlockSpec((1, 1, N), lambda b, r: (b, 0, 0)),
            pl.BlockSpec((1, R, 1), lambda b, r: (b, r, 0)),
        ],
        out_specs=pl.BlockSpec((1, R, KNN), lambda b, r: (b, r, 0)),
        out_shape=jax.ShapeDtypeStruct((B, N, KNN), I32),
    )(X, X, xx, jnp.transpose(xx, (0, 2, 1)))



def _gather_rows(X2, idxk):
    BN, Cp = X2.shape
    E = idxk.shape[0]
    NW = 32
    PW = E // NW
    RB = min(1024, (256 * 1024) // (Cp * 4))
    while PW % RB:
        RB //= 2
    CH = 64
    NCH = RB // CH
    mesh = plsc.VectorSubcoreMesh(core_axis_name="c", subcore_axis_name="s")

    @functools.partial(
        pl.kernel, mesh=mesh,
        out_type=jax.ShapeDtypeStruct((E, Cp), F32),
        scratch_types=[
            pltpu.VMEM((RB,), I32),
            pltpu.VMEM((RB, Cp), F32),
            pltpu.SemaphoreType.DMA,
        ],
    )
    def k(x_hbm, idx_hbm, f_hbm, idx_v, rows_v, sem):
        wid = lax.axis_index("s") * 2 + lax.axis_index("c")
        base = wid * PW

        def blk_body(blk, _):
            r0 = base + blk * RB
            pltpu.sync_copy(idx_hbm.at[pl.ds(r0, RB)], idx_v)
            cps = [
                pltpu.async_copy(x_hbm.at[idx_v.at[pl.ds(j * CH, CH)]],
                                 rows_v.at[pl.ds(j * CH, CH)], sem)
                for j in range(NCH)
            ]
            for cp in cps:
                cp.wait()
            pltpu.sync_copy(rows_v, f_hbm.at[pl.ds(r0, RB)])
            return 0

        lax.fori_loop(0, PW // RB, blk_body, 0, unroll=False)

    return k(X2, idxk)


def _edge_conv(F, X, W):
    E, Cp = F.shape
    BN, C = X.shape
    o = W.shape[0]
    P = 1024
    S = BN // P
    T = E // BN
    cnt = float(E)

    def kern(f_ref, x_ref, w_ref, m_ref, st_ref, mx, acc):
        i = pl.program_id(0)
        t = pl.program_id(1)
        xi = x_ref[...]
        ft = f_ref[...][:, :C]
        feat = jnp.concatenate([ft - xi, xi], axis=1).astype(jnp.bfloat16)
        y = lax.dot_general(feat, w_ref[...].astype(jnp.bfloat16),
                            (((1,), (1,)), ((), ())),
                            preferred_element_type=F32)

        @pl.when(t == 0)
        def _():
            mx[...] = y

        @pl.when(t > 0)
        def _():
            mx[...] = jnp.maximum(mx[...], y)

        @pl.when((i == 0) & (t == 0))
        def _():
            acc[...] = jnp.zeros_like(acc)

        p0 = jnp.sum(y, axis=0)
        p1 = jnp.sum(y * y, axis=0)
        t0 = p0 - acc[2, :]
        u0 = acc[0, :] + t0
        acc[2, :] = (u0 - acc[0, :]) - t0
        acc[0, :] = u0
        t1 = p1 - acc[3, :]
        u1 = acc[1, :] + t1
        acc[3, :] = (u1 - acc[1, :]) - t1
        acc[1, :] = u1

        @pl.when(t == T - 1)
        def _():
            m_ref[...] = mx[...]

        @pl.when((i == S - 1) & (t == T - 1))
        def _():
            m = acc[0, :] * (1.0 / cnt)
            v = acc[1, :] * (1.0 / cnt) - m * m
            istd = lax.rsqrt(v + EPS)
            z = jnp.zeros((1, o), F32)
            st_ref[...] = jnp.concatenate(
                [m[None], istd[None], z, z, z, z, z, z], axis=0)

    return pl.pallas_call(
        kern,
        grid=(S, T),
        in_specs=[
            pl.BlockSpec((P, Cp), lambda i, t: (t * S + i, 0)),
            pl.BlockSpec((P, C), lambda i, t: (i, 0)),
            pl.BlockSpec((o, 2 * C), lambda i, t: (0, 0)),
        ],
        out_specs=[
            pl.BlockSpec((P, o), lambda i, t: (i, 0)),
            pl.BlockSpec((8, o), lambda i, t: (0, 0)),
        ],
        out_shape=[
            jax.ShapeDtypeStruct((BN, o), F32),
            jax.ShapeDtypeStruct((8, o), F32),
        ],
        scratch_shapes=[pltpu.VMEM((P, o), F32), pltpu.VMEM((8, o), F32)],
    )(F, X, W)



def _apply_bn(M, st, gam, beta, o):
    BN, _ = M.shape
    R = 2048

    def kern(m_ref, st_ref, g_ref, b_ref, out_ref):
        stv = st_ref[...]
        y = (m_ref[...] - stv[0:1, :]) * (stv[1:2, :] * g_ref[...]) \
            + b_ref[...]
        out_ref[...] = jnp.where(y >= 0, y, 0.2 * y)

    return pl.pallas_call(
        kern,
        grid=(BN // R,),
        in_specs=[
            pl.BlockSpec((R, o), lambda i: (i, 0)),
            pl.BlockSpec((8, o), lambda i: (0, 0)),
            pl.BlockSpec((1, o), lambda i: (0, 0)),
            pl.BlockSpec((1, o), lambda i: (0, 0)),
        ],
        out_specs=pl.BlockSpec((R, o), lambda i: (i, 0)),
        out_shape=jax.ShapeDtypeStruct((BN, o), F32),
    )(M, st, gam.reshape(1, o), beta.reshape(1, o))



def _edge_layer(X, W, gam, beta):
    B, N, C = X.shape
    o = W.shape[0]
    BN = B * N
    Cp = max(128, C)
    xx = jnp.sum(jnp.transpose(X, (0, 2, 1)) ** 2, axis=1, keepdims=True)
    idx = _knn_topk(X, xx)
    idxk = jnp.transpose(idx.reshape(BN, KNN)).reshape(-1)
    X2 = X.reshape(BN, C)
    Xg = X2 if Cp == C else jnp.pad(X2, ((0, 0), (0, Cp - C)))
    F = _gather_rows(Xg, idxk)
    M, st = _edge_conv(F, X2, W)
    Xn = _apply_bn(M, st, gam, beta, o)
    return Xn.reshape(B, N, o)



def _final(x1, x2, x3, x4, W5, g5, b5):
    BN = x1.shape[0]
    o = W5.shape[0]
    R = 512
    S = BN // R

    def kern_mm(a_ref, b_ref, c_ref, d_ref, w_ref, y_ref, st_ref, acc):
        i = pl.program_id(0)
        cat = jnp.concatenate(
            [a_ref[...], b_ref[...], c_ref[...], d_ref[...]], axis=1)
        y = lax.dot_general(cat.astype(jnp.bfloat16),
                            w_ref[...].astype(jnp.bfloat16),
                            (((1,), (1,)), ((), ())),
                            preferred_element_type=F32)
        y_ref[...] = y

        @pl.when(i == 0)
        def _():
            acc[...] = jnp.zeros_like(acc)

        p0 = jnp.sum(y, axis=0)
        p1 = jnp.sum(y * y, axis=0)
        t0 = p0 - acc[2, :]
        u0 = acc[0, :] + t0
        acc[2, :] = (u0 - acc[0, :]) - t0
        acc[0, :] = u0
        t1 = p1 - acc[3, :]
        u1 = acc[1, :] + t1
        acc[3, :] = (u1 - acc[1, :]) - t1
        acc[1, :] = u1

        @pl.when(i == S - 1)
        def _():
            m = acc[0, :] * (1.0 / BN)
            v = acc[1, :] * (1.0 / BN) - m * m
            st_ref[...] = jnp.concatenate([m[None], v[None]], axis=0)

    c1, c2, c3, c4 = (x.shape[1] for x in (x1, x2, x3, x4))
    y, stmv = pl.pallas_call(
        kern_mm,
        grid=(S,),
        in_specs=[
            pl.BlockSpec((R, c1), lambda i: (i, 0)),
            pl.BlockSpec((R, c2), lambda i: (i, 0)),
            pl.BlockSpec((R, c3), lambda i: (i, 0)),
            pl.BlockSpec((R, c4), lambda i: (i, 0)),
            pl.BlockSpec((o, c1 + c2 + c3 + c4), lambda i: (0, 0)),
        ],
        out_specs=[
            pl.BlockSpec((R, o), lambda i: (i, 0)),
            pl.BlockSpec((2, o), lambda i: (0, 0)),
        ],
        out_shape=[
            jax.ShapeDtypeStruct((BN, o), F32),
            jax.ShapeDtypeStruct((2, o), F32),
        ],
        scratch_shapes=[pltpu.VMEM((4, o), F32)],
    )(x1, x2, x3, x4, W5)

    B = 8
    N = BN // B

    def kern_pool(y_ref, st_ref, g_ref, b_ref, out_ref):
        b = pl.program_id(0)
        yb = y_ref[0]
        stv = st_ref[...]
        istd = g_ref[...] * lax.rsqrt(stv[1:2, :] + EPS)
        yn = (yb - stv[0:1, :]) * istd + b_ref[...]
        l = jnp.where(yn >= 0, yn, 0.2 * yn)
        p1 = jnp.max(l, axis=0, keepdims=True)
        p2 = jnp.sum(l, axis=0, keepdims=True) * (1.0 / N)
        out_ref[pl.ds(b, 1), 0:o] = p1
        out_ref[pl.ds(b, 1), o:2 * o] = p2

    return pl.pallas_call(
        kern_pool,
        grid=(B,),
        in_specs=[
            pl.BlockSpec((1, N, o), lambda b: (b, 0, 0)),
            pl.BlockSpec((2, o), lambda b: (0, 0)),
            pl.BlockSpec((1, o), lambda b: (0, 0)),
            pl.BlockSpec((1, o), lambda b: (0, 0)),
        ],
        out_specs=pl.BlockSpec((B, 2 * o), lambda b: (0, 0)),
        out_shape=jax.ShapeDtypeStruct((B, 2 * o), F32),
    )(y.reshape(B, N, o), stmv, g5.reshape(1, o), b5.reshape(1, o))



def kernel(x, W1, g1, b1, W2, g2, b2, W3, g3, b3, W4, g4, b4, W5, g5, b5):
    B, N, _ = x.shape
    x1 = _edge_layer(x, W1, g1, b1)
    x2 = _edge_layer(x1, W2, g2, b2)
    x3 = _edge_layer(x2, W3, g3, b3)
    x4 = _edge_layer(x3, W4, g4, b4)
    BN = B * N
    return _final(x1.reshape(BN, -1), x2.reshape(BN, -1),
                  x3.reshape(BN, -1), x4.reshape(BN, -1), W5, g5, b5)

# --- scband reference (transcript-rebuilt; emitter-appended) ---
"""Pipeline reference for scband-dgcnn-54606214201506 (READ-ONLY COPY).

The authoritative reference and input builder live on the scoring server;
editing this copy changes nothing except your own understanding.
"""

import jax, jax.numpy as jnp
import numpy as np

K = 20
EPS = 1e-5

def knn(x, k):
    # x: [B, C, N]
    inner = -2.0 * jnp.einsum('bcn,bcm->bnm', x, x)
    xx = jnp.sum(x ** 2, axis=1, keepdims=True)  # [B,1,N]
    pd = -xx - inner - jnp.transpose(xx, (0, 2, 1))
    idx = jax.lax.top_k(pd, k)[1]  # [B,N,k]
    return idx

def get_graph_feature(x, k):
    # x: [B, C, N] -> [B, 2C, N, k]
    B, C, N = x.shape
    idx = knn(x, k)
    xt = jnp.transpose(x, (0, 2, 1))  # [B,N,C]
    feature = jax.vmap(lambda a, i: a[i])(xt, idx)  # gather: [B,N,k,C]
    xe = jnp.broadcast_to(xt[:, :, None, :], (B, N, k, C))
    f = jnp.concatenate([feature - xe, xe], axis=3)
    return jnp.transpose(f, (0, 3, 1, 2))

def lrelu(x):
    return jnp.where(x >= 0, x, 0.2 * x)

def bn2d(x, g, b):
    m = jnp.mean(x, axis=(0, 2, 3), keepdims=True)
    v = jnp.var(x, axis=(0, 2, 3), keepdims=True)
    return (x - m) / jnp.sqrt(v + EPS) * g[None, :, None, None] + b[None, :, None, None]

def bn1d(x, g, b):
    m = jnp.mean(x, axis=(0, 2), keepdims=True)
    v = jnp.var(x, axis=(0, 2), keepdims=True)
    return (x - m) / jnp.sqrt(v + EPS) * g[None, :, None] + b[None, :, None]

def conv_block(x, W, g, b):
    y = jnp.einsum('oc,bcnk->bonk', W, x)
    return lrelu(bn2d(y, g, b))

def setup_inputs(seed: int = 0):
    key = jax.random.key(seed)
    ks = jax.random.split(key, 8)
    B, N = 8, 2048
    def w(k, o, c):
        return jax.random.normal(k, (o, c), dtype=jnp.float32) * (1.0 / np.sqrt(c))
    d = {}
    d['x'] = jax.random.normal(ks[0], (B, N, 3), dtype=jnp.float32)
    d['W1'] = w(ks[1], 64, 6);    d['g1'] = jnp.ones((64,), jnp.float32);   d['b1'] = jnp.zeros((64,), jnp.float32)
    d['W2'] = w(ks[2], 64, 128);  d['g2'] = jnp.ones((64,), jnp.float32);   d['b2'] = jnp.zeros((64,), jnp.float32)
    d['W3'] = w(ks[3], 128, 128); d['g3'] = jnp.ones((128,), jnp.float32);  d['b3'] = jnp.zeros((128,), jnp.float32)
    d['W4'] = w(ks[4], 256, 256); d['g4'] = jnp.ones((256,), jnp.float32);  d['b4'] = jnp.zeros((256,), jnp.float32)
    d['W5'] = w(ks[5], 1024, 512); d['g5'] = jnp.ones((1024,), jnp.float32); d['b5'] = jnp.zeros((1024,), jnp.float32)
    return d

def reference(x, W1, g1, b1, W2, g2, b2, W3, g3, b3, W4, g4, b4, W5, g5, b5):
    # x: [B, N, 3]
    xt = jnp.transpose(x, (0, 2, 1))  # [B,3,N]
    h = conv_block(get_graph_feature(xt, K), W1, g1, b1)
    x1 = jnp.max(h, axis=-1)  # [B,64,N]
    h = conv_block(get_graph_feature(x1, K), W2, g2, b2)
    x2 = jnp.max(h, axis=-1)  # [B,64,N]
    h = conv_block(get_graph_feature(x2, K), W3, g3, b3)
    x3 = jnp.max(h, axis=-1)  # [B,128,N]
    h = conv_block(get_graph_feature(x3, K), W4, g4, b4)
    x4 = jnp.max(h, axis=-1)  # [B,256,N]
    cat = jnp.concatenate([x1, x2, x3, x4], axis=1)  # [B,512,N]
    y = jnp.einsum('oc,bcn->bon', W5, cat)
    y = lrelu(bn1d(y, g5, b5))  # [B,1024,N]
    p1 = jnp.max(y, axis=-1)
    p2 = jnp.mean(y, axis=-1)
    return jnp.concatenate([p1, p2], axis=1)  # [B,2048]

if __name__ == "__main__":
    import jax
    _d = setup_inputs()
    print(jax.jit(kernel)(*tuple(_d.values())))

</pallas_src>

<mosaic_0001>
#map = affine_map<(d0, d1) -> (0, 0)>
#map1 = affine_map<(d0, d1) -> (0)>
module attributes {stable_mosaic.version = 14 : i64} {
  func.func @k(%arg0: i32, %arg1: i32, %arg2: memref<16384x128xf32, #tpu.memory_space<hbm>>, %arg3: memref<327680xi32, #tpu.memory_space<hbm>>, %arg4: memref<327680x128xf32, #tpu.memory_space<hbm>>, %arg5: memref<512xi32, #tpu.memory_space<vmem>>, %arg6: memref<512x128xf32, #tpu.memory_space<vmem>>, %arg7: memref<!tpu.dma_semaphore, #tpu.memory_space<semaphore_mem>>) attributes {dimension_semantics = [#tpu.dimension_semantics<core_parallel>, #tpu.dimension_semantics<subcore_parallel>], iteration_bounds = array<i64: 2, 16>, scalar_prefetch = 0 : i64, scratch_operands = 3 : i64, tpu.core_type = #tpu.core_type<sc_vector_subcore>, window_params = [{transform_indices = #map}, {transform_indices = #map1}, {transform_indices = #map}]} {
    %mul3A = arith.constant 2 : i32
    %mul3A_0 = arith.muli %arg1, %mul3A : i32
    %add3A = arith.addi %mul3A_0, %arg0 : i32
    %mul3A_1 = arith.constant 10240 : i32
    %mul3A_2 = arith.muli %add3A, %mul3A_1 : i32
    %scan3A = arith.constant 0 : i32
    %scan3A_3 = arith.constant 0 : i32
    %scan3A_4 = arith.constant 20 : i32
    %scan3A_5 = arith.addi %scan3A_3, %scan3A_4 : i32
    %scan3A_6 = arith.constant 1 : i32
    %scan3A_7 = scf.for %scan3A_9 = %scan3A_3 to %scan3A_5 step %scan3A_6 iter_args(%scan3A_10 = %scan3A) -> (i32)  : i32 {
      %mul3A_11 = arith.constant 512 : i32
      %mul3A_12 = arith.muli %scan3A_9, %mul3A_11 : i32
      %add3A_13 = arith.addi %mul3A_2, %mul3A_12 : i32
      "tpu.region"() ({
        %run_scoped3A = tpu.sem_alloc : memref<!tpu.dma_semaphore, #tpu.memory_space<semaphore_mem>>
        %dma_start3A_141 = tpu.memref_slice %arg3[%add3A_13] : memref<327680xi32, #tpu.memory_space<hbm>> -> memref<512xi32, #tpu.memory_space<hbm>>
        %dma_start3A_142 = tpu.memref_slice %arg3[%add3A_13] : memref<327680xi32, #tpu.memory_space<hbm>> -> memref<512xi32, #tpu.memory_space<hbm>>
        tpu.enqueue_dma source(%dma_start3A_142 : memref<512xi32, #tpu.memory_space<hbm>>) target(%arg5 : memref<512xi32, #tpu.memory_space<vmem>>) target_semaphore(%run_scoped3A : memref<!tpu.dma_semaphore, #tpu.memory_space<semaphore_mem>>)
        %dma_wait3A_143 = tpu.memref_slice %arg3[%add3A_13] : memref<327680xi32, #tpu.memory_space<hbm>> -> memref<512xi32, #tpu.memory_space<hbm>>
        %dma_wait3A_144 = tpu.memref_slice %arg3[%add3A_13] : memref<327680xi32, #tpu.memory_space<hbm>> -> memref<512xi32, #tpu.memory_space<hbm>>
        tpu.wait_dma2 semaphore(%run_scoped3A : memref<!tpu.dma_semaphore, #tpu.memory_space<semaphore_mem>>) src(%dma_wait3A_144 : memref<512xi32, #tpu.memory_space<hbm>>) dst(%arg5 : memref<512xi32, #tpu.memory_space<vmem>>)
        tpu.yield
      }) : () -> ()
      %dma_start3A = arith.constant 0 : i32
      %dma_start3A_14 = arith.constant 0 : i32
      %dma_start3A_15 = tpu.memref_slice %arg6[%dma_start3A, %dma_start3A_14] : memref<512x128xf32, #tpu.memory_space<vmem>> -> memref<64x128xf32, #tpu.memory_space<vmem>>
      %dma_start3A_16 = arith.constant 0 : i32
      %dma_start3A_17 = tpu.memref_slice %arg5[%dma_start3A_16] : memref<512xi32, #tpu.memory_space<vmem>> -> memref<64xi32, #tpu.memory_space<vmem>>
      %dma_start3A_18 = arith.constant 0 : i32
      %dma_start3A_19 = arith.constant 0 : i32
      %dma_start3A_20 = tpu.memref_slice %arg2[%dma_start3A_18, %dma_start3A_19] : memref<16384x128xf32, #tpu.memory_space<hbm>> -> memref<16384x128xf32, #tpu.memory_space<hbm>>
      tpu.enqueue_indirect_dma source(%dma_start3A_20 : memref<16384x128xf32, #tpu.memory_space<hbm>>) target(%dma_start3A_15 : memref<64x128xf32, #tpu.memory_space<vmem>>) offsets(%dma_start3A_17 : memref<64xi32, #tpu.memory_space<vmem>>) semaphore(%arg7 : memref<!tpu.dma_semaphore, #tpu.memory_space<semaphore_mem>>)
      %dma_start3A_21 = arith.constant 64 : i32
      %dma_start3A_22 = arith.constant 0 : i32
      %dma_start3A_23 = tpu.memref_slice %arg6[%dma_start3A_21, %dma_start3A_22] : memref<512x128xf32, #tpu.memory_space<vmem>> -> memref<64x128xf32, #tpu.memory_space<vmem>>
      %dma_start3A_24 = arith.constant 64 : i32
      %dma_start3A_25 = tpu.memref_slice %arg5[%dma_start3A_24] : memref<512xi32, #tpu.memory_space<vmem>> -> memref<64xi32, #tpu.memory_space<vmem>>
      %dma_start3A_26 = arith.constant 0 : i32
      %dma_start3A_27 = arith.constant 0 : i32
      %dma_start3A_28 = tpu.memref_slice %arg2[%dma_start3A_26, %dma_start3A_27] : memref<16384x128xf32, #tpu.memory_space<hbm>> -> memref<16384x128xf32, #tpu.memory_space<hbm>>
      tpu.enqueue_indirect_dma source(%dma_start3A_28 : memref<16384x128xf32, #tpu.memory_space<hbm>>) target(%dma_start3A_23 : memref<64x128xf32, #tpu.memory_space<vmem>>) offsets(%dma_start3A_25 : memref<64xi32, #tpu.memory_space<vmem>>) semaphore(%arg7 : memref<!tpu.dma_semaphore, #tpu.memory_space<semaphore_mem>>)
      %dma_start3A_29 = arith.constant 128 : i32
      %dma_start3A_30 = arith.constant 0 : i32
      %dma_start3A_31 = tpu.memref_slice %arg6[%dma_start3A_29, %dma_start3A_30] : memref<512x128xf32, #tpu.memory_space<vmem>> -> memref<64x128xf32, #tpu.memory_space<vmem>>
      %dma_start3A_32 = arith.constant 128 : i32
      %dma_start3A_33 = tpu.memref_slice %arg5[%dma_start3A_32] : memref<512xi32, #tpu.memory_space<vmem>> -> memref<64xi32, #tpu.memory_space<vmem>>
      %dma_start3A_34 = arith.constant 0 : i32
      %dma_start3A_35 = arith.constant 0 : i32
      %dma_start3A_36 = tpu.memref_slice %arg2[%dma_start3A_34, %dma_start3A_35] : memref<16384x128xf32, #tpu.memory_space<hbm>> -> memref<16384x128xf32, #tpu.memory_space<hbm>>
      tpu.enqueue_indirect_dma source(%dma_start3A_36 : memref<16384x128xf32, #tpu.memory_space<hbm>>) target(%dma_start3A_31 : memref<64x128xf32, #tpu.memory_space<vmem>>) offsets(%dma_start3A_33 : memref<64xi32, #tpu.memory_space<vmem>>) semaphore(%arg7 : memref<!tpu.dma_semaphore, #tpu.memory_space<semaphore_mem>>)
      %dma_start3A_37 = arith.constant 192 : i32
      %dma_start3A_38 = arith.constant 0 : i32
      %dma_start3A_39 = tpu.memref_slice %arg6[%dma_start3A_37, %dma_start3A_38] : memref<512x128xf32, #tpu.memory_space<vmem>> -> memref<64x128xf32, #tpu.memory_space<vmem>>
      %dma_start3A_40 = arith.constant 192 : i32
      %dma_start3A_41 = tpu.memref_slice %arg5[%dma_start3A_40] : memref<512xi32, #tpu.memory_space<vmem>> -> memref<64xi32, #tpu.memory_space<vmem>>
      %dma_start3A_42 = arith.constant 0 : i32
      %dma_start3A_43 = arith.constant 0 : i32
      %dma_start3A_44 = tpu.memref_slice %arg2[%dma_start3A_42, %dma_start3A_43] : memref<16384x128xf32, #tpu.memory_space<hbm>> -> memref<16384x128xf32, #tpu.memory_space<hbm>>
      tpu.enqueue_indirect_dma source(%dma_start3A_44 : memref<16384x128xf32, #tpu.memory_space<hbm>>) target(%dma_start3A_39 : memref<64x128xf32, #tpu.memory_space<vmem>>) offsets(%dma_start3A_41 : memref<64xi32, #tpu.memory_space<vmem>>) semaphore(%arg7 : memref<!tpu.dma_semaphore, #tpu.memory_space<semaphore_mem>>)
      %dma_start3A_45 = arith.constant 256 : i32
      %dma_start3A_46 = arith.constant 0 : i32
      %dma_start3A_47 = tpu.memref_slice %arg6[%dma_start3A_45, %dma_start3A_46] : memref<512x128xf32, #tpu.memory_space<vmem>> -> memref<64x128xf32, #tpu.memory_space<vmem>>
      %dma_start3A_48 = arith.constant 256 : i32
      %dma_start3A_49 = tpu.memref_slice %arg5[%dma_start3A_48] : memref<512xi32, #tpu.memory_space<vmem>> -> memref<64xi32, #tpu.memory_space<vmem>>
      %dma_start3A_50 = arith.constant 0 : i32
      %dma_start3A_51 = arith.constant 0 : i32
      %dma_start3A_52 = tpu.memref_slice %arg2[%dma_start3A_50, %dma_start3A_51] : memref<16384x128xf32, #tpu.memory_space<hbm>> -> memref<16384x128xf32, #tpu.memory_space<hbm>>
      tpu.enqueue_indirect_dma source(%dma_start3A_52 : memref<16384x128xf32, #tpu.memory_space<hbm>>) target(%dma_start3A_47 : memref<64x128xf32, #tpu.memory_space<vmem>>) offsets(%dma_start3A_49 : memref<64xi32, #tpu.memory_space<vmem>>) semaphore(%arg7 : memref<!tpu.dma_semaphore, #tpu.memory_space<semaphore_mem>>)
      %dma_start3A_53 = arith.constant 320 : i32
      %dma_start3A_54 = arith.constant 0 : i32
      %dma_start3A_55 = tpu.memref_slice %arg6[%dma_start3A_53, %dma_start3A_54] : memref<512x128xf32, #tpu.memory_space<vmem>> -> memref<64x128xf32, #tpu.memory_space<vmem>>
      %dma_start3A_56 = arith.constant 320 : i32
      %dma_start3A_57 = tpu.memref_slice %arg5[%dma_start3A_56] : memref<512xi32, #tpu.memory_space<vmem>> -> memref<64xi32, #tpu.memory_space<vmem>>
      %dma_start3A_58 = arith.constant 0 : i32
      %dma_start3A_59 = arith.constant 0 : i32
      %dma_start3A_60 = tpu.memref_slice %arg2[%dma_start3A_58, %dma_start3A_59] : memref<16384x128xf32, #tpu.memory_space<hbm>> -> memref<16384x128xf32, #tpu.memory_space<hbm>>
      tpu.enqueue_indirect_dma source(%dma_start3A_60 : memref<16384x128xf32, #tpu.memory_space<hbm>>) target(%dma_start3A_55 : memref<64x128xf32, #tpu.memory_space<vmem>>) offsets(%dma_start3A_57 : memref<64xi32, #tpu.memory_space<vmem>>) semaphore(%arg7 : memref<!tpu.dma_semaphore, #tpu.memory_space<semaphore_mem>>)
      %dma_start3A_61 = arith.constant 384 : i32
      %dma_start3A_62 = arith.constant 0 : i32
      %dma_start3A_63 = tpu.memref_slice %arg6[%dma_start3A_61, %dma_start3A_62] : memref<512x128xf32, #tpu.memory_space<vmem>> -> memref<64x128xf32, #tpu.memory_space<vmem>>
      %dma_start3A_64 = arith.constant 384 : i32
      %dma_start3A_65 = tpu.memref_slice %arg5[%dma_start3A_64] : memref<512xi32, #tpu.memory_space<vmem>> -> memref<64xi32, #tpu.memory_space<vmem>>
      %dma_start3A_66 = arith.constant 0 : i32
      %dma_start3A_67 = arith.constant 0 : i32
      %dma_start3A_68 = tpu.memref_slice %arg2[%dma_start3A_66, %dma_start3A_67] : memref<16384x128xf32, #tpu.memory_space<hbm>> -> memref<16384x128xf32, #tpu.memory_space<hbm>>
      tpu.enqueue_indirect_dma source(%dma_start3A_68 : memref<16384x128xf32, #tpu.memory_space<hbm>>) target(%dma_start3A_63 : memref<64x128xf32, #tpu.memory_space<vmem>>) offsets(%dma_start3A_65 : memref<64xi32, #tpu.memory_space<vmem>>) semaphore(%arg7 : memref<!tpu.dma_semaphore, #tpu.memory_space<semaphore_mem>>)
      %dma_start3A_69 = arith.constant 448 : i32
      %dma_start3A_70 = arith.constant 0 : i32
      %dma_start3A_71 = tpu.memref_slice %arg6[%dma_start3A_69, %dma_start3A_70] : memref<512x128xf32, #tpu.memory_space<vmem>> -> memref<64x128xf32, #tpu.memory_space<vmem>>
      %dma_start3A_72 = arith.constant 448 : i32
      %dma_start3A_73 = tpu.memref_slice %arg5[%dma_start3A_72] : memref<512xi32, #tpu.memory_space<vmem>> -> memref<64xi32, #tpu.memory_space<vmem>>
      %dma_start3A_74 = arith.constant 0 : i32
      %dma_start3A_75 = arith.constant 0 : i32
      %dma_start3A_76 = tpu.memref_slice %arg2[%dma_start3A_74, %dma_start3A_75] : memref<16384x128xf32, #tpu.memory_space<hbm>> -> memref<16384x128xf32, #tpu.memory_space<hbm>>
      tpu.enqueue_indirect_dma source(%dma_start3A_76 : memref<16384x128xf32, #tpu.memory_space<hbm>>) target(%dma_start3A_71 : memref<64x128xf32, #tpu.memory_space<vmem>>) offsets(%dma_start3A_73 : memref<64xi32, #tpu.memory_space<vmem>>) semaphore(%arg7 : memref<!tpu.dma_semaphore, #tpu.memory_space<semaphore_mem>>)
      %dma_wait3A = arith.constant 0 : i32
      %dma_wait3A_77 = arith.constant 0 : i32
      %dma_wait3A_78 = tpu.memref_slice %arg6[%dma_wait3A, %dma_wait3A_77] : memref<512x128xf32, #tpu.memory_space<vmem>> -> memref<64x128xf32, #tpu.memory_space<vmem>>
      %dma_wait3A_79 = arith.constant 0 : i32
      %dma_wait3A_80 = tpu.memref_slice %arg5[%dma_wait3A_79] : memref<512xi32, #tpu.memory_space<vmem>> -> memref<64xi32, #tpu.memory_space<vmem>>
      %dma_wait3A_81 = arith.constant 0 : i32
      %dma_wait3A_82 = arith.constant 0 : i32
      %dma_wait3A_83 = tpu.memref_slice %arg2[%dma_wait3A_81, %dma_wait3A_82] : memref<16384x128xf32, #tpu.memory_space<hbm>> -> memref<16384x128xf32, #tpu.memory_space<hbm>>
      tpu.wait_indirect_dma semaphore(%arg7 : memref<!tpu.dma_semaphore, #tpu.memory_space<semaphore_mem>>) src(%dma_wait3A_83 : memref<16384x128xf32, #tpu.memory_space<hbm>>) dst(%dma_wait3A_78 : memref<64x128xf32, #tpu.memory_space<vmem>>)
      %dma_wait3A_84 = arith.constant 64 : i32
      %dma_wait3A_85 = arith.constant 0 : i32
      %dma_wait3A_86 = tpu.memref_slice %arg6[%dma_wait3A_84, %dma_wait3A_85] : memref<512x128xf32, #tpu.memory_space<vmem>> -> memref<64x128xf32, #tpu.memory_space<vmem>>
      %dma_wait3A_87 = arith.constant 64 : i32
      %dma_wait3A_88 = tpu.memref_slice %arg5[%dma_wait3A_87] : memref<512xi32, #tpu.memory_space<vmem>> -> memref<64xi32, #tpu.memory_space<vmem>>
      %dma_wait3A_89 = arith.constant 0 : i32
      %dma_wait3A_90 = arith.constant 0 : i32
      %dma_wait3A_91 = tpu.memref_slice %arg2[%dma_wait3A_89, %dma_wait3A_90] : memref<16384x128xf32, #tpu.memory_space<hbm>> -> memref<16384x128xf32, #tpu.memory_space<hbm>>
      tpu.wait_indirect_dma semaphore(%arg7 : memref<!tpu.dma_semaphore, #tpu.memory_space<semaphore_mem>>) src(%dma_wait3A_91 : memref<16384x128xf32, #tpu.memory_space<hbm>>) dst(%dma_wait3A_86 : memref<64x128xf32, #tpu.memory_space<vmem>>)
      %dma_wait3A_92 = arith.constant 128 : i32
      %dma_wait3A_93 = arith.constant 0 : i32
      %dma_wait3A_94 = tpu.memref_slice %arg6[%dma_wait3A_92, %dma_wait3A_93] : memref<512x128xf32, #tpu.memory_space<vmem>> -> memref<64x128xf32, #tpu.memory_space<vmem>>
      %dma_wait3A_95 = arith.constant 128 : i32
      %dma_wait3A_96 = tpu.memref_slice %arg5[%dma_wait3A_95] : memref<512xi32, #tpu.memory_space<vmem>> -> memref<64xi32, #tpu.memory_space<vmem>>
      %dma_wait3A_97 = arith.constant 0 : i32
      %dma_wait3A_98 = arith.constant 0 : i32
      %dma_wait3A_99 = tpu.memref_slice %arg2[%dma_wait3A_97, %dma_wait3A_98] : memref<16384x128xf32, #tpu.memory_space<hbm>> -> memref<16384x128xf32, #tpu.memory_space<hbm>>
      tpu.wait_indirect_dma semaphore(%arg7 : memref<!tpu.dma_semaphore, #tpu.memory_space<semaphore_mem>>) src(%dma_wait3A_99 : memref<16384x128xf32, #tpu.memory_space<hbm>>) dst(%dma_wait3A_94 : memref<64x128xf32, #tpu.memory_space<vmem>>)
      %dma_wait3A_100 = arith.constant 192 : i32
      %dma_wait3A_101 = arith.constant 0 : i32
      %dma_wait3A_102 = tpu.memref_slice %arg6[%dma_wait3A_100, %dma_wait3A_101] : memref<512x128xf32, #tpu.memory_space<vmem>> -> memref<64x128xf32, #tpu.memory_space<vmem>>
      %dma_wait3A_103 = arith.constant 192 : i32
      %dma_wait3A_104 = tpu.memref_slice %arg5[%dma_wait3A_103] : memref<512xi32, #tpu.memory_space<vmem>> -> memref<64xi32, #tpu.memory_space<vmem>>
      %dma_wait3A_105 = arith.constant 0 : i32
      %dma_wait3A_106 = arith.constant 0 : i32
      %dma_wait3A_107 = tpu.memref_slice %arg2[%dma_wait3A_105, %dma_wait3A_106] : memref<16384x128xf32, #tpu.memory_space<hbm>> -> memref<16384x128xf32, #tpu.memory_space<hbm>>
      tpu.wait_indirect_dma semaphore(%arg7 : memref<!tpu.dma_semaphore, #tpu.memory_space<semaphore_mem>>) src(%dma_wait3A_107 : memref<16384x128xf32, #tpu.memory_space<hbm>>) dst(%dma_wait3A_102 : memref<64x128xf32, #tpu.memory_space<vmem>>)
      %dma_wait3A_108 = arith.constant 256 : i32
      %dma_wait3A_109 = arith.constant 0 : i32
      %dma_wait3A_110 = tpu.memref_slice %arg6[%dma_wait3A_108, %dma_wait3A_109] : memref<512x128xf32, #tpu.memory_space<vmem>> -> memref<64x128xf32, #tpu.memory_space<vmem>>
      %dma_wait3A_111 = arith.constant 256 : i32
      %dma_wait3A_112 = tpu.memref_slice %arg5[%dma_wait3A_111] : memref<512xi32, #tpu.memory_space<vmem>> -> memref<64xi32, #tpu.memory_space<vmem>>
      %dma_wait3A_113 = arith.constant 0 : i32
      %dma_wait3A_114 = arith.constant 0 : i32
      %dma_wait3A_115 = tpu.memref_slice %arg2[%dma_wait3A_113, %dma_wait3A_114] : memref<16384x128xf32, #tpu.memory_space<hbm>> -> memref<16384x128xf32, #tpu.memory_space<hbm>>
      tpu.wait_indirect_dma semaphore(%arg7 : memref<!tpu.dma_semaphore, #tpu.memory_space<semaphore_mem>>) src(%dma_wait3A_115 : memref<16384x128xf32, #tpu.memory_space<hbm>>) dst(%dma_wait3A_110 : memref<64x128xf32, #tpu.memory_space<vmem>>)
      %dma_wait3A_116 = arith.constant 320 : i32
      %dma_wait3A_117 = arith.constant 0 : i32
      %dma_wait3A_118 = tpu.memref_slice %arg6[%dma_wait3A_116, %dma_wait3A_117] : memref<512x128xf32, #tpu.memory_space<vmem>> -> memref<64x128xf32, #tpu.memory_space<vmem>>
      %dma_wait3A_119 = arith.constant 320 : i32
      %dma_wait3A_120 = tpu.memref_slice %arg5[%dma_wait3A_119] : memref<512xi32, #tpu.memory_space<vmem>> -> memref<64xi32, #tpu.memory_space<vmem>>
      %dma_wait3A_121 = arith.constant 0 : i32
      %dma_wait3A_122 = arith.constant 0 : i32
      %dma_wait3A_123 = tpu.memref_slice %arg2[%dma_wait3A_121, %dma_wait3A_122] : memref<16384x128xf32, #tpu.memory_space<hbm>> -> memref<16384x128xf32, #tpu.memory_space<hbm>>
      tpu.wait_indirect_dma semaphore(%arg7 : memref<!tpu.dma_semaphore, #tpu.memory_space<semaphore_mem>>) src(%dma_wait3A_123 : memref<16384x128xf32, #tpu.memory_space<hbm>>) dst(%dma_wait3A_118 : memref<64x128xf32, #tpu.memory_space<vmem>>)
      %dma_wait3A_124 = arith.constant 384 : i32
      %dma_wait3A_125 = arith.constant 0 : i32
      %dma_wait3A_126 = tpu.memref_slice %arg6[%dma_wait3A_124, %dma_wait3A_125] : memref<512x128xf32, #tpu.memory_space<vmem>> -> memref<64x128xf32, #tpu.memory_space<vmem>>
      %dma_wait3A_127 = arith.constant 384 : i32
      %dma_wait3A_128 = tpu.memref_slice %arg5[%dma_wait3A_127] : memref<512xi32, #tpu.memory_space<vmem>> -> memref<64xi32, #tpu.memory_space<vmem>>
      %dma_wait3A_129 = arith.constant 0 : i32
      %dma_wait3A_130 = arith.constant 0 : i32
      %dma_wait3A_131 = tpu.memref_slice %arg2[%dma_wait3A_129, %dma_wait3A_130] : memref<16384x128xf32, #tpu.memory_space<hbm>> -> memref<16384x128xf32, #tpu.memory_space<hbm>>
      tpu.wait_indirect_dma semaphore(%arg7 : memref<!tpu.dma_semaphore, #tpu.memory_space<semaphore_mem>>) src(%dma_wait3A_131 : memref<16384x128xf32, #tpu.memory_space<hbm>>) dst(%dma_wait3A_126 : memref<64x128xf32, #tpu.memory_space<vmem>>)
      %dma_wait3A_132 = arith.constant 448 : i32
      %dma_wait3A_133 = arith.constant 0 : i32
      %dma_wait3A_134 = tpu.memref_slice %arg6[%dma_wait3A_132, %dma_wait3A_133] : memref<512x128xf32, #tpu.memory_space<vmem>> -> memref<64x128xf32, #tpu.memory_space<vmem>>
      %dma_wait3A_135 = arith.constant 448 : i32
      %dma_wait3A_136 = tpu.memref_slice %arg5[%dma_wait3A_135] : memref<512xi32, #tpu.memory_space<vmem>> -> memref<64xi32, #tpu.memory_space<vmem>>
      %dma_wait3A_137 = arith.constant 0 : i32
      %dma_wait3A_138 = arith.constant 0 : i32
      %dma_wait3A_139 = tpu.memref_slice %arg2[%dma_wait3A_137, %dma_wait3A_138] : memref<16384x128xf32, #tpu.memory_space<hbm>> -> memref<16384x128xf32, #tpu.memory_space<hbm>>
      tpu.wait_indirect_dma semaphore(%arg7 : memref<!tpu.dma_semaphore, #tpu.memory_space<semaphore_mem>>) src(%dma_wait3A_139 : memref<16384x128xf32, #tpu.memory_space<hbm>>) dst(%dma_wait3A_134 : memref<64x128xf32, #tpu.memory_space<vmem>>)
      "tpu.region"() ({
        %run_scoped3A = tpu.sem_alloc : memref<!tpu.dma_semaphore, #tpu.memory_space<semaphore_mem>>
        %dma_start3A_141 = arith.constant 0 : i32
        %dma_start3A_142 = tpu.memref_slice %arg4[%add3A_13, %dma_start3A_141] : memref<327680x128xf32, #tpu.memory_space<hbm>> -> memref<512x128xf32, #tpu.memory_space<hbm>>
        %dma_start3A_143 = arith.constant 0 : i32
        %dma_start3A_144 = tpu.memref_slice %arg4[%add3A_13, %dma_start3A_143] : memref<327680x128xf32, #tpu.memory_space<hbm>> -> memref<512x128xf32, #tpu.memory_space<hbm>>
        tpu.enqueue_dma source(%arg6 : memref<512x128xf32, #tpu.memory_space<vmem>>) target(%dma_start3A_144 : memref<512x128xf32, #tpu.memory_space<hbm>>) target_semaphore(%run_scoped3A : memref<!tpu.dma_semaphore, #tpu.memory_space<semaphore_mem>>)
        %dma_wait3A_145 = arith.constant 0 : i32
        %dma_wait3A_146 = tpu.memref_slice %arg4[%add3A_13, %dma_wait3A_145] : memref<327680x128xf32, #tpu.memory_space<hbm>> -> memref<512x128xf32, #tpu.memory_space<hbm>>
        %dma_wait3A_147 = arith.constant 0 : i32
        %dma_wait3A_148 = tpu.memref_slice %arg4[%add3A_13, %dma_wait3A_147] : memref<327680x128xf32, #tpu.memory_space<hbm>> -> memref<512x128xf32, #tpu.memory_space<hbm>>
        tpu.wait_dma2 semaphore(%run_scoped3A : memref<!tpu.dma_semaphore, #tpu.memory_space<semaphore_mem>>) src(%arg6 : memref<512x128xf32, #tpu.memory_space<vmem>>) dst(%dma_wait3A_148 : memref<512x128xf32, #tpu.memory_space<hbm>>)
        tpu.yield
      }) : () -> ()
      %scan3A_140 = arith.constant 0 : i32
      scf.yield %scan3A_140 : i32
    }
    %scan3A_8 = arith.constant 20 : i32
    return
  }
}

#map = affine_map<(d0, d1) -> (0, 0)>
#map1 = affine_map<(d0, d1) -> (0)>
module attributes {stable_mosaic.version = 14 : i64} {
  func.func @k(%arg0: i32, %arg1: i32, %arg2: memref<16384x128xf32, #tpu.memory_space<hbm>>, %arg3: memref<327680xi32, #tpu.memory_space<hbm>>, %arg4: memref<327680x128xf32, #tpu.memory_space<hbm>>, %arg5: memref<512xi32, #tpu.memory_space<vmem>>, %arg6: memref<512x128xf32, #tpu.memory_space<vmem>>, %arg7: memref<!tpu.dma_semaphore, #tpu.memory_space<semaphore_mem>>) attributes {dimension_semantics = [#tpu.dimension_semantics<core_parallel>, #tpu.dimension_semantics<subcore_parallel>], iteration_bounds = array<i64: 2, 16>, scalar_prefetch = 0 : i64, scratch_operands = 3 : i64, tpu.core_type = #tpu.core_type<sc_vector_subcore>, window_params = [{transform_indices = #map}, {transform_indices = #map1}, {transform_indices = #map}]} {
    %mul3A = arith.constant 2 : i32
    %mul3A_0 = arith.muli %arg1, %mul3A : i32
    %add3A = arith.addi %mul3A_0, %arg0 : i32
    %mul3A_1 = arith.constant 10240 : i32
    %mul3A_2 = arith.muli %add3A, %mul3A_1 : i32
    %scan3A = arith.constant 0 : i32
    %scan3A_3 = arith.constant 0 : i32
    %scan3A_4 = arith.constant 20 : i32
    %scan3A_5 = arith.addi %scan3A_3, %scan3A_4 : i32
    %scan3A_6 = arith.constant 1 : i32
    %scan3A_7 = scf.for %scan3A_9 = %scan3A_3 to %scan3A_5 step %scan3A_6 iter_args(%scan3A_10 = %scan3A) -> (i32)  : i32 {
      %mul3A_11 = arith.constant 512 : i32
      %mul3A_12 = arith.muli %scan3A_9, %mul3A_11 : i32
      %add3A_13 = arith.addi %mul3A_2, %mul3A_12 : i32
      "tpu.region"() ({
        %run_scoped3A = tpu.sem_alloc : memref<!tpu.dma_semaphore, #tpu.memory_space<semaphore_mem>>
        %dma_start3A_141 = tpu.memref_slice %arg3[%add3A_13] : memref<327680xi32, #tpu.memory_space<hbm>> -> memref<512xi32, #tpu.memory_space<hbm>>
        %dma_start3A_142 = tpu.memref_slice %arg3[%add3A_13] : memref<327680xi32, #tpu.memory_space<hbm>> -> memref<512xi32, #tpu.memory_space<hbm>>
        tpu.enqueue_dma source(%dma_start3A_142 : memref<512xi32, #tpu.memory_space<hbm>>) target(%arg5 : memref<512xi32, #tpu.memory_space<vmem>>) target_semaphore(%run_scoped3A : memref<!tpu.dma_semaphore, #tpu.memory_space<semaphore_mem>>)
        %dma_wait3A_143 = tpu.memref_slice %arg3[%add3A_13] : memref<327680xi32, #tpu.memory_space<hbm>> -> memref<512xi32, #tpu.memory_space<hbm>>
        %dma_wait3A_144 = tpu.memref_slice %arg3[%add3A_13] : memref<327680xi32, #tpu.memory_space<hbm>> -> memref<512xi32, #tpu.memory_space<hbm>>
        tpu.wait_dma2 semaphore(%run_scoped3A : memref<!tpu.dma_semaphore, #tpu.memory_space<semaphore_mem>>) src(%dma_wait3A_144 : memref<512xi32, #tpu.memory_space<hbm>>) dst(%arg5 : memref<512xi32, #tpu.memory_space<vmem>>)
        tpu.yield
      }) : () -> ()
      %dma_start3A = arith.constant 0 : i32
      %dma_start3A_14 = arith.constant 0 : i32
      %dma_start3A_15 = tpu.memref_slice %arg6[%dma_start3A, %dma_start3A_14] : memref<512x128xf32, #tpu.memory_space<vmem>> -> memref<64x128xf32, #tpu.memory_space<vmem>>
      %dma_start3A_16 = arith.constant 0 : i32
      %dma_start3A_17 = tpu.memref_slice %arg5[%dma_start3A_16] : memref<512xi32, #tpu.memory_space<vmem>> -> memref<64xi32, #tpu.memory_space<vmem>>
      %dma_start3A_18 = arith.constant 0 : i32
      %dma_start3A_19 = arith.constant 0 : i32
      %dma_start3A_20 = tpu.memref_slice %arg2[%dma_start3A_18, %dma_start3A_19] : memref<16384x128xf32, #tpu.memory_space<hbm>> -> memref<16384x128xf32, #tpu.memory_space<hbm>>
      tpu.enqueue_indirect_dma source(%dma_start3A_20 : memref<16384x128xf32, #tpu.memory_space<hbm>>) target(%dma_start3A_15 : memref<64x128xf32, #tpu.memory_space<vmem>>) offsets(%dma_start3A_17 : memref<64xi32, #tpu.memory_space<vmem>>) semaphore(%arg7 : memref<!tpu.dma_semaphore, #tpu.memory_space<semaphore_mem>>)
      %dma_start3A_21 = arith.constant 64 : i32
      %dma_start3A_22 = arith.constant 0 : i32
      %dma_start3A_23 = tpu.memref_slice %arg6[%dma_start3A_21, %dma_start3A_22] : memref<512x128xf32, #tpu.memory_space<vmem>> -> memref<64x128xf32, #tpu.memory_space<vmem>>
      %dma_start3A_24 = arith.constant 64 : i32
      %dma_start3A_25 = tpu.memref_slice %arg5[%dma_start3A_24] : memref<512xi32, #tpu.memory_space<vmem>> -> memref<64xi32, #tpu.memory_space<vmem>>
      %dma_start3A_26 = arith.constant 0 : i32
      %dma_start3A_27 = arith.constant 0 : i32
      %dma_start3A_28 = tpu.memref_slice %arg2[%dma_start3A_26, %dma_start3A_27] : memref<16384x128xf32, #tpu.memory_space<hbm>> -> memref<16384x128xf32, #tpu.memory_space<hbm>>
      tpu.enqueue_indirect_dma source(%dma_start3A_28 : memref<16384x128xf32, #tpu.memory_space<hbm>>) target(%dma_start3A_23 : memref<64x128xf32, #tpu.memory_space<vmem>>) offsets(%dma_start3A_25 : memref<64xi32, #tpu.memory_space<vmem>>) semaphore(%arg7 : memref<!tpu.dma_semaphore, #tpu.memory_space<semaphore_mem>>)
      %dma_start3A_29 = arith.constant 128 : i32
      %dma_start3A_30 = arith.constant 0 : i32
      %dma_start3A_31 = tpu.memref_slice %arg6[%dma_start3A_29, %dma_start3A_30] : memref<512x128xf32, #tpu.memory_space<vmem>> -> memref<64x128xf32, #tpu.memory_space<vmem>>
      %dma_start3A_32 = arith.constant 128 : i32
      %dma_start3A_33 = tpu.memref_slice %arg5[%dma_start3A_32] : memref<512xi32, #tpu.memory_space<vmem>> -> memref<64xi32, #tpu.memory_space<vmem>>
      %dma_start3A_34 = arith.constant 0 : i32
      %dma_start3A_35 = arith.constant 0 : i32
      %dma_start3A_36 = tpu.memref_slice %arg2[%dma_start3A_34, %dma_start3A_35] : memref<16384x128xf32, #tpu.memory_space<hbm>> -> memref<16384x128xf32, #tpu.memory_space<hbm>>
      tpu.enqueue_indirect_dma source(%dma_start3A_36 : memref<16384x128xf32, #tpu.memory_space<hbm>>) target(%dma_start3A_31 : memref<64x128xf32, #tpu.memory_space<vmem>>) offsets(%dma_start3A_33 : memref<64xi32, #tpu.memory_space<vmem>>) semaphore(%arg7 : memref<!tpu.dma_semaphore, #tpu.memory_space<semaphore_mem>>)
      %dma_start3A_37 = arith.constant 192 : i32
      %dma_start3A_38 = arith.constant 0 : i32
      %dma_start3A_39 = tpu.memref_slice %arg6[%dma_start3A_37, %dma_start3A_38] : memref<512x128xf32, #tpu.memory_space<vmem>> -> memref<64x128xf32, #tpu.memory_space<vmem>>
      %dma_start3A_40 = arith.constant 192 : i32
      %dma_start3A_41 = tpu.memref_slice %arg5[%dma_start3A_40] : memref<512xi32, #tpu.memory_space<vmem>> -> memref<64xi32, #tpu.memory_space<vmem>>
      %dma_start3A_42 = arith.constant 0 : i32
      %dma_start3A_43 = arith.constant 0 : i32
      %dma_start3A_44 = tpu.memref_slice %arg2[%dma_start3A_42, %dma_start3A_43] : memref<16384x128xf32, #tpu.memory_space<hbm>> -> memref<16384x128xf32, #tpu.memory_space<hbm>>
      tpu.enqueue_indirect_dma source(%dma_start3A_44 : memref<16384x128xf32, #tpu.memory_space<hbm>>) target(%dma_start3A_39 : memref<64x128xf32, #tpu.memory_space<vmem>>) offsets(%dma_start3A_41 : memref<64xi32, #tpu.memory_space<vmem>>) semaphore(%arg7 : memref<!tpu.dma_semaphore, #tpu.memory_space<semaphore_mem>>)
      %dma_start3A_45 = arith.constant 256 : i32
      %dma_start3A_46 = arith.constant 0 : i32
      %dma_start3A_47 = tpu.memref_slice %arg6[%dma_start3A_45, %dma_start3A_46] : memref<512x128xf32, #tpu.memory_space<vmem>> -> memref<64x128xf32, #tpu.memory_space<vmem>>
      %dma_start3A_48 = arith.constant 256 : i32
      %dma_start3A_49 = tpu.memref_slice %arg5[%dma_start3A_48] : memref<512xi32, #tpu.memory_space<vmem>> -> memref<64xi32, #tpu.memory_space<vmem>>
      %dma_start3A_50 = arith.constant 0 : i32
      %dma_start3A_51 = arith.constant 0 : i32
      %dma_start3A_52 = tpu.memref_slice %arg2[%dma_start3A_50, %dma_start3A_51] : memref<16384x128xf32, #tpu.memory_space<hbm>> -> memref<16384x128xf32, #tpu.memory_space<hbm>>
      tpu.enqueue_indirect_dma source(%dma_start3A_52 : memref<16384x128xf32, #tpu.memory_space<hbm>>) target(%dma_start3A_47 : memref<64x128xf32, #tpu.memory_space<vmem>>) offsets(%dma_start3A_49 : memref<64xi32, #tpu.memory_space<vmem>>) semaphore(%arg7 : memref<!tpu.dma_semaphore, #tpu.memory_space<semaphore_mem>>)
      %dma_start3A_53 = arith.constant 320 : i32
      %dma_start3A_54 = arith.constant 0 : i32
      %dma_start3A_55 = tpu.memref_slice %arg6[%dma_start3A_53, %dma_start3A_54] : memref<512x128xf32, #tpu.memory_space<vmem>> -> memref<64x128xf32, #tpu.memory_space<vmem>>
      %dma_start3A_56 = arith.constant 320 : i32
      %dma_start3A_57 = tpu.memref_slice %arg5[%dma_start3A_56] : memref<512xi32, #tpu.memory_space<vmem>> -> memref<64xi32, #tpu.memory_space<vmem>>
      %dma_start3A_58 = arith.constant 0 : i32
      %dma_start3A_59 = arith.constant 0 : i32
      %dma_start3A_60 = tpu.memref_slice %arg2[%dma_start3A_58, %dma_start3A_59] : memref<16384x128xf32, #tpu.memory_space<hbm>> -> memref<16384x128xf32, #tpu.memory_space<hbm>>
      tpu.enqueue_indirect_dma source(%dma_start3A_60 : memref<16384x128xf32, #tpu.memory_space<hbm>>) target(%dma_start3A_55 : memref<64x128xf32, #tpu.memory_space<vmem>>) offsets(%dma_start3A_57 : memref<64xi32, #tpu.memory_space<vmem>>) semaphore(%arg7 : memref<!tpu.dma_semaphore, #tpu.memory_space<semaphore_mem>>)
      %dma_start3A_61 = arith.constant 384 : i32
      %dma_start3A_62 = arith.constant 0 : i32
      %dma_start3A_63 = tpu.memref_slice %arg6[%dma_start3A_61, %dma_start3A_62] : memref<512x128xf32, #tpu.memory_space<vmem>> -> memref<64x128xf32, #tpu.memory_space<vmem>>
      %dma_start3A_64 = arith.constant 384 : i32
      %dma_start3A_65 = tpu.memref_slice %arg5[%dma_start3A_64] : memref<512xi32, #tpu.memory_space<vmem>> -> memref<64xi32, #tpu.memory_space<vmem>>
      %dma_start3A_66 = arith.constant 0 : i32
      %dma_start3A_67 = arith.constant 0 : i32
      %dma_start3A_68 = tpu.memref_slice %arg2[%dma_start3A_66, %dma_start3A_67] : memref<16384x128xf32, #tpu.memory_space<hbm>> -> memref<16384x128xf32, #tpu.memory_space<hbm>>
      tpu.enqueue_indirect_dma source(%dma_start3A_68 : memref<16384x128xf32, #tpu.memory_space<hbm>>) target(%dma_start3A_63 : memref<64x128xf32, #tpu.memory_space<vmem>>) offsets(%dma_start3A_65 : memref<64xi32, #tpu.memory_space<vmem>>) semaphore(%arg7 : memref<!tpu.dma_semaphore, #tpu.memory_space<semaphore_mem>>)
      %dma_start3A_69 = arith.constant 448 : i32
      %dma_start3A_70 = arith.constant 0 : i32
      %dma_start3A_71 = tpu.memref_slice %arg6[%dma_start3A_69, %dma_start3A_70] : memref<512x128xf32, #tpu.memory_space<vmem>> -> memref<64x128xf32, #tpu.memory_space<vmem>>
      %dma_start3A_72 = arith.constant 448 : i32
      %dma_start3A_73 = tpu.memref_slice %arg5[%dma_start3A_72] : memref<512xi32, #tpu.memory_space<vmem>> -> memref<64xi32, #tpu.memory_space<vmem>>
      %dma_start3A_74 = arith.constant 0 : i32
      %dma_start3A_75 = arith.constant 0 : i32
      %dma_start3A_76 = tpu.memref_slice %arg2[%dma_start3A_74, %dma_start3A_75] : memref<16384x128xf32, #tpu.memory_space<hbm>> -> memref<16384x128xf32, #tpu.memory_space<hbm>>
      tpu.enqueue_indirect_dma source(%dma_start3A_76 : memref<16384x128xf32, #tpu.memory_space<hbm>>) target(%dma_start3A_71 : memref<64x128xf32, #tpu.memory_space<vmem>>) offsets(%dma_start3A_73 : memref<64xi32, #tpu.memory_space<vmem>>) semaphore(%arg7 : memref<!tpu.dma_semaphore, #tpu.memory_space<semaphore_mem>>)
      %dma_wait3A = arith.constant 0 : i32
      %dma_wait3A_77 = arith.constant 0 : i32
      %dma_wait3A_78 = tpu.memref_slice %arg6[%dma_wait3A, %dma_wait3A_77] : memref<512x128xf32, #tpu.memory_space<vmem>> -> memref<64x128xf32, #tpu.memory_space<vmem>>
      %dma_wait3A_79 = arith.constant 0 : i32
      %dma_wait3A_80 = tpu.memref_slice %arg5[%dma_wait3A_79] : memref<512xi32, #tpu.memory_space<vmem>> -> memref<64xi32, #tpu.memory_space<vmem>>
      %dma_wait3A_81 = arith.constant 0 : i32
      %dma_wait3A_82 = arith.constant 0 : i32
      %dma_wait3A_83 = tpu.memref_slice %arg2[%dma_wait3A_81, %dma_wait3A_82] : memref<16384x128xf32, #tpu.memory_space<hbm>> -> memref<16384x128xf32, #tpu.memory_space<hbm>>
      tpu.wait_indirect_dma semaphore(%arg7 : memref<!tpu.dma_semaphore, #tpu.memory_space<semaphore_mem>>) src(%dma_wait3A_83 : memref<16384x128xf32, #tpu.memory_space<hbm>>) dst(%dma_wait3A_78 : memref<64x128xf32, #tpu.memory_space<vmem>>)
      %dma_wait3A_84 = arith.constant 64 : i32
      %dma_wait3A_85 = arith.constant 0 : i32
      %dma_wait3A_86 = tpu.memref_slice %arg6[%dma_wait3A_84, %dma_wait3A_85] : memref<512x128xf32, #tpu.memory_space<vmem>> -> memref<64x128xf32, #tpu.memory_space<vmem>>
      %dma_wait3A_87 = arith.constant 64 : i32
      %dma_wait3A_88 = tpu.memref_slice %arg5[%dma_wait3A_87] : memref<512xi32, #tpu.memory_space<vmem>> -> memref<64xi32, #tpu.memory_space<vmem>>
      %dma_wait3A_89 = arith.constant 0 : i32
      %dma_wait3A_90 = arith.constant 0 : i32
      %dma_wait3A_91 = tpu.memref_slice %arg2[%dma_wait3A_89, %dma_wait3A_90] : memref<16384x128xf32, #tpu.memory_space<hbm>> -> memref<16384x128xf32, #tpu.memory_space<hbm>>
      tpu.wait_indirect_dma semaphore(%arg7 : memref<!tpu.dma_semaphore, #tpu.memory_space<semaphore_mem>>) src(%dma_wait3A_91 : memref<16384x128xf32, #tpu.memory_space<hbm>>) dst(%dma_wait3A_86 : memref<64x128xf32, #tpu.memory_space<vmem>>)
      %dma_wait3A_92 = arith.constant 128 : i32
      %dma_wait3A_93 = arith.constant 0 : i32
      %dma_wait3A_94 = tpu.memref_slice %arg6[%dma_wait3A_92, %dma_wait3A_93] : memref<512x128xf32, #tpu.memory_space<vmem>> -> memref<64x128xf32, #tpu.memory_space<vmem>>
      %dma_wait3A_95 = arith.constant 128 : i32
      %dma_wait3A_96 = tpu.memref_slice %arg5[%dma_wait3A_95] : memref<512xi32, #tpu.memory_space<vmem>> -> memref<64xi32, #tpu.memory_space<vmem>>
      %dma_wait3A_97 = arith.constant 0 : i32
      %dma_wait3A_98 = arith.constant 0 : i32
      %dma_wait3A_99 = tpu.memref_slice %arg2[%dma_wait3A_97, %dma_wait3A_98] : memref<16384x128xf32, #tpu.memory_space<hbm>> -> memref<16384x128xf32, #tpu.memory_space<hbm>>
      tpu.wait_indirect_dma semaphore(%arg7 : memref<!tpu.dma_semaphore, #tpu.memory_space<semaphore_mem>>) src(%dma_wait3A_99 : memref<16384x128xf32, #tpu.memory_space<hbm>>) dst(%dma_wait3A_94 : memref<64x128xf32, #tpu.memory_space<vmem>>)
      %dma_wait3A_100 = arith.constant 192 : i32
      %dma_wait3A_101 = arith.constant 0 : i32
      %dma_wait3A_102 = tpu.memref_slice %arg6[%dma_wait3A_100, %dma_wait3A_101] : memref<512x128xf32, #tpu.memory_space<vmem>> -> memref<64x128xf32, #tpu.memory_space<vmem>>
      %dma_wait3A_103 = arith.constant 192 : i32
      %dma_wait3A_104 = tpu.memref_slice %arg5[%dma_wait3A_103] : memref<512xi32, #tpu.memory_space<vmem>> -> memref<64xi32, #tpu.memory_space<vmem>>
      %dma_wait3A_105 = arith.constant 0 : i32
      %dma_wait3A_106 = arith.constant 0 : i32
      %dma_wait3A_107 = tpu.memref_slice %arg2[%dma_wait3A_105, %dma_wait3A_106] : memref<16384x128xf32, #tpu.memory_space<hbm>> -> memref<16384x128xf32, #tpu.memory_space<hbm>>
      tpu.wait_indirect_dma semaphore(%arg7 : memref<!tpu.dma_semaphore, #tpu.memory_space<semaphore_mem>>) src(%dma_wait3A_107 : memref<16384x128xf32, #tpu.memory_space<hbm>>) dst(%dma_wait3A_102 : memref<64x128xf32, #tpu.memory_space<vmem>>)
      %dma_wait3A_108 = arith.constant 256 : i32
      %dma_wait3A_109 = arith.constant 0 : i32
      %dma_wait3A_110 = tpu.memref_slice %arg6[%dma_wait3A_108, %dma_wait3A_109] : memref<512x128xf32, #tpu.memory_space<vmem>> -> memref<64x128xf32, #tpu.memory_space<vmem>>
      %dma_wait3A_111 = arith.constant 256 : i32
      %dma_wait3A_112 = tpu.memref_slice %arg5[%dma_wait3A_111] : memref<512xi32, #tpu.memory_space<vmem>> -> memref<64xi32, #tpu.memory_space<vmem>>
      %dma_wait3A_113 = arith.constant 0 : i32
      %dma_wait3A_114 = arith.constant 0 : i32
      %dma_wait3A_115 = tpu.memref_slice %arg2[%dma_wait3A_113, %dma_wait3A_114] : memref<16384x128xf32, #tpu.memory_space<hbm>> -> memref<16384x128xf32, #tpu.memory_space<hbm>>
      tpu.wait_indirect_dma semaphore(%arg7 : memref<!tpu.dma_semaphore, #tpu.memory_space<semaphore_mem>>) src(%dma_wait3A_115 : memref<16384x128xf32, #tpu.memory_space<hbm>>) dst(%dma_wait3A_110 : memref<64x128xf32, #tpu.memory_space<vmem>>)
      %dma_wait3A_116 = arith.constant 320 : i32
      %dma_wait3A_117 = arith.constant 0 : i32
      %dma_wait3A_118 = tpu.memref_slice %arg6[%dma_wait3A_116, %dma_wait3A_117] : memref<512x128xf32, #tpu.memory_space<vmem>> -> memref<64x128xf32, #tpu.memory_space<vmem>>
      %dma_wait3A_119 = arith.constant 320 : i32
      %dma_wait3A_120 = tpu.memref_slice %arg5[%dma_wait3A_119] : memref<512xi32, #tpu.memory_space<vmem>> -> memref<64xi32, #tpu.memory_space<vmem>>
      %dma_wait3A_121 = arith.constant 0 : i32
      %dma_wait3A_122 = arith.constant 0 : i32
      %dma_wait3A_123 = tpu.memref_slice %arg2[%dma_wait3A_121, %dma_wait3A_122] : memref<16384x128xf32, #tpu.memory_space<hbm>> -> memref<16384x128xf32, #tpu.memory_space<hbm>>
      tpu.wait_indirect_dma semaphore(%arg7 : memref<!tpu.dma_semaphore, #tpu.memory_space<semaphore_mem>>) src(%dma_wait3A_123 : memref<16384x128xf32, #tpu.memory_space<hbm>>) dst(%dma_wait3A_118 : memref<64x128xf32, #tpu.memory_space<vmem>>)
      %dma_wait3A_124 = arith.constant 384 : i32
      %dma_wait3A_125 = arith.constant 0 : i32
      %dma_wait3A_126 = tpu.memref_slice %arg6[%dma_wait3A_124, %dma_wait3A_125] : memref<512x128xf32, #tpu.memory_space<vmem>> -> memref<64x128xf32, #tpu.memory_space<vmem>>
      %dma_wait3A_127 = arith.constant 384 : i32
      %dma_wait3A_128 = tpu.memref_slice %arg5[%dma_wait3A_127] : memref<512xi32, #tpu.memory_space<vmem>> -> memref<64xi32, #tpu.memory_space<vmem>>
      %dma_wait3A_129 = arith.constant 0 : i32
      %dma_wait3A_130 = arith.constant 0 : i32
      %dma_wait3A_131 = tpu.memref_slice %arg2[%dma_wait3A_129, %dma_wait3A_130] : memref<16384x128xf32, #tpu.memory_space<hbm>> -> memref<16384x128xf32, #tpu.memory_space<hbm>>
      tpu.wait_indirect_dma semaphore(%arg7 : memref<!tpu.dma_semaphore, #tpu.memory_space<semaphore_mem>>) src(%dma_wait3A_131 : memref<16384x128xf32, #tpu.memory_space<hbm>>) dst(%dma_wait3A_126 : memref<64x128xf32, #tpu.memory_space<vmem>>)
      %dma_wait3A_132 = arith.constant 448 : i32
      %dma_wait3A_133 = arith.constant 0 : i32
      %dma_wait3A_134 = tpu.memref_slice %arg6[%dma_wait3A_132, %dma_wait3A_133] : memref<512x128xf32, #tpu.memory_space<vmem>> -> memref<64x128xf32, #tpu.memory_space<vmem>>
      %dma_wait3A_135 = arith.constant 448 : i32
      %dma_wait3A_136 = tpu.memref_slice %arg5[%dma_wait3A_135] : memref<512xi32, #tpu.memory_space<vmem>> -> memref<64xi32, #tpu.memory_space<vmem>>
      %dma_wait3A_137 = arith.constant 0 : i32
      %dma_wait3A_138 = arith.constant 0 : i32
      %dma_wait3A_139 = tpu.memref_slice %arg2[%dma_wait3A_137, %dma_wait3A_138] : memref<16384x128xf32, #tpu.memory_space<hbm>> -> memref<16384x128xf32, #tpu.memory_space<hbm>>
      tpu.wait_indirect_dma semaphore(%arg7 : memref<!tpu.dma_semaphore, #tpu.memory_space<semaphore_mem>>) src(%dma_wait3A_139 : memref<16384x128xf32, #tpu.memory_space<hbm>>) dst(%dma_wait3A_134 : memref<64x128xf32, #tpu.memory_space<vmem>>)
      "tpu.region"() ({
        %run_scoped3A = tpu.sem_alloc : memref<!tpu.dma_semaphore, #tpu.memory_space<semaphore_mem>>
        %dma_start3A_141 = arith.constant 0 : i32
        %dma_start3A_142 = tpu.memref_slice %arg4[%add3A_13, %dma_start3A_141] : memref<327680x128xf32, #tpu.memory_space<hbm>> -> memref<512x128xf32, #tpu.memory_space<hbm>>
        %dma_start3A_143 = arith.constant 0 : i32
        %dma_start3A_144 = tpu.memref_slice %arg4[%add3A_13, %dma_start3A_143] : memref<327680x128xf32, #tpu.memory_space<hbm>> -> memref<512x128xf32, #tpu.memory_space<hbm>>
        tpu.enqueue_dma source(%arg6 : memref<512x128xf32, #tpu.memory_space<vmem>>) target(%dma_start3A_144 : memref<512x128xf32, #tpu.memory_space<hbm>>) target_semaphore(%run_scoped3A : memref<!tpu.dma_semaphore, #tpu.memory_space<semaphore_mem>>)
        %dma_wait3A_145 = arith.constant 0 : i32
        %dma_wait3A_146 = tpu.memref_slice %arg4[%add3A_13, %dma_wait3A_145] : memref<327680x128xf32, #tpu.memory_space<hbm>> -> memref<512x128xf32, #tpu.memory_space<hbm>>
        %dma_wait3A_147 = arith.constant 0 : i32
        %dma_wait3A_148 = tpu.memref_slice %arg4[%add3A_13, %dma_wait3A_147] : memref<327680x128xf32, #tpu.memory_space<hbm>> -> memref<512x128xf32, #tpu.memory_space<hbm>>
        tpu.wait_dma2 semaphore(%run_scoped3A : memref<!tpu.dma_semaphore, #tpu.memory_space<semaphore_mem>>) src(%arg6 : memref<512x128xf32, #tpu.memory_space<vmem>>) dst(%dma_wait3A_148 : memref<512x128xf32, #tpu.memory_space<hbm>>)
        tpu.yield
      }) : () -> ()
      %scan3A_140 = arith.constant 0 : i32
      scf.yield %scan3A_140 : i32
    }
    %scan3A_8 = arith.constant 20 : i32
    return
  }
}

#map = affine_map<(d0, d1) -> (0, 0)>
#map1 = affine_map<(d0, d1) -> (0)>
module attributes {stable_mosaic.version = 14 : i64} {
  func.func @k(%arg0: i32, %arg1: i32, %arg2: memref<16384x128xf32, #tpu.memory_space<hbm>>, %arg3: memref<327680xi32, #tpu.memory_space<hbm>>, %arg4: memref<327680x128xf32, #tpu.memory_space<hbm>>, %arg5: memref<512xi32, #tpu.memory_space<vmem>>, %arg6: memref<512x128xf32, #tpu.memory_space<vmem>>, %arg7: memref<!tpu.dma_semaphore, #tpu.memory_space<semaphore_mem>>) attributes {dimension_semantics = [#tpu.dimension_semantics<core_parallel>, #tpu.dimension_semantics<subcore_parallel>], iteration_bounds = array<i64: 2, 16>, scalar_prefetch = 0 : i64, scratch_operands = 3 : i64, tpu.core_type = #tpu.core_type<sc_vector_subcore>, window_params = [{transform_indices = #map}, {transform_indices = #map1}, {transform_indices = #map}]} {
    %mul3A = arith.constant 2 : i32
    %mul3A_0 = arith.muli %arg1, %mul3A : i32
    %add3A = arith.addi %mul3A_0, %arg0 : i32
    %mul3A_1 = arith.constant 10240 : i32
    %mul3A_2 = arith.muli %add3A, %mul3A_1 : i32
    %scan3A = arith.constant 0 : i32
    %scan3A_3 = arith.constant 0 : i32
    %scan3A_4 = arith.constant 20 : i32
    %scan3A_5 = arith.addi %scan3A_3, %scan3A_4 : i32
    %scan3A_6 = arith.constant 1 : i32
    %scan3A_7 = scf.for %scan3A_9 = %scan3A_3 to %scan3A_5 step %scan3A_6 iter_args(%scan3A_10 = %scan3A) -> (i32)  : i32 {
      %mul3A_11 = arith.constant 512 : i32
      %mul3A_12 = arith.muli %scan3A_9, %mul3A_11 : i32
      %add3A_13 = arith.addi %mul3A_2, %mul3A_12 : i32
      "tpu.region"() ({
        %run_scoped3A = tpu.sem_alloc : memref<!tpu.dma_semaphore, #tpu.memory_space<semaphore_mem>>
        %dma_start3A_141 = tpu.memref_slice %arg3[%add3A_13] : memref<327680xi32, #tpu.memory_space<hbm>> -> memref<512xi32, #tpu.memory_space<hbm>>
        %dma_start3A_142 = tpu.memref_slice %arg3[%add3A_13] : memref<327680xi32, #tpu.memory_space<hbm>> -> memref<512xi32, #tpu.memory_space<hbm>>
        tpu.enqueue_dma source(%dma_start3A_142 : memref<512xi32, #tpu.memory_space<hbm>>) target(%arg5 : memref<512xi32, #tpu.memory_space<vmem>>) target_semaphore(%run_scoped3A : memref<!tpu.dma_semaphore, #tpu.memory_space<semaphore_mem>>)
        %dma_wait3A_143 = tpu.memref_slice %arg3[%add3A_13] : memref<327680xi32, #tpu.memory_space<hbm>> -> memref<512xi32, #tpu.memory_space<hbm>>
        %dma_wait3A_144 = tpu.memref_slice %arg3[%add3A_13] : memref<327680xi32, #tpu.memory_space<hbm>> -> memref<512xi32, #tpu.memory_space<hbm>>
        tpu.wait_dma2 semaphore(%run_scoped3A : memref<!tpu.dma_semaphore, #tpu.memory_space<semaphore_mem>>) src(%dma_wait3A_144 : memref<512xi32, #tpu.memory_space<hbm>>) dst(%arg5 : memref<512xi32, #tpu.memory_space<vmem>>)
        tpu.yield
      }) : () -> ()
      %dma_start3A = arith.constant 0 : i32
      %dma_start3A_14 = arith.constant 0 : i32
      %dma_start3A_15 = tpu.memref_slice %arg6[%dma_start3A, %dma_start3A_14] : memref<512x128xf32, #tpu.memory_space<vmem>> -> memref<64x128xf32, #tpu.memory_space<vmem>>
      %dma_start3A_16 = arith.constant 0 : i32
      %dma_start3A_17 = tpu.memref_slice %arg5[%dma_start3A_16] : memref<512xi32, #tpu.memory_space<vmem>> -> memref<64xi32, #tpu.memory_space<vmem>>
      %dma_start3A_18 = arith.constant 0 : i32
      %dma_start3A_19 = arith.constant 0 : i32
      %dma_start3A_20 = tpu.memref_slice %arg2[%dma_start3A_18, %dma_start3A_19] : memref<16384x128xf32, #tpu.memory_space<hbm>> -> memref<16384x128xf32, #tpu.memory_space<hbm>>
      tpu.enqueue_indirect_dma source(%dma_start3A_20 : memref<16384x128xf32, #tpu.memory_space<hbm>>) target(%dma_start3A_15 : memref<64x128xf32, #tpu.memory_space<vmem>>) offsets(%dma_start3A_17 : memref<64xi32, #tpu.memory_space<vmem>>) semaphore(%arg7 : memref<!tpu.dma_semaphore, #tpu.memory_space<semaphore_mem>>)
      %dma_start3A_21 = arith.constant 64 : i32
      %dma_start3A_22 = arith.constant 0 : i32
      %dma_start3A_23 = tpu.memref_slice %arg6[%dma_start3A_21, %dma_start3A_22] : memref<512x128xf32, #tpu.memory_space<vmem>> -> memref<64x128xf32, #tpu.memory_space<vmem>>
      %dma_start3A_24 = arith.constant 64 : i32
      %dma_start3A_25 = tpu.memref_slice %arg5[%dma_start3A_24] : memref<512xi32, #tpu.memory_space<vmem>> -> memref<64xi32, #tpu.memory_space<vmem>>
      %dma_start3A_26 = arith.constant 0 : i32
      %dma_start3A_27 = arith.constant 0 : i32
      %dma_start3A_28 = tpu.memref_slice %arg2[%dma_start3A_26, %dma_start3A_27] : memref<16384x128xf32, #tpu.memory_space<hbm>> -> memref<16384x128xf32, #tpu.memory_space<hbm>>
      tpu.enqueue_indirect_dma source(%dma_start3A_28 : memref<16384x128xf32, #tpu.memory_space<hbm>>) target(%dma_start3A_23 : memref<64x128xf32, #tpu.memory_space<vmem>>) offsets(%dma_start3A_25 : memref<64xi32, #tpu.memory_space<vmem>>) semaphore(%arg7 : memref<!tpu.dma_semaphore, #tpu.memory_space<semaphore_mem>>)
      %dma_start3A_29 = arith.constant 128 : i32
      %dma_start3A_30 = arith.constant 0 : i32
      %dma_start3A_31 = tpu.memref_slice %arg6[%dma_start3A_29, %dma_start3A_30] : memref<512x128xf32, #tpu.memory_space<vmem>> -> memref<64x128xf32, #tpu.memory_space<vmem>>
      %dma_start3A_32 = arith.constant 128 : i32
      %dma_start3A_33 = tpu.memref_slice %arg5[%dma_start3A_32] : memref<512xi32, #tpu.memory_space<vmem>> -> memref<64xi32, #tpu.memory_space<vmem>>
      %dma_start3A_34 = arith.constant 0 : i32
      %dma_start3A_35 = arith.constant 0 : i32
      %dma_start3A_36 = tpu.memref_slice %arg2[%dma_start3A_34, %dma_start3A_35] : memref<16384x128xf32, #tpu.memory_space<hbm>> -> memref<16384x128xf32, #tpu.memory_space<hbm>>
      tpu.enqueue_indirect_dma source(%dma_start3A_36 : memref<16384x128xf32, #tpu.memory_space<hbm>>) target(%dma_start3A_31 : memref<64x128xf32, #tpu.memory_space<vmem>>) offsets(%dma_start3A_33 : memref<64xi32, #tpu.memory_space<vmem>>) semaphore(%arg7 : memref<!tpu.dma_semaphore, #tpu.memory_space<semaphore_mem>>)
      %dma_start3A_37 = arith.constant 192 : i32
      %dma_start3A_38 = arith.constant 0 : i32
      %dma_start3A_39 = tpu.memref_slice %arg6[%dma_start3A_37, %dma_start3A_38] : memref<512x128xf32, #tpu.memory_space<vmem>> -> memref<64x128xf32, #tpu.memory_space<vmem>>
      %dma_start3A_40 = arith.constant 192 : i32
      %dma_start3A_41 = tpu.memref_slice %arg5[%dma_start3A_40] : memref<512xi32, #tpu.memory_space<vmem>> -> memref<64xi32, #tpu.memory_space<vmem>>
      %dma_start3A_42 = arith.constant 0 : i32
      %dma_start3A_43 = arith.constant 0 : i32
      %dma_start3A_44 = tpu.memref_slice %arg2[%dma_start3A_42, %dma_start3A_43] : memref<16384x128xf32, #tpu.memory_space<hbm>> -> memref<16384x128xf32, #tpu.memory_space<hbm>>
      tpu.enqueue_indirect_dma source(%dma_start3A_44 : memref<16384x128xf32, #tpu.memory_space<hbm>>) target(%dma_start3A_39 : memref<64x128xf32, #tpu.memory_space<vmem>>) offsets(%dma_start3A_41 : memref<64xi32, #tpu.memory_space<vmem>>) semaphore(%arg7 : memref<!tpu.dma_semaphore, #tpu.memory_space<semaphore_mem>>)
      %dma_start3A_45 = arith.constant 256 : i32
      %dma_start3A_46 = arith.constant 0 : i32
      %dma_start3A_47 = tpu.memref_slice %arg6[%dma_start3A_45, %dma_start3A_46] : memref<512x128xf32, #tpu.memory_space<vmem>> -> memref<64x128xf32, #tpu.memory_space<vmem>>
      %dma_start3A_48 = arith.constant 256 : i32
      %dma_start3A_49 = tpu.memref_slice %arg5[%dma_start3A_48] : memref<512xi32, #tpu.memory_space<vmem>> -> memref<64xi32, #tpu.memory_space<vmem>>
      %dma_start3A_50 = arith.constant 0 : i32
      %dma_start3A_51 = arith.constant 0 : i32
      %dma_start3A_52 = tpu.memref_slice %arg2[%dma_start3A_50, %dma_start3A_51] : memref<16384x128xf32, #tpu.memory_space<hbm>> -> memref<16384x128xf32, #tpu.memory_space<hbm>>
      tpu.enqueue_indirect_dma source(%dma_start3A_52 : memref<16384x128xf32, #tpu.memory_space<hbm>>) target(%dma_start3A_47 : memref<64x128xf32, #tpu.memory_space<vmem>>) offsets(%dma_start3A_49 : memref<64xi32, #tpu.memory_space<vmem>>) semaphore(%arg7 : memref<!tpu.dma_semaphore, #tpu.memory_space<semaphore_mem>>)
      %dma_start3A_53 = arith.constant 320 : i32
      %dma_start3A_54 = arith.constant 0 : i32
      %dma_start3A_55 = tpu.memref_slice %arg6[%dma_start3A_53, %dma_start3A_54] : memref<512x128xf32, #tpu.memory_space<vmem>> -> memref<64x128xf32, #tpu.memory_space<vmem>>
      %dma_start3A_56 = arith.constant 320 : i32
      %dma_start3A_57 = tpu.memref_slice %arg5[%dma_start3A_56] : memref<512xi32, #tpu.memory_space<vmem>> -> memref<64xi32, #tpu.memory_space<vmem>>
      %dma_start3A_58 = arith.constant 0 : i32
      %dma_start3A_59 = arith.constant 0 : i32
      %dma_start3A_60 = tpu.memref_slice %arg2[%dma_start3A_58, %dma_start3A_59] : memref<16384x128xf32, #tpu.memory_space<hbm>> -> memref<16384x128xf32, #tpu.memory_space<hbm>>
      tpu.enqueue_indirect_dma source(%dma_start3A_60 : memref<16384x128xf32, #tpu.memory_space<hbm>>) target(%dma_start3A_55 : memref<64x128xf32, #tpu.memory_space<vmem>>) offsets(%dma_start3A_57 : memref<64xi32, #tpu.memory_space<vmem>>) semaphore(%arg7 : memref<!tpu.dma_semaphore, #tpu.memory_space<semaphore_mem>>)
      %dma_start3A_61 = arith.constant 384 : i32
      %dma_start3A_62 = arith.constant 0 : i32
      %dma_start3A_63 = tpu.memref_slice %arg6[%dma_start3A_61, %dma_start3A_62] : memref<512x128xf32, #tpu.memory_space<vmem>> -> memref<64x128xf32, #tpu.memory_space<vmem>>
      %dma_start3A_64 = arith.constant 384 : i32
      %dma_start3A_65 = tpu.memref_slice %arg5[%dma_start3A_64] : memref<512xi32, #tpu.memory_space<vmem>> -> memref<64xi32, #tpu.memory_space<vmem>>
      %dma_start3A_66 = arith.constant 0 : i32
      %dma_start3A_67 = arith.constant 0 : i32
      %dma_start3A_68 = tpu.memref_slice %arg2[%dma_start3A_66, %dma_start3A_67] : memref<16384x128xf32, #tpu.memory_space<hbm>> -> memref<16384x128xf32, #tpu.memory_space<hbm>>
      tpu.enqueue_indirect_dma source(%dma_start3A_68 : memref<16384x128xf32, #tpu.memory_space<hbm>>) target(%dma_start3A_63 : memref<64x128xf32, #tpu.memory_space<vmem>>) offsets(%dma_start3A_65 : memref<64xi32, #tpu.memory_space<vmem>>) semaphore(%arg7 : memref<!tpu.dma_semaphore, #tpu.memory_space<semaphore_mem>>)
      %dma_start3A_69 = arith.constant 448 : i32
      %dma_start3A_70 = arith.constant 0 : i32
      %dma_start3A_71 = tpu.memref_slice %arg6[%dma_start3A_69, %dma_start3A_70] : memref<512x128xf32, #tpu.memory_space<vmem>> -> memref<64x128xf32, #tpu.memory_space<vmem>>
      %dma_start3A_72 = arith.constant 448 : i32
      %dma_start3A_73 = tpu.memref_slice %arg5[%dma_start3A_72] : memref<512xi32, #tpu.memory_space<vmem>> -> memref<64xi32, #tpu.memory_space<vmem>>
      %dma_start3A_74 = arith.constant 0 : i32
      %dma_start3A_75 = arith.constant 0 : i32
      %dma_start3A_76 = tpu.memref_slice %arg2[%dma_start3A_74, %dma_start3A_75] : memref<16384x128xf32, #tpu.memory_space<hbm>> -> memref<16384x128xf32, #tpu.memory_space<hbm>>
      tpu.enqueue_indirect_dma source(%dma_start3A_76 : memref<16384x128xf32, #tpu.memory_space<hbm>>) target(%dma_start3A_71 : memref<64x128xf32, #tpu.memory_space<vmem>>) offsets(%dma_start3A_73 : memref<64xi32, #tpu.memory_space<vmem>>) semaphore(%arg7 : memref<!tpu.dma_semaphore, #tpu.memory_space<semaphore_mem>>)
      %dma_wait3A = arith.constant 0 : i32
      %dma_wait3A_77 = arith.constant 0 : i32
      %dma_wait3A_78 = tpu.memref_slice %arg6[%dma_wait3A, %dma_wait3A_77] : memref<512x128xf32, #tpu.memory_space<vmem>> -> memref<64x128xf32, #tpu.memory_space<vmem>>
      %dma_wait3A_79 = arith.constant 0 : i32
      %dma_wait3A_80 = tpu.memref_slice %arg5[%dma_wait3A_79] : memref<512xi32, #tpu.memory_space<vmem>> -> memref<64xi32, #tpu.memory_space<vmem>>
      %dma_wait3A_81 = arith.constant 0 : i32
      %dma_wait3A_82 = arith.constant 0 : i32
      %dma_wait3A_83 = tpu.memref_slice %arg2[%dma_wait3A_81, %dma_wait3A_82] : memref<16384x128xf32, #tpu.memory_space<hbm>> -> memref<16384x128xf32, #tpu.memory_space<hbm>>
      tpu.wait_indirect_dma semaphore(%arg7 : memref<!tpu.dma_semaphore, #tpu.memory_space<semaphore_mem>>) src(%dma_wait3A_83 : memref<16384x128xf32, #tpu.memory_space<hbm>>) dst(%dma_wait3A_78 : memref<64x128xf32, #tpu.memory_space<vmem>>)
      %dma_wait3A_84 = arith.constant 64 : i32
      %dma_wait3A_85 = arith.constant 0 : i32
      %dma_wait3A_86 = tpu.memref_slice %arg6[%dma_wait3A_84, %dma_wait3A_85] : memref<512x128xf32, #tpu.memory_space<vmem>> -> memref<64x128xf32, #tpu.memory_space<vmem>>
      %dma_wait3A_87 = arith.constant 64 : i32
      %dma_wait3A_88 = tpu.memref_slice %arg5[%dma_wait3A_87] : memref<512xi32, #tpu.memory_space<vmem>> -> memref<64xi32, #tpu.memory_space<vmem>>
      %dma_wait3A_89 = arith.constant 0 : i32
      %dma_wait3A_90 = arith.constant 0 : i32
      %dma_wait3A_91 = tpu.memref_slice %arg2[%dma_wait3A_89, %dma_wait3A_90] : memref<16384x128xf32, #tpu.memory_space<hbm>> -> memref<16384x128xf32, #tpu.memory_space<hbm>>
      tpu.wait_indirect_dma semaphore(%arg7 : memref<!tpu.dma_semaphore, #tpu.memory_space<semaphore_mem>>) src(%dma_wait3A_91 : memref<16384x128xf32, #tpu.memory_space<hbm>>) dst(%dma_wait3A_86 : memref<64x128xf32, #tpu.memory_space<vmem>>)
      %dma_wait3A_92 = arith.constant 128 : i32
      %dma_wait3A_93 = arith.constant 0 : i32
      %dma_wait3A_94 = tpu.memref_slice %arg6[%dma_wait3A_92, %dma_wait3A_93] : memref<512x128xf32, #tpu.memory_space<vmem>> -> memref<64x128xf32, #tpu.memory_space<vmem>>
      %dma_wait3A_95 = arith.constant 128 : i32
      %dma_wait3A_96 = tpu.memref_slice %arg5[%dma_wait3A_95] : memref<512xi32, #tpu.memory_space<vmem>> -> memref<64xi32, #tpu.memory_space<vmem>>
      %dma_wait3A_97 = arith.constant 0 : i32
      %dma_wait3A_98 = arith.constant 0 : i32
      %dma_wait3A_99 = tpu.memref_slice %arg2[%dma_wait3A_97, %dma_wait3A_98] : memref<16384x128xf32, #tpu.memory_space<hbm>> -> memref<16384x128xf32, #tpu.memory_space<hbm>>
      tpu.wait_indirect_dma semaphore(%arg7 : memref<!tpu.dma_semaphore, #tpu.memory_space<semaphore_mem>>) src(%dma_wait3A_99 : memref<16384x128xf32, #tpu.memory_space<hbm>>) dst(%dma_wait3A_94 : memref<64x128xf32, #tpu.memory_space<vmem>>)
      %dma_wait3A_100 = arith.constant 192 : i32
      %dma_wait3A_101 = arith.constant 0 : i32
      %dma_wait3A_102 = tpu.memref_slice %arg6[%dma_wait3A_100, %dma_wait3A_101] : memref<512x128xf32, #tpu.memory_space<vmem>> -> memref<64x128xf32, #tpu.memory_space<vmem>>
      %dma_wait3A_103 = arith.constant 192 : i32
      %dma_wait3A_104 = tpu.memref_slice %arg5[%dma_wait3A_103] : memref<512xi32, #tpu.memory_space<vmem>> -> memref<64xi32, #tpu.memory_space<vmem>>
      %dma_wait3A_105 = arith.constant 0 : i32
      %dma_wait3A_106 = arith.constant 0 : i32
      %dma_wait3A_107 = tpu.memref_slice %arg2[%dma_wait3A_105, %dma_wait3A_106] : memref<16384x128xf32, #tpu.memory_space<hbm>> -> memref<16384x128xf32, #tpu.memory_space<hbm>>
      tpu.wait_indirect_dma semaphore(%arg7 : memref<!tpu.dma_semaphore, #tpu.memory_space<semaphore_mem>>) src(%dma_wait3A_107 : memref<16384x128xf32, #tpu.memory_space<hbm>>) dst(%dma_wait3A_102 : memref<64x128xf32, #tpu.memory_space<vmem>>)
      %dma_wait3A_108 = arith.constant 256 : i32
      %dma_wait3A_109 = arith.constant 0 : i32
      %dma_wait3A_110 = tpu.memref_slice %arg6[%dma_wait3A_108, %dma_wait3A_109] : memref<512x128xf32, #tpu.memory_space<vmem>> -> memref<64x128xf32, #tpu.memory_space<vmem>>
      %dma_wait3A_111 = arith.constant 256 : i32
      %dma_wait3A_112 = tpu.memref_slice %arg5[%dma_wait3A_111] : memref<512xi32, #tpu.memory_space<vmem>> -> memref<64xi32, #tpu.memory_space<vmem>>
      %dma_wait3A_113 = arith.constant 0 : i32
      %dma_wait3A_114 = arith.constant 0 : i32
      %dma_wait3A_115 = tpu.memref_slice %arg2[%dma_wait3A_113, %dma_wait3A_114] : memref<16384x128xf32, #tpu.memory_space<hbm>> -> memref<16384x128xf32, #tpu.memory_space<hbm>>
      tpu.wait_indirect_dma semaphore(%arg7 : memref<!tpu.dma_semaphore, #tpu.memory_space<semaphore_mem>>) src(%dma_wait3A_115 : memref<16384x128xf32, #tpu.memory_space<hbm>>) dst(%dma_wait3A_110 : memref<64x128xf32, #tpu.memory_space<vmem>>)
      %dma_wait3A_116 = arith.constant 320 : i32
      %dma_wait3A_117 = arith.constant 0 : i32
      %dma_wait3A_118 = tpu.memref_slice %arg6[%dma_wait3A_116, %dma_wait3A_117] : memref<512x128xf32, #tpu.memory_space<vmem>> -> memref<64x128xf32, #tpu.memory_space<vmem>>
      %dma_wait3A_119 = arith.constant 320 : i32
      %dma_wait3A_120 = tpu.memref_slice %arg5[%dma_wait3A_119] : memref<512xi32, #tpu.memory_space<vmem>> -> memref<64xi32, #tpu.memory_space<vmem>>
      %dma_wait3A_121 = arith.constant 0 : i32
      %dma_wait3A_122 = arith.constant 0 : i32
      %dma_wait3A_123 = tpu.memref_slice %arg2[%dma_wait3A_121, %dma_wait3A_122] : memref<16384x128xf32, #tpu.memory_space<hbm>> -> memref<16384x128xf32, #tpu.memory_space<hbm>>
      tpu.wait_indirect_dma semaphore(%arg7 : memref<!tpu.dma_semaphore, #tpu.memory_space<semaphore_mem>>) src(%dma_wait3A_123 : memref<16384x128xf32, #tpu.memory_space<hbm>>) dst(%dma_wait3A_118 : memref<64x128xf32, #tpu.memory_space<vmem>>)
      %dma_wait3A_124 = arith.constant 384 : i32
      %dma_wait3A_125 = arith.constant 0 : i32
      %dma_wait3A_126 = tpu.memref_slice %arg6[%dma_wait3A_124, %dma_wait3A_125] : memref<512x128xf32, #tpu.memory_space<vmem>> -> memref<64x128xf32, #tpu.memory_space<vmem>>
      %dma_wait3A_127 = arith.constant 384 : i32
      %dma_wait3A_128 = tpu.memref_slice %arg5[%dma_wait3A_127] : memref<512xi32, #tpu.memory_space<vmem>> -> memref<64xi32, #tpu.memory_space<vmem>>
      %dma_wait3A_129 = arith.constant 0 : i32
      %dma_wait3A_130 = arith.constant 0 : i32
      %dma_wait3A_131 = tpu.memref_slice %arg2[%dma_wait3A_129, %dma_wait3A_130] : memref<16384x128xf32, #tpu.memory_space<hbm>> -> memref<16384x128xf32, #tpu.memory_space<hbm>>
      tpu.wait_indirect_dma semaphore(%arg7 : memref<!tpu.dma_semaphore, #tpu.memory_space<semaphore_mem>>) src(%dma_wait3A_131 : memref<16384x128xf32, #tpu.memory_space<hbm>>) dst(%dma_wait3A_126 : memref<64x128xf32, #tpu.memory_space<vmem>>)
      %dma_wait3A_132 = arith.constant 448 : i32
      %dma_wait3A_133 = arith.constant 0 : i32
      %dma_wait3A_134 = tpu.memref_slice %arg6[%dma_wait3A_132, %dma_wait3A_133] : memref<512x128xf32, #tpu.memory_space<vmem>> -> memref<64x128xf32, #tpu.memory_space<vmem>>
      %dma_wait3A_135 = arith.constant 448 : i32
      %dma_wait3A_136 = tpu.memref_slice %arg5[%dma_wait3A_135] : memref<512xi32, #tpu.memory_space<vmem>> -> memref<64xi32, #tpu.memory_space<vmem>>
      %dma_wait3A_137 = arith.constant 0 : i32
      %dma_wait3A_138 = arith.constant 0 : i32
      %dma_wait3A_139 = tpu.memref_slice %arg2[%dma_wait3A_137, %dma_wait3A_138] : memref<16384x128xf32, #tpu.memory_space<hbm>> -> memref<16384x128xf32, #tpu.memory_space<hbm>>
      tpu.wait_indirect_dma semaphore(%arg7 : memref<!tpu.dma_semaphore, #tpu.memory_space<semaphore_mem>>) src(%dma_wait3A_139 : memref<16384x128xf32, #tpu.memory_space<hbm>>) dst(%dma_wait3A_134 : memref<64x128xf32, #tpu.memory_space<vmem>>)
      "tpu.region"() ({
        %run_scoped3A = tpu.sem_alloc : memref<!tpu.dma_semaphore, #tpu.memory_space<semaphore_mem>>
        %dma_start3A_141 = arith.constant 0 : i32
        %dma_start3A_142 = tpu.memref_slice %arg4[%add3A_13, %dma_start3A_141] : memref<327680x128xf32, #tpu.memory_space<hbm>> -> memref<512x128xf32, #tpu.memory_space<hbm>>
        %dma_start3A_143 = arith.constant 0 : i32
        %dma_start3A_144 = tpu.memref_slice %arg4[%add3A_13, %dma_start3A_143] : memref<327680x128xf32, #tpu.memory_space<hbm>> -> memref<512x128xf32, #tpu.memory_space<hbm>>
        tpu.enqueue_dma source(%arg6 : memref<512x128xf32, #tpu.memory_space<vmem>>) target(%dma_start3A_144 : memref<512x128xf32, #tpu.memory_space<hbm>>) target_semaphore(%run_scoped3A : memref<!tpu.dma_semaphore, #tpu.memory_space<semaphore_mem>>)
        %dma_wait3A_145 = arith.constant 0 : i32
        %dma_wait3A_146 = tpu.memref_slice %arg4[%add3A_13, %dma_wait3A_145] : memref<327680x128xf32, #tpu.memory_space<hbm>> -> memref<512x128xf32, #tpu.memory_space<hbm>>
        %dma_wait3A_147 = arith.constant 0 : i32
        %dma_wait3A_148 = tpu.memref_slice %arg4[%add3A_13, %dma_wait3A_147] : memref<327680x128xf32, #tpu.memory_space<hbm>> -> memref<512x128xf32, #tpu.memory_space<hbm>>
        tpu.wait_dma2 semaphore(%run_scoped3A : memref<!tpu.dma_semaphore, #tpu.memory_space<semaphore_mem>>) src(%arg6 : memref<512x128xf32, #tpu.memory_space<vmem>>) dst(%dma_wait3A_148 : memref<512x128xf32, #tpu.memory_space<hbm>>)
        tpu.yield
      }) : () -> ()
      %scan3A_140 = arith.constant 0 : i32
      scf.yield %scan3A_140 : i32
    }
    %scan3A_8 = arith.constant 20 : i32
    return
  }
}

#map = affine_map<(d0, d1) -> (0, 0)>
#map1 = affine_map<(d0, d1) -> (0)>
module attributes {stable_mosaic.version = 14 : i64} {
  func.func @k(%arg0: i32, %arg1: i32, %arg2: memref<16384x128xf32, #tpu.memory_space<hbm>>, %arg3: memref<327680xi32, #tpu.memory_space<hbm>>, %arg4: memref<327680x128xf32, #tpu.memory_space<hbm>>, %arg5: memref<512xi32, #tpu.memory_space<vmem>>, %arg6: memref<512x128xf32, #tpu.memory_space<vmem>>, %arg7: memref<!tpu.dma_semaphore, #tpu.memory_space<semaphore_mem>>) attributes {dimension_semantics = [#tpu.dimension_semantics<core_parallel>, #tpu.dimension_semantics<subcore_parallel>], iteration_bounds = array<i64: 2, 16>, scalar_prefetch = 0 : i64, scratch_operands = 3 : i64, tpu.core_type = #tpu.core_type<sc_vector_subcore>, window_params = [{transform_indices = #map}, {transform_indices = #map1}, {transform_indices = #map}]} {
    %mul3A = arith.constant 2 : i32
    %mul3A_0 = arith.muli %arg1, %mul3A : i32
    %add3A = arith.addi %mul3A_0, %arg0 : i32
    %mul3A_1 = arith.constant 10240 : i32
    %mul3A_2 = arith.muli %add3A, %mul3A_1 : i32
    %scan3A = arith.constant 0 : i32
    %scan3A_3 = arith.constant 0 : i32
    %scan3A_4 = arith.constant 20 : i32
    %scan3A_5 = arith.addi %scan3A_3, %scan3A_4 : i32
    %scan3A_6 = arith.constant 1 : i32
    %scan3A_7 = scf.for %scan3A_9 = %scan3A_3 to %scan3A_5 step %scan3A_6 iter_args(%scan3A_10 = %scan3A) -> (i32)  : i32 {
      %mul3A_11 = arith.constant 512 : i32
      %mul3A_12 = arith.muli %scan3A_9, %mul3A_11 : i32
      %add3A_13 = arith.addi %mul3A_2, %mul3A_12 : i32
      "tpu.region"() ({
        %run_scoped3A = tpu.sem_alloc : memref<!tpu.dma_semaphore, #tpu.memory_space<semaphore_mem>>
        %dma_start3A_141 = tpu.memref_slice %arg3[%add3A_13] : memref<327680xi32, #tpu.memory_space<hbm>> -> memref<512xi32, #tpu.memory_space<hbm>>
        %dma_start3A_142 = tpu.memref_slice %arg3[%add3A_13] : memref<327680xi32, #tpu.memory_space<hbm>> -> memref<512xi32, #tpu.memory_space<hbm>>
        tpu.enqueue_dma source(%dma_start3A_142 : memref<512xi32, #tpu.memory_space<hbm>>) target(%arg5 : memref<512xi32, #tpu.memory_space<vmem>>) target_semaphore(%run_scoped3A : memref<!tpu.dma_semaphore, #tpu.memory_space<semaphore_mem>>)
        %dma_wait3A_143 = tpu.memref_slice %arg3[%add3A_13] : memref<327680xi32, #tpu.memory_space<hbm>> -> memref<512xi32, #tpu.memory_space<hbm>>
        %dma_wait3A_144 = tpu.memref_slice %arg3[%add3A_13] : memref<327680xi32, #tpu.memory_space<hbm>> -> memref<512xi32, #tpu.memory_space<hbm>>
        tpu.wait_dma2 semaphore(%run_scoped3A : memref<!tpu.dma_semaphore, #tpu.memory_space<semaphore_mem>>) src(%dma_wait3A_144 : memref<512xi32, #tpu.memory_space<hbm>>) dst(%arg5 : memref<512xi32, #tpu.memory_space<vmem>>)
        tpu.yield
      }) : () -> ()
      %dma_start3A = arith.constant 0 : i32
      %dma_start3A_14 = arith.constant 0 : i32
      %dma_start3A_15 = tpu.memref_slice %arg6[%dma_start3A, %dma_start3A_14] : memref<512x128xf32, #tpu.memory_space<vmem>> -> memref<64x128xf32, #tpu.memory_space<vmem>>
      %dma_start3A_16 = arith.constant 0 : i32
      %dma_start3A_17 = tpu.memref_slice %arg5[%dma_start3A_16] : memref<512xi32, #tpu.memory_space<vmem>> -> memref<64xi32, #tpu.memory_space<vmem>>
      %dma_start3A_18 = arith.constant 0 : i32
      %dma_start3A_19 = arith.constant 0 : i32
      %dma_start3A_20 = tpu.memref_slice %arg2[%dma_start3A_18, %dma_start3A_19] : memref<16384x128xf32, #tpu.memory_space<hbm>> -> memref<16384x128xf32, #tpu.memory_space<hbm>>
      tpu.enqueue_indirect_dma source(%dma_start3A_20 : memref<16384x128xf32, #tpu.memory_space<hbm>>) target(%dma_start3A_15 : memref<64x128xf32, #tpu.memory_space<vmem>>) offsets(%dma_start3A_17 : memref<64xi32, #tpu.memory_space<vmem>>) semaphore(%arg7 : memref<!tpu.dma_semaphore, #tpu.memory_space<semaphore_mem>>)
      %dma_start3A_21 = arith.constant 64 : i32
      %dma_start3A_22 = arith.constant 0 : i32
      %dma_start3A_23 = tpu.memref_slice %arg6[%dma_start3A_21, %dma_start3A_22] : memref<512x128xf32, #tpu.memory_space<vmem>> -> memref<64x128xf32, #tpu.memory_space<vmem>>
      %dma_start3A_24 = arith.constant 64 : i32
      %dma_start3A_25 = tpu.memref_slice %arg5[%dma_start3A_24] : memref<512xi32, #tpu.memory_space<vmem>> -> memref<64xi32, #tpu.memory_space<vmem>>
      %dma_start3A_26 = arith.constant 0 : i32
      %dma_start3A_27 = arith.constant 0 : i32
      %dma_start3A_28 = tpu.memref_slice %arg2[%dma_start3A_26, %dma_start3A_27] : memref<16384x128xf32, #tpu.memory_space<hbm>> -> memref<16384x128xf32, #tpu.memory_space<hbm>>
      tpu.enqueue_indirect_dma source(%dma_start3A_28 : memref<16384x128xf32, #tpu.memory_space<hbm>>) target(%dma_start3A_23 : memref<64x128xf32, #tpu.memory_space<vmem>>) offsets(%dma_start3A_25 : memref<64xi32, #tpu.memory_space<vmem>>) semaphore(%arg7 : memref<!tpu.dma_semaphore, #tpu.memory_space<semaphore_mem>>)
      %dma_start3A_29 = arith.constant 128 : i32
      %dma_start3A_30 = arith.constant 0 : i32
      %dma_start3A_31 = tpu.memref_slice %arg6[%dma_start3A_29, %dma_start3A_30] : memref<512x128xf32, #tpu.memory_space<vmem>> -> memref<64x128xf32, #tpu.memory_space<vmem>>
      %dma_start3A_32 = arith.constant 128 : i32
      %dma_start3A_33 = tpu.memref_slice %arg5[%dma_start3A_32] : memref<512xi32, #tpu.memory_space<vmem>> -> memref<64xi32, #tpu.memory_space<vmem>>
      %dma_start3A_34 = arith.constant 0 : i32
      %dma_start3A_35 = arith.constant 0 : i32
      %dma_start3A_36 = tpu.memref_slice %arg2[%dma_start3A_34, %dma_start3A_35] : memref<16384x128xf32, #tpu.memory_space<hbm>> -> memref<16384x128xf32, #tpu.memory_space<hbm>>
      tpu.enqueue_indirect_dma source(%dma_start3A_36 : memref<16384x128xf32, #tpu.memory_space<hbm>>) target(%dma_start3A_31 : memref<64x128xf32, #tpu.memory_space<vmem>>) offsets(%dma_start3A_33 : memref<64xi32, #tpu.memory_space<vmem>>) semaphore(%arg7 : memref<!tpu.dma_semaphore, #tpu.memory_space<semaphore_mem>>)
      %dma_start3A_37 = arith.constant 192 : i32
      %dma_start3A_38 = arith.constant 0 : i32
      %dma_start3A_39 = tpu.memref_slice %arg6[%dma_start3A_37, %dma_start3A_38] : memref<512x128xf32, #tpu.memory_space<vmem>> -> memref<64x128xf32, #tpu.memory_space<vmem>>
      %dma_start3A_40 = arith.constant 192 : i32
      %dma_start3A_41 = tpu.memref_slice %arg5[%dma_start3A_40] : memref<512xi32, #tpu.memory_space<vmem>> -> memref<64xi32, #tpu.memory_space<vmem>>
      %dma_start3A_42 = arith.constant 0 : i32
      %dma_start3A_43 = arith.constant 0 : i32
      %dma_start3A_44 = tpu.memref_slice %arg2[%dma_start3A_42, %dma_start3A_43] : memref<16384x128xf32, #tpu.memory_space<hbm>> -> memref<16384x128xf32, #tpu.memory_space<hbm>>
      tpu.enqueue_indirect_dma source(%dma_start3A_44 : memref<16384x128xf32, #tpu.memory_space<hbm>>) target(%dma_start3A_39 : memref<64x128xf32, #tpu.memory_space<vmem>>) offsets(%dma_start3A_41 : memref<64xi32, #tpu.memory_space<vmem>>) semaphore(%arg7 : memref<!tpu.dma_semaphore, #tpu.memory_space<semaphore_mem>>)
      %dma_start3A_45 = arith.constant 256 : i32
      %dma_start3A_46 = arith.constant 0 : i32
      %dma_start3A_47 = tpu.memref_slice %arg6[%dma_start3A_45, %dma_start3A_46] : memref<512x128xf32, #tpu.memory_space<vmem>> -> memref<64x128xf32, #tpu.memory_space<vmem>>
      %dma_start3A_48 = arith.constant 256 : i32
      %dma_start3A_49 = tpu.memref_slice %arg5[%dma_start3A_48] : memref<512xi32, #tpu.memory_space<vmem>> -> memref<64xi32, #tpu.memory_space<vmem>>
      %dma_start3A_50 = arith.constant 0 : i32
      %dma_start3A_51 = arith.constant 0 : i32
      %dma_start3A_52 = tpu.memref_slice %arg2[%dma_start3A_50, %dma_start3A_51] : memref<16384x128xf32, #tpu.memory_space<hbm>> -> memref<16384x128xf32, #tpu.memory_space<hbm>>
      tpu.enqueue_indirect_dma source(%dma_start3A_52 : memref<16384x128xf32, #tpu.memory_space<hbm>>) target(%dma_start3A_47 : memref<64x128xf32, #tpu.memory_space<vmem>>) offsets(%dma_start3A_49 : memref<64xi32, #tpu.memory_space<vmem>>) semaphore(%arg7 : memref<!tpu.dma_semaphore, #tpu.memory_space<semaphore_mem>>)
      %dma_start3A_53 = arith.constant 320 : i32
      %dma_start3A_54 = arith.constant 0 : i32
      %dma_start3A_55 = tpu.memref_slice %arg6[%dma_start3A_53, %dma_start3A_54] : memref<512x128xf32, #tpu.memory_space<vmem>> -> memref<64x128xf32, #tpu.memory_space<vmem>>
      %dma_start3A_56 = arith.constant 320 : i32
      %dma_start3A_57 = tpu.memref_slice %arg5[%dma_start3A_56] : memref<512xi32, #tpu.memory_space<vmem>> -> memref<64xi32, #tpu.memory_space<vmem>>
      %dma_start3A_58 = arith.constant 0 : i32
      %dma_start3A_59 = arith.constant 0 : i32
      %dma_start3A_60 = tpu.memref_slice %arg2[%dma_start3A_58, %dma_start3A_59] : memref<16384x128xf32, #tpu.memory_space<hbm>> -> memref<16384x128xf32, #tpu.memory_space<hbm>>
      tpu.enqueue_indirect_dma source(%dma_start3A_60 : memref<16384x128xf32, #tpu.memory_space<hbm>>) target(%dma_start3A_55 : memref<64x128xf32, #tpu.memory_space<vmem>>) offsets(%dma_start3A_57 : memref<64xi32, #tpu.memory_space<vmem>>) semaphore(%arg7 : memref<!tpu.dma_semaphore, #tpu.memory_space<semaphore_mem>>)
      %dma_start3A_61 = arith.constant 384 : i32
      %dma_start3A_62 = arith.constant 0 : i32
      %dma_start3A_63 = tpu.memref_slice %arg6[%dma_start3A_61, %dma_start3A_62] : memref<512x128xf32, #tpu.memory_space<vmem>> -> memref<64x128xf32, #tpu.memory_space<vmem>>
      %dma_start3A_64 = arith.constant 384 : i32
      %dma_start3A_65 = tpu.memref_slice %arg5[%dma_start3A_64] : memref<512xi32, #tpu.memory_space<vmem>> -> memref<64xi32, #tpu.memory_space<vmem>>
      %dma_start3A_66 = arith.constant 0 : i32
      %dma_start3A_67 = arith.constant 0 : i32
      %dma_start3A_68 = tpu.memref_slice %arg2[%dma_start3A_66, %dma_start3A_67] : memref<16384x128xf32, #tpu.memory_space<hbm>> -> memref<16384x128xf32, #tpu.memory_space<hbm>>
      tpu.enqueue_indirect_dma source(%dma_start3A_68 : memref<16384x128xf32, #tpu.memory_space<hbm>>) target(%dma_start3A_63 : memref<64x128xf32, #tpu.memory_space<vmem>>) offsets(%dma_start3A_65 : memref<64xi32, #tpu.memory_space<vmem>>) semaphore(%arg7 : memref<!tpu.dma_semaphore, #tpu.memory_space<semaphore_mem>>)
      %dma_start3A_69 = arith.constant 448 : i32
      %dma_start3A_70 = arith.constant 0 : i32
      %dma_start3A_71 = tpu.memref_slice %arg6[%dma_start3A_69, %dma_start3A_70] : memref<512x128xf32, #tpu.memory_space<vmem>> -> memref<64x128xf32, #tpu.memory_space<vmem>>
      %dma_start3A_72 = arith.constant 448 : i32
      %dma_start3A_73 = tpu.memref_slice %arg5[%dma_start3A_72] : memref<512xi32, #tpu.memory_space<vmem>> -> memref<64xi32, #tpu.memory_space<vmem>>
      %dma_start3A_74 = arith.constant 0 : i32
      %dma_start3A_75 = arith.constant 0 : i32
      %dma_start3A_76 = tpu.memref_slice %arg2[%dma_start3A_74, %dma_start3A_75] : memref<16384x128xf32, #tpu.memory_space<hbm>> -> memref<16384x128xf32, #tpu.memory_space<hbm>>
      tpu.enqueue_indirect_dma source(%dma_start3A_76 : memref<16384x128xf32, #tpu.memory_space<hbm>>) target(%dma_start3A_71 : memref<64x128xf32, #tpu.memory_space<vmem>>) offsets(%dma_start3A_73 : memref<64xi32, #tpu.memory_space<vmem>>) semaphore(%arg7 : memref<!tpu.dma_semaphore, #tpu.memory_space<semaphore_mem>>)
      %dma_wait3A = arith.constant 0 : i32
      %dma_wait3A_77 = arith.constant 0 : i32
      %dma_wait3A_78 = tpu.memref_slice %arg6[%dma_wait3A, %dma_wait3A_77] : memref<512x128xf32, #tpu.memory_space<vmem>> -> memref<64x128xf32, #tpu.memory_space<vmem>>
      %dma_wait3A_79 = arith.constant 0 : i32
      %dma_wait3A_80 = tpu.memref_slice %arg5[%dma_wait3A_79] : memref<512xi32, #tpu.memory_space<vmem>> -> memref<64xi32, #tpu.memory_space<vmem>>
      %dma_wait3A_81 = arith.constant 0 : i32
      %dma_wait3A_82 = arith.constant 0 : i32
      %dma_wait3A_83 = tpu.memref_slice %arg2[%dma_wait3A_81, %dma_wait3A_82] : memref<16384x128xf32, #tpu.memory_space<hbm>> -> memref<16384x128xf32, #tpu.memory_space<hbm>>
      tpu.wait_indirect_dma semaphore(%arg7 : memref<!tpu.dma_semaphore, #tpu.memory_space<semaphore_mem>>) src(%dma_wait3A_83 : memref<16384x128xf32, #tpu.memory_space<hbm>>) dst(%dma_wait3A_78 : memref<64x128xf32, #tpu.memory_space<vmem>>)
      %dma_wait3A_84 = arith.constant 64 : i32
      %dma_wait3A_85 = arith.constant 0 : i32
      %dma_wait3A_86 = tpu.memref_slice %arg6[%dma_wait3A_84, %dma_wait3A_85] : memref<512x128xf32, #tpu.memory_space<vmem>> -> memref<64x128xf32, #tpu.memory_space<vmem>>
      %dma_wait3A_87 = arith.constant 64 : i32
      %dma_wait3A_88 = tpu.memref_slice %arg5[%dma_wait3A_87] : memref<512xi32, #tpu.memory_space<vmem>> -> memref<64xi32, #tpu.memory_space<vmem>>
      %dma_wait3A_89 = arith.constant 0 : i32
      %dma_wait3A_90 = arith.constant 0 : i32
      %dma_wait3A_91 = tpu.memref_slice %arg2[%dma_wait3A_89, %dma_wait3A_90] : memref<16384x128xf32, #tpu.memory_space<hbm>> -> memref<16384x128xf32, #tpu.memory_space<hbm>>
      tpu.wait_indirect_dma semaphore(%arg7 : memref<!tpu.dma_semaphore, #tpu.memory_space<semaphore_mem>>) src(%dma_wait3A_91 : memref<16384x128xf32, #tpu.memory_space<hbm>>) dst(%dma_wait3A_86 : memref<64x128xf32, #tpu.memory_space<vmem>>)
      %dma_wait3A_92 = arith.constant 128 : i32
      %dma_wait3A_93 = arith.constant 0 : i32
      %dma_wait3A_94 = tpu.memref_slice %arg6[%dma_wait3A_92, %dma_wait3A_93] : memref<512x128xf32, #tpu.memory_space<vmem>> -> memref<64x128xf32, #tpu.memory_space<vmem>>
      %dma_wait3A_95 = arith.constant 128 : i32
      %dma_wait3A_96 = tpu.memref_slice %arg5[%dma_wait3A_95] : memref<512xi32, #tpu.memory_space<vmem>> -> memref<64xi32, #tpu.memory_space<vmem>>
      %dma_wait3A_97 = arith.constant 0 : i32
      %dma_wait3A_98 = arith.constant 0 : i32
      %dma_wait3A_99 = tpu.memref_slice %arg2[%dma_wait3A_97, %dma_wait3A_98] : memref<16384x128xf32, #tpu.memory_space<hbm>> -> memref<16384x128xf32, #tpu.memory_space<hbm>>
      tpu.wait_indirect_dma semaphore(%arg7 : memref<!tpu.dma_semaphore, #tpu.memory_space<semaphore_mem>>) src(%dma_wait3A_99 : memref<16384x128xf32, #tpu.memory_space<hbm>>) dst(%dma_wait3A_94 : memref<64x128xf32, #tpu.memory_space<vmem>>)
      %dma_wait3A_100 = arith.constant 192 : i32
      %dma_wait3A_101 = arith.constant 0 : i32
      %dma_wait3A_102 = tpu.memref_slice %arg6[%dma_wait3A_100, %dma_wait3A_101] : memref<512x128xf32, #tpu.memory_space<vmem>> -> memref<64x128xf32, #tpu.memory_space<vmem>>
      %dma_wait3A_103 = arith.constant 192 : i32
      %dma_wait3A_104 = tpu.memref_slice %arg5[%dma_wait3A_103] : memref<512xi32, #tpu.memory_space<vmem>> -> memref<64xi32, #tpu.memory_space<vmem>>
      %dma_wait3A_105 = arith.constant 0 : i32
      %dma_wait3A_106 = arith.constant 0 : i32
      %dma_wait3A_107 = tpu.memref_slice %arg2[%dma_wait3A_105, %dma_wait3A_106] : memref<16384x128xf32, #tpu.memory_space<hbm>> -> memref<16384x128xf32, #tpu.memory_space<hbm>>
      tpu.wait_indirect_dma semaphore(%arg7 : memref<!tpu.dma_semaphore, #tpu.memory_space<semaphore_mem>>) src(%dma_wait3A_107 : memref<16384x128xf32, #tpu.memory_space<hbm>>) dst(%dma_wait3A_102 : memref<64x128xf32, #tpu.memory_space<vmem>>)
      %dma_wait3A_108 = arith.constant 256 : i32
      %dma_wait3A_109 = arith.constant 0 : i32
      %dma_wait3A_110 = tpu.memref_slice %arg6[%dma_wait3A_108, %dma_wait3A_109] : memref<512x128xf32, #tpu.memory_space<vmem>> -> memref<64x128xf32, #tpu.memory_space<vmem>>
      %dma_wait3A_111 = arith.constant 256 : i32
      %dma_wait3A_112 = tpu.memref_slice %arg5[%dma_wait3A_111] : memref<512xi32, #tpu.memory_space<vmem>> -> memref<64xi32, #tpu.memory_space<vmem>>
      %dma_wait3A_113 = arith.constant 0 : i32
      %dma_wait3A_114 = arith.constant 0 : i32
      %dma_wait3A_115 = tpu.memref_slice %arg2[%dma_wait3A_113, %dma_wait3A_114] : memref<16384x128xf32, #tpu.memory_space<hbm>> -> memref<16384x128xf32, #tpu.memory_space<hbm>>
      tpu.wait_indirect_dma semaphore(%arg7 : memref<!tpu.dma_semaphore, #tpu.memory_space<semaphore_mem>>) src(%dma_wait3A_115 : memref<16384x128xf32, #tpu.memory_space<hbm>>) dst(%dma_wait3A_110 : memref<64x128xf32, #tpu.memory_space<vmem>>)
      %dma_wait3A_116 = arith.constant 320 : i32
      %dma_wait3A_117 = arith.constant 0 : i32
      %dma_wait3A_118 = tpu.memref_slice %arg6[%dma_wait3A_116, %dma_wait3A_117] : memref<512x128xf32, #tpu.memory_space<vmem>> -> memref<64x128xf32, #tpu.memory_space<vmem>>
      %dma_wait3A_119 = arith.constant 320 : i32
      %dma_wait3A_120 = tpu.memref_slice %arg5[%dma_wait3A_119] : memref<512xi32, #tpu.memory_space<vmem>> -> memref<64xi32, #tpu.memory_space<vmem>>
      %dma_wait3A_121 = arith.constant 0 : i32
      %dma_wait3A_122 = arith.constant 0 : i32
      %dma_wait3A_123 = tpu.memref_slice %arg2[%dma_wait3A_121, %dma_wait3A_122] : memref<16384x128xf32, #tpu.memory_space<hbm>> -> memref<16384x128xf32, #tpu.memory_space<hbm>>
      tpu.wait_indirect_dma semaphore(%arg7 : memref<!tpu.dma_semaphore, #tpu.memory_space<semaphore_mem>>) src(%dma_wait3A_123 : memref<16384x128xf32, #tpu.memory_space<hbm>>) dst(%dma_wait3A_118 : memref<64x128xf32, #tpu.memory_space<vmem>>)
      %dma_wait3A_124 = arith.constant 384 : i32
      %dma_wait3A_125 = arith.constant 0 : i32
      %dma_wait3A_126 = tpu.memref_slice %arg6[%dma_wait3A_124, %dma_wait3A_125] : memref<512x128xf32, #tpu.memory_space<vmem>> -> memref<64x128xf32, #tpu.memory_space<vmem>>
      %dma_wait3A_127 = arith.constant 384 : i32
      %dma_wait3A_128 = tpu.memref_slice %arg5[%dma_wait3A_127] : memref<512xi32, #tpu.memory_space<vmem>> -> memref<64xi32, #tpu.memory_space<vmem>>
      %dma_wait3A_129 = arith.constant 0 : i32
      %dma_wait3A_130 = arith.constant 0 : i32
      %dma_wait3A_131 = tpu.memref_slice %arg2[%dma_wait3A_129, %dma_wait3A_130] : memref<16384x128xf32, #tpu.memory_space<hbm>> -> memref<16384x128xf32, #tpu.memory_space<hbm>>
      tpu.wait_indirect_dma semaphore(%arg7 : memref<!tpu.dma_semaphore, #tpu.memory_space<semaphore_mem>>) src(%dma_wait3A_131 : memref<16384x128xf32, #tpu.memory_space<hbm>>) dst(%dma_wait3A_126 : memref<64x128xf32, #tpu.memory_space<vmem>>)
      %dma_wait3A_132 = arith.constant 448 : i32
      %dma_wait3A_133 = arith.constant 0 : i32
      %dma_wait3A_134 = tpu.memref_slice %arg6[%dma_wait3A_132, %dma_wait3A_133] : memref<512x128xf32, #tpu.memory_space<vmem>> -> memref<64x128xf32, #tpu.memory_space<vmem>>
      %dma_wait3A_135 = arith.constant 448 : i32
      %dma_wait3A_136 = tpu.memref_slice %arg5[%dma_wait3A_135] : memref<512xi32, #tpu.memory_space<vmem>> -> memref<64xi32, #tpu.memory_space<vmem>>
      %dma_wait3A_137 = arith.constant 0 : i32
      %dma_wait3A_138 = arith.constant 0 : i32
      %dma_wait3A_139 = tpu.memref_slice %arg2[%dma_wait3A_137, %dma_wait3A_138] : memref<16384x128xf32, #tpu.memory_space<hbm>> -> memref<16384x128xf32, #tpu.memory_space<hbm>>
      tpu.wait_indirect_dma semaphore(%arg7 : memref<!tpu.dma_semaphore, #tpu.memory_space<semaphore_mem>>) src(%dma_wait3A_139 : memref<16384x128xf32, #tpu.memory_space<hbm>>) dst(%dma_wait3A_134 : memref<64x128xf32, #tpu.memory_space<vmem>>)
      "tpu.region"() ({
        %run_scoped3A = tpu.sem_alloc : memref<!tpu.dma_semaphore, #tpu.memory_space<semaphore_mem>>
        %dma_start3A_141 = arith.constant 0 : i32
        %dma_start3A_142 = tpu.memref_slice %arg4[%add3A_13, %dma_start3A_141] : memref<327680x128xf32, #tpu.memory_space<hbm>> -> memref<512x128xf32, #tpu.memory_space<hbm>>
        %dma_start3A_143 = arith.constant 0 : i32
        %dma_start3A_144 = tpu.memref_slice %arg4[%add3A_13, %dma_start3A_143] : memref<327680x128xf32, #tpu.memory_space<hbm>> -> memref<512x128xf32, #tpu.memory_space<hbm>>
        tpu.enqueue_dma source(%arg6 : memref<512x128xf32, #tpu.memory_space<vmem>>) target(%dma_start3A_144 : memref<512x128xf32, #tpu.memory_space<hbm>>) target_semaphore(%run_scoped3A : memref<!tpu.dma_semaphore, #tpu.memory_space<semaphore_mem>>)
        %dma_wait3A_145 = arith.constant 0 : i32
        %dma_wait3A_146 = tpu.memref_slice %arg4[%add3A_13, %dma_wait3A_145] : memref<327680x128xf32, #tpu.memory_space<hbm>> -> memref<512x128xf32, #tpu.memory_space<hbm>>
        %dma_wait3A_147 = arith.constant 0 : i32
        %dma_wait3A_148 = tpu.memref_slice %arg4[%add3A_13, %dma_wait3A_147] : memref<327680x128xf32, #tpu.memory_space<hbm>> -> memref<512x128xf32, #tpu.memory_space<hbm>>
        tpu.wait_dma2 semaphore(%run_scoped3A : memref<!tpu.dma_semaphore, #tpu.memory_space<semaphore_mem>>) src(%arg6 : memref<512x128xf32, #tpu.memory_space<vmem>>) dst(%dma_wait3A_148 : memref<512x128xf32, #tpu.memory_space<hbm>>)
        tpu.yield
      }) : () -> ()
      %scan3A_140 = arith.constant 0 : i32
      scf.yield %scan3A_140 : i32
    }
    %scan3A_8 = arith.constant 20 : i32
    return
  }
}

module attributes {stable_mosaic.version = 14 : i64} {
  func.func @kern(%arg0: i32, %arg1: i32, %arg2: memref<1x256x3xf32, #tpu.memory_space<vmem>>, %arg3: memref<1x2048x3xf32, #tpu.memory_space<vmem>>, %arg4: memref<1x1x2048xf32, #tpu.memory_space<vmem>>, %arg5: memref<1x256x1xf32, #tpu.memory_space<vmem>>, %arg6: memref<1x256x20xi32, #tpu.memory_space<vmem>>) attributes {dimension_semantics = [#tpu.dimension_semantics<arbitrary>, #tpu.dimension_semantics<arbitrary>], iteration_bounds = array<i64: 8, 8>, scalar_prefetch = 0 : i64, scratch_operands = 0 : i64, tpu.core_type = #tpu.core_type<tc>, window_params = [{transform_indices = @transform_0, window_bounds = array<i64: 1, 256, 3>}, {transform_indices = @transform_1, window_bounds = array<i64: 1, 2048, 3>}, {transform_indices = @transform_2, window_bounds = array<i64: 1, 1, 2048>}, {transform_indices = @transform_3, window_bounds = array<i64: 1, 256, 1>}, {transform_indices = @transform_4, window_bounds = array<i64: 1, 256, 20>}]} {
    %get3A = arith.constant 0 : index
    %get3A_0 = arith.constant 0 : index
    %get3A_1 = arith.constant 0 : index
    %get3A_2 = vector.load %arg2[%get3A, %get3A_0, %get3A_1] : memref<1x256x3xf32, #tpu.memory_space<vmem>>, vector<1x256x3xf32>
    %get3A_3 = vector.shape_cast %get3A_2 : vector<1x256x3xf32> to vector<256x3xf32>
    %get3A_4 = arith.constant 0 : index
    %get3A_5 = arith.constant 0 : index
    %get3A_6 = arith.constant 0 : index
    %get3A_7 = vector.load %arg3[%get3A_4, %get3A_5, %get3A_6] : memref<1x2048x3xf32, #tpu.memory_space<vmem>>, vector<1x2048x3xf32>
    %get3A_8 = vector.shape_cast %get3A_7 : vector<1x2048x3xf32> to vector<2048x3xf32>
    %convert_element_type3A = arith.truncf %get3A_3 : vector<256x3xf32> to vector<256x3xbf16>
    %convert_element_type3A_9 = arith.truncf %get3A_8 : vector<2048x3xf32> to vector<2048x3xbf16>
    %dot_general3A = arith.constant dense<0.000000e+00> : vector<256x2048xf32>
    %dot_general3A_10 = tpu.matmul %convert_element_type3A, %convert_element_type3A_9, %dot_general3A {dimension_numbers = #tpu.dot_dimension_numbers<[1], [1], [0], [0], [0, 0, 1, 0], [], []>, transpose_lhs_hint = false} : vector<256x3xbf16>, vector<2048x3xbf16>, vector<256x2048xf32> -> vector<256x2048xf32>
    %mul3A = arith.constant -2.000000e+00 : f32
    %mul3A_11 = vector.broadcast %mul3A : f32 to vector<256x2048xf32>
    %mul3A_12 = arith.mulf %mul3A_11, %dot_general3A_10 : vector<256x2048xf32>
    %get3A_13 = arith.constant 0 : index
    %get3A_14 = arith.constant 0 : index
    %get3A_15 = arith.constant 0 : index
    %get3A_16 = vector.load %arg4[%get3A_13, %get3A_14, %get3A_15] : memref<1x1x2048xf32, #tpu.memory_space<vmem>>, vector<1x1x2048xf32>
    %get3A_17 = vector.shape_cast %get3A_16 : vector<1x1x2048xf32> to vector<1x2048xf32>
    %get3A_18 = arith.constant 0 : index
    %get3A_19 = arith.constant 0 : index
    %get3A_20 = arith.constant 0 : index
    %get3A_21 = vector.load %arg5[%get3A_18, %get3A_19, %get3A_20] : memref<1x256x1xf32, #tpu.memory_space<vmem>>, vector<1x256x1xf32>
    %get3A_22 = vector.shape_cast %get3A_21 : vector<1x256x1xf32> to vector<256x1xf32>
    %neg3A = arith.constant 0.000000e+00 : f32
    %neg3A_23 = vector.broadcast %neg3A : f32 to vector<1x2048xf32>
    %neg3A_24 = arith.subf %neg3A_23, %get3A_17 : vector<1x2048xf32>
    %sub3A = vector.broadcast %neg3A_24 : vector<1x2048xf32> to vector<256x2048xf32>
    %sub3A_25 = arith.subf %sub3A, %mul3A_12 : vector<256x2048xf32>
    %sub3A_26 = vector.broadcast %get3A_22 : vector<256x1xf32> to vector<256x2048xf32>
    %sub3A_27 = arith.subf %sub3A_25, %sub3A_26 : vector<256x2048xf32>
    %iota3A = tpu.iota {dimensions = array<i32: 1>} : vector<256x2048xi32>
    %argmax3A = tpu.reduce_index %sub3A_27 {axis = 1 : i32, kind = #tpu.reduction_kind<arg_max>} : vector<256x2048xf32> -> vector<256xi32>
    %broadcast_in_dim3A = vector.shape_cast %argmax3A : vector<256xi32> to vector<256x1xi32>
    %eq3A = vector.broadcast %broadcast_in_dim3A : vector<256x1xi32> to vector<256x2048xi32>
    %eq3A_28 = arith.cmpi eq, %iota3A, %eq3A : vector<256x2048xi32>
    %jit3A = arith.constant 0xFF800000 : f32
    %broadcast_in_dim3A_29 = vector.broadcast %jit3A : f32 to vector<256x2048xf32>
    %select_n3A = arith.select %eq3A_28, %broadcast_in_dim3A_29, %sub3A_27 : vector<256x2048xi1>, vector<256x2048xf32>
    %argmax3A_30 = tpu.reduce_index %select_n3A {axis = 1 : i32, kind = #tpu.reduction_kind<arg_max>} : vector<256x2048xf32> -> vector<256xi32>
    %broadcast_in_dim3A_31 = vector.shape_cast %argmax3A_30 : vector<256xi32> to vector<256x1xi32>
    %eq3A_32 = vector.broadcast %broadcast_in_dim3A_31 : vector<256x1xi32> to vector<256x2048xi32>
    %eq3A_33 = arith.cmpi eq, %iota3A, %eq3A_32 : vector<256x2048xi32>
    %jit3A_34 = arith.constant 0xFF800000 : f32
    %broadcast_in_dim3A_35 = vector.broadcast %jit3A_34 : f32 to vector<256x2048xf32>
    %select_n3A_36 = arith.select %eq3A_33, %broadcast_in_dim3A_35, %select_n3A : vector<256x2048xi1>, vector<256x2048xf32>
    %argmax3A_37 = tpu.reduce_index %select_n3A_36 {axis = 1 : i32, kind = #tpu.reduction_kind<arg_max>} : vector<256x2048xf32> -> vector<256xi32>
    %broadcast_in_dim3A_38 = vector.shape_cast %argmax3A_37 : vector<256xi32> to vector<256x1xi32>
    %eq3A_39 = vector.broadcast %broadcast_in_dim3A_38 : vector<256x1xi32> to vector<256x2048xi32>
    %eq3A_40 = arith.cmpi eq, %iota3A, %eq3A_39 : vector<256x2048xi32>
    %jit3A_41 = arith.constant 0xFF800000 : f32
    %broadcast_in_dim3A_42 = vector.broadcast %jit3A_41 : f32 to vector<256x2048xf32>
    %select_n3A_43 = arith.select %eq3A_40, %broadcast_in_dim3A_42, %select_n3A_36 : vector<256x2048xi1>, vector<256x2048xf32>
    %argmax3A_44 = tpu.reduce_index %select_n3A_43 {axis = 1 : i32, kind = #tpu.reduction_kind<arg_max>} : vector<256x2048xf32> -> vector<256xi32>
    %broadcast_in_dim3A_45 = vector.shape_cast %argmax3A_44 : vector<256xi32> to vector<256x1xi32>
    %eq3A_46 = vector.broadcast %broadcast_in_dim3A_45 : vector<256x1xi32> to vector<256x2048xi32>
    %eq3A_47 = arith.cmpi eq, %iota3A, %eq3A_46 : vector<256x2048xi32>
    %jit3A_48 = arith.constant 0xFF800000 : f32
    %broadcast_in_dim3A_49 = vector.broadcast %jit3A_48 : f32 to vector<256x2048xf32>
    %select_n3A_50 = arith.select %eq3A_47, %broadcast_in_dim3A_49, %select_n3A_43 : vector<256x2048xi1>, vector<256x2048xf32>
    %argmax3A_51 = tpu.reduce_index %select_n3A_50 {axis = 1 : i32, kind = #tpu.reduction_kind<arg_max>} : vector<256x2048xf32> -> vector<256xi32>
    %broadcast_in_dim3A_52 = vector.shape_cast %argmax3A_51 : vector<256xi32> to vector<256x1xi32>
    %eq3A_53 = vector.broadcast %broadcast_in_dim3A_52 : vector<256x1xi32> to vector<256x2048xi32>
    %eq3A_54 = arith.cmpi eq, %iota3A, %eq3A_53 : vector<256x2048xi32>
    %jit3A_55 = arith.constant 0xFF800000 : f32
    %broadcast_in_dim3A_56 = vector.broadcast %jit3A_55 : f32 to vector<256x2048xf32>
    %select_n3A_57 = arith.select %eq3A_54, %broadcast_in_dim3A_56, %select_n3A_50 : vector<256x2048xi1>, vector<256x2048xf32>
    %argmax3A_58 = tpu.reduce_index %select_n3A_57 {axis = 1 : i32, kind = #tpu.reduction_kind<arg_max>} : vector<256x2048xf32> -> vector<256xi32>
    %broadcast_in_dim3A_59 = vector.shape_cast %argmax3A_58 : vector<256xi32> to vector<256x1xi32>
    %eq3A_60 = vector.broadcast %broadcast_in_dim3A_59 : vector<256x1xi32> to vector<256x2048xi32>
    %eq3A_61 = arith.cmpi eq, %iota3A, %eq3A_60 : vector<256x2048xi32>
    %jit3A_62 = arith.constant 0xFF800000 : f32
    %broadcast_in_dim3A_63 = vector.broadcast %jit3A_62 : f32 to vector<256x2048xf32>
    %select_n3A_64 = arith.select %eq3A_61, %broadcast_in_dim3A_63, %select_n3A_57 : vector<256x2048xi1>, vector<256x2048xf32>
    %argmax3A_65 = tpu.reduce_index %select_n3A_64 {axis = 1 : i32, kind = #tpu.reduction_kind<arg_max>} : vector<256x2048xf32> -> vector<256xi32>
    %broadcast_in_dim3A_66 = vector.shape_cast %argmax3A_65 : vector<256xi32> to vector<256x1xi32>
    %eq3A_67 = vector.broadcast %broadcast_in_dim3A_66 : vector<256x1xi32> to vector<256x2048xi32>
    %eq3A_68 = arith.cmpi eq, %iota3A, %eq3A_67 : vector<256x2048xi32>
    %jit3A_69 = arith.constant 0xFF800000 : f32
    %broadcast_in_dim3A_70 = vector.broadcast %jit3A_69 : f32 to vector<256x2048xf32>
    %select_n3A_71 = arith.select %eq3A_68, %broadcast_in_dim3A_70, %select_n3A_64 : vector<256x2048xi1>, vector<256x2048xf32>
    %argmax3A_72 = tpu.reduce_index %select_n3A_71 {axis = 1 : i32, kind = #tpu.reduction_kind<arg_max>} : vector<256x2048xf32> -> vector<256xi32>
    %broadcast_in_dim3A_73 = vector.shape_cast %argmax3A_72 : vector<256xi32> to vector<256x1xi32>
    %eq3A_74 = vector.broadcast %broadcast_in_dim3A_73 : vector<256x1xi32> to vector<256x2048xi32>
    %eq3A_75 = arith.cmpi eq, %iota3A, %eq3A_74 : vector<256x2048xi32>
    %jit3A_76 = arith.constant 0xFF800000 : f32
    %broadcast_in_dim3A_77 = vector.broadcast %jit3A_76 : f32 to vector<256x2048xf32>
    %select_n3A_78 = arith.select %eq3A_75, %broadcast_in_dim3A_77, %select_n3A_71 : vector<256x2048xi1>, vector<256x2048xf32>
    %argmax3A_79 = tpu.reduce_index %select_n3A_78 {axis = 1 : i32, kind = #tpu.reduction_kind<arg_max>} : vector<256x2048xf32> -> vector<256xi32>
    %broadcast_in_dim3A_80 = vector.shape_cast %argmax3A_79 : vector<256xi32> to vector<256x1xi32>
    %eq3A_81 = vector.broadcast %broadcast_in_dim3A_80 : vector<256x1xi32> to vector<256x2048xi32>
    %eq3A_82 = arith.cmpi eq, %iota3A, %eq3A_81 : vector<256x2048xi32>
    %jit3A_83 = arith.constant 0xFF800000 : f32
    %broadcast_in_dim3A_84 = vector.broadcast %jit3A_83 : f32 to vector<256x2048xf32>
    %select_n3A_85 = arith.select %eq3A_82, %broadcast_in_dim3A_84, %select_n3A_78 : vector<256x2048xi1>, vector<256x2048xf32>
    %argmax3A_86 = tpu.reduce_index %select_n3A_85 {axis = 1 : i32, kind = #tpu.reduction_kind<arg_max>} : vector<256x2048xf32> -> vector<256xi32>
    %broadcast_in_dim3A_87 = vector.shape_cast %argmax3A_86 : vector<256xi32> to vector<256x1xi32>
    %eq3A_88 = vector.broadcast %broadcast_in_dim3A_87 : vector<256x1xi32> to vector<256x2048xi32>
    %eq3A_89 = arith.cmpi eq, %iota3A, %eq3A_88 : vector<256x2048xi32>
    %jit3A_90 = arith.constant 0xFF800000 : f32
    %broadcast_in_dim3A_91 = vector.broadcast %jit3A_90 : f32 to vector<256x2048xf32>
    %select_n3A_92 = arith.select %eq3A_89, %broadcast_in_dim3A_91, %select_n3A_85 : vector<256x2048xi1>, vector<256x2048xf32>
    %argmax3A_93 = tpu.reduce_index %select_n3A_92 {axis = 1 : i32, kind = #tpu.reduction_kind<arg_max>} : vector<256x2048xf32> -> vector<256xi32>
    %broadcast_in_dim3A_94 = vector.shape_cast %argmax3A_93 : vector<256xi32> to vector<256x1xi32>
    %eq3A_95 = vector.broadcast %broadcast_in_dim3A_94 : vector<256x1xi32> to vector<256x2048xi32>
    %eq3A_96 = arith.cmpi eq, %iota3A, %eq3A_95 : vector<256x2048xi32>
    %jit3A_97 = arith.constant 0xFF800000 : f32
    %broadcast_in_dim3A_98 = vector.broadcast %jit3A_97 : f32 to vector<256x2048xf32>
    %select_n3A_99 = arith.select %eq3A_96, %broadcast_in_dim3A_98, %select_n3A_92 : vector<256x2048xi1>, vector<256x2048xf32>
    %argmax3A_100 = tpu.reduce_index %select_n3A_99 {axis = 1 : i32, kind = #tpu.reduction_kind<arg_max>} : vector<256x2048xf32> -> vector<256xi32>
    %broadcast_in_dim3A_101 = vector.shape_cast %argmax3A_100 : vector<256xi32> to vector<256x1xi32>
    %eq3A_102 = vector.broadcast %broadcast_in_dim3A_101 : vector<256x1xi32> to vector<256x2048xi32>
    %eq3A_103 = arith.cmpi eq, %iota3A, %eq3A_102 : vector<256x2048xi32>
    %jit3A_104 = arith.constant 0xFF800000 : f32
    %broadcast_in_dim3A_105 = vector.broadcast %jit3A_104 : f32 to vector<256x2048xf32>
    %select_n3A_106 = arith.select %eq3A_103, %broadcast_in_dim3A_105, %select_n3A_99 : vector<256x2048xi1>, vector<256x2048xf32>
    %argmax3A_107 = tpu.reduce_index %select_n3A_106 {axis = 1 : i32, kind = #tpu.reduction_kind<arg_max>} : vector<256x2048xf32> -> vector<256xi32>
    %broadcast_in_dim3A_108 = vector.shape_cast %argmax3A_107 : vector<256xi32> to vector<256x1xi32>
    %eq3A_109 = vector.broadcast %broadcast_in_dim3A_108 : vector<256x1xi32> to vector<256x2048xi32>
    %eq3A_110 = arith.cmpi eq, %iota3A, %eq3A_109 : vector<256x2048xi32>
    %jit3A_111 = arith.constant 0xFF800000 : f32
    %broadcast_in_dim3A_112 = vector.broadcast %jit3A_111 : f32 to vector<256x2048xf32>
    %select_n3A_113 = arith.select %eq3A_110, %broadcast_in_dim3A_112, %select_n3A_106 : vector<256x2048xi1>, vector<256x2048xf32>
    %argmax3A_114 = tpu.reduce_index %select_n3A_113 {axis = 1 : i32, kind = #tpu.reduction_kind<arg_max>} : vector<256x2048xf32> -> vector<256xi32>
    %broadcast_in_dim3A_115 = vector.shape_cast %argmax3A_114 : vector<256xi32> to vector<256x1xi32>
    %eq3A_116 = vector.broadcast %broadcast_in_dim3A_115 : vector<256x1xi32> to vector<256x2048xi32>
    %eq3A_117 = arith.cmpi eq, %iota3A, %eq3A_116 : vector<256x2048xi32>
    %jit3A_118 = arith.constant 0xFF800000 : f32
    %broadcast_in_dim3A_119 = vector.broadcast %jit3A_118 : f32 to vector<256x2048xf32>
    %select_n3A_120 = arith.select %eq3A_117, %broadcast_in_dim3A_119, %select_n3A_113 : vector<256x2048xi1>, vector<256x2048xf32>
    %argmax3A_121 = tpu.reduce_index %select_n3A_120 {axis = 1 : i32, kind = #tpu.reduction_kind<arg_max>} : vector<256x2048xf32> -> vector<256xi32>
    %broadcast_in_dim3A_122 = vector.shape_cast %argmax3A_121 : vector<256xi32> to vector<256x1xi32>
    %eq3A_123 = vector.broadcast %broadcast_in_dim3A_122 : vector<256x1xi32> to vector<256x2048xi32>
    %eq3A_124 = arith.cmpi eq, %iota3A, %eq3A_123 : vector<256x2048xi32>
    %jit3A_125 = arith.constant 0xFF800000 : f32
    %broadcast_in_dim3A_126 = vector.broadcast %jit3A_125 : f32 to vector<256x2048xf32>
    %select_n3A_127 = arith.select %eq3A_124, %broadcast_in_dim3A_126, %select_n3A_120 : vector<256x2048xi1>, vector<256x2048xf32>
    %argmax3A_128 = tpu.reduce_index %select_n3A_127 {axis = 1 : i32, kind = #tpu.reduction_kind<arg_max>} : vector<256x2048xf32> -> vector<256xi32>
    %broadcast_in_dim3A_129 = vector.shape_cast %argmax3A_128 : vector<256xi32> to vector<256x1xi32>
    %eq3A_130 = vector.broadcast %broadcast_in_dim3A_129 : vector<256x1xi32> to vector<256x2048xi32>
    %eq3A_131 = arith.cmpi eq, %iota3A, %eq3A_130 : vector<256x2048xi32>
    %jit3A_132 = arith.constant 0xFF800000 : f32
    %broadcast_in_dim3A_133 = vector.broadcast %jit3A_132 : f32 to vector<256x2048xf32>
    %select_n3A_134 = arith.select %eq3A_131, %broadcast_in_dim3A_133, %select_n3A_127 : vector<256x2048xi1>, vector<256x2048xf32>
    %argmax3A_135 = tpu.reduce_index %select_n3A_134 {axis = 1 : i32, kind = #tpu.reduction_kind<arg_max>} : vector<256x2048xf32> -> vector<256xi32>
    %broadcast_in_dim3A_136 = vector.shape_cast %argmax3A_135 : vector<256xi32> to vector<256x1xi32>
    %eq3A_137 = vector.broadcast %broadcast_in_dim3A_136 : vector<256x1xi32> to vector<256x2048xi32>
    %eq3A_138 = arith.cmpi eq, %iota3A, %eq3A_137 : vector<256x2048xi32>
    %jit3A_139 = arith.constant 0xFF800000 : f32
    %broadcast_in_dim3A_140 = vector.broadcast %jit3A_139 : f32 to vector<256x2048xf32>
    %select_n3A_141 = arith.select %eq3A_138, %broadcast_in_dim3A_140, %select_n3A_134 : vector<256x2048xi1>, vector<256x2048xf32>
    %argmax3A_142 = tpu.reduce_index %select_n3A_141 {axis = 1 : i32, kind = #tpu.reduction_kind<arg_max>} : vector<256x2048xf32> -> vector<256xi32>
    %broadcast_in_dim3A_143 = vector.shape_cast %argmax3A_142 : vector<256xi32> to vector<256x1xi32>
    %eq3A_144 = vector.broadcast %broadcast_in_dim3A_143 : vector<256x1xi32> to vector<256x2048xi32>
    %eq3A_145 = arith.cmpi eq, %iota3A, %eq3A_144 : vector<256x2048xi32>
    %jit3A_146 = arith.constant 0xFF800000 : f32
    %broadcast_in_dim3A_147 = vector.broadcast %jit3A_146 : f32 to vector<256x2048xf32>
    %select_n3A_148 = arith.select %eq3A_145, %broadcast_in_dim3A_147, %select_n3A_141 : vector<256x2048xi1>, vector<256x2048xf32>
    %argmax3A_149 = tpu.reduce_index %select_n3A_148 {axis = 1 : i32, kind = #tpu.reduction_kind<arg_max>} : vector<256x2048xf32> -> vector<256xi32>
    %broadcast_in_dim3A_150 = vector.shape_cast %argmax3A_149 : vector<256xi32> to vector<256x1xi32>
    %eq3A_151 = vector.broadcast %broadcast_in_dim3A_150 : vector<256x1xi32> to vector<256x2048xi32>
    %eq3A_152 = arith.cmpi eq, %iota3A, %eq3A_151 : vector<256x2048xi32>
    %jit3A_153 = arith.constant 0xFF800000 : f32
    %broadcast_in_dim3A_154 = vector.broadcast %jit3A_153 : f32 to vector<256x2048xf32>
    %select_n3A_155 = arith.select %eq3A_152, %broadcast_in_dim3A_154, %select_n3A_148 : vector<256x2048xi1>, vector<256x2048xf32>
    %argmax3A_156 = tpu.reduce_index %select_n3A_155 {axis = 1 : i32, kind = #tpu.reduction_kind<arg_max>} : vector<256x2048xf32> -> vector<256xi32>
    %broadcast_in_dim3A_157 = vector.shape_cast %argmax3A_156 : vector<256xi32> to vector<256x1xi32>
    %concatenate3A = tpu.concatenate %broadcast_in_dim3A, %broadcast_in_dim3A_31, %broadcast_in_dim3A_38, %broadcast_in_dim3A_45, %broadcast_in_dim3A_52, %broadcast_in_dim3A_59, %broadcast_in_dim3A_66, %broadcast_in_dim3A_73, %broadcast_in_dim3A_80, %broadcast_in_dim3A_87, %broadcast_in_dim3A_94, %broadcast_in_dim3A_101, %broadcast_in_dim3A_108, %broadcast_in_dim3A_115, %broadcast_in_dim3A_122, %broadcast_in_dim3A_129, %broadcast_in_dim3A_136, %broadcast_in_dim3A_143, %broadcast_in_dim3A_150, %broadcast_in_dim3A_157 in 1 : vector<256x1xi32>, vector<256x1xi32>, vector<256x1xi32>, vector<256x1xi32>, vector<256x1xi32>, vector<256x1xi32>, vector<256x1xi32>, vector<256x1xi32>, vector<256x1xi32>, vector<256x1xi32>, vector<256x1xi32>, vector<256x1xi32>, vector<256x1xi32>, vector<256x1xi32>, vector<256x1xi32>, vector<256x1xi32>, vector<256x1xi32>, vector<256x1xi32>, vector<256x1xi32>, vector<256x1xi32> -> vector<256x20xi32>
    %mul3A_158 = arith.constant 2048 : i32
    %mul3A_159 = arith.muli %arg0, %mul3A_158 : i32
    %add3A = vector.broadcast %mul3A_159 : i32 to vector<256x20xi32>
    %add3A_160 = arith.addi %concatenate3A, %add3A : vector<256x20xi32>
    %swap3A = arith.constant 0 : index
    %swap3A_161 = arith.constant 0 : index
    %swap3A_162 = arith.constant 0 : index
    %swap3A_163 = vector.load %arg6[%swap3A, %swap3A_161, %swap3A_162] : memref<1x256x20xi32, #tpu.memory_space<vmem>>, vector<1x256x20xi32>
    %swap3A_164 = vector.shape_cast %swap3A_163 : vector<1x256x20xi32> to vector<256x20xi32>
    %swap3A_165 = vector.shape_cast %add3A_160 : vector<256x20xi32> to vector<1x256x20xi32>
    tpu.vector_store %arg6[%swap3A, %swap3A_161, %swap3A_162], %swap3A_165 {strides = array<i32>} : memref<1x256x20xi32, #tpu.memory_space<vmem>>, vector<1x256x20xi32>,
    return
  }
  func.func @transform_0(%arg0: i32, %arg1: i32) -> (i32, i32, i32) {
    %c0_i32 = arith.constant 0 : i32
    %c0_i32_0 = arith.constant 0 : i32
    return %arg0, %arg1, %c0_i32 : i32, i32, i32
  }
  func.func @transform_1(%arg0: i32, %arg1: i32) -> (i32, i32, i32) {
    %c0_i32 = arith.constant 0 : i32
    %c0_i32_0 = arith.constant 0 : i32
    %c0_i32_1 = arith.constant 0 : i32
    return %arg0, %c0_i32, %c0_i32_0 : i32, i32, i32
  }
  func.func @transform_2(%arg0: i32, %arg1: i32) -> (i32, i32, i32) {
    %c0_i32 = arith.constant 0 : i32
    %c0_i32_0 = arith.constant 0 : i32
    %c0_i32_1 = arith.constant 0 : i32
    return %arg0, %c0_i32, %c0_i32_0 : i32, i32, i32
  }
  func.func @transform_3(%arg0: i32, %arg1: i32) -> (i32, i32, i32) {
    %c0_i32 = arith.constant 0 : i32
    %c0_i32_0 = arith.constant 0 : i32
    return %arg0, %arg1, %c0_i32 : i32, i32, i32
  }
  func.func @transform_4(%arg0: i32, %arg1: i32) -> (i32, i32, i32) {
    %c0_i32 = arith.constant 0 : i32
    %c0_i32_0 = arith.constant 0 : i32
    return %arg0, %arg1, %c0_i32 : i32, i32, i32
  }
}

module attributes {stable_mosaic.version = 14 : i64} {
  func.func @kern(%arg0: i32, %arg1: i32, %arg2: memref<1024x128xf32, #tpu.memory_space<vmem>>, %arg3: memref<1024x3xf32, #tpu.memory_space<vmem>>, %arg4: memref<64x6xf32, #tpu.memory_space<vmem>>, %arg5: memref<1024x64xf32, #tpu.memory_space<vmem>>, %arg6: memref<8x64xf32, #tpu.memory_space<vmem>>, %arg7: memref<1024x64xf32, #tpu.memory_space<vmem>>, %arg8: memref<8x64xf32, #tpu.memory_space<vmem>>) attributes {dimension_semantics = [#tpu.dimension_semantics<arbitrary>, #tpu.dimension_semantics<arbitrary>], iteration_bounds = array<i64: 16, 20>, scalar_prefetch = 0 : i64, scratch_operands = 2 : i64, tpu.core_type = #tpu.core_type<tc>, window_params = [{transform_indices = @transform_0, window_bounds = array<i64: 1024, 128>}, {transform_indices = @transform_1, window_bounds = array<i64: 1024, 3>}, {pipeline_mode = #tpu.pipeline_mode<synchronous>, transform_indices = @transform_2, window_bounds = array<i64: 64, 6>}, {transform_indices = @transform_3, window_bounds = array<i64: 1024, 64>}, {pipeline_mode = #tpu.pipeline_mode<synchronous>, transform_indices = @transform_4, window_bounds = array<i64: 8, 64>}]} {
    %get3A = arith.constant 0 : index
    %get3A_0 = arith.constant 0 : index
    %get3A_1 = vector.load %arg3[%get3A, %get3A_0] : memref<1024x3xf32, #tpu.memory_space<vmem>>, vector<1024x3xf32>
    %get3A_2 = arith.constant 0 : index
    %get3A_3 = arith.constant 0 : index
    %get3A_4 = vector.load %arg2[%get3A_2, %get3A_3] : memref<1024x128xf32, #tpu.memory_space<vmem>>, vector<1024x128xf32>
    %slice3A = vector.extract_strided_slice %get3A_4 {offsets = [0, 0], sizes = [1024, 3], strides = [1, 1]} : vector<1024x128xf32> to vector<1024x3xf32>
    %sub3A = arith.subf %slice3A, %get3A_1 : vector<1024x3xf32>
    %concatenate3A = tpu.concatenate %sub3A, %get3A_1 in 1 : vector<1024x3xf32>, vector<1024x3xf32> -> vector<1024x6xf32>
    %convert_element_type3A = arith.truncf %concatenate3A : vector<1024x6xf32> to vector<1024x6xbf16>
    %get3A_5 = arith.constant 0 : index
    %get3A_6 = arith.constant 0 : index
    %get3A_7 = vector.load %arg4[%get3A_5, %get3A_6] : memref<64x6xf32, #tpu.memory_space<vmem>>, vector<64x6xf32>
    %convert_element_type3A_8 = arith.truncf %get3A_7 : vector<64x6xf32> to vector<64x6xbf16>
    %dot_general3A = arith.constant dense<0.000000e+00> : vector<1024x64xf32>
    %dot_general3A_9 = tpu.matmul %convert_element_type3A, %convert_element_type3A_8, %dot_general3A {dimension_numbers = #tpu.dot_dimension_numbers<[1], [1], [0], [0], [0, 0, 1, 0], [], []>, transpose_lhs_hint = false} : vector<1024x6xbf16>, vector<64x6xbf16>, vector<1024x64xf32> -> vector<1024x64xf32>
    %eq3A = arith.constant 0 : i32
    %eq3A_10 = arith.cmpi eq, %arg1, %eq3A : i32
    %convert_element_type3A_11 = arith.extui %eq3A_10 : i1 to i32
    %cond3A = arith.constant 0 : i32
    %cond3A_12 = arith.cmpi ne, %convert_element_type3A_11, %cond3A : i32
    scf.if %cond3A_12 {
      %swap3A_90 = arith.constant 0 : index
      %swap3A_91 = arith.constant 0 : index
      %swap3A_92 = vector.load %arg7[%swap3A_90, %swap3A_91] : memref<1024x64xf32, #tpu.memory_space<vmem>>, vector<1024x64xf32>
      tpu.vector_store %arg7[%swap3A_90, %swap3A_91], %dot_general3A_9 {strides = array<i32>} : memref<1024x64xf32, #tpu.memory_space<vmem>>, vector<1024x64xf32>,
    } else {
    }
    %gt3A = arith.constant 0 : i32
    %gt3A_13 = arith.cmpi sgt, %arg1, %gt3A : i32
    %convert_element_type3A_14 = arith.extui %gt3A_13 : i1 to i32
    %cond3A_15 = arith.constant 0 : i32
    %cond3A_16 = arith.cmpi ne, %convert_element_type3A_14, %cond3A_15 : i32
    scf.if %cond3A_16 {
      %get3A_90 = arith.constant 0 : index
      %get3A_91 = arith.constant 0 : index
      %get3A_92 = vector.load %arg7[%get3A_90, %get3A_91] : memref<1024x64xf32, #tpu.memory_space<vmem>>, vector<1024x64xf32>
      %max3A = arith.maximumf %get3A_92, %dot_general3A_9 : vector<1024x64xf32>
      %swap3A_93 = arith.constant 0 : index
      %swap3A_94 = arith.constant 0 : index
      %swap3A_95 = vector.load %arg7[%swap3A_93, %swap3A_94] : memref<1024x64xf32, #tpu.memory_space<vmem>>, vector<1024x64xf32>
      tpu.vector_store %arg7[%swap3A_93, %swap3A_94], %max3A {strides = array<i32>} : memref<1024x64xf32, #tpu.memory_space<vmem>>, vector<1024x64xf32>,
    } else {
    }
    %eq3A_17 = arith.constant 0 : i32
    %eq3A_18 = arith.cmpi eq, %arg0, %eq3A_17 : i32
    %eq3A_19 = arith.constant 0 : i32
    %eq3A_20 = arith.cmpi eq, %arg1, %eq3A_19 : i32
    %and3A = arith.andi %eq3A_18, %eq3A_20 : i1
    %convert_element_type3A_21 = arith.extui %and3A : i1 to i32
    %cond3A_22 = arith.constant 0 : i32
    %cond3A_23 = arith.cmpi ne, %convert_element_type3A_21, %cond3A_22 : i32
    scf.if %cond3A_23 {
      %broadcast_in_dim3A = arith.constant 0.000000e+00 : f32
      %broadcast_in_dim3A_90 = vector.broadcast %broadcast_in_dim3A : f32 to vector<8x64xf32>
      %swap3A_91 = arith.constant 0 : index
      %swap3A_92 = arith.constant 0 : index
      %swap3A_93 = vector.load %arg8[%swap3A_91, %swap3A_92] : memref<8x64xf32, #tpu.memory_space<vmem>>, vector<8x64xf32>
      tpu.vector_store %arg8[%swap3A_91, %swap3A_92], %broadcast_in_dim3A_90 {strides = array<i32>} : memref<8x64xf32, #tpu.memory_space<vmem>>, vector<8x64xf32>,
    } else {
    }
    %reduce_sum3A = arith.constant dense<0.000000e+00> : vector<64xf32>
    %reduce_sum3A_24 = vector.multi_reduction <add>, %dot_general3A_9, %reduce_sum3A [0] : vector<1024x64xf32> to vector<64xf32>
    %mul3A = arith.mulf %dot_general3A_9, %dot_general3A_9 : vector<1024x64xf32>
    %reduce_sum3A_25 = arith.constant dense<0.000000e+00> : vector<64xf32>
    %reduce_sum3A_26 = vector.multi_reduction <add>, %mul3A, %reduce_sum3A_25 [0] : vector<1024x64xf32> to vector<64xf32>
    %get3A_27 = arith.constant 2 : index
    %get3A_28 = arith.constant 0 : index
    %get3A_29 = vector.load %arg8[%get3A_27, %get3A_28] : memref<8x64xf32, #tpu.memory_space<vmem>>, vector<1x64xf32>
    %get3A_30 = vector.shape_cast %get3A_29 : vector<1x64xf32> to vector<64xf32>
    %sub3A_31 = arith.subf %reduce_sum3A_24, %get3A_30 : vector<64xf32>
    %get3A_32 = arith.constant 0 : index
    %get3A_33 = arith.constant 0 : index
    %get3A_34 = vector.load %arg8[%get3A_32, %get3A_33] : memref<8x64xf32, #tpu.memory_space<vmem>>, vector<1x64xf32>
    %get3A_35 = vector.shape_cast %get3A_34 : vector<1x64xf32> to vector<64xf32>
    %add3A = arith.addf %get3A_35, %sub3A_31 : vector<64xf32>
    %get3A_36 = arith.constant 0 : index
    %get3A_37 = arith.constant 0 : index
    %get3A_38 = vector.load %arg8[%get3A_36, %get3A_37] : memref<8x64xf32, #tpu.memory_space<vmem>>, vector<1x64xf32>
    %get3A_39 = vector.shape_cast %get3A_38 : vector<1x64xf32> to vector<64xf32>
    %sub3A_40 = arith.subf %add3A, %get3A_39 : vector<64xf32>
    %sub3A_41 = arith.subf %sub3A_40, %sub3A_31 : vector<64xf32>
    %swap3A = arith.constant 2 : index
    %swap3A_42 = arith.constant 0 : index
    %swap3A_43 = vector.load %arg8[%swap3A, %swap3A_42] : memref<8x64xf32, #tpu.memory_space<vmem>>, vector<1x64xf32>
    %swap3A_44 = vector.shape_cast %swap3A_43 : vector<1x64xf32> to vector<64xf32>
    %swap3A_45 = vector.shape_cast %sub3A_41 : vector<64xf32> to vector<1x64xf32>
    tpu.vector_store %arg8[%swap3A, %swap3A_42], %swap3A_45 {strides = array<i32>} : memref<8x64xf32, #tpu.memory_space<vmem>>, vector<1x64xf32>,
    %swap3A_46 = arith.constant 0 : index
    %swap3A_47 = arith.constant 0 : index
    %swap3A_48 = vector.load %arg8[%swap3A_46, %swap3A_47] : memref<8x64xf32, #tpu.memory_space<vmem>>, vector<1x64xf32>
    %swap3A_49 = vector.shape_cast %swap3A_48 : vector<1x64xf32> to vector<64xf32>
    %swap3A_50 = vector.shape_cast %add3A : vector<64xf32> to vector<1x64xf32>
    tpu.vector_store %arg8[%swap3A_46, %swap3A_47], %swap3A_50 {strides = array<i32>} : memref<8x64xf32, #tpu.memory_space<vmem>>, vector<1x64xf32>,
    %get3A_51 = arith.constant 3 : index
    %get3A_52 = arith.constant 0 : index
    %get3A_53 = vector.load %arg8[%get3A_51, %get3A_52] : memref<8x64xf32, #tpu.memory_space<vmem>>, vector<1x64xf32>
    %get3A_54 = vector.shape_cast %get3A_53 : vector<1x64xf32> to vector<64xf32>
    %sub3A_55 = arith.subf %reduce_sum3A_26, %get3A_54 : vector<64xf32>
    %get3A_56 = arith.constant 1 : index
    %get3A_57 = arith.constant 0 : index
    %get3A_58 = vector.load %arg8[%get3A_56, %get3A_57] : memref<8x64xf32, #tpu.memory_space<vmem>>, vector<1x64xf32>
    %get3A_59 = vector.shape_cast %get3A_58 : vector<1x64xf32> to vector<64xf32>
    %add3A_60 = arith.addf %get3A_59, %sub3A_55 : vector<64xf32>
    %get3A_61 = arith.constant 1 : index
    %get3A_62 = arith.constant 0 : index
    %get3A_63 = vector.load %arg8[%get3A_61, %get3A_62] : memref<8x64xf32, #tpu.memory_space<vmem>>, vector<1x64xf32>
    %get3A_64 = vector.shape_cast %get3A_63 : vector<1x64xf32> to vector<64xf32>
    %sub3A_65 = arith.subf %add3A_60, %get3A_64 : vector<64xf32>
    %sub3A_66 = arith.subf %sub3A_65, %sub3A_55 : vector<64xf32>
    %swap3A_67 = arith.constant 3 : index
    %swap3A_68 = arith.constant 0 : index
    %swap3A_69 = vector.load %arg8[%swap3A_67, %swap3A_68] : memref<8x64xf32, #tpu.memory_space<vmem>>, vector<1x64xf32>
    %swap3A_70 = vector.shape_cast %swap3A_69 : vector<1x64xf32> to vector<64xf32>
    %swap3A_71 = vector.shape_cast %sub3A_66 : vector<64xf32> to vector<1x64xf32>
    tpu.vector_store %arg8[%swap3A_67, %swap3A_68], %swap3A_71 {strides = array<i32>} : memref<8x64xf32, #tpu.memory_space<vmem>>, vector<1x64xf32>,
    %swap3A_72 = arith.constant 1 : index
    %swap3A_73 = arith.constant 0 : index
    %swap3A_74 = vector.load %arg8[%swap3A_72, %swap3A_73] : memref<8x64xf32, #tpu.memory_space<vmem>>, vector<1x64xf32>
    %swap3A_75 = vector.shape_cast %swap3A_74 : vector<1x64xf32> to vector<64xf32>
    %swap3A_76 = vector.shape_cast %add3A_60 : vector<64xf32> to vector<1x64xf32>
    tpu.vector_store %arg8[%swap3A_72, %swap3A_73], %swap3A_76 {strides = array<i32>} : memref<8x64xf32, #tpu.memory_space<vmem>>, vector<1x64xf32>,
    %eq3A_77 = arith.constant 19 : i32
    %eq3A_78 = arith.cmpi eq, %arg1, %eq3A_77 : i32
    %convert_element_type3A_79 = arith.extui %eq3A_78 : i1 to i32
    %cond3A_80 = arith.constant 0 : i32
    %cond3A_81 = arith.cmpi ne, %convert_element_type3A_79, %cond3A_80 : i32
    scf.if %cond3A_81 {
      %get3A_90 = arith.constant 0 : index
      %get3A_91 = arith.constant 0 : index
      %get3A_92 = vector.load %arg7[%get3A_90, %get3A_91] : memref<1024x64xf32, #tpu.memory_space<vmem>>, vector<1024x64xf32>
      %swap3A_93 = arith.constant 0 : index
      %swap3A_94 = arith.constant 0 : index
      %swap3A_95 = vector.load %arg5[%swap3A_93, %swap3A_94] : memref<1024x64xf32, #tpu.memory_space<vmem>>, vector<1024x64xf32>
      tpu.vector_store %arg5[%swap3A_93, %swap3A_94], %get3A_92 {strides = array<i32>} : memref<1024x64xf32, #tpu.memory_space<vmem>>, vector<1024x64xf32>,
    } else {
    }
    %eq3A_82 = arith.constant 15 : i32
    %eq3A_83 = arith.cmpi eq, %arg0, %eq3A_82 : i32
    %eq3A_84 = arith.constant 19 : i32
    %eq3A_85 = arith.cmpi eq, %arg1, %eq3A_84 : i32
    %and3A_86 = arith.andi %eq3A_83, %eq3A_85 : i1
    %convert_element_type3A_87 = arith.extui %and3A_86 : i1 to i32
    %cond3A_88 = arith.constant 0 : i32
    %cond3A_89 = arith.cmpi ne, %convert_element_type3A_87, %cond3A_88 : i32
    scf.if %cond3A_89 {
      %get3A_90 = arith.constant 0 : index
      %get3A_91 = arith.constant 0 : index
      %get3A_92 = vector.load %arg8[%get3A_90, %get3A_91] : memref<8x64xf32, #tpu.memory_space<vmem>>, vector<1x64xf32>
      %get3A_93 = vector.shape_cast %get3A_92 : vector<1x64xf32> to vector<64xf32>
      %mul3A_94 = arith.constant 3.05175786E-6 : f32
      %mul3A_95 = vector.broadcast %mul3A_94 : f32 to vector<64xf32>
      %mul3A_96 = arith.mulf %get3A_93, %mul3A_95 : vector<64xf32>
      %get3A_97 = arith.constant 1 : index
      %get3A_98 = arith.constant 0 : index
      %get3A_99 = vector.load %arg8[%get3A_97, %get3A_98] : memref<8x64xf32, #tpu.memory_space<vmem>>, vector<1x64xf32>
      %get3A_100 = vector.shape_cast %get3A_99 : vector<1x64xf32> to vector<64xf32>
      %mul3A_101 = arith.constant 3.05175786E-6 : f32
      %mul3A_102 = vector.broadcast %mul3A_101 : f32 to vector<64xf32>
      %mul3A_103 = arith.mulf %get3A_100, %mul3A_102 : vector<64xf32>
      %mul3A_104 = arith.mulf %mul3A_96, %mul3A_96 : vector<64xf32>
      %sub3A_105 = arith.subf %mul3A_103, %mul3A_104 : vector<64xf32>
      %add3A_106 = arith.constant 9.99999974E-6 : f32
      %add3A_107 = vector.broadcast %add3A_106 : f32 to vector<64xf32>
      %add3A_108 = arith.addf %sub3A_105, %add3A_107 : vector<64xf32>
      %rsqrt3A = math.rsqrt %add3A_108 : vector<64xf32>
      %broadcast_in_dim3A = arith.constant 0.000000e+00 : f32
      %broadcast_in_dim3A_109 = vector.broadcast %broadcast_in_dim3A : f32 to vector<1x64xf32>
      %broadcast_in_dim3A_110 = vector.shape_cast %mul3A_96 : vector<64xf32> to vector<1x64xf32>
      %broadcast_in_dim3A_111 = vector.shape_cast %rsqrt3A : vector<64xf32> to vector<1x64xf32>
      %concatenate3A_112 = tpu.concatenate %broadcast_in_dim3A_110, %broadcast_in_dim3A_111, %broadcast_in_dim3A_109, %broadcast_in_dim3A_109, %broadcast_in_dim3A_109, %broadcast_in_dim3A_109, %broadcast_in_dim3A_109, %broadcast_in_dim3A_109 in 0 : vector<1x64xf32>, vector<1x64xf32>, vector<1x64xf32>, vector<1x64xf32>, vector<1x64xf32>, vector<1x64xf32>, vector<1x64xf32>, vector<1x64xf32> -> vector<8x64xf32>
      %swap3A_113 = arith.constant 0 : index
      %swap3A_114 = arith.constant 0 : index
      %swap3A_115 = vector.load %arg6[%swap3A_113, %swap3A_114] : memref<8x64xf32, #tpu.memory_space<vmem>>, vector<8x64xf32>
      tpu.vector_store %arg6[%swap3A_113, %swap3A_114], %concatenate3A_112 {strides = array<i32>} : memref<8x64xf32, #tpu.memory_space<vmem>>, vector<8x64xf32>,
    } else {
    }
    return
  }
  func.func @transform_0(%arg0: i32, %arg1: i32) -> (i32, i32) {
    %mul3A = arith.constant 16 : i32
    %mul3A_0 = arith.muli %arg1, %mul3A : i32
    %add3A = arith.addi %mul3A_0, %arg0 : i32
    %c0_i32 = arith.constant 0 : i32
    %c0_i32_1 = arith.constant 0 : i32
    return %add3A, %c0_i32 : i32, i32
  }
  func.func @transform_1(%arg0: i32, %arg1: i32) -> (i32, i32) {
    %c0_i32 = arith.constant 0 : i32
    %c0_i32_0 = arith.constant 0 : i32
    return %arg0, %c0_i32 : i32, i32
  }
  func.func @transform_2(%arg0: i32, %arg1: i32) -> (i32, i32) {
    %c0_i32 = arith.constant 0 : i32
    %c0_i32_0 = arith.constant 0 : i32
    %c0_i32_1 = arith.constant 0 : i32
    return %c0_i32, %c0_i32_0 : i32, i32
  }
  func.func @transform_3(%arg0: i32, %arg1: i32) -> (i32, i32) {
    %c0_i32 = arith.constant 0 : i32
    %c0_i32_0 = arith.constant 0 : i32
    return %arg0, %c0_i32 : i32, i32
  }
  func.func @transform_4(%arg0: i32, %arg1: i32) -> (i32, i32) {
    %c0_i32 = arith.constant 0 : i32
    %c0_i32_0 = arith.constant 0 : i32
    %c0_i32_1 = arith.constant 0 : i32
    return %c0_i32, %c0_i32_0 : i32, i32
  }
}

module attributes {stable_mosaic.version = 14 : i64} {
  func.func @kern(%arg0: i32, %arg1: memref<2048x64xf32, #tpu.memory_space<vmem>>, %arg2: memref<8x64xf32, #tpu.memory_space<vmem>>, %arg3: memref<1x64xf32, #tpu.memory_space<vmem>>, %arg4: memref<1x64xf32, #tpu.memory_space<vmem>>, %arg5: memref<2048x64xf32, #tpu.memory_space<vmem>>) attributes {dimension_semantics = [#tpu.dimension_semantics<arbitrary>], iteration_bounds = array<i64: 8>, scalar_prefetch = 0 : i64, scratch_operands = 0 : i64, tpu.core_type = #tpu.core_type<tc>, window_params = [{transform_indices = @transform_0, window_bounds = array<i64: 2048, 64>}, {pipeline_mode = #tpu.pipeline_mode<synchronous>, transform_indices = @transform_1, window_bounds = array<i64: 8, 64>}, {pipeline_mode = #tpu.pipeline_mode<synchronous>, transform_indices = @transform_2, window_bounds = array<i64: 1, 64>}, {pipeline_mode = #tpu.pipeline_mode<synchronous>, transform_indices = @transform_3, window_bounds = array<i64: 1, 64>}, {transform_indices = @transform_4, window_bounds = array<i64: 2048, 64>}]} {
    %get3A = arith.constant 0 : index
    %get3A_0 = arith.constant 0 : index
    %get3A_1 = vector.load %arg2[%get3A, %get3A_0] : memref<8x64xf32, #tpu.memory_space<vmem>>, vector<8x64xf32>
    %get3A_2 = arith.constant 0 : index
    %get3A_3 = arith.constant 0 : index
    %get3A_4 = vector.load %arg1[%get3A_2, %get3A_3] : memref<2048x64xf32, #tpu.memory_space<vmem>>, vector<2048x64xf32>
    %slice3A = vector.extract_strided_slice %get3A_1 {offsets = [0, 0], sizes = [1, 64], strides = [1, 1]} : vector<8x64xf32> to vector<1x64xf32>
    %sub3A = vector.broadcast %slice3A : vector<1x64xf32> to vector<2048x64xf32>
    %sub3A_5 = arith.subf %get3A_4, %sub3A : vector<2048x64xf32>
    %slice3A_6 = vector.extract_strided_slice %get3A_1 {offsets = [1, 0], sizes = [1, 64], strides = [1, 1]} : vector<8x64xf32> to vector<1x64xf32>
    %get3A_7 = arith.constant 0 : index
    %get3A_8 = arith.constant 0 : index
    %get3A_9 = vector.load %arg3[%get3A_7, %get3A_8] : memref<1x64xf32, #tpu.memory_space<vmem>>, vector<1x64xf32>
    %mul3A = arith.mulf %slice3A_6, %get3A_9 : vector<1x64xf32>
    %mul3A_10 = vector.broadcast %mul3A : vector<1x64xf32> to vector<2048x64xf32>
    %mul3A_11 = arith.mulf %sub3A_5, %mul3A_10 : vector<2048x64xf32>
    %get3A_12 = arith.constant 0 : index
    %get3A_13 = arith.constant 0 : index
    %get3A_14 = vector.load %arg4[%get3A_12, %get3A_13] : memref<1x64xf32, #tpu.memory_space<vmem>>, vector<1x64xf32>
    %add3A = vector.broadcast %get3A_14 : vector<1x64xf32> to vector<2048x64xf32>
    %add3A_15 = arith.addf %mul3A_11, %add3A : vector<2048x64xf32>
    %ge3A = arith.constant 0.000000e+00 : f32
    %ge3A_16 = vector.broadcast %ge3A : f32 to vector<2048x64xf32>
    %ge3A_17 = arith.cmpf oge, %add3A_15, %ge3A_16 : vector<2048x64xf32>
    %mul3A_18 = arith.constant 2.000000e-01 : f32
    %mul3A_19 = vector.broadcast %mul3A_18 : f32 to vector<2048x64xf32>
    %mul3A_20 = arith.mulf %mul3A_19, %add3A_15 : vector<2048x64xf32>
    %select_n3A = arith.select %ge3A_17, %add3A_15, %mul3A_20 : vector<2048x64xi1>, vector<2048x64xf32>
    %swap3A = arith.constant 0 : index
    %swap3A_21 = arith.constant 0 : index
    %swap3A_22 = vector.load %arg5[%swap3A, %swap3A_21] : memref<2048x64xf32, #tpu.memory_space<vmem>>, vector<2048x64xf32>
    tpu.vector_store %arg5[%swap3A, %swap3A_21], %select_n3A {strides = array<i32>} : memref<2048x64xf32, #tpu.memory_space<vmem>>, vector<2048x64xf32>,
    return
  }
  func.func @transform_0(%arg0: i32) -> (i32, i32) {
    %c0_i32 = arith.constant 0 : i32
    %c0_i32_0 = arith.constant 0 : i32
    return %arg0, %c0_i32 : i32, i32
  }
  func.func @transform_1(%arg0: i32) -> (i32, i32) {
    %c0_i32 = arith.constant 0 : i32
    %c0_i32_0 = arith.constant 0 : i32
    %c0_i32_1 = arith.constant 0 : i32
    return %c0_i32, %c0_i32_0 : i32, i32
  }
  func.func @transform_2(%arg0: i32) -> (i32, i32) {
    %c0_i32 = arith.constant 0 : i32
    %c0_i32_0 = arith.constant 0 : i32
    %c0_i32_1 = arith.constant 0 : i32
    return %c0_i32, %c0_i32_0 : i32, i32
  }
  func.func @transform_3(%arg0: i32) -> (i32, i32) {
    %c0_i32 = arith.constant 0 : i32
    %c0_i32_0 = arith.constant 0 : i32
    %c0_i32_1 = arith.constant 0 : i32
    return %c0_i32, %c0_i32_0 : i32, i32
  }
  func.func @transform_4(%arg0: i32) -> (i32, i32) {
    %c0_i32 = arith.constant 0 : i32
    %c0_i32_0 = arith.constant 0 : i32
    return %arg0, %c0_i32 : i32, i32
  }
}

module attributes {stable_mosaic.version = 14 : i64} {
  func.func @kern(%arg0: i32, %arg1: i32, %arg2: memref<1x256x64xf32, #tpu.memory_space<vmem>>, %arg3: memref<1x2048x64xf32, #tpu.memory_space<vmem>>, %arg4: memref<1x1x2048xf32, #tpu.memory_space<vmem>>, %arg5: memref<1x256x1xf32, #tpu.memory_space<vmem>>, %arg6: memref<1x256x20xi32, #tpu.memory_space<vmem>>) attributes {dimension_semantics = [#tpu.dimension_semantics<arbitrary>, #tpu.dimension_semantics<arbitrary>], iteration_bounds = array<i64: 8, 8>, scalar_prefetch = 0 : i64, scratch_operands = 0 : i64, tpu.core_type = #tpu.core_type<tc>, window_params = [{transform_indices = @transform_0, window_bounds = array<i64: 1, 256, 64>}, {transform_indices = @transform_1, window_bounds = array<i64: 1, 2048, 64>}, {transform_indices = @transform_2, window_bounds = array<i64: 1, 1, 2048>}, {transform_indices = @transform_3, window_bounds = array<i64: 1, 256, 1>}, {transform_indices = @transform_4, window_bounds = array<i64: 1, 256, 20>}]} {
    %get3A = arith.constant 0 : index
    %get3A_0 = arith.constant 0 : index
    %get3A_1 = arith.constant 0 : index
    %get3A_2 = vector.load %arg2[%get3A, %get3A_0, %get3A_1] : memref<1x256x64xf32, #tpu.memory_space<vmem>>, vector<1x256x64xf32>
    %get3A_3 = vector.shape_cast %get3A_2 : vector<1x256x64xf32> to vector<256x64xf32>
    %get3A_4 = arith.constant 0 : index
    %get3A_5 = arith.constant 0 : index
    %get3A_6 = arith.constant 0 : index
    %get3A_7 = vector.load %arg3[%get3A_4, %get3A_5, %get3A_6] : memref<1x2048x64xf32, #tpu.memory_space<vmem>>, vector<1x2048x64xf32>
    %get3A_8 = vector.shape_cast %get3A_7 : vector<1x2048x64xf32> to vector<2048x64xf32>
    %convert_element_type3A = arith.truncf %get3A_3 : vector<256x64xf32> to vector<256x64xbf16>
    %convert_element_type3A_9 = arith.truncf %get3A_8 : vector<2048x64xf32> to vector<2048x64xbf16>
    %dot_general3A = arith.constant dense<0.000000e+00> : vector<256x2048xf32>
    %dot_general3A_10 = tpu.matmul %convert_element_type3A, %convert_element_type3A_9, %dot_general3A {dimension_numbers = #tpu.dot_dimension_numbers<[1], [1], [0], [0], [0, 0, 1, 0], [], []>, transpose_lhs_hint = false} : vector<256x64xbf16>, vector<2048x64xbf16>, vector<256x2048xf32> -> vector<256x2048xf32>
    %mul3A = arith.constant -2.000000e+00 : f32
    %mul3A_11 = vector.broadcast %mul3A : f32 to vector<256x2048xf32>
    %mul3A_12 = arith.mulf %mul3A_11, %dot_general3A_10 : vector<256x2048xf32>
    %get3A_13 = arith.constant 0 : index
    %get3A_14 = arith.constant 0 : index
    %get3A_15 = arith.constant 0 : index
    %get3A_16 = vector.load %arg4[%get3A_13, %get3A_14, %get3A_15] : memref<1x1x2048xf32, #tpu.memory_space<vmem>>, vector<1x1x2048xf32>
    %get3A_17 = vector.shape_cast %get3A_16 : vector<1x1x2048xf32> to vector<1x2048xf32>
    %get3A_18 = arith.constant 0 : index
    %get3A_19 = arith.constant 0 : index
    %get3A_20 = arith.constant 0 : index
    %get3A_21 = vector.load %arg5[%get3A_18, %get3A_19, %get3A_20] : memref<1x256x1xf32, #tpu.memory_space<vmem>>, vector<1x256x1xf32>
    %get3A_22 = vector.shape_cast %get3A_21 : vector<1x256x1xf32> to vector<256x1xf32>
    %neg3A = arith.constant 0.000000e+00 : f32
    %neg3A_23 = vector.broadcast %neg3A : f32 to vector<1x2048xf32>
    %neg3A_24 = arith.subf %neg3A_23, %get3A_17 : vector<1x2048xf32>
    %sub3A = vector.broadcast %neg3A_24 : vector<1x2048xf32> to vector<256x2048xf32>
    %sub3A_25 = arith.subf %sub3A, %mul3A_12 : vector<256x2048xf32>
    %sub3A_26 = vector.broadcast %get3A_22 : vector<256x1xf32> to vector<256x2048xf32>
    %sub3A_27 = arith.subf %sub3A_25, %sub3A_26 : vector<256x2048xf32>
    %iota3A = tpu.iota {dimensions = array<i32: 1>} : vector<256x2048xi32>
    %argmax3A = tpu.reduce_index %sub3A_27 {axis = 1 : i32, kind = #tpu.reduction_kind<arg_max>} : vector<256x2048xf32> -> vector<256xi32>
    %broadcast_in_dim3A = vector.shape_cast %argmax3A : vector<256xi32> to vector<256x1xi32>
    %eq3A = vector.broadcast %broadcast_in_dim3A : vector<256x1xi32> to vector<256x2048xi32>
    %eq3A_28 = arith.cmpi eq, %iota3A, %eq3A : vector<256x2048xi32>
    %jit3A = arith.constant 0xFF800000 : f32
    %broadcast_in_dim3A_29 = vector.broadcast %jit3A : f32 to vector<256x2048xf32>
    %select_n3A = arith.select %eq3A_28, %broadcast_in_dim3A_29, %sub3A_27 : vector<256x2048xi1>, vector<256x2048xf32>
    %argmax3A_30 = tpu.reduce_index %select_n3A {axis = 1 : i32, kind = #tpu.reduction_kind<arg_max>} : vector<256x2048xf32> -> vector<256xi32>
    %broadcast_in_dim3A_31 = vector.shape_cast %argmax3A_30 : vector<256xi32> to vector<256x1xi32>
    %eq3A_32 = vector.broadcast %broadcast_in_dim3A_31 : vector<256x1xi32> to vector<256x2048xi32>
    %eq3A_33 = arith.cmpi eq, %iota3A, %eq3A_32 : vector<256x2048xi32>
    %jit3A_34 = arith.constant 0xFF800000 : f32
    %broadcast_in_dim3A_35 = vector.broadcast %jit3A_34 : f32 to vector<256x2048xf32>
    %select_n3A_36 = arith.select %eq3A_33, %broadcast_in_dim3A_35, %select_n3A : vector<256x2048xi1>, vector<256x2048xf32>
    %argmax3A_37 = tpu.reduce_index %select_n3A_36 {axis = 1 : i32, kind = #tpu.reduction_kind<arg_max>} : vector<256x2048xf32> -> vector<256xi32>
    %broadcast_in_dim3A_38 = vector.shape_cast %argmax3A_37 : vector<256xi32> to vector<256x1xi32>
    %eq3A_39 = vector.broadcast %broadcast_in_dim3A_38 : vector<256x1xi32> to vector<256x2048xi32>
    %eq3A_40 = arith.cmpi eq, %iota3A, %eq3A_39 : vector<256x2048xi32>
    %jit3A_41 = arith.constant 0xFF800000 : f32
    %broadcast_in_dim3A_42 = vector.broadcast %jit3A_41 : f32 to vector<256x2048xf32>
    %select_n3A_43 = arith.select %eq3A_40, %broadcast_in_dim3A_42, %select_n3A_36 : vector<256x2048xi1>, vector<256x2048xf32>
    %argmax3A_44 = tpu.reduce_index %select_n3A_43 {axis = 1 : i32, kind = #tpu.reduction_kind<arg_max>} : vector<256x2048xf32> -> vector<256xi32>
    %broadcast_in_dim3A_45 = vector.shape_cast %argmax3A_44 : vector<256xi32> to vector<256x1xi32>
    %eq3A_46 = vector.broadcast %broadcast_in_dim3A_45 : vector<256x1xi32> to vector<256x2048xi32>
    %eq3A_47 = arith.cmpi eq, %iota3A, %eq3A_46 : vector<256x2048xi32>
    %jit3A_48 = arith.constant 0xFF800000 : f32
    %broadcast_in_dim3A_49 = vector.broadcast %jit3A_48 : f32 to vector<256x2048xf32>
    %select_n3A_50 = arith.select %eq3A_47, %broadcast_in_dim3A_49, %select_n3A_43 : vector<256x2048xi1>, vector<256x2048xf32>
    %argmax3A_51 = tpu.reduce_index %select_n3A_50 {axis = 1 : i32, kind = #tpu.reduction_kind<arg_max>} : vector<256x2048xf32> -> vector<256xi32>
    %broadcast_in_dim3A_52 = vector.shape_cast %argmax3A_51 : vector<256xi32> to vector<256x1xi32>
    %eq3A_53 = vector.broadcast %broadcast_in_dim3A_52 : vector<256x1xi32> to vector<256x2048xi32>
    %eq3A_54 = arith.cmpi eq, %iota3A, %eq3A_53 : vector<256x2048xi32>
    %jit3A_55 = arith.constant 0xFF800000 : f32
    %broadcast_in_dim3A_56 = vector.broadcast %jit3A_55 : f32 to vector<256x2048xf32>
    %select_n3A_57 = arith.select %eq3A_54, %broadcast_in_dim3A_56, %select_n3A_50 : vector<256x2048xi1>, vector<256x2048xf32>
    %argmax3A_58 = tpu.reduce_index %select_n3A_57 {axis = 1 : i32, kind = #tpu.reduction_kind<arg_max>} : vector<256x2048xf32> -> vector<256xi32>
    %broadcast_in_dim3A_59 = vector.shape_cast %argmax3A_58 : vector<256xi32> to vector<256x1xi32>
    %eq3A_60 = vector.broadcast %broadcast_in_dim3A_59 : vector<256x1xi32> to vector<256x2048xi32>
    %eq3A_61 = arith.cmpi eq, %iota3A, %eq3A_60 : vector<256x2048xi32>
    %jit3A_62 = arith.constant 0xFF800000 : f32
    %broadcast_in_dim3A_63 = vector.broadcast %jit3A_62 : f32 to vector<256x2048xf32>
    %select_n3A_64 = arith.select %eq3A_61, %broadcast_in_dim3A_63, %select_n3A_57 : vector<256x2048xi1>, vector<256x2048xf32>
    %argmax3A_65 = tpu.reduce_index %select_n3A_64 {axis = 1 : i32, kind = #tpu.reduction_kind<arg_max>} : vector<256x2048xf32> -> vector<256xi32>
    %broadcast_in_dim3A_66 = vector.shape_cast %argmax3A_65 : vector<256xi32> to vector<256x1xi32>
    %eq3A_67 = vector.broadcast %broadcast_in_dim3A_66 : vector<256x1xi32> to vector<256x2048xi32>
    %eq3A_68 = arith.cmpi eq, %iota3A, %eq3A_67 : vector<256x2048xi32>
    %jit3A_69 = arith.constant 0xFF800000 : f32
    %broadcast_in_dim3A_70 = vector.broadcast %jit3A_69 : f32 to vector<256x2048xf32>
    %select_n3A_71 = arith.select %eq3A_68, %broadcast_in_dim3A_70, %select_n3A_64 : vector<256x2048xi1>, vector<256x2048xf32>
    %argmax3A_72 = tpu.reduce_index %select_n3A_71 {axis = 1 : i32, kind = #tpu.reduction_kind<arg_max>} : vector<256x2048xf32> -> vector<256xi32>
    %broadcast_in_dim3A_73 = vector.shape_cast %argmax3A_72 : vector<256xi32> to vector<256x1xi32>
    %eq3A_74 = vector.broadcast %broadcast_in_dim3A_73 : vector<256x1xi32> to vector<256x2048xi32>
    %eq3A_75 = arith.cmpi eq, %iota3A, %eq3A_74 : vector<256x2048xi32>
    %jit3A_76 = arith.constant 0xFF800000 : f32
    %broadcast_in_dim3A_77 = vector.broadcast %jit3A_76 : f32 to vector<256x2048xf32>
    %select_n3A_78 = arith.select %eq3A_75, %broadcast_in_dim3A_77, %select_n3A_71 : vector<256x2048xi1>, vector<256x2048xf32>
    %argmax3A_79 = tpu.reduce_index %select_n3A_78 {axis = 1 : i32, kind = #tpu.reduction_kind<arg_max>} : vector<256x2048xf32> -> vector<256xi32>
    %broadcast_in_dim3A_80 = vector.shape_cast %argmax3A_79 : vector<256xi32> to vector<256x1xi32>
    %eq3A_81 = vector.broadcast %broadcast_in_dim3A_80 : vector<256x1xi32> to vector<256x2048xi32>
    %eq3A_82 = arith.cmpi eq, %iota3A, %eq3A_81 : vector<256x2048xi32>
    %jit3A_83 = arith.constant 0xFF800000 : f32
    %broadcast_in_dim3A_84 = vector.broadcast %jit3A_83 : f32 to vector<256x2048xf32>
    %select_n3A_85 = arith.select %eq3A_82, %broadcast_in_dim3A_84, %select_n3A_78 : vector<256x2048xi1>, vector<256x2048xf32>
    %argmax3A_86 = tpu.reduce_index %select_n3A_85 {axis = 1 : i32, kind = #tpu.reduction_kind<arg_max>} : vector<256x2048xf32> -> vector<256xi32>
    %broadcast_in_dim3A_87 = vector.shape_cast %argmax3A_86 : vector<256xi32> to vector<256x1xi32>
    %eq3A_88 = vector.broadcast %broadcast_in_dim3A_87 : vector<256x1xi32> to vector<256x2048xi32>
    %eq3A_89 = arith.cmpi eq, %iota3A, %eq3A_88 : vector<256x2048xi32>
    %jit3A_90 = arith.constant 0xFF800000 : f32
    %broadcast_in_dim3A_91 = vector.broadcast %jit3A_90 : f32 to vector<256x2048xf32>
    %select_n3A_92 = arith.select %eq3A_89, %broadcast_in_dim3A_91, %select_n3A_85 : vector<256x2048xi1>, vector<256x2048xf32>
    %argmax3A_93 = tpu.reduce_index %select_n3A_92 {axis = 1 : i32, kind = #tpu.reduction_kind<arg_max>} : vector<256x2048xf32> -> vector<256xi32>
    %broadcast_in_dim3A_94 = vector.shape_cast %argmax3A_93 : vector<256xi32> to vector<256x1xi32>
    %eq3A_95 = vector.broadcast %broadcast_in_dim3A_94 : vector<256x1xi32> to vector<256x2048xi32>
    %eq3A_96 = arith.cmpi eq, %iota3A, %eq3A_95 : vector<256x2048xi32>
    %jit3A_97 = arith.constant 0xFF800000 : f32
    %broadcast_in_dim3A_98 = vector.broadcast %jit3A_97 : f32 to vector<256x2048xf32>
    %select_n3A_99 = arith.select %eq3A_96, %broadcast_in_dim3A_98, %select_n3A_92 : vector<256x2048xi1>, vector<256x2048xf32>
    %argmax3A_100 = tpu.reduce_index %select_n3A_99 {axis = 1 : i32, kind = #tpu.reduction_kind<arg_max>} : vector<256x2048xf32> -> vector<256xi32>
    %broadcast_in_dim3A_101 = vector.shape_cast %argmax3A_100 : vector<256xi32> to vector<256x1xi32>
    %eq3A_102 = vector.broadcast %broadcast_in_dim3A_101 : vector<256x1xi32> to vector<256x2048xi32>
    %eq3A_103 = arith.cmpi eq, %iota3A, %eq3A_102 : vector<256x2048xi32>
    %jit3A_104 = arith.constant 0xFF800000 : f32
    %broadcast_in_dim3A_105 = vector.broadcast %jit3A_104 : f32 to vector<256x2048xf32>
    %select_n3A_106 = arith.select %eq3A_103, %broadcast_in_dim3A_105, %select_n3A_99 : vector<256x2048xi1>, vector<256x2048xf32>
    %argmax3A_107 = tpu.reduce_index %select_n3A_106 {axis = 1 : i32, kind = #tpu.reduction_kind<arg_max>} : vector<256x2048xf32> -> vector<256xi32>
    %broadcast_in_dim3A_108 = vector.shape_cast %argmax3A_107 : vector<256xi32> to vector<256x1xi32>
    %eq3A_109 = vector.broadcast %broadcast_in_dim3A_108 : vector<256x1xi32> to vector<256x2048xi32>
    %eq3A_110 = arith.cmpi eq, %iota3A, %eq3A_109 : vector<256x2048xi32>
    %jit3A_111 = arith.constant 0xFF800000 : f32
    %broadcast_in_dim3A_112 = vector.broadcast %jit3A_111 : f32 to vector<256x2048xf32>
    %select_n3A_113 = arith.select %eq3A_110, %broadcast_in_dim3A_112, %select_n3A_106 : vector<256x2048xi1>, vector<256x2048xf32>
    %argmax3A_114 = tpu.reduce_index %select_n3A_113 {axis = 1 : i32, kind = #tpu.reduction_kind<arg_max>} : vector<256x2048xf32> -> vector<256xi32>
    %broadcast_in_dim3A_115 = vector.shape_cast %argmax3A_114 : vector<256xi32> to vector<256x1xi32>
    %eq3A_116 = vector.broadcast %broadcast_in_dim3A_115 : vector<256x1xi32> to vector<256x2048xi32>
    %eq3A_117 = arith.cmpi eq, %iota3A, %eq3A_116 : vector<256x2048xi32>
    %jit3A_118 = arith.constant 0xFF800000 : f32
    %broadcast_in_dim3A_119 = vector.broadcast %jit3A_118 : f32 to vector<256x2048xf32>
    %select_n3A_120 = arith.select %eq3A_117, %broadcast_in_dim3A_119, %select_n3A_113 : vector<256x2048xi1>, vector<256x2048xf32>
    %argmax3A_121 = tpu.reduce_index %select_n3A_120 {axis = 1 : i32, kind = #tpu.reduction_kind<arg_max>} : vector<256x2048xf32> -> vector<256xi32>
    %broadcast_in_dim3A_122 = vector.shape_cast %argmax3A_121 : vector<256xi32> to vector<256x1xi32>
    %eq3A_123 = vector.broadcast %broadcast_in_dim3A_122 : vector<256x1xi32> to vector<256x2048xi32>
    %eq3A_124 = arith.cmpi eq, %iota3A, %eq3A_123 : vector<256x2048xi32>
    %jit3A_125 = arith.constant 0xFF800000 : f32
    %broadcast_in_dim3A_126 = vector.broadcast %jit3A_125 : f32 to vector<256x2048xf32>
    %select_n3A_127 = arith.select %eq3A_124, %broadcast_in_dim3A_126, %select_n3A_120 : vector<256x2048xi1>, vector<256x2048xf32>
    %argmax3A_128 = tpu.reduce_index %select_n3A_127 {axis = 1 : i32, kind = #tpu.reduction_kind<arg_max>} : vector<256x2048xf32> -> vector<256xi32>
    %broadcast_in_dim3A_129 = vector.shape_cast %argmax3A_128 : vector<256xi32> to vector<256x1xi32>
    %eq3A_130 = vector.broadcast %broadcast_in_dim3A_129 : vector<256x1xi32> to vector<256x2048xi32>
    %eq3A_131 = arith.cmpi eq, %iota3A, %eq3A_130 : vector<256x2048xi32>
    %jit3A_132 = arith.constant 0xFF800000 : f32
    %broadcast_in_dim3A_133 = vector.broadcast %jit3A_132 : f32 to vector<256x2048xf32>
    %select_n3A_134 = arith.select %eq3A_131, %broadcast_in_dim3A_133, %select_n3A_127 : vector<256x2048xi1>, vector<256x2048xf32>
    %argmax3A_135 = tpu.reduce_index %select_n3A_134 {axis = 1 : i32, kind = #tpu.reduction_kind<arg_max>} : vector<256x2048xf32> -> vector<256xi32>
    %broadcast_in_dim3A_136 = vector.shape_cast %argmax3A_135 : vector<256xi32> to vector<256x1xi32>
    %eq3A_137 = vector.broadcast %broadcast_in_dim3A_136 : vector<256x1xi32> to vector<256x2048xi32>
    %eq3A_138 = arith.cmpi eq, %iota3A, %eq3A_137 : vector<256x2048xi32>
    %jit3A_139 = arith.constant 0xFF800000 : f32
    %broadcast_in_dim3A_140 = vector.broadcast %jit3A_139 : f32 to vector<256x2048xf32>
    %select_n3A_141 = arith.select %eq3A_138, %broadcast_in_dim3A_140, %select_n3A_134 : vector<256x2048xi1>, vector<256x2048xf32>
    %argmax3A_142 = tpu.reduce_index %select_n3A_141 {axis = 1 : i32, kind = #tpu.reduction_kind<arg_max>} : vector<256x2048xf32> -> vector<256xi32>
    %broadcast_in_dim3A_143 = vector.shape_cast %argmax3A_142 : vector<256xi32> to vector<256x1xi32>
    %eq3A_144 = vector.broadcast %broadcast_in_dim3A_143 : vector<256x1xi32> to vector<256x2048xi32>
    %eq3A_145 = arith.cmpi eq, %iota3A, %eq3A_144 : vector<256x2048xi32>
    %jit3A_146 = arith.constant 0xFF800000 : f32
    %broadcast_in_dim3A_147 = vector.broadcast %jit3A_146 : f32 to vector<256x2048xf32>
    %select_n3A_148 = arith.select %eq3A_145, %broadcast_in_dim3A_147, %select_n3A_141 : vector<256x2048xi1>, vector<256x2048xf32>
    %argmax3A_149 = tpu.reduce_index %select_n3A_148 {axis = 1 : i32, kind = #tpu.reduction_kind<arg_max>} : vector<256x2048xf32> -> vector<256xi32>
    %broadcast_in_dim3A_150 = vector.shape_cast %argmax3A_149 : vector<256xi32> to vector<256x1xi32>
    %eq3A_151 = vector.broadcast %broadcast_in_dim3A_150 : vector<256x1xi32> to vector<256x2048xi32>
    %eq3A_152 = arith.cmpi eq, %iota3A, %eq3A_151 : vector<256x2048xi32>
    %jit3A_153 = arith.constant 0xFF800000 : f32
    %broadcast_in_dim3A_154 = vector.broadcast %jit3A_153 : f32 to vector<256x2048xf32>
    %select_n3A_155 = arith.select %eq3A_152, %broadcast_in_dim3A_154, %select_n3A_148 : vector<256x2048xi1>, vector<256x2048xf32>
    %argmax3A_156 = tpu.reduce_index %select_n3A_155 {axis = 1 : i32, kind = #tpu.reduction_kind<arg_max>} : vector<256x2048xf32> -> vector<256xi32>
    %broadcast_in_dim3A_157 = vector.shape_cast %argmax3A_156 : vector<256xi32> to vector<256x1xi32>
    %concatenate3A = tpu.concatenate %broadcast_in_dim3A, %broadcast_in_dim3A_31, %broadcast_in_dim3A_38, %broadcast_in_dim3A_45, %broadcast_in_dim3A_52, %broadcast_in_dim3A_59, %broadcast_in_dim3A_66, %broadcast_in_dim3A_73, %broadcast_in_dim3A_80, %broadcast_in_dim3A_87, %broadcast_in_dim3A_94, %broadcast_in_dim3A_101, %broadcast_in_dim3A_108, %broadcast_in_dim3A_115, %broadcast_in_dim3A_122, %broadcast_in_dim3A_129, %broadcast_in_dim3A_136, %broadcast_in_dim3A_143, %broadcast_in_dim3A_150, %broadcast_in_dim3A_157 in 1 : vector<256x1xi32>, vector<256x1xi32>, vector<256x1xi32>, vector<256x1xi32>, vector<256x1xi32>, vector<256x1xi32>, vector<256x1xi32>, vector<256x1xi32>, vector<256x1xi32>, vector<256x1xi32>, vector<256x1xi32>, vector<256x1xi32>, vector<256x1xi32>, vector<256x1xi32>, vector<256x1xi32>, vector<256x1xi32>, vector<256x1xi32>, vector<256x1xi32>, vector<256x1xi32>, vector<256x1xi32> -> vector<256x20xi32>
    %mul3A_158 = arith.constant 2048 : i32
    %mul3A_159 = arith.muli %arg0, %mul3A_158 : i32
    %add3A = vector.broadcast %mul3A_159 : i32 to vector<256x20xi32>
    %add3A_160 = arith.addi %concatenate3A, %add3A : vector<256x20xi32>
    %swap3A = arith.constant 0 : index
    %swap3A_161 = arith.constant 0 : index
    %swap3A_162 = arith.constant 0 : index
    %swap3A_163 = vector.load %arg6[%swap3A, %swap3A_161, %swap3A_162] : memref<1x256x20xi32, #tpu.memory_space<vmem>>, vector<1x256x20xi32>
    %swap3A_164 = vector.shape_cast %swap3A_163 : vector<1x256x20xi32> to vector<256x20xi32>
    %swap3A_165 = vector.shape_cast %add3A_160 : vector<256x20xi32> to vector<1x256x20xi32>
    tpu.vector_store %arg6[%swap3A, %swap3A_161, %swap3A_162], %swap3A_165 {strides = array<i32>} : memref<1x256x20xi32, #tpu.memory_space<vmem>>, vector<1x256x20xi32>,
    return
  }
  func.func @transform_0(%arg0: i32, %arg1: i32) -> (i32, i32, i32) {
    %c0_i32 = arith.constant 0 : i32
    %c0_i32_0 = arith.constant 0 : i32
    return %arg0, %arg1, %c0_i32 : i32, i32, i32
  }
  func.func @transform_1(%arg0: i32, %arg1: i32) -> (i32, i32, i32) {
    %c0_i32 = arith.constant 0 : i32
    %c0_i32_0 = arith.constant 0 : i32
    %c0_i32_1 = arith.constant 0 : i32
    return %arg0, %c0_i32, %c0_i32_0 : i32, i32, i32
  }
  func.func @transform_2(%arg0: i32, %arg1: i32) -> (i32, i32, i32) {
    %c0_i32 = arith.constant 0 : i32
    %c0_i32_0 = arith.constant 0 : i32
    %c0_i32_1 = arith.constant 0 : i32
    return %arg0, %c0_i32, %c0_i32_0 : i32, i32, i32
  }
  func.func @transform_3(%arg0: i32, %arg1: i32) -> (i32, i32, i32) {
    %c0_i32 = arith.constant 0 : i32
    %c0_i32_0 = arith.constant 0 : i32
    return %arg0, %arg1, %c0_i32 : i32, i32, i32
  }
  func.func @transform_4(%arg0: i32, %arg1: i32) -> (i32, i32, i32) {
    %c0_i32 = arith.constant 0 : i32
    %c0_i32_0 = arith.constant 0 : i32
    return %arg0, %arg1, %c0_i32 : i32, i32, i32
  }
}

module attributes {stable_mosaic.version = 14 : i64} {
  func.func @kern(%arg0: i32, %arg1: i32, %arg2: memref<1024x128xf32, #tpu.memory_space<vmem>>, %arg3: memref<1024x64xf32, #tpu.memory_space<vmem>>, %arg4: memref<64x128xf32, #tpu.memory_space<vmem>>, %arg5: memref<1024x64xf32, #tpu.memory_space<vmem>>, %arg6: memref<8x64xf32, #tpu.memory_space<vmem>>, %arg7: memref<1024x64xf32, #tpu.memory_space<vmem>>, %arg8: memref<8x64xf32, #tpu.memory_space<vmem>>) attributes {dimension_semantics = [#tpu.dimension_semantics<arbitrary>, #tpu.dimension_semantics<arbitrary>], iteration_bounds = array<i64: 16, 20>, scalar_prefetch = 0 : i64, scratch_operands = 2 : i64, tpu.core_type = #tpu.core_type<tc>, window_params = [{transform_indices = @transform_0, window_bounds = array<i64: 1024, 128>}, {transform_indices = @transform_1, window_bounds = array<i64: 1024, 64>}, {pipeline_mode = #tpu.pipeline_mode<synchronous>, transform_indices = @transform_2, window_bounds = array<i64: 64, 128>}, {transform_indices = @transform_3, window_bounds = array<i64: 1024, 64>}, {pipeline_mode = #tpu.pipeline_mode<synchronous>, transform_indices = @transform_4, window_bounds = array<i64: 8, 64>}]} {
    %get3A = arith.constant 0 : index
    %get3A_0 = arith.constant 0 : index
    %get3A_1 = vector.load %arg3[%get3A, %get3A_0] : memref<1024x64xf32, #tpu.memory_space<vmem>>, vector<1024x64xf32>
    %get3A_2 = arith.constant 0 : index
    %get3A_3 = arith.constant 0 : index
    %get3A_4 = vector.load %arg2[%get3A_2, %get3A_3] : memref<1024x128xf32, #tpu.memory_space<vmem>>, vector<1024x128xf32>
    %slice3A = vector.extract_strided_slice %get3A_4 {offsets = [0, 0], sizes = [1024, 64], strides = [1, 1]} : vector<1024x128xf32> to vector<1024x64xf32>
    %sub3A = arith.subf %slice3A, %get3A_1 : vector<1024x64xf32>
    %concatenate3A = tpu.concatenate %sub3A, %get3A_1 in 1 : vector<1024x64xf32>, vector<1024x64xf32> -> vector<1024x128xf32>
    %convert_element_type3A = arith.truncf %concatenate3A : vector<1024x128xf32> to vector<1024x128xbf16>
    %get3A_5 = arith.constant 0 : index
    %get3A_6 = arith.constant 0 : index
    %get3A_7 = vector.load %arg4[%get3A_5, %get3A_6] : memref<64x128xf32, #tpu.memory_space<vmem>>, vector<64x128xf32>
    %convert_element_type3A_8 = arith.truncf %get3A_7 : vector<64x128xf32> to vector<64x128xbf16>
    %dot_general3A = arith.constant dense<0.000000e+00> : vector<1024x64xf32>
    %dot_general3A_9 = tpu.matmul %convert_element_type3A, %convert_element_type3A_8, %dot_general3A {dimension_numbers = #tpu.dot_dimension_numbers<[1], [1], [0], [0], [0, 0, 1, 0], [], []>, transpose_lhs_hint = false} : vector<1024x128xbf16>, vector<64x128xbf16>, vector<1024x64xf32> -> vector<1024x64xf32>
    %eq3A = arith.constant 0 : i32
    %eq3A_10 = arith.cmpi eq, %arg1, %eq3A : i32
    %convert_element_type3A_11 = arith.extui %eq3A_10 : i1 to i32
    %cond3A = arith.constant 0 : i32
    %cond3A_12 = arith.cmpi ne, %convert_element_type3A_11, %cond3A : i32
    scf.if %cond3A_12 {
      %swap3A_90 = arith.constant 0 : index
      %swap3A_91 = arith.constant 0 : index
      %swap3A_92 = vector.load %arg7[%swap3A_90, %swap3A_91] : memref<1024x64xf32, #tpu.memory_space<vmem>>, vector<1024x64xf32>
      tpu.vector_store %arg7[%swap3A_90, %swap3A_91], %dot_general3A_9 {strides = array<i32>} : memref<1024x64xf32, #tpu.memory_space<vmem>>, vector<1024x64xf32>,
    } else {
    }
    %gt3A = arith.constant 0 : i32
    %gt3A_13 = arith.cmpi sgt, %arg1, %gt3A : i32
    %convert_element_type3A_14 = arith.extui %gt3A_13 : i1 to i32
    %cond3A_15 = arith.constant 0 : i32
    %cond3A_16 = arith.cmpi ne, %convert_element_type3A_14, %cond3A_15 : i32
    scf.if %cond3A_16 {
      %get3A_90 = arith.constant 0 : index
      %get3A_91 = arith.constant 0 : index
      %get3A_92 = vector.load %arg7[%get3A_90, %get3A_91] : memref<1024x64xf32, #tpu.memory_space<vmem>>, vector<1024x64xf32>
      %max3A = arith.maximumf %get3A_92, %dot_general3A_9 : vector<1024x64xf32>
      %swap3A_93 = arith.constant 0 : index
      %swap3A_94 = arith.constant 0 : index
      %swap3A_95 = vector.load %arg7[%swap3A_93, %swap3A_94] : memref<1024x64xf32, #tpu.memory_space<vmem>>, vector<1024x64xf32>
      tpu.vector_store %arg7[%swap3A_93, %swap3A_94], %max3A {strides = array<i32>} : memref<1024x64xf32, #tpu.memory_space<vmem>>, vector<1024x64xf32>,
    } else {
    }
    %eq3A_17 = arith.constant 0 : i32
    %eq3A_18 = arith.cmpi eq, %arg0, %eq3A_17 : i32
    %eq3A_19 = arith.constant 0 : i32
    %eq3A_20 = arith.cmpi eq, %arg1, %eq3A_19 : i32
    %and3A = arith.andi %eq3A_18, %eq3A_20 : i1
    %convert_element_type3A_21 = arith.extui %and3A : i1 to i32
    %cond3A_22 = arith.constant 0 : i32
    %cond3A_23 = arith.cmpi ne, %convert_element_type3A_21, %cond3A_22 : i32
    scf.if %cond3A_23 {
      %broadcast_in_dim3A = arith.constant 0.000000e+00 : f32
      %broadcast_in_dim3A_90 = vector.broadcast %broadcast_in_dim3A : f32 to vector<8x64xf32>
      %swap3A_91 = arith.constant 0 : index
      %swap3A_92 = arith.constant 0 : index
      %swap3A_93 = vector.load %arg8[%swap3A_91, %swap3A_92] : memref<8x64xf32, #tpu.memory_space<vmem>>, vector<8x64xf32>
      tpu.vector_store %arg8[%swap3A_91, %swap3A_92], %broadcast_in_dim3A_90 {strides = array<i32>} : memref<8x64xf32, #tpu.memory_space<vmem>>, vector<8x64xf32>,
    } else {
    }
    %reduce_sum3A = arith.constant dense<0.000000e+00> : vector<64xf32>
    %reduce_sum3A_24 = vector.multi_reduction <add>, %dot_general3A_9, %reduce_sum3A [0] : vector<1024x64xf32> to vector<64xf32>
    %mul3A = arith.mulf %dot_general3A_9, %dot_general3A_9 : vector<1024x64xf32>
    %reduce_sum3A_25 = arith.constant dense<0.000000e+00> : vector<64xf32>
    %reduce_sum3A_26 = vector.multi_reduction <add>, %mul3A, %reduce_sum3A_25 [0] : vector<1024x64xf32> to vector<64xf32>
    %get3A_27 = arith.constant 2 : index
    %get3A_28 = arith.constant 0 : index
    %get3A_29 = vector.load %arg8[%get3A_27, %get3A_28] : memref<8x64xf32, #tpu.memory_space<vmem>>, vector<1x64xf32>
    %get3A_30 = vector.shape_cast %get3A_29 : vector<1x64xf32> to vector<64xf32>
    %sub3A_31 = arith.subf %reduce_sum3A_24, %get3A_30 : vector<64xf32>
    %get3A_32 = arith.constant 0 : index
    %get3A_33 = arith.constant 0 : index
    %get3A_34 = vector.load %arg8[%get3A_32, %get3A_33] : memref<8x64xf32, #tpu.memory_space<vmem>>, vector<1x64xf32>
    %get3A_35 = vector.shape_cast %get3A_34 : vector<1x64xf32> to vector<64xf32>
    %add3A = arith.addf %get3A_35, %sub3A_31 : vector<64xf32>
    %get3A_36 = arith.constant 0 : index
    %get3A_37 = arith.constant 0 : index
    %get3A_38 = vector.load %arg8[%get3A_36, %get3A_37] : memref<8x64xf32, #tpu.memory_space<vmem>>, vector<1x64xf32>
    %get3A_39 = vector.shape_cast %get3A_38 : vector<1x64xf32> to vector<64xf32>
    %sub3A_40 = arith.subf %add3A, %get3A_39 : vector<64xf32>
    %sub3A_41 = arith.subf %sub3A_40, %sub3A_31 : vector<64xf32>
    %swap3A = arith.constant 2 : index
    %swap3A_42 = arith.constant 0 : index
    %swap3A_43 = vector.load %arg8[%swap3A, %swap3A_42] : memref<8x64xf32, #tpu.memory_space<vmem>>, vector<1x64xf32>
    %swap3A_44 = vector.shape_cast %swap3A_43 : vector<1x64xf32> to vector<64xf32>
    %swap3A_45 = vector.shape_cast %sub3A_41 : vector<64xf32> to vector<1x64xf32>
    tpu.vector_store %arg8[%swap3A, %swap3A_42], %swap3A_45 {strides = array<i32>} : memref<8x64xf32, #tpu.memory_space<vmem>>, vector<1x64xf32>,
    %swap3A_46 = arith.constant 0 : index
    %swap3A_47 = arith.constant 0 : index
    %swap3A_48 = vector.load %arg8[%swap3A_46, %swap3A_47] : memref<8x64xf32, #tpu.memory_space<vmem>>, vector<1x64xf32>
    %swap3A_49 = vector.shape_cast %swap3A_48 : vector<1x64xf32> to vector<64xf32>
    %swap3A_50 = vector.shape_cast %add3A : vector<64xf32> to vector<1x64xf32>
    tpu.vector_store %arg8[%swap3A_46, %swap3A_47], %swap3A_50 {strides = array<i32>} : memref<8x64xf32, #tpu.memory_space<vmem>>, vector<1x64xf32>,
    %get3A_51 = arith.constant 3 : index
    %get3A_52 = arith.constant 0 : index
    %get3A_53 = vector.load %arg8[%get3A_51, %get3A_52] : memref<8x64xf32, #tpu.memory_space<vmem>>, vector<1x64xf32>
    %get3A_54 = vector.shape_cast %get3A_53 : vector<1x64xf32> to vector<64xf32>
    %sub3A_55 = arith.subf %reduce_sum3A_26, %get3A_54 : vector<64xf32>
    %get3A_56 = arith.constant 1 : index
    %get3A_57 = arith.constant 0 : index
    %get3A_58 = vector.load %arg8[%get3A_56, %get3A_57] : memref<8x64xf32, #tpu.memory_space<vmem>>, vector<1x64xf32>
    %get3A_59 = vector.shape_cast %get3A_58 : vector<1x64xf32> to vector<64xf32>
    %add3A_60 = arith.addf %get3A_59, %sub3A_55 : vector<64xf32>
    %get3A_61 = arith.constant 1 : index
    %get3A_62 = arith.constant 0 : index
    %get3A_63 = vector.load %arg8[%get3A_61, %get3A_62] : memref<8x64xf32, #tpu.memory_space<vmem>>, vector<1x64xf32>
    %get3A_64 = vector.shape_cast %get3A_63 : vector<1x64xf32> to vector<64xf32>
    %sub3A_65 = arith.subf %add3A_60, %get3A_64 : vector<64xf32>
    %sub3A_66 = arith.subf %sub3A_65, %sub3A_55 : vector<64xf32>
    %swap3A_67 = arith.constant 3 : index
    %swap3A_68 = arith.constant 0 : index
    %swap3A_69 = vector.load %arg8[%swap3A_67, %swap3A_68] : memref<8x64xf32, #tpu.memory_space<vmem>>, vector<1x64xf32>
    %swap3A_70 = vector.shape_cast %swap3A_69 : vector<1x64xf32> to vector<64xf32>
    %swap3A_71 = vector.shape_cast %sub3A_66 : vector<64xf32> to vector<1x64xf32>
    tpu.vector_store %arg8[%swap3A_67, %swap3A_68], %swap3A_71 {strides = array<i32>} : memref<8x64xf32, #tpu.memory_space<vmem>>, vector<1x64xf32>,
    %swap3A_72 = arith.constant 1 : index
    %swap3A_73 = arith.constant 0 : index
    %swap3A_74 = vector.load %arg8[%swap3A_72, %swap3A_73] : memref<8x64xf32, #tpu.memory_space<vmem>>, vector<1x64xf32>
    %swap3A_75 = vector.shape_cast %swap3A_74 : vector<1x64xf32> to vector<64xf32>
    %swap3A_76 = vector.shape_cast %add3A_60 : vector<64xf32> to vector<1x64xf32>
    tpu.vector_store %arg8[%swap3A_72, %swap3A_73], %swap3A_76 {strides = array<i32>} : memref<8x64xf32, #tpu.memory_space<vmem>>, vector<1x64xf32>,
    %eq3A_77 = arith.constant 19 : i32
    %eq3A_78 = arith.cmpi eq, %arg1, %eq3A_77 : i32
    %convert_element_type3A_79 = arith.extui %eq3A_78 : i1 to i32
    %cond3A_80 = arith.constant 0 : i32
    %cond3A_81 = arith.cmpi ne, %convert_element_type3A_79, %cond3A_80 : i32
    scf.if %cond3A_81 {
      %get3A_90 = arith.constant 0 : index
      %get3A_91 = arith.constant 0 : index
      %get3A_92 = vector.load %arg7[%get3A_90, %get3A_91] : memref<1024x64xf32, #tpu.memory_space<vmem>>, vector<1024x64xf32>
      %swap3A_93 = arith.constant 0 : index
      %swap3A_94 = arith.constant 0 : index
      %swap3A_95 = vector.load %arg5[%swap3A_93, %swap3A_94] : memref<1024x64xf32, #tpu.memory_space<vmem>>, vector<1024x64xf32>
      tpu.vector_store %arg5[%swap3A_93, %swap3A_94], %get3A_92 {strides = array<i32>} : memref<1024x64xf32, #tpu.memory_space<vmem>>, vector<1024x64xf32>,
    } else {
    }
    %eq3A_82 = arith.constant 15 : i32
    %eq3A_83 = arith.cmpi eq, %arg0, %eq3A_82 : i32
    %eq3A_84 = arith.constant 19 : i32
    %eq3A_85 = arith.cmpi eq, %arg1, %eq3A_84 : i32
    %and3A_86 = arith.andi %eq3A_83, %eq3A_85 : i1
    %convert_element_type3A_87 = arith.extui %and3A_86 : i1 to i32
    %cond3A_88 = arith.constant 0 : i32
    %cond3A_89 = arith.cmpi ne, %convert_element_type3A_87, %cond3A_88 : i32
    scf.if %cond3A_89 {
      %get3A_90 = arith.constant 0 : index
      %get3A_91 = arith.constant 0 : index
      %get3A_92 = vector.load %arg8[%get3A_90, %get3A_91] : memref<8x64xf32, #tpu.memory_space<vmem>>, vector<1x64xf32>
      %get3A_93 = vector.shape_cast %get3A_92 : vector<1x64xf32> to vector<64xf32>
      %mul3A_94 = arith.constant 3.05175786E-6 : f32
      %mul3A_95 = vector.broadcast %mul3A_94 : f32 to vector<64xf32>
      %mul3A_96 = arith.mulf %get3A_93, %mul3A_95 : vector<64xf32>
      %get3A_97 = arith.constant 1 : index
      %get3A_98 = arith.constant 0 : index
      %get3A_99 = vector.load %arg8[%get3A_97, %get3A_98] : memref<8x64xf32, #tpu.memory_space<vmem>>, vector<1x64xf32>
      %get3A_100 = vector.shape_cast %get3A_99 : vector<1x64xf32> to vector<64xf32>
      %mul3A_101 = arith.constant 3.05175786E-6 : f32
      %mul3A_102 = vector.broadcast %mul3A_101 : f32 to vector<64xf32>
      %mul3A_103 = arith.mulf %get3A_100, %mul3A_102 : vector<64xf32>
      %mul3A_104 = arith.mulf %mul3A_96, %mul3A_96 : vector<64xf32>
      %sub3A_105 = arith.subf %mul3A_103, %mul3A_104 : vector<64xf32>
      %add3A_106 = arith.constant 9.99999974E-6 : f32
      %add3A_107 = vector.broadcast %add3A_106 : f32 to vector<64xf32>
      %add3A_108 = arith.addf %sub3A_105, %add3A_107 : vector<64xf32>
      %rsqrt3A = math.rsqrt %add3A_108 : vector<64xf32>
      %broadcast_in_dim3A = arith.constant 0.000000e+00 : f32
      %broadcast_in_dim3A_109 = vector.broadcast %broadcast_in_dim3A : f32 to vector<1x64xf32>
      %broadcast_in_dim3A_110 = vector.shape_cast %mul3A_96 : vector<64xf32> to vector<1x64xf32>
      %broadcast_in_dim3A_111 = vector.shape_cast %rsqrt3A : vector<64xf32> to vector<1x64xf32>
      %concatenate3A_112 = tpu.concatenate %broadcast_in_dim3A_110, %broadcast_in_dim3A_111, %broadcast_in_dim3A_109, %broadcast_in_dim3A_109, %broadcast_in_dim3A_109, %broadcast_in_dim3A_109, %broadcast_in_dim3A_109, %broadcast_in_dim3A_109 in 0 : vector<1x64xf32>, vector<1x64xf32>, vector<1x64xf32>, vector<1x64xf32>, vector<1x64xf32>, vector<1x64xf32>, vector<1x64xf32>, vector<1x64xf32> -> vector<8x64xf32>
      %swap3A_113 = arith.constant 0 : index
      %swap3A_114 = arith.constant 0 : index
      %swap3A_115 = vector.load %arg6[%swap3A_113, %swap3A_114] : memref<8x64xf32, #tpu.memory_space<vmem>>, vector<8x64xf32>
      tpu.vector_store %arg6[%swap3A_113, %swap3A_114], %concatenate3A_112 {strides = array<i32>} : memref<8x64xf32, #tpu.memory_space<vmem>>, vector<8x64xf32>,
    } else {
    }
    return
  }
  func.func @transform_0(%arg0: i32, %arg1: i32) -> (i32, i32) {
    %mul3A = arith.constant 16 : i32
    %mul3A_0 = arith.muli %arg1, %mul3A : i32
    %add3A = arith.addi %mul3A_0, %arg0 : i32
    %c0_i32 = arith.constant 0 : i32
    %c0_i32_1 = arith.constant 0 : i32
    return %add3A, %c0_i32 : i32, i32
  }
  func.func @transform_1(%arg0: i32, %arg1: i32) -> (i32, i32) {
    %c0_i32 = arith.constant 0 : i32
    %c0_i32_0 = arith.constant 0 : i32
    return %arg0, %c0_i32 : i32, i32
  }
  func.func @transform_2(%arg0: i32, %arg1: i32) -> (i32, i32) {
    %c0_i32 = arith.constant 0 : i32
    %c0_i32_0 = arith.constant 0 : i32
    %c0_i32_1 = arith.constant 0 : i32
    return %c0_i32, %c0_i32_0 : i32, i32
  }
  func.func @transform_3(%arg0: i32, %arg1: i32) -> (i32, i32) {
    %c0_i32 = arith.constant 0 : i32
    %c0_i32_0 = arith.constant 0 : i32
    return %arg0, %c0_i32 : i32, i32
  }
  func.func @transform_4(%arg0: i32, %arg1: i32) -> (i32, i32) {
    %c0_i32 = arith.constant 0 : i32
    %c0_i32_0 = arith.constant 0 : i32
    %c0_i32_1 = arith.constant 0 : i32
    return %c0_i32, %c0_i32_0 : i32, i32
  }
}

module attributes {stable_mosaic.version = 14 : i64} {
  func.func @kern(%arg0: i32, %arg1: i32, %arg2: memref<1024x128xf32, #tpu.memory_space<vmem>>, %arg3: memref<1024x64xf32, #tpu.memory_space<vmem>>, %arg4: memref<128x128xf32, #tpu.memory_space<vmem>>, %arg5: memref<1024x128xf32, #tpu.memory_space<vmem>>, %arg6: memref<8x128xf32, #tpu.memory_space<vmem>>, %arg7: memref<1024x128xf32, #tpu.memory_space<vmem>>, %arg8: memref<8x128xf32, #tpu.memory_space<vmem>>) attributes {dimension_semantics = [#tpu.dimension_semantics<arbitrary>, #tpu.dimension_semantics<arbitrary>], iteration_bounds = array<i64: 16, 20>, scalar_prefetch = 0 : i64, scratch_operands = 2 : i64, tpu.core_type = #tpu.core_type<tc>, window_params = [{transform_indices = @transform_0, window_bounds = array<i64: 1024, 128>}, {transform_indices = @transform_1, window_bounds = array<i64: 1024, 64>}, {pipeline_mode = #tpu.pipeline_mode<synchronous>, transform_indices = @transform_2, window_bounds = array<i64: 128, 128>}, {transform_indices = @transform_3, window_bounds = array<i64: 1024, 128>}, {pipeline_mode = #tpu.pipeline_mode<synchronous>, transform_indices = @transform_4, window_bounds = array<i64: 8, 128>}]} {
    %get3A = arith.constant 0 : index
    %get3A_0 = arith.constant 0 : index
    %get3A_1 = vector.load %arg3[%get3A, %get3A_0] : memref<1024x64xf32, #tpu.memory_space<vmem>>, vector<1024x64xf32>
    %get3A_2 = arith.constant 0 : index
    %get3A_3 = arith.constant 0 : index
    %get3A_4 = vector.load %arg2[%get3A_2, %get3A_3] : memref<1024x128xf32, #tpu.memory_space<vmem>>, vector<1024x128xf32>
    %slice3A = vector.extract_strided_slice %get3A_4 {offsets = [0, 0], sizes = [1024, 64], strides = [1, 1]} : vector<1024x128xf32> to vector<1024x64xf32>
    %sub3A = arith.subf %slice3A, %get3A_1 : vector<1024x64xf32>
    %concatenate3A = tpu.concatenate %sub3A, %get3A_1 in 1 : vector<1024x64xf32>, vector<1024x64xf32> -> vector<1024x128xf32>
    %convert_element_type3A = arith.truncf %concatenate3A : vector<1024x128xf32> to vector<1024x128xbf16>
    %get3A_5 = arith.constant 0 : index
    %get3A_6 = arith.constant 0 : index
    %get3A_7 = vector.load %arg4[%get3A_5, %get3A_6] : memref<128x128xf32, #tpu.memory_space<vmem>>, vector<128x128xf32>
    %convert_element_type3A_8 = arith.truncf %get3A_7 : vector<128x128xf32> to vector<128x128xbf16>
    %dot_general3A = arith.constant dense<0.000000e+00> : vector<1024x128xf32>
    %dot_general3A_9 = tpu.matmul %convert_element_type3A, %convert_element_type3A_8, %dot_general3A {dimension_numbers = #tpu.dot_dimension_numbers<[1], [1], [0], [0], [0, 0, 1, 0], [], []>, transpose_lhs_hint = false} : vector<1024x128xbf16>, vector<128x128xbf16>, vector<1024x128xf32> -> vector<1024x128xf32>
    %eq3A = arith.constant 0 : i32
    %eq3A_10 = arith.cmpi eq, %arg1, %eq3A : i32
    %convert_element_type3A_11 = arith.extui %eq3A_10 : i1 to i32
    %cond3A = arith.constant 0 : i32
    %cond3A_12 = arith.cmpi ne, %convert_element_type3A_11, %cond3A : i32
    scf.if %cond3A_12 {
      %swap3A_90 = arith.constant 0 : index
      %swap3A_91 = arith.constant 0 : index
      %swap3A_92 = vector.load %arg7[%swap3A_90, %swap3A_91] : memref<1024x128xf32, #tpu.memory_space<vmem>>, vector<1024x128xf32>
      tpu.vector_store %arg7[%swap3A_90, %swap3A_91], %dot_general3A_9 {strides = array<i32>} : memref<1024x128xf32, #tpu.memory_space<vmem>>, vector<1024x128xf32>,
    } else {
    }
    %gt3A = arith.constant 0 : i32
    %gt3A_13 = arith.cmpi sgt, %arg1, %gt3A : i32
    %convert_element_type3A_14 = arith.extui %gt3A_13 : i1 to i32
    %cond3A_15 = arith.constant 0 : i32
    %cond3A_16 = arith.cmpi ne, %convert_element_type3A_14, %cond3A_15 : i32
    scf.if %cond3A_16 {
      %get3A_90 = arith.constant 0 : index
      %get3A_91 = arith.constant 0 : index
      %get3A_92 = vector.load %arg7[%get3A_90, %get3A_91] : memref<1024x128xf32, #tpu.memory_space<vmem>>, vector<1024x128xf32>
      %max3A = arith.maximumf %get3A_92, %dot_general3A_9 : vector<1024x128xf32>
      %swap3A_93 = arith.constant 0 : index
      %swap3A_94 = arith.constant 0 : index
      %swap3A_95 = vector.load %arg7[%swap3A_93, %swap3A_94] : memref<1024x128xf32, #tpu.memory_space<vmem>>, vector<1024x128xf32>
      tpu.vector_store %arg7[%swap3A_93, %swap3A_94], %max3A {strides = array<i32>} : memref<1024x128xf32, #tpu.memory_space<vmem>>, vector<1024x128xf32>,
    } else {
    }
    %eq3A_17 = arith.constant 0 : i32
    %eq3A_18 = arith.cmpi eq, %arg0, %eq3A_17 : i32
    %eq3A_19 = arith.constant 0 : i32
    %eq3A_20 = arith.cmpi eq, %arg1, %eq3A_19 : i32
    %and3A = arith.andi %eq3A_18, %eq3A_20 : i1
    %convert_element_type3A_21 = arith.extui %and3A : i1 to i32
    %cond3A_22 = arith.constant 0 : i32
    %cond3A_23 = arith.cmpi ne, %convert_element_type3A_21, %cond3A_22 : i32
    scf.if %cond3A_23 {
      %broadcast_in_dim3A = arith.constant 0.000000e+00 : f32
      %broadcast_in_dim3A_90 = vector.broadcast %broadcast_in_dim3A : f32 to vector<8x128xf32>
      %swap3A_91 = arith.constant 0 : index
      %swap3A_92 = arith.constant 0 : index
      %swap3A_93 = vector.load %arg8[%swap3A_91, %swap3A_92] : memref<8x128xf32, #tpu.memory_space<vmem>>, vector<8x128xf32>
      tpu.vector_store %arg8[%swap3A_91, %swap3A_92], %broadcast_in_dim3A_90 {strides = array<i32>} : memref<8x128xf32, #tpu.memory_space<vmem>>, vector<8x128xf32>,
    } else {
    }
    %reduce_sum3A = arith.constant dense<0.000000e+00> : vector<128xf32>
    %reduce_sum3A_24 = vector.multi_reduction <add>, %dot_general3A_9, %reduce_sum3A [0] : vector<1024x128xf32> to vector<128xf32>
    %mul3A = arith.mulf %dot_general3A_9, %dot_general3A_9 : vector<1024x128xf32>
    %reduce_sum3A_25 = arith.constant dense<0.000000e+00> : vector<128xf32>
    %reduce_sum3A_26 = vector.multi_reduction <add>, %mul3A, %reduce_sum3A_25 [0] : vector<1024x128xf32> to vector<128xf32>
    %get3A_27 = arith.constant 2 : index
    %get3A_28 = arith.constant 0 : index
    %get3A_29 = vector.load %arg8[%get3A_27, %get3A_28] : memref<8x128xf32, #tpu.memory_space<vmem>>, vector<1x128xf32>
    %get3A_30 = vector.shape_cast %get3A_29 : vector<1x128xf32> to vector<128xf32>
    %sub3A_31 = arith.subf %reduce_sum3A_24, %get3A_30 : vector<128xf32>
    %get3A_32 = arith.constant 0 : index
    %get3A_33 = arith.constant 0 : index
    %get3A_34 = vector.load %arg8[%get3A_32, %get3A_33] : memref<8x128xf32, #tpu.memory_space<vmem>>, vector<1x128xf32>
    %get3A_35 = vector.shape_cast %get3A_34 : vector<1x128xf32> to vector<128xf32>
    %add3A = arith.addf %get3A_35, %sub3A_31 : vector<128xf32>
    %get3A_36 = arith.constant 0 : index
    %get3A_37 = arith.constant 0 : index
    %get3A_38 = vector.load %arg8[%get3A_36, %get3A_37] : memref<8x128xf32, #tpu.memory_space<vmem>>, vector<1x128xf32>
    %get3A_39 = vector.shape_cast %get3A_38 : vector<1x128xf32> to vector<128xf32>
    %sub3A_40 = arith.subf %add3A, %get3A_39 : vector<128xf32>
    %sub3A_41 = arith.subf %sub3A_40, %sub3A_31 : vector<128xf32>
    %swap3A = arith.constant 2 : index
    %swap3A_42 = arith.constant 0 : index
    %swap3A_43 = vector.load %arg8[%swap3A, %swap3A_42] : memref<8x128xf32, #tpu.memory_space<vmem>>, vector<1x128xf32>
    %swap3A_44 = vector.shape_cast %swap3A_43 : vector<1x128xf32> to vector<128xf32>
    %swap3A_45 = vector.shape_cast %sub3A_41 : vector<128xf32> to vector<1x128xf32>
    tpu.vector_store %arg8[%swap3A, %swap3A_42], %swap3A_45 {strides = array<i32>} : memref<8x128xf32, #tpu.memory_space<vmem>>, vector<1x128xf32>,
    %swap3A_46 = arith.constant 0 : index
    %swap3A_47 = arith.constant 0 : index
    %swap3A_48 = vector.load %arg8[%swap3A_46, %swap3A_47] : memref<8x128xf32, #tpu.memory_space<vmem>>, vector<1x128xf32>
    %swap3A_49 = vector.shape_cast %swap3A_48 : vector<1x128xf32> to vector<128xf32>
    %swap3A_50 = vector.shape_cast %add3A : vector<128xf32> to vector<1x128xf32>
    tpu.vector_store %arg8[%swap3A_46, %swap3A_47], %swap3A_50 {strides = array<i32>} : memref<8x128xf32, #tpu.memory_space<vmem>>, vector<1x128xf32>,
    %get3A_51 = arith.constant 3 : index
    %get3A_52 = arith.constant 0 : index
    %get3A_53 = vector.load %arg8[%get3A_51, %get3A_52] : memref<8x128xf32, #tpu.memory_space<vmem>>, vector<1x128xf32>
    %get3A_54 = vector.shape_cast %get3A_53 : vector<1x128xf32> to vector<128xf32>
    %sub3A_55 = arith.subf %reduce_sum3A_26, %get3A_54 : vector<128xf32>
    %get3A_56 = arith.constant 1 : index
    %get3A_57 = arith.constant 0 : index
    %get3A_58 = vector.load %arg8[%get3A_56, %get3A_57] : memref<8x128xf32, #tpu.memory_space<vmem>>, vector<1x128xf32>
    %get3A_59 = vector.shape_cast %get3A_58 : vector<1x128xf32> to vector<128xf32>
    %add3A_60 = arith.addf %get3A_59, %sub3A_55 : vector<128xf32>
    %get3A_61 = arith.constant 1 : index
    %get3A_62 = arith.constant 0 : index
    %get3A_63 = vector.load %arg8[%get3A_61, %get3A_62] : memref<8x128xf32, #tpu.memory_space<vmem>>, vector<1x128xf32>
    %get3A_64 = vector.shape_cast %get3A_63 : vector<1x128xf32> to vector<128xf32>
    %sub3A_65 = arith.subf %add3A_60, %get3A_64 : vector<128xf32>
    %sub3A_66 = arith.subf %sub3A_65, %sub3A_55 : vector<128xf32>
    %swap3A_67 = arith.constant 3 : index
    %swap3A_68 = arith.constant 0 : index
    %swap3A_69 = vector.load %arg8[%swap3A_67, %swap3A_68] : memref<8x128xf32, #tpu.memory_space<vmem>>, vector<1x128xf32>
    %swap3A_70 = vector.shape_cast %swap3A_69 : vector<1x128xf32> to vector<128xf32>
    %swap3A_71 = vector.shape_cast %sub3A_66 : vector<128xf32> to vector<1x128xf32>
    tpu.vector_store %arg8[%swap3A_67, %swap3A_68], %swap3A_71 {strides = array<i32>} : memref<8x128xf32, #tpu.memory_space<vmem>>, vector<1x128xf32>,
    %swap3A_72 = arith.constant 1 : index
    %swap3A_73 = arith.constant 0 : index
    %swap3A_74 = vector.load %arg8[%swap3A_72, %swap3A_73] : memref<8x128xf32, #tpu.memory_space<vmem>>, vector<1x128xf32>
    %swap3A_75 = vector.shape_cast %swap3A_74 : vector<1x128xf32> to vector<128xf32>
    %swap3A_76 = vector.shape_cast %add3A_60 : vector<128xf32> to vector<1x128xf32>
    tpu.vector_store %arg8[%swap3A_72, %swap3A_73], %swap3A_76 {strides = array<i32>} : memref<8x128xf32, #tpu.memory_space<vmem>>, vector<1x128xf32>,
    %eq3A_77 = arith.constant 19 : i32
    %eq3A_78 = arith.cmpi eq, %arg1, %eq3A_77 : i32
    %convert_element_type3A_79 = arith.extui %eq3A_78 : i1 to i32
    %cond3A_80 = arith.constant 0 : i32
    %cond3A_81 = arith.cmpi ne, %convert_element_type3A_79, %cond3A_80 : i32
    scf.if %cond3A_81 {
      %get3A_90 = arith.constant 0 : index
      %get3A_91 = arith.constant 0 : index
      %get3A_92 = vector.load %arg7[%get3A_90, %get3A_91] : memref<1024x128xf32, #tpu.memory_space<vmem>>, vector<1024x128xf32>
      %swap3A_93 = arith.constant 0 : index
      %swap3A_94 = arith.constant 0 : index
      %swap3A_95 = vector.load %arg5[%swap3A_93, %swap3A_94] : memref<1024x128xf32, #tpu.memory_space<vmem>>, vector<1024x128xf32>
      tpu.vector_store %arg5[%swap3A_93, %swap3A_94], %get3A_92 {strides = array<i32>} : memref<1024x128xf32, #tpu.memory_space<vmem>>, vector<1024x128xf32>,
    } else {
    }
    %eq3A_82 = arith.constant 15 : i32
    %eq3A_83 = arith.cmpi eq, %arg0, %eq3A_82 : i32
    %eq3A_84 = arith.constant 19 : i32
    %eq3A_85 = arith.cmpi eq, %arg1, %eq3A_84 : i32
    %and3A_86 = arith.andi %eq3A_83, %eq3A_85 : i1
    %convert_element_type3A_87 = arith.extui %and3A_86 : i1 to i32
    %cond3A_88 = arith.constant 0 : i32
    %cond3A_89 = arith.cmpi ne, %convert_element_type3A_87, %cond3A_88 : i32
    scf.if %cond3A_89 {
      %get3A_90 = arith.constant 0 : index
      %get3A_91 = arith.constant 0 : index
      %get3A_92 = vector.load %arg8[%get3A_90, %get3A_91] : memref<8x128xf32, #tpu.memory_space<vmem>>, vector<1x128xf32>
      %get3A_93 = vector.shape_cast %get3A_92 : vector<1x128xf32> to vector<128xf32>
      %mul3A_94 = arith.constant 3.05175786E-6 : f32
      %mul3A_95 = vector.broadcast %mul3A_94 : f32 to vector<128xf32>
      %mul3A_96 = arith.mulf %get3A_93, %mul3A_95 : vector<128xf32>
      %get3A_97 = arith.constant 1 : index
      %get3A_98 = arith.constant 0 : index
      %get3A_99 = vector.load %arg8[%get3A_97, %get3A_98] : memref<8x128xf32, #tpu.memory_space<vmem>>, vector<1x128xf32>
      %get3A_100 = vector.shape_cast %get3A_99 : vector<1x128xf32> to vector<128xf32>
      %mul3A_101 = arith.constant 3.05175786E-6 : f32
      %mul3A_102 = vector.broadcast %mul3A_101 : f32 to vector<128xf32>
      %mul3A_103 = arith.mulf %get3A_100, %mul3A_102 : vector<128xf32>
      %mul3A_104 = arith.mulf %mul3A_96, %mul3A_96 : vector<128xf32>
      %sub3A_105 = arith.subf %mul3A_103, %mul3A_104 : vector<128xf32>
      %add3A_106 = arith.constant 9.99999974E-6 : f32
      %add3A_107 = vector.broadcast %add3A_106 : f32 to vector<128xf32>
      %add3A_108 = arith.addf %sub3A_105, %add3A_107 : vector<128xf32>
      %rsqrt3A = math.rsqrt %add3A_108 : vector<128xf32>
      %broadcast_in_dim3A = arith.constant 0.000000e+00 : f32
      %broadcast_in_dim3A_109 = vector.broadcast %broadcast_in_dim3A : f32 to vector<1x128xf32>
      %broadcast_in_dim3A_110 = vector.shape_cast %mul3A_96 : vector<128xf32> to vector<1x128xf32>
      %broadcast_in_dim3A_111 = vector.shape_cast %rsqrt3A : vector<128xf32> to vector<1x128xf32>
      %concatenate3A_112 = tpu.concatenate %broadcast_in_dim3A_110, %broadcast_in_dim3A_111, %broadcast_in_dim3A_109, %broadcast_in_dim3A_109, %broadcast_in_dim3A_109, %broadcast_in_dim3A_109, %broadcast_in_dim3A_109, %broadcast_in_dim3A_109 in 0 : vector<1x128xf32>, vector<1x128xf32>, vector<1x128xf32>, vector<1x128xf32>, vector<1x128xf32>, vector<1x128xf32>, vector<1x128xf32>, vector<1x128xf32> -> vector<8x128xf32>
      %swap3A_113 = arith.constant 0 : index
      %swap3A_114 = arith.constant 0 : index
      %swap3A_115 = vector.load %arg6[%swap3A_113, %swap3A_114] : memref<8x128xf32, #tpu.memory_space<vmem>>, vector<8x128xf32>
      tpu.vector_store %arg6[%swap3A_113, %swap3A_114], %concatenate3A_112 {strides = array<i32>} : memref<8x128xf32, #tpu.memory_space<vmem>>, vector<8x128xf32>,
    } else {
    }
    return
  }
  func.func @transform_0(%arg0: i32, %arg1: i32) -> (i32, i32) {
    %mul3A = arith.constant 16 : i32
    %mul3A_0 = arith.muli %arg1, %mul3A : i32
    %add3A = arith.addi %mul3A_0, %arg0 : i32
    %c0_i32 = arith.constant 0 : i32
    %c0_i32_1 = arith.constant 0 : i32
    return %add3A, %c0_i32 : i32, i32
  }
  func.func @transform_1(%arg0: i32, %arg1: i32) -> (i32, i32) {
    %c0_i32 = arith.constant 0 : i32
    %c0_i32_0 = arith.constant 0 : i32
    return %arg0, %c0_i32 : i32, i32
  }
  func.func @transform_2(%arg0: i32, %arg1: i32) -> (i32, i32) {
    %c0_i32 = arith.constant 0 : i32
    %c0_i32_0 = arith.constant 0 : i32
    %c0_i32_1 = arith.constant 0 : i32
    return %c0_i32, %c0_i32_0 : i32, i32
  }
  func.func @transform_3(%arg0: i32, %arg1: i32) -> (i32, i32) {
    %c0_i32 = arith.constant 0 : i32
    %c0_i32_0 = arith.constant 0 : i32
    return %arg0, %c0_i32 : i32, i32
  }
  func.func @transform_4(%arg0: i32, %arg1: i32) -> (i32, i32) {
    %c0_i32 = arith.constant 0 : i32
    %c0_i32_0 = arith.constant 0 : i32
    %c0_i32_1 = arith.constant 0 : i32
    return %c0_i32, %c0_i32_0 : i32, i32
  }
}

module attributes {stable_mosaic.version = 14 : i64} {
  func.func @kern(%arg0: i32, %arg1: memref<2048x128xf32, #tpu.memory_space<vmem>>, %arg2: memref<8x128xf32, #tpu.memory_space<vmem>>, %arg3: memref<1x128xf32, #tpu.memory_space<vmem>>, %arg4: memref<1x128xf32, #tpu.memory_space<vmem>>, %arg5: memref<2048x128xf32, #tpu.memory_space<vmem>>) attributes {dimension_semantics = [#tpu.dimension_semantics<arbitrary>], iteration_bounds = array<i64: 8>, scalar_prefetch = 0 : i64, scratch_operands = 0 : i64, tpu.core_type = #tpu.core_type<tc>, window_params = [{transform_indices = @transform_0, window_bounds = array<i64: 2048, 128>}, {pipeline_mode = #tpu.pipeline_mode<synchronous>, transform_indices = @transform_1, window_bounds = array<i64: 8, 128>}, {pipeline_mode = #tpu.pipeline_mode<synchronous>, transform_indices = @transform_2, window_bounds = array<i64: 1, 128>}, {pipeline_mode = #tpu.pipeline_mode<synchronous>, transform_indices = @transform_3, window_bounds = array<i64: 1, 128>}, {transform_indices = @transform_4, window_bounds = array<i64: 2048, 128>}]} {
    %get3A = arith.constant 0 : index
    %get3A_0 = arith.constant 0 : index
    %get3A_1 = vector.load %arg2[%get3A, %get3A_0] : memref<8x128xf32, #tpu.memory_space<vmem>>, vector<8x128xf32>
    %get3A_2 = arith.constant 0 : index
    %get3A_3 = arith.constant 0 : index
    %get3A_4 = vector.load %arg1[%get3A_2, %get3A_3] : memref<2048x128xf32, #tpu.memory_space<vmem>>, vector<2048x128xf32>
    %slice3A = vector.extract_strided_slice %get3A_1 {offsets = [0, 0], sizes = [1, 128], strides = [1, 1]} : vector<8x128xf32> to vector<1x128xf32>
    %sub3A = vector.broadcast %slice3A : vector<1x128xf32> to vector<2048x128xf32>
    %sub3A_5 = arith.subf %get3A_4, %sub3A : vector<2048x128xf32>
    %slice3A_6 = vector.extract_strided_slice %get3A_1 {offsets = [1, 0], sizes = [1, 128], strides = [1, 1]} : vector<8x128xf32> to vector<1x128xf32>
    %get3A_7 = arith.constant 0 : index
    %get3A_8 = arith.constant 0 : index
    %get3A_9 = vector.load %arg3[%get3A_7, %get3A_8] : memref<1x128xf32, #tpu.memory_space<vmem>>, vector<1x128xf32>
    %mul3A = arith.mulf %slice3A_6, %get3A_9 : vector<1x128xf32>
    %mul3A_10 = vector.broadcast %mul3A : vector<1x128xf32> to vector<2048x128xf32>
    %mul3A_11 = arith.mulf %sub3A_5, %mul3A_10 : vector<2048x128xf32>
    %get3A_12 = arith.constant 0 : index
    %get3A_13 = arith.constant 0 : index
    %get3A_14 = vector.load %arg4[%get3A_12, %get3A_13] : memref<1x128xf32, #tpu.memory_space<vmem>>, vector<1x128xf32>
    %add3A = vector.broadcast %get3A_14 : vector<1x128xf32> to vector<2048x128xf32>
    %add3A_15 = arith.addf %mul3A_11, %add3A : vector<2048x128xf32>
    %ge3A = arith.constant 0.000000e+00 : f32
    %ge3A_16 = vector.broadcast %ge3A : f32 to vector<2048x128xf32>
    %ge3A_17 = arith.cmpf oge, %add3A_15, %ge3A_16 : vector<2048x128xf32>
    %mul3A_18 = arith.constant 2.000000e-01 : f32
    %mul3A_19 = vector.broadcast %mul3A_18 : f32 to vector<2048x128xf32>
    %mul3A_20 = arith.mulf %mul3A_19, %add3A_15 : vector<2048x128xf32>
    %select_n3A = arith.select %ge3A_17, %add3A_15, %mul3A_20 : vector<2048x128xi1>, vector<2048x128xf32>
    %swap3A = arith.constant 0 : index
    %swap3A_21 = arith.constant 0 : index
    %swap3A_22 = vector.load %arg5[%swap3A, %swap3A_21] : memref<2048x128xf32, #tpu.memory_space<vmem>>, vector<2048x128xf32>
    tpu.vector_store %arg5[%swap3A, %swap3A_21], %select_n3A {strides = array<i32>} : memref<2048x128xf32, #tpu.memory_space<vmem>>, vector<2048x128xf32>,
    return
  }
  func.func @transform_0(%arg0: i32) -> (i32, i32) {
    %c0_i32 = arith.constant 0 : i32
    %c0_i32_0 = arith.constant 0 : i32
    return %arg0, %c0_i32 : i32, i32
  }
  func.func @transform_1(%arg0: i32) -> (i32, i32) {
    %c0_i32 = arith.constant 0 : i32
    %c0_i32_0 = arith.constant 0 : i32
    %c0_i32_1 = arith.constant 0 : i32
    return %c0_i32, %c0_i32_0 : i32, i32
  }
  func.func @transform_2(%arg0: i32) -> (i32, i32) {
    %c0_i32 = arith.constant 0 : i32
    %c0_i32_0 = arith.constant 0 : i32
    %c0_i32_1 = arith.constant 0 : i32
    return %c0_i32, %c0_i32_0 : i32, i32
  }
  func.func @transform_3(%arg0: i32) -> (i32, i32) {
    %c0_i32 = arith.constant 0 : i32
    %c0_i32_0 = arith.constant 0 : i32
    %c0_i32_1 = arith.constant 0 : i32
    return %c0_i32, %c0_i32_0 : i32, i32
  }
  func.func @transform_4(%arg0: i32) -> (i32, i32) {
    %c0_i32 = arith.constant 0 : i32
    %c0_i32_0 = arith.constant 0 : i32
    return %arg0, %c0_i32 : i32, i32
  }
}

module attributes {stable_mosaic.version = 14 : i64} {
  func.func @kern(%arg0: i32, %arg1: i32, %arg2: memref<1x256x128xf32, #tpu.memory_space<vmem>>, %arg3: memref<1x2048x128xf32, #tpu.memory_space<vmem>>, %arg4: memref<1x1x2048xf32, #tpu.memory_space<vmem>>, %arg5: memref<1x256x1xf32, #tpu.memory_space<vmem>>, %arg6: memref<1x256x20xi32, #tpu.memory_space<vmem>>) attributes {dimension_semantics = [#tpu.dimension_semantics<arbitrary>, #tpu.dimension_semantics<arbitrary>], iteration_bounds = array<i64: 8, 8>, scalar_prefetch = 0 : i64, scratch_operands = 0 : i64, tpu.core_type = #tpu.core_type<tc>, window_params = [{transform_indices = @transform_0, window_bounds = array<i64: 1, 256, 128>}, {transform_indices = @transform_1, window_bounds = array<i64: 1, 2048, 128>}, {transform_indices = @transform_2, window_bounds = array<i64: 1, 1, 2048>}, {transform_indices = @transform_3, window_bounds = array<i64: 1, 256, 1>}, {transform_indices = @transform_4, window_bounds = array<i64: 1, 256, 20>}]} {
    %get3A = arith.constant 0 : index
    %get3A_0 = arith.constant 0 : index
    %get3A_1 = arith.constant 0 : index
    %get3A_2 = vector.load %arg2[%get3A, %get3A_0, %get3A_1] : memref<1x256x128xf32, #tpu.memory_space<vmem>>, vector<1x256x128xf32>
    %get3A_3 = vector.shape_cast %get3A_2 : vector<1x256x128xf32> to vector<256x128xf32>
    %get3A_4 = arith.constant 0 : index
    %get3A_5 = arith.constant 0 : index
    %get3A_6 = arith.constant 0 : index
    %get3A_7 = vector.load %arg3[%get3A_4, %get3A_5, %get3A_6] : memref<1x2048x128xf32, #tpu.memory_space<vmem>>, vector<1x2048x128xf32>
    %get3A_8 = vector.shape_cast %get3A_7 : vector<1x2048x128xf32> to vector<2048x128xf32>
    %convert_element_type3A = arith.truncf %get3A_3 : vector<256x128xf32> to vector<256x128xbf16>
    %convert_element_type3A_9 = arith.truncf %get3A_8 : vector<2048x128xf32> to vector<2048x128xbf16>
    %dot_general3A = arith.constant dense<0.000000e+00> : vector<256x2048xf32>
    %dot_general3A_10 = tpu.matmul %convert_element_type3A, %convert_element_type3A_9, %dot_general3A {dimension_numbers = #tpu.dot_dimension_numbers<[1], [1], [0], [0], [0, 0, 1, 0], [], []>, transpose_lhs_hint = false} : vector<256x128xbf16>, vector<2048x128xbf16>, vector<256x2048xf32> -> vector<256x2048xf32>
    %mul3A = arith.constant -2.000000e+00 : f32
    %mul3A_11 = vector.broadcast %mul3A : f32 to vector<256x2048xf32>
    %mul3A_12 = arith.mulf %mul3A_11, %dot_general3A_10 : vector<256x2048xf32>
    %get3A_13 = arith.constant 0 : index
    %get3A_14 = arith.constant 0 : index
    %get3A_15 = arith.constant 0 : index
    %get3A_16 = vector.load %arg4[%get3A_13, %get3A_14, %get3A_15] : memref<1x1x2048xf32, #tpu.memory_space<vmem>>, vector<1x1x2048xf32>
    %get3A_17 = vector.shape_cast %get3A_16 : vector<1x1x2048xf32> to vector<1x2048xf32>
    %get3A_18 = arith.constant 0 : index
    %get3A_19 = arith.constant 0 : index
    %get3A_20 = arith.constant 0 : index
    %get3A_21 = vector.load %arg5[%get3A_18, %get3A_19, %get3A_20] : memref<1x256x1xf32, #tpu.memory_space<vmem>>, vector<1x256x1xf32>
    %get3A_22 = vector.shape_cast %get3A_21 : vector<1x256x1xf32> to vector<256x1xf32>
    %neg3A = arith.constant 0.000000e+00 : f32
    %neg3A_23 = vector.broadcast %neg3A : f32 to vector<1x2048xf32>
    %neg3A_24 = arith.subf %neg3A_23, %get3A_17 : vector<1x2048xf32>
    %sub3A = vector.broadcast %neg3A_24 : vector<1x2048xf32> to vector<256x2048xf32>
    %sub3A_25 = arith.subf %sub3A, %mul3A_12 : vector<256x2048xf32>
    %sub3A_26 = vector.broadcast %get3A_22 : vector<256x1xf32> to vector<256x2048xf32>
    %sub3A_27 = arith.subf %sub3A_25, %sub3A_26 : vector<256x2048xf32>
    %iota3A = tpu.iota {dimensions = array<i32: 1>} : vector<256x2048xi32>
    %argmax3A = tpu.reduce_index %sub3A_27 {axis = 1 : i32, kind = #tpu.reduction_kind<arg_max>} : vector<256x2048xf32> -> vector<256xi32>
    %broadcast_in_dim3A = vector.shape_cast %argmax3A : vector<256xi32> to vector<256x1xi32>
    %eq3A = vector.broadcast %broadcast_in_dim3A : vector<256x1xi32> to vector<256x2048xi32>
    %eq3A_28 = arith.cmpi eq, %iota3A, %eq3A : vector<256x2048xi32>
    %jit3A = arith.constant 0xFF800000 : f32
    %broadcast_in_dim3A_29 = vector.broadcast %jit3A : f32 to vector<256x2048xf32>
    %select_n3A = arith.select %eq3A_28, %broadcast_in_dim3A_29, %sub3A_27 : vector<256x2048xi1>, vector<256x2048xf32>
    %argmax3A_30 = tpu.reduce_index %select_n3A {axis = 1 : i32, kind = #tpu.reduction_kind<arg_max>} : vector<256x2048xf32> -> vector<256xi32>
    %broadcast_in_dim3A_31 = vector.shape_cast %argmax3A_30 : vector<256xi32> to vector<256x1xi32>
    %eq3A_32 = vector.broadcast %broadcast_in_dim3A_31 : vector<256x1xi32> to vector<256x2048xi32>
    %eq3A_33 = arith.cmpi eq, %iota3A, %eq3A_32 : vector<256x2048xi32>
    %jit3A_34 = arith.constant 0xFF800000 : f32
    %broadcast_in_dim3A_35 = vector.broadcast %jit3A_34 : f32 to vector<256x2048xf32>
    %select_n3A_36 = arith.select %eq3A_33, %broadcast_in_dim3A_35, %select_n3A : vector<256x2048xi1>, vector<256x2048xf32>
    %argmax3A_37 = tpu.reduce_index %select_n3A_36 {axis = 1 : i32, kind = #tpu.reduction_kind<arg_max>} : vector<256x2048xf32> -> vector<256xi32>
    %broadcast_in_dim3A_38 = vector.shape_cast %argmax3A_37 : vector<256xi32> to vector<256x1xi32>
    %eq3A_39 = vector.broadcast %broadcast_in_dim3A_38 : vector<256x1xi32> to vector<256x2048xi32>
    %eq3A_40 = arith.cmpi eq, %iota3A, %eq3A_39 : vector<256x2048xi32>
    %jit3A_41 = arith.constant 0xFF800000 : f32
    %broadcast_in_dim3A_42 = vector.broadcast %jit3A_41 : f32 to vector<256x2048xf32>
    %select_n3A_43 = arith.select %eq3A_40, %broadcast_in_dim3A_42, %select_n3A_36 : vector<256x2048xi1>, vector<256x2048xf32>
    %argmax3A_44 = tpu.reduce_index %select_n3A_43 {axis = 1 : i32, kind = #tpu.reduction_kind<arg_max>} : vector<256x2048xf32> -> vector<256xi32>
    %broadcast_in_dim3A_45 = vector.shape_cast %argmax3A_44 : vector<256xi32> to vector<256x1xi32>
    %eq3A_46 = vector.broadcast %broadcast_in_dim3A_45 : vector<256x1xi32> to vector<256x2048xi32>
    %eq3A_47 = arith.cmpi eq, %iota3A, %eq3A_46 : vector<256x2048xi32>
    %jit3A_48 = arith.constant 0xFF800000 : f32
    %broadcast_in_dim3A_49 = vector.broadcast %jit3A_48 : f32 to vector<256x2048xf32>
    %select_n3A_50 = arith.select %eq3A_47, %broadcast_in_dim3A_49, %select_n3A_43 : vector<256x2048xi1>, vector<256x2048xf32>
    %argmax3A_51 = tpu.reduce_index %select_n3A_50 {axis = 1 : i32, kind = #tpu.reduction_kind<arg_max>} : vector<256x2048xf32> -> vector<256xi32>
    %broadcast_in_dim3A_52 = vector.shape_cast %argmax3A_51 : vector<256xi32> to vector<256x1xi32>
    %eq3A_53 = vector.broadcast %broadcast_in_dim3A_52 : vector<256x1xi32> to vector<256x2048xi32>
    %eq3A_54 = arith.cmpi eq, %iota3A, %eq3A_53 : vector<256x2048xi32>
    %jit3A_55 = arith.constant 0xFF800000 : f32
    %broadcast_in_dim3A_56 = vector.broadcast %jit3A_55 : f32 to vector<256x2048xf32>
    %select_n3A_57 = arith.select %eq3A_54, %broadcast_in_dim3A_56, %select_n3A_50 : vector<256x2048xi1>, vector<256x2048xf32>
    %argmax3A_58 = tpu.reduce_index %select_n3A_57 {axis = 1 : i32, kind = #tpu.reduction_kind<arg_max>} : vector<256x2048xf32> -> vector<256xi32>
    %broadcast_in_dim3A_59 = vector.shape_cast %argmax3A_58 : vector<256xi32> to vector<256x1xi32>
    %eq3A_60 = vector.broadcast %broadcast_in_dim3A_59 : vector<256x1xi32> to vector<256x2048xi32>
    %eq3A_61 = arith.cmpi eq, %iota3A, %eq3A_60 : vector<256x2048xi32>
    %jit3A_62 = arith.constant 0xFF800000 : f32
    %broadcast_in_dim3A_63 = vector.broadcast %jit3A_62 : f32 to vector<256x2048xf32>
    %select_n3A_64 = arith.select %eq3A_61, %broadcast_in_dim3A_63, %select_n3A_57 : vector<256x2048xi1>, vector<256x2048xf32>
    %argmax3A_65 = tpu.reduce_index %select_n3A_64 {axis = 1 : i32, kind = #tpu.reduction_kind<arg_max>} : vector<256x2048xf32> -> vector<256xi32>
    %broadcast_in_dim3A_66 = vector.shape_cast %argmax3A_65 : vector<256xi32> to vector<256x1xi32>
    %eq3A_67 = vector.broadcast %broadcast_in_dim3A_66 : vector<256x1xi32> to vector<256x2048xi32>
    %eq3A_68 = arith.cmpi eq, %iota3A, %eq3A_67 : vector<256x2048xi32>
    %jit3A_69 = arith.constant 0xFF800000 : f32
    %broadcast_in_dim3A_70 = vector.broadcast %jit3A_69 : f32 to vector<256x2048xf32>
    %select_n3A_71 = arith.select %eq3A_68, %broadcast_in_dim3A_70, %select_n3A_64 : vector<256x2048xi1>, vector<256x2048xf32>
    %argmax3A_72 = tpu.reduce_index %select_n3A_71 {axis = 1 : i32, kind = #tpu.reduction_kind<arg_max>} : vector<256x2048xf32> -> vector<256xi32>
    %broadcast_in_dim3A_73 = vector.shape_cast %argmax3A_72 : vector<256xi32> to vector<256x1xi32>
    %eq3A_74 = vector.broadcast %broadcast_in_dim3A_73 : vector<256x1xi32> to vector<256x2048xi32>
    %eq3A_75 = arith.cmpi eq, %iota3A, %eq3A_74 : vector<256x2048xi32>
    %jit3A_76 = arith.constant 0xFF800000 : f32
    %broadcast_in_dim3A_77 = vector.broadcast %jit3A_76 : f32 to vector<256x2048xf32>
    %select_n3A_78 = arith.select %eq3A_75, %broadcast_in_dim3A_77, %select_n3A_71 : vector<256x2048xi1>, vector<256x2048xf32>
    %argmax3A_79 = tpu.reduce_index %select_n3A_78 {axis = 1 : i32, kind = #tpu.reduction_kind<arg_max>} : vector<256x2048xf32> -> vector<256xi32>
    %broadcast_in_dim3A_80 = vector.shape_cast %argmax3A_79 : vector<256xi32> to vector<256x1xi32>
    %eq3A_81 = vector.broadcast %broadcast_in_dim3A_80 : vector<256x1xi32> to vector<256x2048xi32>
    %eq3A_82 = arith.cmpi eq, %iota3A, %eq3A_81 : vector<256x2048xi32>
    %jit3A_83 = arith.constant 0xFF800000 : f32
    %broadcast_in_dim3A_84 = vector.broadcast %jit3A_83 : f32 to vector<256x2048xf32>
    %select_n3A_85 = arith.select %eq3A_82, %broadcast_in_dim3A_84, %select_n3A_78 : vector<256x2048xi1>, vector<256x2048xf32>
    %argmax3A_86 = tpu.reduce_index %select_n3A_85 {axis = 1 : i32, kind = #tpu.reduction_kind<arg_max>} : vector<256x2048xf32> -> vector<256xi32>
    %broadcast_in_dim3A_87 = vector.shape_cast %argmax3A_86 : vector<256xi32> to vector<256x1xi32>
    %eq3A_88 = vector.broadcast %broadcast_in_dim3A_87 : vector<256x1xi32> to vector<256x2048xi32>
    %eq3A_89 = arith.cmpi eq, %iota3A, %eq3A_88 : vector<256x2048xi32>
    %jit3A_90 = arith.constant 0xFF800000 : f32
    %broadcast_in_dim3A_91 = vector.broadcast %jit3A_90 : f32 to vector<256x2048xf32>
    %select_n3A_92 = arith.select %eq3A_89, %broadcast_in_dim3A_91, %select_n3A_85 : vector<256x2048xi1>, vector<256x2048xf32>
    %argmax3A_93 = tpu.reduce_index %select_n3A_92 {axis = 1 : i32, kind = #tpu.reduction_kind<arg_max>} : vector<256x2048xf32> -> vector<256xi32>
    %broadcast_in_dim3A_94 = vector.shape_cast %argmax3A_93 : vector<256xi32> to vector<256x1xi32>
    %eq3A_95 = vector.broadcast %broadcast_in_dim3A_94 : vector<256x1xi32> to vector<256x2048xi32>
    %eq3A_96 = arith.cmpi eq, %iota3A, %eq3A_95 : vector<256x2048xi32>
    %jit3A_97 = arith.constant 0xFF800000 : f32
    %broadcast_in_dim3A_98 = vector.broadcast %jit3A_97 : f32 to vector<256x2048xf32>
    %select_n3A_99 = arith.select %eq3A_96, %broadcast_in_dim3A_98, %select_n3A_92 : vector<256x2048xi1>, vector<256x2048xf32>
    %argmax3A_100 = tpu.reduce_index %select_n3A_99 {axis = 1 : i32, kind = #tpu.reduction_kind<arg_max>} : vector<256x2048xf32> -> vector<256xi32>
    %broadcast_in_dim3A_101 = vector.shape_cast %argmax3A_100 : vector<256xi32> to vector<256x1xi32>
    %eq3A_102 = vector.broadcast %broadcast_in_dim3A_101 : vector<256x1xi32> to vector<256x2048xi32>
    %eq3A_103 = arith.cmpi eq, %iota3A, %eq3A_102 : vector<256x2048xi32>
    %jit3A_104 = arith.constant 0xFF800000 : f32
    %broadcast_in_dim3A_105 = vector.broadcast %jit3A_104 : f32 to vector<256x2048xf32>
    %select_n3A_106 = arith.select %eq3A_103, %broadcast_in_dim3A_105, %select_n3A_99 : vector<256x2048xi1>, vector<256x2048xf32>
    %argmax3A_107 = tpu.reduce_index %select_n3A_106 {axis = 1 : i32, kind = #tpu.reduction_kind<arg_max>} : vector<256x2048xf32> -> vector<256xi32>
    %broadcast_in_dim3A_108 = vector.shape_cast %argmax3A_107 : vector<256xi32> to vector<256x1xi32>
    %eq3A_109 = vector.broadcast %broadcast_in_dim3A_108 : vector<256x1xi32> to vector<256x2048xi32>
    %eq3A_110 = arith.cmpi eq, %iota3A, %eq3A_109 : vector<256x2048xi32>
    %jit3A_111 = arith.constant 0xFF800000 : f32
    %broadcast_in_dim3A_112 = vector.broadcast %jit3A_111 : f32 to vector<256x2048xf32>
    %select_n3A_113 = arith.select %eq3A_110, %broadcast_in_dim3A_112, %select_n3A_106 : vector<256x2048xi1>, vector<256x2048xf32>
    %argmax3A_114 = tpu.reduce_index %select_n3A_113 {axis = 1 : i32, kind = #tpu.reduction_kind<arg_max>} : vector<256x2048xf32> -> vector<256xi32>
    %broadcast_in_dim3A_115 = vector.shape_cast %argmax3A_114 : vector<256xi32> to vector<256x1xi32>
    %eq3A_116 = vector.broadcast %broadcast_in_dim3A_115 : vector<256x1xi32> to vector<256x2048xi32>
    %eq3A_117 = arith.cmpi eq, %iota3A, %eq3A_116 : vector<256x2048xi32>
    %jit3A_118 = arith.constant 0xFF800000 : f32
    %broadcast_in_dim3A_119 = vector.broadcast %jit3A_118 : f32 to vector<256x2048xf32>
    %select_n3A_120 = arith.select %eq3A_117, %broadcast_in_dim3A_119, %select_n3A_113 : vector<256x2048xi1>, vector<256x2048xf32>
    %argmax3A_121 = tpu.reduce_index %select_n3A_120 {axis = 1 : i32, kind = #tpu.reduction_kind<arg_max>} : vector<256x2048xf32> -> vector<256xi32>
    %broadcast_in_dim3A_122 = vector.shape_cast %argmax3A_121 : vector<256xi32> to vector<256x1xi32>
    %eq3A_123 = vector.broadcast %broadcast_in_dim3A_122 : vector<256x1xi32> to vector<256x2048xi32>
    %eq3A_124 = arith.cmpi eq, %iota3A, %eq3A_123 : vector<256x2048xi32>
    %jit3A_125 = arith.constant 0xFF800000 : f32
    %broadcast_in_dim3A_126 = vector.broadcast %jit3A_125 : f32 to vector<256x2048xf32>
    %select_n3A_127 = arith.select %eq3A_124, %broadcast_in_dim3A_126, %select_n3A_120 : vector<256x2048xi1>, vector<256x2048xf32>
    %argmax3A_128 = tpu.reduce_index %select_n3A_127 {axis = 1 : i32, kind = #tpu.reduction_kind<arg_max>} : vector<256x2048xf32> -> vector<256xi32>
    %broadcast_in_dim3A_129 = vector.shape_cast %argmax3A_128 : vector<256xi32> to vector<256x1xi32>
    %eq3A_130 = vector.broadcast %broadcast_in_dim3A_129 : vector<256x1xi32> to vector<256x2048xi32>
    %eq3A_131 = arith.cmpi eq, %iota3A, %eq3A_130 : vector<256x2048xi32>
    %jit3A_132 = arith.constant 0xFF800000 : f32
    %broadcast_in_dim3A_133 = vector.broadcast %jit3A_132 : f32 to vector<256x2048xf32>
    %select_n3A_134 = arith.select %eq3A_131, %broadcast_in_dim3A_133, %select_n3A_127 : vector<256x2048xi1>, vector<256x2048xf32>
    %argmax3A_135 = tpu.reduce_index %select_n3A_134 {axis = 1 : i32, kind = #tpu.reduction_kind<arg_max>} : vector<256x2048xf32> -> vector<256xi32>
    %broadcast_in_dim3A_136 = vector.shape_cast %argmax3A_135 : vector<256xi32> to vector<256x1xi32>
    %eq3A_137 = vector.broadcast %broadcast_in_dim3A_136 : vector<256x1xi32> to vector<256x2048xi32>
    %eq3A_138 = arith.cmpi eq, %iota3A, %eq3A_137 : vector<256x2048xi32>
    %jit3A_139 = arith.constant 0xFF800000 : f32
    %broadcast_in_dim3A_140 = vector.broadcast %jit3A_139 : f32 to vector<256x2048xf32>
    %select_n3A_141 = arith.select %eq3A_138, %broadcast_in_dim3A_140, %select_n3A_134 : vector<256x2048xi1>, vector<256x2048xf32>
    %argmax3A_142 = tpu.reduce_index %select_n3A_141 {axis = 1 : i32, kind = #tpu.reduction_kind<arg_max>} : vector<256x2048xf32> -> vector<256xi32>
    %broadcast_in_dim3A_143 = vector.shape_cast %argmax3A_142 : vector<256xi32> to vector<256x1xi32>
    %eq3A_144 = vector.broadcast %broadcast_in_dim3A_143 : vector<256x1xi32> to vector<256x2048xi32>
    %eq3A_145 = arith.cmpi eq, %iota3A, %eq3A_144 : vector<256x2048xi32>
    %jit3A_146 = arith.constant 0xFF800000 : f32
    %broadcast_in_dim3A_147 = vector.broadcast %jit3A_146 : f32 to vector<256x2048xf32>
    %select_n3A_148 = arith.select %eq3A_145, %broadcast_in_dim3A_147, %select_n3A_141 : vector<256x2048xi1>, vector<256x2048xf32>
    %argmax3A_149 = tpu.reduce_index %select_n3A_148 {axis = 1 : i32, kind = #tpu.reduction_kind<arg_max>} : vector<256x2048xf32> -> vector<256xi32>
    %broadcast_in_dim3A_150 = vector.shape_cast %argmax3A_149 : vector<256xi32> to vector<256x1xi32>
    %eq3A_151 = vector.broadcast %broadcast_in_dim3A_150 : vector<256x1xi32> to vector<256x2048xi32>
    %eq3A_152 = arith.cmpi eq, %iota3A, %eq3A_151 : vector<256x2048xi32>
    %jit3A_153 = arith.constant 0xFF800000 : f32
    %broadcast_in_dim3A_154 = vector.broadcast %jit3A_153 : f32 to vector<256x2048xf32>
    %select_n3A_155 = arith.select %eq3A_152, %broadcast_in_dim3A_154, %select_n3A_148 : vector<256x2048xi1>, vector<256x2048xf32>
    %argmax3A_156 = tpu.reduce_index %select_n3A_155 {axis = 1 : i32, kind = #tpu.reduction_kind<arg_max>} : vector<256x2048xf32> -> vector<256xi32>
    %broadcast_in_dim3A_157 = vector.shape_cast %argmax3A_156 : vector<256xi32> to vector<256x1xi32>
    %concatenate3A = tpu.concatenate %broadcast_in_dim3A, %broadcast_in_dim3A_31, %broadcast_in_dim3A_38, %broadcast_in_dim3A_45, %broadcast_in_dim3A_52, %broadcast_in_dim3A_59, %broadcast_in_dim3A_66, %broadcast_in_dim3A_73, %broadcast_in_dim3A_80, %broadcast_in_dim3A_87, %broadcast_in_dim3A_94, %broadcast_in_dim3A_101, %broadcast_in_dim3A_108, %broadcast_in_dim3A_115, %broadcast_in_dim3A_122, %broadcast_in_dim3A_129, %broadcast_in_dim3A_136, %broadcast_in_dim3A_143, %broadcast_in_dim3A_150, %broadcast_in_dim3A_157 in 1 : vector<256x1xi32>, vector<256x1xi32>, vector<256x1xi32>, vector<256x1xi32>, vector<256x1xi32>, vector<256x1xi32>, vector<256x1xi32>, vector<256x1xi32>, vector<256x1xi32>, vector<256x1xi32>, vector<256x1xi32>, vector<256x1xi32>, vector<256x1xi32>, vector<256x1xi32>, vector<256x1xi32>, vector<256x1xi32>, vector<256x1xi32>, vector<256x1xi32>, vector<256x1xi32>, vector<256x1xi32> -> vector<256x20xi32>
    %mul3A_158 = arith.constant 2048 : i32
    %mul3A_159 = arith.muli %arg0, %mul3A_158 : i32
    %add3A = vector.broadcast %mul3A_159 : i32 to vector<256x20xi32>
    %add3A_160 = arith.addi %concatenate3A, %add3A : vector<256x20xi32>
    %swap3A = arith.constant 0 : index
    %swap3A_161 = arith.constant 0 : index
    %swap3A_162 = arith.constant 0 : index
    %swap3A_163 = vector.load %arg6[%swap3A, %swap3A_161, %swap3A_162] : memref<1x256x20xi32, #tpu.memory_space<vmem>>, vector<1x256x20xi32>
    %swap3A_164 = vector.shape_cast %swap3A_163 : vector<1x256x20xi32> to vector<256x20xi32>
    %swap3A_165 = vector.shape_cast %add3A_160 : vector<256x20xi32> to vector<1x256x20xi32>
    tpu.vector_store %arg6[%swap3A, %swap3A_161, %swap3A_162], %swap3A_165 {strides = array<i32>} : memref<1x256x20xi32, #tpu.memory_space<vmem>>, vector<1x256x20xi32>,
    return
  }
  func.func @transform_0(%arg0: i32, %arg1: i32) -> (i32, i32, i32) {
    %c0_i32 = arith.constant 0 : i32
    %c0_i32_0 = arith.constant 0 : i32
    return %arg0, %arg1, %c0_i32 : i32, i32, i32
  }
  func.func @transform_1(%arg0: i32, %arg1: i32) -> (i32, i32, i32) {
    %c0_i32 = arith.constant 0 : i32
    %c0_i32_0 = arith.constant 0 : i32
    %c0_i32_1 = arith.constant 0 : i32
    return %arg0, %c0_i32, %c0_i32_0 : i32, i32, i32
  }
  func.func @transform_2(%arg0: i32, %arg1: i32) -> (i32, i32, i32) {
    %c0_i32 = arith.constant 0 : i32
    %c0_i32_0 = arith.constant 0 : i32
    %c0_i32_1 = arith.constant 0 : i32
    return %arg0, %c0_i32, %c0_i32_0 : i32, i32, i32
  }
  func.func @transform_3(%arg0: i32, %arg1: i32) -> (i32, i32, i32) {
    %c0_i32 = arith.constant 0 : i32
    %c0_i32_0 = arith.constant 0 : i32
    return %arg0, %arg1, %c0_i32 : i32, i32, i32
  }
  func.func @transform_4(%arg0: i32, %arg1: i32) -> (i32, i32, i32) {
    %c0_i32 = arith.constant 0 : i32
    %c0_i32_0 = arith.constant 0 : i32
    return %arg0, %arg1, %c0_i32 : i32, i32, i32
  }
}

module attributes {stable_mosaic.version = 14 : i64} {
  func.func @kern(%arg0: i32, %arg1: i32, %arg2: memref<1024x128xf32, #tpu.memory_space<vmem>>, %arg3: memref<1024x128xf32, #tpu.memory_space<vmem>>, %arg4: memref<256x256xf32, #tpu.memory_space<vmem>>, %arg5: memref<1024x256xf32, #tpu.memory_space<vmem>>, %arg6: memref<8x256xf32, #tpu.memory_space<vmem>>, %arg7: memref<1024x256xf32, #tpu.memory_space<vmem>>, %arg8: memref<8x256xf32, #tpu.memory_space<vmem>>) attributes {dimension_semantics = [#tpu.dimension_semantics<arbitrary>, #tpu.dimension_semantics<arbitrary>], iteration_bounds = array<i64: 16, 20>, scalar_prefetch = 0 : i64, scratch_operands = 2 : i64, tpu.core_type = #tpu.core_type<tc>, window_params = [{transform_indices = @transform_0, window_bounds = array<i64: 1024, 128>}, {transform_indices = @transform_1, window_bounds = array<i64: 1024, 128>}, {pipeline_mode = #tpu.pipeline_mode<synchronous>, transform_indices = @transform_2, window_bounds = array<i64: 256, 256>}, {transform_indices = @transform_3, window_bounds = array<i64: 1024, 256>}, {pipeline_mode = #tpu.pipeline_mode<synchronous>, transform_indices = @transform_4, window_bounds = array<i64: 8, 256>}]} {
    %get3A = arith.constant 0 : index
    %get3A_0 = arith.constant 0 : index
    %get3A_1 = vector.load %arg3[%get3A, %get3A_0] : memref<1024x128xf32, #tpu.memory_space<vmem>>, vector<1024x128xf32>
    %get3A_2 = arith.constant 0 : index
    %get3A_3 = arith.constant 0 : index
    %get3A_4 = vector.load %arg2[%get3A_2, %get3A_3] : memref<1024x128xf32, #tpu.memory_space<vmem>>, vector<1024x128xf32>
    %sub3A = arith.subf %get3A_4, %get3A_1 : vector<1024x128xf32>
    %concatenate3A = tpu.concatenate %sub3A, %get3A_1 in 1 : vector<1024x128xf32>, vector<1024x128xf32> -> vector<1024x256xf32>
    %convert_element_type3A = arith.truncf %concatenate3A : vector<1024x256xf32> to vector<1024x256xbf16>
    %get3A_5 = arith.constant 0 : index
    %get3A_6 = arith.constant 0 : index
    %get3A_7 = vector.load %arg4[%get3A_5, %get3A_6] : memref<256x256xf32, #tpu.memory_space<vmem>>, vector<256x256xf32>
    %convert_element_type3A_8 = arith.truncf %get3A_7 : vector<256x256xf32> to vector<256x256xbf16>
    %dot_general3A = arith.constant dense<0.000000e+00> : vector<1024x256xf32>
    %dot_general3A_9 = tpu.matmul %convert_element_type3A, %convert_element_type3A_8, %dot_general3A {dimension_numbers = #tpu.dot_dimension_numbers<[1], [1], [0], [0], [0, 0, 1, 0], [], []>, transpose_lhs_hint = false} : vector<1024x256xbf16>, vector<256x256xbf16>, vector<1024x256xf32> -> vector<1024x256xf32>
    %eq3A = arith.constant 0 : i32
    %eq3A_10 = arith.cmpi eq, %arg1, %eq3A : i32
    %convert_element_type3A_11 = arith.extui %eq3A_10 : i1 to i32
    %cond3A = arith.constant 0 : i32
    %cond3A_12 = arith.cmpi ne, %convert_element_type3A_11, %cond3A : i32
    scf.if %cond3A_12 {
      %swap3A_90 = arith.constant 0 : index
      %swap3A_91 = arith.constant 0 : index
      %swap3A_92 = vector.load %arg7[%swap3A_90, %swap3A_91] : memref<1024x256xf32, #tpu.memory_space<vmem>>, vector<1024x256xf32>
      tpu.vector_store %arg7[%swap3A_90, %swap3A_91], %dot_general3A_9 {strides = array<i32>} : memref<1024x256xf32, #tpu.memory_space<vmem>>, vector<1024x256xf32>,
    } else {
    }
    %gt3A = arith.constant 0 : i32
    %gt3A_13 = arith.cmpi sgt, %arg1, %gt3A : i32
    %convert_element_type3A_14 = arith.extui %gt3A_13 : i1 to i32
    %cond3A_15 = arith.constant 0 : i32
    %cond3A_16 = arith.cmpi ne, %convert_element_type3A_14, %cond3A_15 : i32
    scf.if %cond3A_16 {
      %get3A_90 = arith.constant 0 : index
      %get3A_91 = arith.constant 0 : index
      %get3A_92 = vector.load %arg7[%get3A_90, %get3A_91] : memref<1024x256xf32, #tpu.memory_space<vmem>>, vector<1024x256xf32>
      %max3A = arith.maximumf %get3A_92, %dot_general3A_9 : vector<1024x256xf32>
      %swap3A_93 = arith.constant 0 : index
      %swap3A_94 = arith.constant 0 : index
      %swap3A_95 = vector.load %arg7[%swap3A_93, %swap3A_94] : memref<1024x256xf32, #tpu.memory_space<vmem>>, vector<1024x256xf32>
      tpu.vector_store %arg7[%swap3A_93, %swap3A_94], %max3A {strides = array<i32>} : memref<1024x256xf32, #tpu.memory_space<vmem>>, vector<1024x256xf32>,
    } else {
    }
    %eq3A_17 = arith.constant 0 : i32
    %eq3A_18 = arith.cmpi eq, %arg0, %eq3A_17 : i32
    %eq3A_19 = arith.constant 0 : i32
    %eq3A_20 = arith.cmpi eq, %arg1, %eq3A_19 : i32
    %and3A = arith.andi %eq3A_18, %eq3A_20 : i1
    %convert_element_type3A_21 = arith.extui %and3A : i1 to i32
    %cond3A_22 = arith.constant 0 : i32
    %cond3A_23 = arith.cmpi ne, %convert_element_type3A_21, %cond3A_22 : i32
    scf.if %cond3A_23 {
      %broadcast_in_dim3A = arith.constant 0.000000e+00 : f32
      %broadcast_in_dim3A_90 = vector.broadcast %broadcast_in_dim3A : f32 to vector<8x256xf32>
      %swap3A_91 = arith.constant 0 : index
      %swap3A_92 = arith.constant 0 : index
      %swap3A_93 = vector.load %arg8[%swap3A_91, %swap3A_92] : memref<8x256xf32, #tpu.memory_space<vmem>>, vector<8x256xf32>
      tpu.vector_store %arg8[%swap3A_91, %swap3A_92], %broadcast_in_dim3A_90 {strides = array<i32>} : memref<8x256xf32, #tpu.memory_space<vmem>>, vector<8x256xf32>,
    } else {
    }
    %reduce_sum3A = arith.constant dense<0.000000e+00> : vector<256xf32>
    %reduce_sum3A_24 = vector.multi_reduction <add>, %dot_general3A_9, %reduce_sum3A [0] : vector<1024x256xf32> to vector<256xf32>
    %mul3A = arith.mulf %dot_general3A_9, %dot_general3A_9 : vector<1024x256xf32>
    %reduce_sum3A_25 = arith.constant dense<0.000000e+00> : vector<256xf32>
    %reduce_sum3A_26 = vector.multi_reduction <add>, %mul3A, %reduce_sum3A_25 [0] : vector<1024x256xf32> to vector<256xf32>
    %get3A_27 = arith.constant 2 : index
    %get3A_28 = arith.constant 0 : index
    %get3A_29 = vector.load %arg8[%get3A_27, %get3A_28] : memref<8x256xf32, #tpu.memory_space<vmem>>, vector<1x256xf32>
    %get3A_30 = vector.shape_cast %get3A_29 : vector<1x256xf32> to vector<256xf32>
    %sub3A_31 = arith.subf %reduce_sum3A_24, %get3A_30 : vector<256xf32>
    %get3A_32 = arith.constant 0 : index
    %get3A_33 = arith.constant 0 : index
    %get3A_34 = vector.load %arg8[%get3A_32, %get3A_33] : memref<8x256xf32, #tpu.memory_space<vmem>>, vector<1x256xf32>
    %get3A_35 = vector.shape_cast %get3A_34 : vector<1x256xf32> to vector<256xf32>
    %add3A = arith.addf %get3A_35, %sub3A_31 : vector<256xf32>
    %get3A_36 = arith.constant 0 : index
    %get3A_37 = arith.constant 0 : index
    %get3A_38 = vector.load %arg8[%get3A_36, %get3A_37] : memref<8x256xf32, #tpu.memory_space<vmem>>, vector<1x256xf32>
    %get3A_39 = vector.shape_cast %get3A_38 : vector<1x256xf32> to vector<256xf32>
    %sub3A_40 = arith.subf %add3A, %get3A_39 : vector<256xf32>
    %sub3A_41 = arith.subf %sub3A_40, %sub3A_31 : vector<256xf32>
    %swap3A = arith.constant 2 : index
    %swap3A_42 = arith.constant 0 : index
    %swap3A_43 = vector.load %arg8[%swap3A, %swap3A_42] : memref<8x256xf32, #tpu.memory_space<vmem>>, vector<1x256xf32>
    %swap3A_44 = vector.shape_cast %swap3A_43 : vector<1x256xf32> to vector<256xf32>
    %swap3A_45 = vector.shape_cast %sub3A_41 : vector<256xf32> to vector<1x256xf32>
    tpu.vector_store %arg8[%swap3A, %swap3A_42], %swap3A_45 {strides = array<i32>} : memref<8x256xf32, #tpu.memory_space<vmem>>, vector<1x256xf32>,
    %swap3A_46 = arith.constant 0 : index
    %swap3A_47 = arith.constant 0 : index
    %swap3A_48 = vector.load %arg8[%swap3A_46, %swap3A_47] : memref<8x256xf32, #tpu.memory_space<vmem>>, vector<1x256xf32>
    %swap3A_49 = vector.shape_cast %swap3A_48 : vector<1x256xf32> to vector<256xf32>
    %swap3A_50 = vector.shape_cast %add3A : vector<256xf32> to vector<1x256xf32>
    tpu.vector_store %arg8[%swap3A_46, %swap3A_47], %swap3A_50 {strides = array<i32>} : memref<8x256xf32, #tpu.memory_space<vmem>>, vector<1x256xf32>,
    %get3A_51 = arith.constant 3 : index
    %get3A_52 = arith.constant 0 : index
    %get3A_53 = vector.load %arg8[%get3A_51, %get3A_52] : memref<8x256xf32, #tpu.memory_space<vmem>>, vector<1x256xf32>
    %get3A_54 = vector.shape_cast %get3A_53 : vector<1x256xf32> to vector<256xf32>
    %sub3A_55 = arith.subf %reduce_sum3A_26, %get3A_54 : vector<256xf32>
    %get3A_56 = arith.constant 1 : index
    %get3A_57 = arith.constant 0 : index
    %get3A_58 = vector.load %arg8[%get3A_56, %get3A_57] : memref<8x256xf32, #tpu.memory_space<vmem>>, vector<1x256xf32>
    %get3A_59 = vector.shape_cast %get3A_58 : vector<1x256xf32> to vector<256xf32>
    %add3A_60 = arith.addf %get3A_59, %sub3A_55 : vector<256xf32>
    %get3A_61 = arith.constant 1 : index
    %get3A_62 = arith.constant 0 : index
    %get3A_63 = vector.load %arg8[%get3A_61, %get3A_62] : memref<8x256xf32, #tpu.memory_space<vmem>>, vector<1x256xf32>
    %get3A_64 = vector.shape_cast %get3A_63 : vector<1x256xf32> to vector<256xf32>
    %sub3A_65 = arith.subf %add3A_60, %get3A_64 : vector<256xf32>
    %sub3A_66 = arith.subf %sub3A_65, %sub3A_55 : vector<256xf32>
    %swap3A_67 = arith.constant 3 : index
    %swap3A_68 = arith.constant 0 : index
    %swap3A_69 = vector.load %arg8[%swap3A_67, %swap3A_68] : memref<8x256xf32, #tpu.memory_space<vmem>>, vector<1x256xf32>
    %swap3A_70 = vector.shape_cast %swap3A_69 : vector<1x256xf32> to vector<256xf32>
    %swap3A_71 = vector.shape_cast %sub3A_66 : vector<256xf32> to vector<1x256xf32>
    tpu.vector_store %arg8[%swap3A_67, %swap3A_68], %swap3A_71 {strides = array<i32>} : memref<8x256xf32, #tpu.memory_space<vmem>>, vector<1x256xf32>,
    %swap3A_72 = arith.constant 1 : index
    %swap3A_73 = arith.constant 0 : index
    %swap3A_74 = vector.load %arg8[%swap3A_72, %swap3A_73] : memref<8x256xf32, #tpu.memory_space<vmem>>, vector<1x256xf32>
    %swap3A_75 = vector.shape_cast %swap3A_74 : vector<1x256xf32> to vector<256xf32>
    %swap3A_76 = vector.shape_cast %add3A_60 : vector<256xf32> to vector<1x256xf32>
    tpu.vector_store %arg8[%swap3A_72, %swap3A_73], %swap3A_76 {strides = array<i32>} : memref<8x256xf32, #tpu.memory_space<vmem>>, vector<1x256xf32>,
    %eq3A_77 = arith.constant 19 : i32
    %eq3A_78 = arith.cmpi eq, %arg1, %eq3A_77 : i32
    %convert_element_type3A_79 = arith.extui %eq3A_78 : i1 to i32
    %cond3A_80 = arith.constant 0 : i32
    %cond3A_81 = arith.cmpi ne, %convert_element_type3A_79, %cond3A_80 : i32
    scf.if %cond3A_81 {
      %get3A_90 = arith.constant 0 : index
      %get3A_91 = arith.constant 0 : index
      %get3A_92 = vector.load %arg7[%get3A_90, %get3A_91] : memref<1024x256xf32, #tpu.memory_space<vmem>>, vector<1024x256xf32>
      %swap3A_93 = arith.constant 0 : index
      %swap3A_94 = arith.constant 0 : index
      %swap3A_95 = vector.load %arg5[%swap3A_93, %swap3A_94] : memref<1024x256xf32, #tpu.memory_space<vmem>>, vector<1024x256xf32>
      tpu.vector_store %arg5[%swap3A_93, %swap3A_94], %get3A_92 {strides = array<i32>} : memref<1024x256xf32, #tpu.memory_space<vmem>>, vector<1024x256xf32>,
    } else {
    }
    %eq3A_82 = arith.constant 15 : i32
    %eq3A_83 = arith.cmpi eq, %arg0, %eq3A_82 : i32
    %eq3A_84 = arith.constant 19 : i32
    %eq3A_85 = arith.cmpi eq, %arg1, %eq3A_84 : i32
    %and3A_86 = arith.andi %eq3A_83, %eq3A_85 : i1
    %convert_element_type3A_87 = arith.extui %and3A_86 : i1 to i32
    %cond3A_88 = arith.constant 0 : i32
    %cond3A_89 = arith.cmpi ne, %convert_element_type3A_87, %cond3A_88 : i32
    scf.if %cond3A_89 {
      %get3A_90 = arith.constant 0 : index
      %get3A_91 = arith.constant 0 : index
      %get3A_92 = vector.load %arg8[%get3A_90, %get3A_91] : memref<8x256xf32, #tpu.memory_space<vmem>>, vector<1x256xf32>
      %get3A_93 = vector.shape_cast %get3A_92 : vector<1x256xf32> to vector<256xf32>
      %mul3A_94 = arith.constant 3.05175786E-6 : f32
      %mul3A_95 = vector.broadcast %mul3A_94 : f32 to vector<256xf32>
      %mul3A_96 = arith.mulf %get3A_93, %mul3A_95 : vector<256xf32>
      %get3A_97 = arith.constant 1 : index
      %get3A_98 = arith.constant 0 : index
      %get3A_99 = vector.load %arg8[%get3A_97, %get3A_98] : memref<8x256xf32, #tpu.memory_space<vmem>>, vector<1x256xf32>
      %get3A_100 = vector.shape_cast %get3A_99 : vector<1x256xf32> to vector<256xf32>
      %mul3A_101 = arith.constant 3.05175786E-6 : f32
      %mul3A_102 = vector.broadcast %mul3A_101 : f32 to vector<256xf32>
      %mul3A_103 = arith.mulf %get3A_100, %mul3A_102 : vector<256xf32>
      %mul3A_104 = arith.mulf %mul3A_96, %mul3A_96 : vector<256xf32>
      %sub3A_105 = arith.subf %mul3A_103, %mul3A_104 : vector<256xf32>
      %add3A_106 = arith.constant 9.99999974E-6 : f32
      %add3A_107 = vector.broadcast %add3A_106 : f32 to vector<256xf32>
      %add3A_108 = arith.addf %sub3A_105, %add3A_107 : vector<256xf32>
      %rsqrt3A = math.rsqrt %add3A_108 : vector<256xf32>
      %broadcast_in_dim3A = arith.constant 0.000000e+00 : f32
      %broadcast_in_dim3A_109 = vector.broadcast %broadcast_in_dim3A : f32 to vector<1x256xf32>
      %broadcast_in_dim3A_110 = vector.shape_cast %mul3A_96 : vector<256xf32> to vector<1x256xf32>
      %broadcast_in_dim3A_111 = vector.shape_cast %rsqrt3A : vector<256xf32> to vector<1x256xf32>
      %concatenate3A_112 = tpu.concatenate %broadcast_in_dim3A_110, %broadcast_in_dim3A_111, %broadcast_in_dim3A_109, %broadcast_in_dim3A_109, %broadcast_in_dim3A_109, %broadcast_in_dim3A_109, %broadcast_in_dim3A_109, %broadcast_in_dim3A_109 in 0 : vector<1x256xf32>, vector<1x256xf32>, vector<1x256xf32>, vector<1x256xf32>, vector<1x256xf32>, vector<1x256xf32>, vector<1x256xf32>, vector<1x256xf32> -> vector<8x256xf32>
      %swap3A_113 = arith.constant 0 : index
      %swap3A_114 = arith.constant 0 : index
      %swap3A_115 = vector.load %arg6[%swap3A_113, %swap3A_114] : memref<8x256xf32, #tpu.memory_space<vmem>>, vector<8x256xf32>
      tpu.vector_store %arg6[%swap3A_113, %swap3A_114], %concatenate3A_112 {strides = array<i32>} : memref<8x256xf32, #tpu.memory_space<vmem>>, vector<8x256xf32>,
    } else {
    }
    return
  }
  func.func @transform_0(%arg0: i32, %arg1: i32) -> (i32, i32) {
    %mul3A = arith.constant 16 : i32
    %mul3A_0 = arith.muli %arg1, %mul3A : i32
    %add3A = arith.addi %mul3A_0, %arg0 : i32
    %c0_i32 = arith.constant 0 : i32
    %c0_i32_1 = arith.constant 0 : i32
    return %add3A, %c0_i32 : i32, i32
  }
  func.func @transform_1(%arg0: i32, %arg1: i32) -> (i32, i32) {
    %c0_i32 = arith.constant 0 : i32
    %c0_i32_0 = arith.constant 0 : i32
    return %arg0, %c0_i32 : i32, i32
  }
  func.func @transform_2(%arg0: i32, %arg1: i32) -> (i32, i32) {
    %c0_i32 = arith.constant 0 : i32
    %c0_i32_0 = arith.constant 0 : i32
    %c0_i32_1 = arith.constant 0 : i32
    return %c0_i32, %c0_i32_0 : i32, i32
  }
  func.func @transform_3(%arg0: i32, %arg1: i32) -> (i32, i32) {
    %c0_i32 = arith.constant 0 : i32
    %c0_i32_0 = arith.constant 0 : i32
    return %arg0, %c0_i32 : i32, i32
  }
  func.func @transform_4(%arg0: i32, %arg1: i32) -> (i32, i32) {
    %c0_i32 = arith.constant 0 : i32
    %c0_i32_0 = arith.constant 0 : i32
    %c0_i32_1 = arith.constant 0 : i32
    return %c0_i32, %c0_i32_0 : i32, i32
  }
}

module attributes {stable_mosaic.version = 14 : i64} {
  func.func @kern(%arg0: i32, %arg1: memref<2048x256xf32, #tpu.memory_space<vmem>>, %arg2: memref<8x256xf32, #tpu.memory_space<vmem>>, %arg3: memref<1x256xf32, #tpu.memory_space<vmem>>, %arg4: memref<1x256xf32, #tpu.memory_space<vmem>>, %arg5: memref<2048x256xf32, #tpu.memory_space<vmem>>) attributes {dimension_semantics = [#tpu.dimension_semantics<arbitrary>], iteration_bounds = array<i64: 8>, scalar_prefetch = 0 : i64, scratch_operands = 0 : i64, tpu.core_type = #tpu.core_type<tc>, window_params = [{transform_indices = @transform_0, window_bounds = array<i64: 2048, 256>}, {pipeline_mode = #tpu.pipeline_mode<synchronous>, transform_indices = @transform_1, window_bounds = array<i64: 8, 256>}, {pipeline_mode = #tpu.pipeline_mode<synchronous>, transform_indices = @transform_2, window_bounds = array<i64: 1, 256>}, {pipeline_mode = #tpu.pipeline_mode<synchronous>, transform_indices = @transform_3, window_bounds = array<i64: 1, 256>}, {transform_indices = @transform_4, window_bounds = array<i64: 2048, 256>}]} {
    %get3A = arith.constant 0 : index
    %get3A_0 = arith.constant 0 : index
    %get3A_1 = vector.load %arg2[%get3A, %get3A_0] : memref<8x256xf32, #tpu.memory_space<vmem>>, vector<8x256xf32>
    %get3A_2 = arith.constant 0 : index
    %get3A_3 = arith.constant 0 : index
    %get3A_4 = vector.load %arg1[%get3A_2, %get3A_3] : memref<2048x256xf32, #tpu.memory_space<vmem>>, vector<2048x256xf32>
    %slice3A = vector.extract_strided_slice %get3A_1 {offsets = [0, 0], sizes = [1, 256], strides = [1, 1]} : vector<8x256xf32> to vector<1x256xf32>
    %sub3A = vector.broadcast %slice3A : vector<1x256xf32> to vector<2048x256xf32>
    %sub3A_5 = arith.subf %get3A_4, %sub3A : vector<2048x256xf32>
    %slice3A_6 = vector.extract_strided_slice %get3A_1 {offsets = [1, 0], sizes = [1, 256], strides = [1, 1]} : vector<8x256xf32> to vector<1x256xf32>
    %get3A_7 = arith.constant 0 : index
    %get3A_8 = arith.constant 0 : index
    %get3A_9 = vector.load %arg3[%get3A_7, %get3A_8] : memref<1x256xf32, #tpu.memory_space<vmem>>, vector<1x256xf32>
    %mul3A = arith.mulf %slice3A_6, %get3A_9 : vector<1x256xf32>
    %mul3A_10 = vector.broadcast %mul3A : vector<1x256xf32> to vector<2048x256xf32>
    %mul3A_11 = arith.mulf %sub3A_5, %mul3A_10 : vector<2048x256xf32>
    %get3A_12 = arith.constant 0 : index
    %get3A_13 = arith.constant 0 : index
    %get3A_14 = vector.load %arg4[%get3A_12, %get3A_13] : memref<1x256xf32, #tpu.memory_space<vmem>>, vector<1x256xf32>
    %add3A = vector.broadcast %get3A_14 : vector<1x256xf32> to vector<2048x256xf32>
    %add3A_15 = arith.addf %mul3A_11, %add3A : vector<2048x256xf32>
    %ge3A = arith.constant 0.000000e+00 : f32
    %ge3A_16 = vector.broadcast %ge3A : f32 to vector<2048x256xf32>
    %ge3A_17 = arith.cmpf oge, %add3A_15, %ge3A_16 : vector<2048x256xf32>
    %mul3A_18 = arith.constant 2.000000e-01 : f32
    %mul3A_19 = vector.broadcast %mul3A_18 : f32 to vector<2048x256xf32>
    %mul3A_20 = arith.mulf %mul3A_19, %add3A_15 : vector<2048x256xf32>
    %select_n3A = arith.select %ge3A_17, %add3A_15, %mul3A_20 : vector<2048x256xi1>, vector<2048x256xf32>
    %swap3A = arith.constant 0 : index
    %swap3A_21 = arith.constant 0 : index
    %swap3A_22 = vector.load %arg5[%swap3A, %swap3A_21] : memref<2048x256xf32, #tpu.memory_space<vmem>>, vector<2048x256xf32>
    tpu.vector_store %arg5[%swap3A, %swap3A_21], %select_n3A {strides = array<i32>} : memref<2048x256xf32, #tpu.memory_space<vmem>>, vector<2048x256xf32>,
    return
  }
  func.func @transform_0(%arg0: i32) -> (i32, i32) {
    %c0_i32 = arith.constant 0 : i32
    %c0_i32_0 = arith.constant 0 : i32
    return %arg0, %c0_i32 : i32, i32
  }
  func.func @transform_1(%arg0: i32) -> (i32, i32) {
    %c0_i32 = arith.constant 0 : i32
    %c0_i32_0 = arith.constant 0 : i32
    %c0_i32_1 = arith.constant 0 : i32
    return %c0_i32, %c0_i32_0 : i32, i32
  }
  func.func @transform_2(%arg0: i32) -> (i32, i32) {
    %c0_i32 = arith.constant 0 : i32
    %c0_i32_0 = arith.constant 0 : i32
    %c0_i32_1 = arith.constant 0 : i32
    return %c0_i32, %c0_i32_0 : i32, i32
  }
  func.func @transform_3(%arg0: i32) -> (i32, i32) {
    %c0_i32 = arith.constant 0 : i32
    %c0_i32_0 = arith.constant 0 : i32
    %c0_i32_1 = arith.constant 0 : i32
    return %c0_i32, %c0_i32_0 : i32, i32
  }
  func.func @transform_4(%arg0: i32) -> (i32, i32) {
    %c0_i32 = arith.constant 0 : i32
    %c0_i32_0 = arith.constant 0 : i32
    return %arg0, %c0_i32 : i32, i32
  }
}

module attributes {stable_mosaic.version = 14 : i64} {
  func.func @kern_mm(%arg0: i32, %arg1: memref<512x64xf32, #tpu.memory_space<vmem>>, %arg2: memref<512x64xf32, #tpu.memory_space<vmem>>, %arg3: memref<512x128xf32, #tpu.memory_space<vmem>>, %arg4: memref<512x256xf32, #tpu.memory_space<vmem>>, %arg5: memref<1024x512xf32, #tpu.memory_space<vmem>>, %arg6: memref<512x1024xf32, #tpu.memory_space<vmem>>, %arg7: memref<2x1024xf32, #tpu.memory_space<vmem>>, %arg8: memref<4x1024xf32, #tpu.memory_space<vmem>>) attributes {dimension_semantics = [#tpu.dimension_semantics<arbitrary>], iteration_bounds = array<i64: 32>, scalar_prefetch = 0 : i64, scratch_operands = 1 : i64, tpu.core_type = #tpu.core_type<tc>, window_params = [{transform_indices = @transform_0, window_bounds = array<i64: 512, 64>}, {transform_indices = @transform_1, window_bounds = array<i64: 512, 64>}, {transform_indices = @transform_2, window_bounds = array<i64: 512, 128>}, {transform_indices = @transform_3, window_bounds = array<i64: 512, 256>}, {pipeline_mode = #tpu.pipeline_mode<synchronous>, transform_indices = @transform_4, window_bounds = array<i64: 1024, 512>}, {transform_indices = @transform_5, window_bounds = array<i64: 512, 1024>}, {pipeline_mode = #tpu.pipeline_mode<synchronous>, transform_indices = @transform_6, window_bounds = array<i64: 2, 1024>}]} {
    %get3A = arith.constant 0 : index
    %get3A_0 = arith.constant 0 : index
    %get3A_1 = vector.load %arg1[%get3A, %get3A_0] : memref<512x64xf32, #tpu.memory_space<vmem>>, vector<512x64xf32>
    %get3A_2 = arith.constant 0 : index
    %get3A_3 = arith.constant 0 : index
    %get3A_4 = vector.load %arg2[%get3A_2, %get3A_3] : memref<512x64xf32, #tpu.memory_space<vmem>>, vector<512x64xf32>
    %get3A_5 = arith.constant 0 : index
    %get3A_6 = arith.constant 0 : index
    %get3A_7 = vector.load %arg3[%get3A_5, %get3A_6] : memref<512x128xf32, #tpu.memory_space<vmem>>, vector<512x128xf32>
    %get3A_8 = arith.constant 0 : index
    %get3A_9 = arith.constant 0 : index
    %get3A_10 = vector.load %arg4[%get3A_8, %get3A_9] : memref<512x256xf32, #tpu.memory_space<vmem>>, vector<512x256xf32>
    %concatenate3A = tpu.concatenate %get3A_1, %get3A_4, %get3A_7, %get3A_10 in 1 : vector<512x64xf32>, vector<512x64xf32>, vector<512x128xf32>, vector<512x256xf32> -> vector<512x512xf32>
    %convert_element_type3A = arith.truncf %concatenate3A : vector<512x512xf32> to vector<512x512xbf16>
    %get3A_11 = arith.constant 0 : index
    %get3A_12 = arith.constant 0 : index
    %get3A_13 = vector.load %arg5[%get3A_11, %get3A_12] : memref<1024x512xf32, #tpu.memory_space<vmem>>, vector<1024x512xf32>
    %convert_element_type3A_14 = arith.truncf %get3A_13 : vector<1024x512xf32> to vector<1024x512xbf16>
    %dot_general3A = arith.constant dense<0.000000e+00> : vector<512x1024xf32>
    %dot_general3A_15 = tpu.matmul %convert_element_type3A, %convert_element_type3A_14, %dot_general3A {dimension_numbers = #tpu.dot_dimension_numbers<[1], [1], [0], [0], [0, 0, 1, 0], [], []>, transpose_lhs_hint = false} : vector<512x512xbf16>, vector<1024x512xbf16>, vector<512x1024xf32> -> vector<512x1024xf32>
    %swap3A = arith.constant 0 : index
    %swap3A_16 = arith.constant 0 : index
    %swap3A_17 = vector.load %arg6[%swap3A, %swap3A_16] : memref<512x1024xf32, #tpu.memory_space<vmem>>, vector<512x1024xf32>
    tpu.vector_store %arg6[%swap3A, %swap3A_16], %dot_general3A_15 {strides = array<i32>} : memref<512x1024xf32, #tpu.memory_space<vmem>>, vector<512x1024xf32>,
    %eq3A = arith.constant 0 : i32
    %eq3A_18 = arith.cmpi eq, %arg0, %eq3A : i32
    %convert_element_type3A_19 = arith.extui %eq3A_18 : i1 to i32
    %cond3A = arith.constant 0 : i32
    %cond3A_20 = arith.cmpi ne, %convert_element_type3A_19, %cond3A : i32
    scf.if %cond3A_20 {
      %broadcast_in_dim3A = arith.constant 0.000000e+00 : f32
      %broadcast_in_dim3A_79 = vector.broadcast %broadcast_in_dim3A : f32 to vector<4x1024xf32>
      %swap3A_80 = arith.constant 0 : index
      %swap3A_81 = arith.constant 0 : index
      %swap3A_82 = vector.load %arg8[%swap3A_80, %swap3A_81] : memref<4x1024xf32, #tpu.memory_space<vmem>>, vector<4x1024xf32>
      tpu.vector_store %arg8[%swap3A_80, %swap3A_81], %broadcast_in_dim3A_79 {strides = array<i32>} : memref<4x1024xf32, #tpu.memory_space<vmem>>, vector<4x1024xf32>,
    } else {
    }
    %reduce_sum3A = arith.constant dense<0.000000e+00> : vector<1024xf32>
    %reduce_sum3A_21 = vector.multi_reduction <add>, %dot_general3A_15, %reduce_sum3A [0] : vector<512x1024xf32> to vector<1024xf32>
    %mul3A = arith.mulf %dot_general3A_15, %dot_general3A_15 : vector<512x1024xf32>
    %reduce_sum3A_22 = arith.constant dense<0.000000e+00> : vector<1024xf32>
    %reduce_sum3A_23 = vector.multi_reduction <add>, %mul3A, %reduce_sum3A_22 [0] : vector<512x1024xf32> to vector<1024xf32>
    %get3A_24 = arith.constant 2 : index
    %get3A_25 = arith.constant 0 : index
    %get3A_26 = vector.load %arg8[%get3A_24, %get3A_25] : memref<4x1024xf32, #tpu.memory_space<vmem>>, vector<1x1024xf32>
    %get3A_27 = vector.shape_cast %get3A_26 : vector<1x1024xf32> to vector<1024xf32>
    %sub3A = arith.subf %reduce_sum3A_21, %get3A_27 : vector<1024xf32>
    %get3A_28 = arith.constant 0 : index
    %get3A_29 = arith.constant 0 : index
    %get3A_30 = vector.load %arg8[%get3A_28, %get3A_29] : memref<4x1024xf32, #tpu.memory_space<vmem>>, vector<1x1024xf32>
    %get3A_31 = vector.shape_cast %get3A_30 : vector<1x1024xf32> to vector<1024xf32>
    %add3A = arith.addf %get3A_31, %sub3A : vector<1024xf32>
    %get3A_32 = arith.constant 0 : index
    %get3A_33 = arith.constant 0 : index
    %get3A_34 = vector.load %arg8[%get3A_32, %get3A_33] : memref<4x1024xf32, #tpu.memory_space<vmem>>, vector<1x1024xf32>
    %get3A_35 = vector.shape_cast %get3A_34 : vector<1x1024xf32> to vector<1024xf32>
    %sub3A_36 = arith.subf %add3A, %get3A_35 : vector<1024xf32>
    %sub3A_37 = arith.subf %sub3A_36, %sub3A : vector<1024xf32>
    %swap3A_38 = arith.constant 2 : index
    %swap3A_39 = arith.constant 0 : index
    %swap3A_40 = vector.load %arg8[%swap3A_38, %swap3A_39] : memref<4x1024xf32, #tpu.memory_space<vmem>>, vector<1x1024xf32>
    %swap3A_41 = vector.shape_cast %swap3A_40 : vector<1x1024xf32> to vector<1024xf32>
    %swap3A_42 = vector.shape_cast %sub3A_37 : vector<1024xf32> to vector<1x1024xf32>
    tpu.vector_store %arg8[%swap3A_38, %swap3A_39], %swap3A_42 {strides = array<i32>} : memref<4x1024xf32, #tpu.memory_space<vmem>>, vector<1x1024xf32>,
    %swap3A_43 = arith.constant 0 : index
    %swap3A_44 = arith.constant 0 : index
    %swap3A_45 = vector.load %arg8[%swap3A_43, %swap3A_44] : memref<4x1024xf32, #tpu.memory_space<vmem>>, vector<1x1024xf32>
    %swap3A_46 = vector.shape_cast %swap3A_45 : vector<1x1024xf32> to vector<1024xf32>
    %swap3A_47 = vector.shape_cast %add3A : vector<1024xf32> to vector<1x1024xf32>
    tpu.vector_store %arg8[%swap3A_43, %swap3A_44], %swap3A_47 {strides = array<i32>} : memref<4x1024xf32, #tpu.memory_space<vmem>>, vector<1x1024xf32>,
    %get3A_48 = arith.constant 3 : index
    %get3A_49 = arith.constant 0 : index
    %get3A_50 = vector.load %arg8[%get3A_48, %get3A_49] : memref<4x1024xf32, #tpu.memory_space<vmem>>, vector<1x1024xf32>
    %get3A_51 = vector.shape_cast %get3A_50 : vector<1x1024xf32> to vector<1024xf32>
    %sub3A_52 = arith.subf %reduce_sum3A_23, %get3A_51 : vector<1024xf32>
    %get3A_53 = arith.constant 1 : index
    %get3A_54 = arith.constant 0 : index
    %get3A_55 = vector.load %arg8[%get3A_53, %get3A_54] : memref<4x1024xf32, #tpu.memory_space<vmem>>, vector<1x1024xf32>
    %get3A_56 = vector.shape_cast %get3A_55 : vector<1x1024xf32> to vector<1024xf32>
    %add3A_57 = arith.addf %get3A_56, %sub3A_52 : vector<1024xf32>
    %get3A_58 = arith.constant 1 : index
    %get3A_59 = arith.constant 0 : index
    %get3A_60 = vector.load %arg8[%get3A_58, %get3A_59] : memref<4x1024xf32, #tpu.memory_space<vmem>>, vector<1x1024xf32>
    %get3A_61 = vector.shape_cast %get3A_60 : vector<1x1024xf32> to vector<1024xf32>
    %sub3A_62 = arith.subf %add3A_57, %get3A_61 : vector<1024xf32>
    %sub3A_63 = arith.subf %sub3A_62, %sub3A_52 : vector<1024xf32>
    %swap3A_64 = arith.constant 3 : index
    %swap3A_65 = arith.constant 0 : index
    %swap3A_66 = vector.load %arg8[%swap3A_64, %swap3A_65] : memref<4x1024xf32, #tpu.memory_space<vmem>>, vector<1x1024xf32>
    %swap3A_67 = vector.shape_cast %swap3A_66 : vector<1x1024xf32> to vector<1024xf32>
    %swap3A_68 = vector.shape_cast %sub3A_63 : vector<1024xf32> to vector<1x1024xf32>
    tpu.vector_store %arg8[%swap3A_64, %swap3A_65], %swap3A_68 {strides = array<i32>} : memref<4x1024xf32, #tpu.memory_space<vmem>>, vector<1x1024xf32>,
    %swap3A_69 = arith.constant 1 : index
    %swap3A_70 = arith.constant 0 : index
    %swap3A_71 = vector.load %arg8[%swap3A_69, %swap3A_70] : memref<4x1024xf32, #tpu.memory_space<vmem>>, vector<1x1024xf32>
    %swap3A_72 = vector.shape_cast %swap3A_71 : vector<1x1024xf32> to vector<1024xf32>
    %swap3A_73 = vector.shape_cast %add3A_57 : vector<1024xf32> to vector<1x1024xf32>
    tpu.vector_store %arg8[%swap3A_69, %swap3A_70], %swap3A_73 {strides = array<i32>} : memref<4x1024xf32, #tpu.memory_space<vmem>>, vector<1x1024xf32>,
    %eq3A_74 = arith.constant 31 : i32
    %eq3A_75 = arith.cmpi eq, %arg0, %eq3A_74 : i32
    %convert_element_type3A_76 = arith.extui %eq3A_75 : i1 to i32
    %cond3A_77 = arith.constant 0 : i32
    %cond3A_78 = arith.cmpi ne, %convert_element_type3A_76, %cond3A_77 : i32
    scf.if %cond3A_78 {
      %get3A_79 = arith.constant 0 : index
      %get3A_80 = arith.constant 0 : index
      %get3A_81 = vector.load %arg8[%get3A_79, %get3A_80] : memref<4x1024xf32, #tpu.memory_space<vmem>>, vector<1x1024xf32>
      %get3A_82 = vector.shape_cast %get3A_81 : vector<1x1024xf32> to vector<1024xf32>
      %mul3A_83 = arith.constant 6.10351563E-5 : f32
      %mul3A_84 = vector.broadcast %mul3A_83 : f32 to vector<1024xf32>
      %mul3A_85 = arith.mulf %get3A_82, %mul3A_84 : vector<1024xf32>
      %get3A_86 = arith.constant 1 : index
      %get3A_87 = arith.constant 0 : index
      %get3A_88 = vector.load %arg8[%get3A_86, %get3A_87] : memref<4x1024xf32, #tpu.memory_space<vmem>>, vector<1x1024xf32>
      %get3A_89 = vector.shape_cast %get3A_88 : vector<1x1024xf32> to vector<1024xf32>
      %mul3A_90 = arith.constant 6.10351563E-5 : f32
      %mul3A_91 = vector.broadcast %mul3A_90 : f32 to vector<1024xf32>
      %mul3A_92 = arith.mulf %get3A_89, %mul3A_91 : vector<1024xf32>
      %mul3A_93 = arith.mulf %mul3A_85, %mul3A_85 : vector<1024xf32>
      %sub3A_94 = arith.subf %mul3A_92, %mul3A_93 : vector<1024xf32>
      %broadcast_in_dim3A = vector.shape_cast %mul3A_85 : vector<1024xf32> to vector<1x1024xf32>
      %broadcast_in_dim3A_95 = vector.shape_cast %sub3A_94 : vector<1024xf32> to vector<1x1024xf32>
      %concatenate3A_96 = tpu.concatenate %broadcast_in_dim3A, %broadcast_in_dim3A_95 in 0 : vector<1x1024xf32>, vector<1x1024xf32> -> vector<2x1024xf32>
      %swap3A_97 = arith.constant 0 : index
      %swap3A_98 = arith.constant 0 : index
      %swap3A_99 = vector.load %arg7[%swap3A_97, %swap3A_98] : memref<2x1024xf32, #tpu.memory_space<vmem>>, vector<2x1024xf32>
      tpu.vector_store %arg7[%swap3A_97, %swap3A_98], %concatenate3A_96 {strides = array<i32>} : memref<2x1024xf32, #tpu.memory_space<vmem>>, vector<2x1024xf32>,
    } else {
    }
    return
  }
  func.func @transform_0(%arg0: i32) -> (i32, i32) {
    %c0_i32 = arith.constant 0 : i32
    %c0_i32_0 = arith.constant 0 : i32
    return %arg0, %c0_i32 : i32, i32
  }
  func.func @transform_1(%arg0: i32) -> (i32, i32) {
    %c0_i32 = arith.constant 0 : i32
    %c0_i32_0 = arith.constant 0 : i32
    return %arg0, %c0_i32 : i32, i32
  }
  func.func @transform_2(%arg0: i32) -> (i32, i32) {
    %c0_i32 = arith.constant 0 : i32
    %c0_i32_0 = arith.constant 0 : i32
    return %arg0, %c0_i32 : i32, i32
  }
  func.func @transform_3(%arg0: i32) -> (i32, i32) {
    %c0_i32 = arith.constant 0 : i32
    %c0_i32_0 = arith.constant 0 : i32
    return %arg0, %c0_i32 : i32, i32
  }
  func.func @transform_4(%arg0: i32) -> (i32, i32) {
    %c0_i32 = arith.constant 0 : i32
    %c0_i32_0 = arith.constant 0 : i32
    %c0_i32_1 = arith.constant 0 : i32
    return %c0_i32, %c0_i32_0 : i32, i32
  }
  func.func @transform_5(%arg0: i32) -> (i32, i32) {
    %c0_i32 = arith.constant 0 : i32
    %c0_i32_0 = arith.constant 0 : i32
    return %arg0, %c0_i32 : i32, i32
  }
  func.func @transform_6(%arg0: i32) -> (i32, i32) {
    %c0_i32 = arith.constant 0 : i32
    %c0_i32_0 = arith.constant 0 : i32
    %c0_i32_1 = arith.constant 0 : i32
    return %c0_i32, %c0_i32_0 : i32, i32
  }
}

module attributes {stable_mosaic.version = 14 : i64} {
  func.func @kern_pool(%arg0: i32, %arg1: memref<1x2048x1024xf32, #tpu.memory_space<vmem>>, %arg2: memref<2x1024xf32, #tpu.memory_space<vmem>>, %arg3: memref<1x1024xf32, #tpu.memory_space<vmem>>, %arg4: memref<1x1024xf32, #tpu.memory_space<vmem>>, %arg5: memref<8x2048xf32, #tpu.memory_space<vmem>>) attributes {dimension_semantics = [#tpu.dimension_semantics<arbitrary>], iteration_bounds = array<i64: 8>, scalar_prefetch = 0 : i64, scratch_operands = 0 : i64, tpu.core_type = #tpu.core_type<tc>, window_params = [{transform_indices = @transform_0, window_bounds = array<i64: 1, 2048, 1024>}, {pipeline_mode = #tpu.pipeline_mode<synchronous>, transform_indices = @transform_1, window_bounds = array<i64: 2, 1024>}, {pipeline_mode = #tpu.pipeline_mode<synchronous>, transform_indices = @transform_2, window_bounds = array<i64: 1, 1024>}, {pipeline_mode = #tpu.pipeline_mode<synchronous>, transform_indices = @transform_3, window_bounds = array<i64: 1, 1024>}, {pipeline_mode = #tpu.pipeline_mode<synchronous>, transform_indices = @transform_4, window_bounds = array<i64: 8, 2048>}]} {
    %get3A = arith.constant 0 : index
    %get3A_0 = arith.constant 0 : index
    %get3A_1 = arith.constant 0 : index
    %get3A_2 = vector.load %arg1[%get3A, %get3A_0, %get3A_1] : memref<1x2048x1024xf32, #tpu.memory_space<vmem>>, vector<1x2048x1024xf32>
    %get3A_3 = vector.shape_cast %get3A_2 : vector<1x2048x1024xf32> to vector<2048x1024xf32>
    %get3A_4 = arith.constant 0 : index
    %get3A_5 = arith.constant 0 : index
    %get3A_6 = vector.load %arg2[%get3A_4, %get3A_5] : memref<2x1024xf32, #tpu.memory_space<vmem>>, vector<2x1024xf32>
    %get3A_7 = arith.constant 0 : index
    %get3A_8 = arith.constant 0 : index
    %get3A_9 = vector.load %arg3[%get3A_7, %get3A_8] : memref<1x1024xf32, #tpu.memory_space<vmem>>, vector<1x1024xf32>
    %slice3A = vector.extract_strided_slice %get3A_6 {offsets = [1, 0], sizes = [1, 1024], strides = [1, 1]} : vector<2x1024xf32> to vector<1x1024xf32>
    %add3A = arith.constant 9.99999974E-6 : f32
    %add3A_10 = vector.broadcast %add3A : f32 to vector<1x1024xf32>
    %add3A_11 = arith.addf %slice3A, %add3A_10 : vector<1x1024xf32>
    %rsqrt3A = math.rsqrt %add3A_11 : vector<1x1024xf32>
    %mul3A = arith.mulf %get3A_9, %rsqrt3A : vector<1x1024xf32>
    %slice3A_12 = vector.extract_strided_slice %get3A_6 {offsets = [0, 0], sizes = [1, 1024], strides = [1, 1]} : vector<2x1024xf32> to vector<1x1024xf32>
    %sub3A = vector.broadcast %slice3A_12 : vector<1x1024xf32> to vector<2048x1024xf32>
    %sub3A_13 = arith.subf %get3A_3, %sub3A : vector<2048x1024xf32>
    %mul3A_14 = vector.broadcast %mul3A : vector<1x1024xf32> to vector<2048x1024xf32>
    %mul3A_15 = arith.mulf %sub3A_13, %mul3A_14 : vector<2048x1024xf32>
    %get3A_16 = arith.constant 0 : index
    %get3A_17 = arith.constant 0 : index
    %get3A_18 = vector.load %arg4[%get3A_16, %get3A_17] : memref<1x1024xf32, #tpu.memory_space<vmem>>, vector<1x1024xf32>
    %add3A_19 = vector.broadcast %get3A_18 : vector<1x1024xf32> to vector<2048x1024xf32>
    %add3A_20 = arith.addf %mul3A_15, %add3A_19 : vector<2048x1024xf32>
    %ge3A = arith.constant 0.000000e+00 : f32
    %ge3A_21 = vector.broadcast %ge3A : f32 to vector<2048x1024xf32>
    %ge3A_22 = arith.cmpf oge, %add3A_20, %ge3A_21 : vector<2048x1024xf32>
    %mul3A_23 = arith.constant 2.000000e-01 : f32
    %mul3A_24 = vector.broadcast %mul3A_23 : f32 to vector<2048x1024xf32>
    %mul3A_25 = arith.mulf %mul3A_24, %add3A_20 : vector<2048x1024xf32>
    %select_n3A = arith.select %ge3A_22, %add3A_20, %mul3A_25 : vector<2048x1024xi1>, vector<2048x1024xf32>
    %reduce_max3A = arith.constant dense<0xFF800000> : vector<1024xf32>
    %reduce_max3A_26 = vector.multi_reduction <maximumf>, %select_n3A, %reduce_max3A [0] : vector<2048x1024xf32> to vector<1024xf32>
    %broadcast_in_dim3A = vector.shape_cast %reduce_max3A_26 : vector<1024xf32> to vector<1x1024xf32>
    %reduce_sum3A = arith.constant dense<0.000000e+00> : vector<1024xf32>
    %reduce_sum3A_27 = vector.multi_reduction <add>, %select_n3A, %reduce_sum3A [0] : vector<2048x1024xf32> to vector<1024xf32>
    %broadcast_in_dim3A_28 = vector.shape_cast %reduce_sum3A_27 : vector<1024xf32> to vector<1x1024xf32>
    %mul3A_29 = arith.constant 4.8828125E-4 : f32
    %mul3A_30 = vector.broadcast %mul3A_29 : f32 to vector<1x1024xf32>
    %mul3A_31 = arith.mulf %broadcast_in_dim3A_28, %mul3A_30 : vector<1x1024xf32>
    %swap3A = arith.index_cast %arg0 : i32 to index
    %swap3A_32 = arith.constant 0 : index
    %swap3A_33 = vector.load %arg5[%swap3A, %swap3A_32] : memref<8x2048xf32, #tpu.memory_space<vmem>>, vector<1x1024xf32>
    tpu.vector_store %arg5[%swap3A, %swap3A_32], %broadcast_in_dim3A {strides = array<i32>} : memref<8x2048xf32, #tpu.memory_space<vmem>>, vector<1x1024xf32>,
    %swap3A_34 = arith.index_cast %arg0 : i32 to index
    %swap3A_35 = arith.constant 1024 : index
    %swap3A_36 = vector.load %arg5[%swap3A_34, %swap3A_35] : memref<8x2048xf32, #tpu.memory_space<vmem>>, vector<1x1024xf32>
    tpu.vector_store %arg5[%swap3A_34, %swap3A_35], %mul3A_31 {strides = array<i32>} : memref<8x2048xf32, #tpu.memory_space<vmem>>, vector<1x1024xf32>,
    return
  }
  func.func @transform_0(%arg0: i32) -> (i32, i32, i32) {
    %c0_i32 = arith.constant 0 : i32
    %c0_i32_0 = arith.constant 0 : i32
    %c0_i32_1 = arith.constant 0 : i32
    return %arg0, %c0_i32, %c0_i32_0 : i32, i32, i32
  }
  func.func @transform_1(%arg0: i32) -> (i32, i32) {
    %c0_i32 = arith.constant 0 : i32
    %c0_i32_0 = arith.constant 0 : i32
    %c0_i32_1 = arith.constant 0 : i32
    return %c0_i32, %c0_i32_0 : i32, i32
  }
  func.func @transform_2(%arg0: i32) -> (i32, i32) {
    %c0_i32 = arith.constant 0 : i32
    %c0_i32_0 = arith.constant 0 : i32
    %c0_i32_1 = arith.constant 0 : i32
    return %c0_i32, %c0_i32_0 : i32, i32
  }
  func.func @transform_3(%arg0: i32) -> (i32, i32) {
    %c0_i32 = arith.constant 0 : i32
    %c0_i32_0 = arith.constant 0 : i32
    %c0_i32_1 = arith.constant 0 : i32
    return %c0_i32, %c0_i32_0 : i32, i32
  }
  func.func @transform_4(%arg0: i32) -> (i32, i32) {
    %c0_i32 = arith.constant 0 : i32
    %c0_i32_0 = arith.constant 0 : i32
    %c0_i32_1 = arith.constant 0 : i32
    return %c0_i32, %c0_i32_0 : i32, i32
  }
}

</mosaic_0001>

<sc_bundles>
// kernel: kernel.20.cloned.1.call-start
scs
__scs_entry_jumppad:
0x0: {  	(pc) =	sbr.rel $0x88, $3  }
0x1: {  	(tag) =	ssettag $0x0;
	lr =	simm.s32 $0x1  }
0x2: {  	[smem:$0x3F91] =	sst lr;
	_ =	strace $0xD0000000  }
0x3: {  	_ = 	snop  }
0x4: {  	_ = 	snop  }
0x5: {  	_ = 	snop  }
0x6: {  	_ = 	snop  }
0x7: {  	_ = 	snop  }
__scs_overlays_trampoline_lowered:
0x8: {  	[smem:$0x3FA0] =	sst s0  }
0x9: {  	[smem:$0x3FA1] =	sst s1  }
0xa: {  	[smem:$0x3FA2] =	sst s2  }
0xb: {  	[smem:$0x3FA3] =	sst s3  }
0xc: {  	[smem:$0x3FA4] =	sst s4  }
0xd: {  	[smem:$0x3FA5] =	sst s5  }
0xe: {  	[smem:$0x3FA6] =	sst s6  }
0xf: {  	[smem:$0x3FA7] =	sst s7  }
0x10: {  	[smem:$0x3FA8] =	sst s8  }
0x11: {  	[smem:$0x3FA9] =	sst s9;
	s0 =	simm.s32 @!p0 $0x0  }
0x12: {  	s1 =	sld [smem:$0x3F8F];
	s0 =	simm.s32 @p0 $0x1  }
0x13: {  	[smem:$0x3FAA] =	sst s0;
	s0 =	simm.s32 @!p1 $0x0  }
0x14: {  	s2 =	sld [smem:$0x3F8E];
	s0 =	simm.s32 @p1 $0x1  }
0x15: {  	[smem:$0x3FAB] =	sst s0;
	s0 =	simm.s32 @!p2 $0x0  }
0x16: {  	s3 =	sld [smem:$0x3FDB];
	s0 =	simm.s32 @p2 $0x1  }
0x17: {  	s4 =	simm.s32 $0x1BF5;
	[smem:$0x3FAD] =	sst s0  }
0x18: {  	s0 =	sld [smem:$0x3F90];
	_ =	swait.ge [sflag:s4], $0x0  }
0x19: {  	s7 =	sld [smem:$0x3F91]  }
0x1a: {  	s8 =	sadd.s32 $0xFFFFE003, lr  }
0x1b: {  	s9 =	sadd.s32 $0xFFFFFEF7, lr;
	s5 =	simm.s32 $0xFFFFFFFF;
	p2 =	slt.u32 s8, $0xFFFFF086  }
0x1c: {  	p1 =	slt.u32 s9, $0xF7A;
	s5 =	simm.s32 @!p2 $0x0  }
0x1d: {  	s5 =	simm.s32 @p1 $0x1;
	p0 =	seq.s32 s7, s2  }
0x1e: {  	s7 =	smul.u32 @!p0 $0xF7A, s2;
	p2 =	seq.s32 @!p0 s5, $0x0  }
0x1f: {  	s9 =	smul.u32 $0xF7A, s1;
	s8 =	simm.s32 @!p0 $0x1BF5;
	p2 =	por !p2, p0  }
0x20: {  	[sflag:s8] =	ssyncset.s32 @!p0 $0xFFFFF086;
	s6 =	sadd.s32 @!p0 s3, s7;
	s7 =	simm.s32 @!p0 $0x108  }
0x21: {  	s3 =	sadd.s32 s3, s9;
	s6 =	sadd.s32 @!p0 $0x88, s6;
	s7 =	simm.s32 @p2 $0x1082  }
0x22: {  	[simem:s7], [sflag:s8] =	dma.local @!p0 [hbm:s6], $0xF7A  }
0x23: {  	s9 =	sor.u32 $0xD0000000, s2;
	s6 =	simm.s32 $0x108;
	_ =	swait.ge @!p0 [sflag:s8], $0x0  }
0x24: {  	s3 =	sadd.s32 $0x88, s3;
	s6 =	simm.s32 @!p1 $0x1082;
	[sflag:s4] =	ssyncset.s32 $0xFFFFF086  }
0x25: {  	[simem:s6], [sflag:s4] =	dma.local [hbm:s3], $0xF7A  }
0x26: {  	[smem:$0x3F91] =	sst s1;
	(tag) =	ssettag s2;
	_ =	strace s9  }
0x27: {  	s1 =	sld [smem:$0x3FA1]  }
0x28: {  	s2 =	sld [smem:$0x3FA2]  }
0x29: {  	s4 =	sld [smem:$0x3FA4]  }
0x2a: {  	p0 =	seq.s32 s5, $0x0;
	s5 =	sld [smem:$0x3FA5]  }
0x2b: {  	s6 =	sld [smem:$0x3FA6]  }
0x2c: {  	s7 =	sld [smem:$0x3FA7]  }
0x2d: {  	s3 =	simm.s32 $0x108;
	s8 =	sld [smem:$0x3FA8]  }
0x2e: {  	s3 =	simm.s32 @!p0 $0x1082;
	s9 =	sld [smem:$0x3FA9]  }
0x2f: {  	lr =	sadd.s32 s0, s3;
	s0 =	sld [smem:$0x3FA0]  }
0x30: {  	s3 =	sld [smem:$0x3FA3]  }
0x31: {  	[smem:$0x3FAC] =	sst s10  }
0x32: {  	s10 =	sld [smem:$0x3FAA];
	_ =	sdelay $0x3  }
0x33: {  	p0 =	seq.s32 s10, $0x1;
	s10 =	sld [smem:$0x3FAC];
	_ =	sdelay $0x3  }
0x34: {  	[smem:$0x3FAC] =	sst s10  }
0x35: {  	s10 =	sld [smem:$0x3FAB];
	_ =	sdelay $0x3  }
0x36: {  	p1 =	seq.s32 s10, $0x1;
	s10 =	sld [smem:$0x3FAC];
	_ =	sdelay $0x3  }
0x37: {  	[smem:$0x3FAC] =	sst s10  }
0x38: {  	s10 =	sld [smem:$0x3FAD]  }
0x39: {  	_ = 	snop;
	(pc) =	sbr.ind lr, $3  }
0x3a: {  	_ = 	snop  }
0x3b: {  	_ = 	snop  }
0x3c: {  	p2 =	seq.s32 s10, $0x1;
	s10 =	sld [smem:$0x3FAC]  }
0x3d: {  	_ =	shalt  }
0x3e: {  	_ =	shalt  }
0x3f: {  	_ =	shalt  }
0x40: {  	_ =	shalt  }
0x41: {  	_ =	shalt  }
0x42: {  	_ =	shalt  }
0x43: {  	_ =	shalt  }
0x44: {  	_ =	shalt  }
0x45: {  	_ =	shalt  }
0x46: {  	_ =	shalt  }
0x47: {  	_ =	shalt  }
0x48: {  	_ =	shalt  }
0x49: {  	_ =	shalt  }
0x4a: {  	_ =	shalt  }
0x4b: {  	_ =	shalt  }
0x4c: {  	_ =	shalt  }
0x4d: {  	_ =	shalt  }
0x4e: {  	_ =	shalt  }
0x4f: {  	_ =	shalt  }
0x50: {  	_ =	shalt  }
0x51: {  	_ =	shalt  }
0x52: {  	_ =	shalt  }
0x53: {  	_ =	shalt  }
0x54: {  	_ =	shalt  }
0x55: {  	_ =	shalt  }
0x56: {  	_ =	shalt  }
0x57: {  	_ =	shalt  }
0x58: {  	_ =	shalt  }
0x59: {  	_ =	shalt  }
0x5a: {  	_ =	shalt  }
0x5b: {  	_ =	shalt  }
0x5c: {  	_ =	shalt  }
0x5d: {  	_ =	shalt  }
0x5e: {  	_ =	shalt  }
0x5f: {  	_ =	shalt  }
0x60: {  	_ =	shalt  }
0x61: {  	_ =	shalt  }
0x62: {  	_ =	shalt  }
0x63: {  	_ =	shalt  }
0x64: {  	_ =	shalt  }
0x65: {  	_ =	shalt  }
0x66: {  	_ =	shalt  }
0x67: {  	_ =	shalt  }
0x68: {  	_ =	shalt  }
0x69: {  	_ =	shalt  }
0x6a: {  	_ =	shalt  }
0x6b: {  	_ =	shalt  }
0x6c: {  	_ =	shalt  }
0x6d: {  	_ =	shalt  }
0x6e: {  	_ =	shalt  }
0x6f: {  	_ =	shalt  }
0x70: {  	_ =	shalt  }
0x71: {  	_ =	shalt  }
0x72: {  	_ =	shalt  }
0x73: {  	_ =	shalt  }
0x74: {  	_ =	shalt  }
0x75: {  	_ =	shalt  }
0x76: {  	_ =	shalt  }
0x77: {  	_ =	shalt  }
0x78: {  	_ =	shalt  }
0x79: {  	_ =	shalt  }
0x7a: {  	_ =	shalt  }
0x7b: {  	_ =	shalt  }
0x7c: {  	_ =	shalt  }
0x7d: {  	_ =	shalt  }
0x7e: {  	_ =	shalt  }
0x7f: {  	_ =	shalt  }
0x80: {  	_ =	shalt  }
0x81: {  	_ =	shalt  }
0x82: {  	_ =	shalt  }
0x83: {  	_ =	shalt  }
0x84: {  	_ =	shalt  }
0x85: {  	_ =	shalt  }
0x86: {  	_ =	shalt  }
0x87: {  	_ =	shalt  }
.Lfunc_end0:
.L_simem_size_0:
called_computation_lowered:
.L_overlay_start_0:
0x88: {  	s2 =	sld [smem:$0x3FD9]  }
0x89: {  	s3 =	sld [smem:$0x3FFE];
	_ =	sdelay $0x1  }
0x8a: {  	s1 =	srdreg.scid  }
0x8b: {  	s0 =	sand.u32 $0x1, s1  }
0x8c: {  	s16 =	sshll.u32 s0, $0xA;
	s2 =	sadd.s32 s3, s2  }
0x8d: {  	s2 =	sadd.s32 s2, s16  }
0x8e: {  	[smem:$0x3FB8] =	sst s2  }
0x8f: {  	_ = 	snop  }
0x90: {  	(tm) =	ssettm $0x1  }
0x91: {  	s17 =	sld [smem:$0x3FFB];
	_ =	sdelay $0x3  }
0x92: {  	_ =	strace s17  }
0x93: {  	s2 =	sld [smem:$0x3FFC];
	_ =	sdelay $0x3  }
0x94: {  	_ =	strace s2  }
0x95: {  	s2 =	sld [smem:$0x3FFD];
	_ =	sdelay $0x3  }
0x96: {  	_ =	strace s2  }
0x97: {  	_ =	strace $0x8FFFFFFF  }
0x98: {  	s18 =	sld [smem:$0x3FDB];
	_ =	sdelay $0x1  }
0x99: {  	s19 =	simm.s32 $_scs_section_size  }
0x9a: {  	s4 =	simm.s32 $_size__tile_overlayer_lowered;
	s5 =	simm.s32 $_tile_overlayer_lowered  }
0x9b: {  	s22 =	simm.s32 $0x1BFF;
	s21 =	sshll.u32 s5, $0x1;
	s2 =	sadd.s32 s19, s18  }
0x9c: {  	s6 =	simm.s32 $0x0;
	s20 =	sshll.u32 s4, $0x1;
	s4 =	sadd.s32 s21, s2  }
0x9d: {  	[timem:s6], [sflag:s22] =	dma.local [hbm:s4], s20  }
0x9e: {  	_ =	swait.ge [sflag:s22], s20  }
0x9f: {  	s3 =	ssub.s32 $0x0, s20;
	[sflag:s22] =	ssyncset.done $0x0  }
0xa0: {  	[sflag:s22] =	ssyncadd.s32 s3;
	_ =	sdelay $0x1  }
0xa1: {  	s23 =	simm.s32 $0x1B8B  }
0xa2: {  	_ =	swait.ge [sflag:s23], $0x1  }
0xa3: {  	[sflag:s23] =	ssyncset.done $0x0  }
0xa4: {  	s25 =	simm.s32 $0x1B8E;
	s24 =	sld [smem:$0x3FFE];
	[sflag:s23] =	ssyncadd.s32 $0xFFFFFFFF  }
0xa5: {  	s26 =	simm.s32 $execute0_lowered;
	[smem:$0x3FD2] =	sst s25  }
0xa6: {  	s4 =	sshll.u32 s26, $0x1;
	_ =	strace $0x80000046;
	[dreg:$0x1] =	wrdreg $0xFFFFFFFF  }
0xa7: {  	s28 =	simm.s32 $_size_execute0_lowered;
	s2 =	sadd.s32 s2, s4;
	[dreg:$0x0] =	wrdreg $0x0  }
0xa8: {  	s4 =	sshll.u32 s28, $0x1;
	[dreg:$0x2] =	wrdreg s2  }
0xa9: {  	[dreg:$0x3] =	wrdreg s4  }
0xaa: {  	[dreg:$0x4] =	wrdreg $0xC0  }
0xab: {  	_ =	task [dreg:s6], $0x5FFFF  }
0xac: {  	[dreg:$0x1] =	wrdreg $0xFFFFFFFF  }
0xad: {  	[dreg:$0x0] =	wrdreg $0x60  }
0xae: {  	[dreg:$0x2] =	wrdreg s24  }
0xaf: {  	[dreg:$0x3] =	wrdreg $0x9  }
0xb0: {  	_ =	task.clear_ibuf [dreg:s6], $0x4FFFF;
	_ =	strace $0x90000046  }
0xb1: {  	s29 =	simm.s32 $0x9;
	_ =	strace $0x80000048  }
0xb2: {  	_ =	swait.ge [sflag:s29], $0x1  }
0xb3: {  	[sflag:s29] =	ssyncadd.s32 $0xFFFFFFFF  }
0xb4: {  	_ =	strace $0x90000048  }
0xb5: {  	_ =	sfence  }
0xb6: {  	s30 =	sld [smem:$0x0];
	_ =	sdelay $0x2  }
0xb7: {  	s31 =	sshll.u32 s1, $0xD;
	s1 =	sshrl.u32 s1, $0x2  }
0xb8: {  	s3 =	sand.u32 $0x4000, s31;
	s1 =	sadd.s32 s1, s30  }
0xb9: {  	s0 =	sor.u32 s3, s0;
	s1 =	sshll.u32 s1, $0x11  }
0xba: {  	s0 =	sor.u32 s1, s0  }
0xbb: {  	s0 =	sadd.s32 $0x8F2B, s0  }
0xbc: {  	[sflag:s0] =	ssyncadd.remote.s32 $0x1  }
0xbd: {  	_ =	sfence.sel $0xFFFF  }
0xbe: {  	[dreg:$0x0] =	wrdreg $0xFFFFFFFF;
	(pc) =	sbr.abs _section_cstart, $3  }
0xbf: {  	[dreg:$0x1] =	wrdreg $0xFFFFFFFF  }
0xc0: {  	_ =	task.clear_ibuf [dreg:s6], $0x2FFFF;
	_ =	strace $0x9FFFFFFF  }
0xc1: {  	(tm) =	ssettm $0x7FFFFFFF  }
tec
execute0_lowered:
.L_overlay_start_1:
0x0: {  	(tag) =	ssettag $0x1  }
0x1: {  	s4 =	rddreg [dreg:$0x0]  }
0x2: {  	s0 =	rddreg [dreg:$0x1];
	s3 =	srdreg.scid  }
0x3: {  	s1 =	stileid.u32;
	s2 =	simm.s32 $0x0;
	s10 =	simm.s32 $0x2200  }
0x4: {  	s11 =	simm.s32 $0x80;
	s12 =	simm.s32 $0x4200;
	s13 =	simm.s32 $0xC0  }
0x5: {  	s14 =	simm.s32 $0x6200;
	s15 =	simm.s32 $0x100;
	s16 =	simm.s32 $0x8200  }
0x6: {  	s17 =	simm.s32 $0x140;
	s18 =	simm.s32 $0xA200;
	s19 =	simm.s32 $0x180  }
0x7: {  	s20 =	simm.s32 $0xC200;
	s21 =	simm.s32 $0x1C0;
	s22 =	simm.s32 $0xE200  }
0x8: {  	s23 =	simm.s32 $0x1;
	s24 =	simm.s32 $0x0;
	s6 =	smul.u32 $0x5000, s1  }
0x9: {  	s5 =	sand.u32 $0x1, s3;
	[smem:$0x7FF] =	sst s2;
	s8 =	smul.u32 $0x50000, s1  }
0xa: {  	s3 =	sadd.s32 $0x4DC00, s4;
	s7 =	smul.u32 $0x2800, s5;
	s30 =	ssub.s32 $0x2, s5  }
0xb: {  	_ =	strace $0x80000047;
	s5 =	smul.u32 $0x28000, s5;
	s9 =	sshrl.u32 s30, $0x1  }
0xc: {  	s8 =	sadd.s32 s8, s4;
	s6 =	sadd.s32 s7, s6;
	s31 =	ssub.s32 s30, s9  }
0xd: {  	s5 =	sadd.s32 s5, s8;
	s7 =	simm.s32 $0x2;
	s6 =	sshrl.u32 s6, $0x3  }
0xe: {  	s8 =	simm.s32 $0x40;
	s9 =	simm.s32 $0x200;
	s6 =	sadd.s32 s6, s4  }
0xf: {  	s5 =	sadd.s32 $0x8DC00, s5;
	s4 =	smax.u32 s31, $0x1;
	s6 =	sadd.s32 $0x43C00, s6  }
.LBB2_1:
0x10: {  	s25 =	sadd.s32 $0x0, s6  }
0x11: {  	[tilespmem:s2], [sflag:$0x2] =	stream.linear.gather [hbm4b:s25+s2], $0x200, $0x38;
	[tilespmem:$0x10200] =	vst v63  }
0x12: {  	_ =	swait.ge [sflag:s7], $0x200  }
0x13: {  	[sflag:s7] =	ssyncset.done $0x0  }
0x14: {  	[sflag:s7] =	ssyncadd.s32 $0xFFFFFE00  }
0x15: {  	[tilespmem:s9], [sflag:$0x1] =	stream.indirect.gather [hbm4b:s3+s8], $0x80, s2, s8, $0xb8;
	[tilespmem:$0x10200] =	vst v63  }
0x16: {  	_ = 	snop  }
0x17: {  	[tilespmem:s10], [sflag:$0x1] =	stream.indirect.gather [hbm4b:s3+s8], $0x80, s8, s8, $0xb8;
	[tilespmem:$0x10200] =	vst v63  }
0x18: {  	_ = 	snop  }
0x19: {  	[tilespmem:s12], [sflag:$0x1] =	stream.indirect.gather [hbm4b:s3+s8], $0x80, s11, s8, $0xb8;
	[tilespmem:$0x10200] =	vst v63  }
0x1a: {  	_ = 	snop  }
0x1b: {  	[tilespmem:s14], [sflag:$0x1] =	stream.indirect.gather [hbm4b:s3+s8], $0x80, s13, s8, $0xb8;
	[tilespmem:$0x10200] =	vst v63  }
0x1c: {  	_ = 	snop  }
0x1d: {  	[tilespmem:s16], [sflag:$0x1] =	stream.indirect.gather [hbm4b:s3+s8], $0x80, s15, s8, $0xb8;
	[tilespmem:$0x10200] =	vst v63  }
0x1e: {  	_ = 	snop  }
0x1f: {  	[tilespmem:s18], [sflag:$0x1] =	stream.indirect.gather [hbm4b:s3+s8], $0x80, s17, s8, $0xb8;
	[tilespmem:$0x10200] =	vst v63  }
0x20: {  	_ = 	snop  }
0x21: {  	[tilespmem:s20], [sflag:$0x1] =	stream.indirect.gather [hbm4b:s3+s8], $0x80, s19, s8, $0xb8;
	[tilespmem:$0x10200] =	vst v63  }
0x22: {  	_ = 	snop  }
0x23: {  	[tilespmem:s22], [sflag:$0x1] =	stream.indirect.gather [hbm4b:s3+s8], $0x80, s21, s8, $0xb8;
	[tilespmem:$0x10200] =	vst v63  }
0x24: {  	_ =	swait.ge [sflag:s23], $0x2000  }
0x25: {  	[sflag:s23] =	ssyncset.done $0x0  }
0x26: {  	[sflag:s23] =	ssyncadd.s32 $0xFFFFE000  }
0x27: {  	_ =	swait.ge [sflag:s23], $0x2000  }
0x28: {  	[sflag:s23] =	ssyncset.done $0x0  }
0x29: {  	[sflag:s23] =	ssyncadd.s32 $0xFFFFE000  }
0x2a: {  	_ =	swait.ge [sflag:s23], $0x2000  }
0x2b: {  	[sflag:s23] =	ssyncset.done $0x0  }
0x2c: {  	[sflag:s23] =	ssyncadd.s32 $0xFFFFE000  }
0x2d: {  	_ =	swait.ge [sflag:s23], $0x2000  }
0x2e: {  	[sflag:s23] =	ssyncset.done $0x0  }
0x2f: {  	[sflag:s23] =	ssyncadd.s32 $0xFFFFE000  }
0x30: {  	_ =	swait.ge [sflag:s23], $0x2000  }
0x31: {  	[sflag:s23] =	ssyncset.done $0x0  }
0x32: {  	[sflag:s23] =	ssyncadd.s32 $0xFFFFE000  }
0x33: {  	_ =	swait.ge [sflag:s23], $0x2000  }
0x34: {  	[sflag:s23] =	ssyncset.done $0x0  }
0x35: {  	[sflag:s23] =	ssyncadd.s32 $0xFFFFE000  }
0x36: {  	_ =	swait.ge [sflag:s23], $0x2000  }
0x37: {  	[sflag:s23] =	ssyncset.done $0x0  }
0x38: {  	[sflag:s23] =	ssyncadd.s32 $0xFFFFE000  }
0x39: {  	_ =	swait.ge [sflag:s23], $0x2000  }
0x3a: {  	[sflag:s23] =	ssyncset.done $0x0  }
0x3b: {  	[sflag:s23] =	ssyncadd.s32 $0xFFFFE000  }
0x3c: {  	[hbm4b:s5+s2] =	stream.linear.scatter [tilespmem:s9], [sflag:$0x2], $0x10000, $0x38;
	[tilespmem:$0x10200] =	vst v63  }
0x3d: {  	s26 =	simm.s32 $0x40;
	_ =	swait.ge [sflag:s7], $0x10000  }
0x3e: {  	s29 =	simm.s32 $0x80;
	s25 =	sadd.s32 $0x2000, s5;
	[sflag:s7] =	ssyncset.done $0x0  }
.LBB2_2:
0x3f: {  	s30 =	sadd.s32 s26, s6  }
0x40: {  	[sflag:s7] =	ssyncadd.s32 $0xFFFF0000;
	s26 =	smov.u32 s29;
	s28 =	sadd.s32 $0x40, s29  }
0x41: {  	[tilespmem:s2], [sflag:$0x2] =	stream.linear.gather [hbm4b:s30+s2], $0x200, $0x38;
	[tilespmem:$0x10200] =	vst v63  }
0x42: {  	p0 =	sne.s32 s29, $0x4C0;
	_ =	swait.ge [sflag:s7], $0x200  }
0x43: {  	[sflag:s7] =	ssyncset.done $0x0  }
0x44: {  	[sflag:s7] =	ssyncadd.s32 $0xFFFFFE00  }
0x45: {  	[tilespmem:s9], [sflag:$0x1] =	stream.indirect.gather [hbm4b:s3+s8], $0x80, s2, s8, $0xb8;
	[tilespmem:$0x10200] =	vst v63  }
0x46: {  	_ = 	snop  }
0x47: {  	[tilespmem:s10], [sflag:$0x1] =	stream.indirect.gather [hbm4b:s3+s8], $0x80, s8, s8, $0xb8;
	[tilespmem:$0x10200] =	vst v63  }
0x48: {  	_ = 	snop  }
0x49: {  	[tilespmem:s12], [sflag:$0x1] =	stream.indirect.gather [hbm4b:s3+s8], $0x80, s11, s8, $0xb8;
	[tilespmem:$0x10200] =	vst v63  }
0x4a: {  	_ = 	snop  }
0x4b: {  	[tilespmem:s14], [sflag:$0x1] =	stream.indirect.gather [hbm4b:s3+s8], $0x80, s13, s8, $0xb8;
	[tilespmem:$0x10200] =	vst v63  }
0x4c: {  	_ = 	snop  }
0x4d: {  	[tilespmem:s16], [sflag:$0x1] =	stream.indirect.gather [hbm4b:s3+s8], $0x80, s15, s8, $0xb8;
	[tilespmem:$0x10200] =	vst v63  }
0x4e: {  	_ = 	snop  }
0x4f: {  	[tilespmem:s18], [sflag:$0x1] =	stream.indirect.gather [hbm4b:s3+s8], $0x80, s17, s8, $0xb8;
	[tilespmem:$0x10200] =	vst v63  }
0x50: {  	_ = 	snop  }
0x51: {  	[tilespmem:s20], [sflag:$0x1] =	stream.indirect.gather [hbm4b:s3+s8], $0x80, s19, s8, $0xb8;
	[tilespmem:$0x10200] =	vst v63  }
0x52: {  	_ = 	snop  }
0x53: {  	[tilespmem:s22], [sflag:$0x1] =	stream.indirect.gather [hbm4b:s3+s8], $0x80, s21, s8, $0xb8;
	[tilespmem:$0x10200] =	vst v63  }
0x54: {  	_ =	swait.ge [sflag:s23], $0x2000  }
0x55: {  	[sflag:s23] =	ssyncset.done $0x0  }
0x56: {  	[sflag:s23] =	ssyncadd.s32 $0xFFFFE000  }
0x57: {  	_ =	swait.ge [sflag:s23], $0x2000  }
0x58: {  	[sflag:s23] =	ssyncset.done $0x0  }
0x59: {  	[sflag:s23] =	ssyncadd.s32 $0xFFFFE000  }
0x5a: {  	_ =	swait.ge [sflag:s23], $0x2000  }
0x5b: {  	[sflag:s23] =	ssyncset.done $0x0  }
0x5c: {  	[sflag:s23] =	ssyncadd.s32 $0xFFFFE000  }
0x5d: {  	_ =	swait.ge [sflag:s23], $0x2000  }
0x5e: {  	[sflag:s23] =	ssyncset.done $0x0  }
0x5f: {  	[sflag:s23] =	ssyncadd.s32 $0xFFFFE000  }
0x60: {  	_ =	swait.ge [sflag:s23], $0x2000  }
0x61: {  	[sflag:s23] =	ssyncset.done $0x0  }
0x62: {  	[sflag:s23] =	ssyncadd.s32 $0xFFFFE000  }
0x63: {  	_ =	swait.ge [sflag:s23], $0x2000  }
0x64: {  	[sflag:s23] =	ssyncset.done $0x0  }
0x65: {  	[sflag:s23] =	ssyncadd.s32 $0xFFFFE000  }
0x66: {  	_ =	swait.ge [sflag:s23], $0x2000  }
0x67: {  	[sflag:s23] =	ssyncset.done $0x0  }
0x68: {  	[sflag:s23] =	ssyncadd.s32 $0xFFFFE000  }
0x69: {  	_ =	swait.ge [sflag:s23], $0x2000  }
.Ltmp0:
0x6a: {  	[sflag:s23] =	ssyncset.done $0x0;
	(pc) =	sbr.rel @p0 .LBB2_2-.Ltmp0, $4  }
0x6b: {  	[sflag:s23] =	ssyncadd.s32 $0xFFFFE000  }
0x6c: {  	[hbm4b:s25+s2] =	stream.linear.scatter [tilespmem:s9], [sflag:$0x2], $0x10000, $0x38;
	[tilespmem:$0x10200] =	vst v63  }
0x6d: {  	_ =	swait.ge [sflag:s7], $0x10000  }
0x6e: {  	s29 =	smov.u32 s28;
	s25 =	sadd.s32 $0x2000, s25;
	[sflag:s7] =	ssyncset.done $0x0  }
0x6f: {  	s26 =	sadd.s32 s26, s6;
	[sflag:s7] =	ssyncadd.s32 $0xFFFF0000  }
0x70: {  	[tilespmem:s2], [sflag:$0x2] =	stream.linear.gather [hbm4b:s26+s2], $0x200, $0x38;
	[tilespmem:$0x10200] =	vst v63  }
0x71: {  	_ =	swait.ge [sflag:s7], $0x200  }
0x72: {  	[sflag:s7] =	ssyncset.done $0x0  }
0x73: {  	[sflag:s7] =	ssyncadd.s32 $0xFFFFFE00  }
0x74: {  	[tilespmem:s9], [sflag:$0x1] =	stream.indirect.gather [hbm4b:s3+s8], $0x80, s2, s8, $0xb8;
	[tilespmem:$0x10200] =	vst v63  }
0x75: {  	_ = 	snop  }
0x76: {  	[tilespmem:s10], [sflag:$0x1] =	stream.indirect.gather [hbm4b:s3+s8], $0x80, s8, s8, $0xb8;
	[tilespmem:$0x10200] =	vst v63  }
0x77: {  	_ = 	snop  }
0x78: {  	[tilespmem:s12], [sflag:$0x1] =	stream.indirect.gather [hbm4b:s3+s8], $0x80, s11, s8, $0xb8;
	[tilespmem:$0x10200] =	vst v63  }
0x79: {  	_ = 	snop  }
0x7a: {  	[tilespmem:s14], [sflag:$0x1] =	stream.indirect.gather [hbm4b:s3+s8], $0x80, s13, s8, $0xb8;
	[tilespmem:$0x10200] =	vst v63  }
0x7b: {  	_ = 	snop  }
0x7c: {  	[tilespmem:s16], [sflag:$0x1] =	stream.indirect.gather [hbm4b:s3+s8], $0x80, s15, s8, $0xb8;
	[tilespmem:$0x10200] =	vst v63  }
0x7d: {  	_ = 	snop  }
0x7e: {  	[tilespmem:s18], [sflag:$0x1] =	stream.indirect.gather [hbm4b:s3+s8], $0x80, s17, s8, $0xb8;
	[tilespmem:$0x10200] =	vst v63  }
0x7f: {  	_ = 	snop  }
0x80: {  	[tilespmem:s20], [sflag:$0x1] =	stream.indirect.gather [hbm4b:s3+s8], $0x80, s19, s8, $0xb8;
	[tilespmem:$0x10200] =	vst v63  }
0x81: {  	_ = 	snop  }
0x82: {  	[tilespmem:s22], [sflag:$0x1] =	stream.indirect.gather [hbm4b:s3+s8], $0x80, s21, s8, $0xb8;
	[tilespmem:$0x10200] =	vst v63  }
0x83: {  	_ =	swait.ge [sflag:s23], $0x2000  }
0x84: {  	[sflag:s23] =	ssyncset.done $0x0  }
0x85: {  	[sflag:s23] =	ssyncadd.s32 $0xFFFFE000  }
0x86: {  	_ =	swait.ge [sflag:s23], $0x2000  }
0x87: {  	[sflag:s23] =	ssyncset.done $0x0  }
0x88: {  	[sflag:s23] =	ssyncadd.s32 $0xFFFFE000  }
0x89: {  	_ =	swait.ge [sflag:s23], $0x2000  }
0x8a: {  	[sflag:s23] =	ssyncset.done $0x0  }
0x8b: {  	[sflag:s23] =	ssyncadd.s32 $0xFFFFE000  }
0x8c: {  	_ =	swait.ge [sflag:s23], $0x2000  }
0x8d: {  	[sflag:s23] =	ssyncset.done $0x0  }
0x8e: {  	[sflag:s23] =	ssyncadd.s32 $0xFFFFE000  }
0x8f: {  	_ =	swait.ge [sflag:s23], $0x2000  }
0x90: {  	[sflag:s23] =	ssyncset.done $0x0  }
0x91: {  	[sflag:s23] =	ssyncadd.s32 $0xFFFFE000  }
0x92: {  	_ =	swait.ge [sflag:s23], $0x2000  }
0x93: {  	[sflag:s23] =	ssyncset.done $0x0  }
0x94: {  	[sflag:s23] =	ssyncadd.s32 $0xFFFFE000  }
0x95: {  	_ =	swait.ge [sflag:s23], $0x2000  }
0x96: {  	[sflag:s23] =	ssyncset.done $0x0  }
0x97: {  	[sflag:s23] =	ssyncadd.s32 $0xFFFFE000  }
0x98: {  	s24 =	sadd.s32 $0x1, s24;
	_ =	swait.ge [sflag:s23], $0x2000  }
0x99: {  	p0 =	sne.s32 s24, s4;
	[sflag:s23] =	ssyncset.done $0x0  }
.Ltmp1:
0x9a: {  	[sflag:s23] =	ssyncadd.s32 $0xFFFFE000;
	(pc) =	sbr.rel @p0 .LBB2_1-.Ltmp1, $4  }
0x9b: {  	[hbm4b:s25+s2] =	stream.linear.scatter [tilespmem:s9], [sflag:$0x2], $0x10000, $0x38;
	[tilespmem:$0x10200] =	vst v63  }
0x9c: {  	_ =	swait.ge [sflag:s7], $0x10000  }
0x9d: {  	[sflag:s7] =	ssyncset.done $0x0  }
0x9e: {  	[sflag:s7] =	ssyncadd.s32 $0xFFFF0000  }
0x9f: {  	_ =	sfence.sel $0x180000  }
0xa0: {  	[bflag:$0x0] =	sbarrier.arrive $0xFFFF  }
0xa1: {  	p0 =	sne.s32 s1, $0x0;
	_ =	strace $0x90000047  }
0xa2: {  	s0 =	sadd.s32 @!p0 $0x100000, s0;
	[bflag:$0x2] =	sbarrier.arrive $0xFFFF  }
0xa3: {  	[sflag:s0] =	ssyncadd.tile.s32 @!p0 $0x1;
	_ =	shalt  }
.Lfunc_end2:
_tile_overlayer_lowered:
.L_overlay_start_2:
0xa4: {  	(tag) =	ssettag $0x2  }
0xa5: {  	s0 =	rddreg [dreg:$0x0];
	s2 =	stileid.u32  }
0xa6: {  	s1 =	rddreg [dreg:$0x1];
	p0 =	sne.s32 s2, $0x0  }
0xa7: {  	s3 =	rddreg [dreg:$0x2];
	[bflag:$0x3] =	sbarrier.arrive $0xFFFF;
	s2 =	simm.s32 @!p0 $0x1C02  }
0xa8: {  	[timem:s3], [sflag:s2] =	dma.local @!p0 [hbm:s0], s1  }
0xa9: {  	s0 =	simm.s32 @!p0 $0x2  }
0xaa: {  	_ =	swait.ge @!p0 [sflag:s0], s1  }
0xab: {  	s1 =	ssub.s32 @!p0 $0x0, s1;
	[sflag:s0] =	ssyncset.done @!p0 $0x0  }
0xac: {  	[sflag:s0] =	ssyncadd.s32 @!p0 s1  }
0xad: {  	[bflag:$0x3] =	sbarrier.arrive $0xFFFF  }
0xae: {  	_ =	shalt  }

// kernel: kernel.23.cloned.1.call-start
scs
__scs_entry_jumppad:
0x0: {  	(pc) =	sbr.rel $0x88, $3  }
0x1: {  	(tag) =	ssettag $0x0;
	lr =	simm.s32 $0x1  }
0x2: {  	[smem:$0x3F91] =	sst lr;
	_ =	strace $0xD0000000  }
0x3: {  	_ = 	snop  }
0x4: {  	_ = 	snop  }
0x5: {  	_ = 	snop  }
0x6: {  	_ = 	snop  }
0x7: {  	_ = 	snop  }
__scs_overlays_trampoline_lowered:
0x8: {  	[smem:$0x3FA0] =	sst s0  }
0x9: {  	[smem:$0x3FA1] =	sst s1  }
0xa: {  	[smem:$0x3FA2] =	sst s2  }
0xb: {  	[smem:$0x3FA3] =	sst s3  }
0xc: {  	[smem:$0x3FA4] =	sst s4  }
0xd: {  	[smem:$0x3FA5] =	sst s5  }
0xe: {  	[smem:$0x3FA6] =	sst s6  }
0xf: {  	[smem:$0x3FA7] =	sst s7  }
0x10: {  	[smem:$0x3FA8] =	sst s8  }
0x11: {  	[smem:$0x3FA9] =	sst s9;
	s0 =	simm.s32 @!p0 $0x0  }
0x12: {  	s1 =	sld [smem:$0x3F8F];
	s0 =	simm.s32 @p0 $0x1  }
0x13: {  	[smem:$0x3FAA] =	sst s0;
	s0 =	simm.s32 @!p1 $0x0  }
0x14: {  	s2 =	sld [smem:$0x3F8E];
	s0 =	simm.s32 @p1 $0x1  }
0x15: {  	[smem:$0x3FAB] =	sst s0;
	s0 =	simm.s32 @!p2 $0x0  }
0x16: {  	s3 =	sld [smem:$0x3FDB];
	s0 =	simm.s32 @p2 $0x1  }
0x17: {  	s4 =	simm.s32 $0x1BF5;
	[smem:$0x3FAD] =	sst s0  }
0x18: {  	s0 =	sld [smem:$0x3F90];
	_ =	swait.ge [sflag:s4], $0x0  }
0x19: {  	s7 =	sld [smem:$0x3F91]  }
0x1a: {  	s8 =	sadd.s32 $0xFFFFE003, lr  }
0x1b: {  	s9 =	sadd.s32 $0xFFFFFEF7, lr;
	s5 =	simm.s32 $0xFFFFFFFF;
	p2 =	slt.u32 s8, $0xFFFFF086  }
0x1c: {  	p1 =	slt.u32 s9, $0xF7A;
	s5 =	simm.s32 @!p2 $0x0  }
0x1d: {  	s5 =	simm.s32 @p1 $0x1;
	p0 =	seq.s32 s7, s2  }
0x1e: {  	s7 =	smul.u32 @!p0 $0xF7A, s2;
	p2 =	seq.s32 @!p0 s5, $0x0  }
0x1f: {  	s9 =	smul.u32 $0xF7A, s1;
	s8 =	simm.s32 @!p0 $0x1BF5;
	p2 =	por !p2, p0  }
0x20: {  	[sflag:s8] =	ssyncset.s32 @!p0 $0xFFFFF086;
	s6 =	sadd.s32 @!p0 s3, s7;
	s7 =	simm.s32 @!p0 $0x108  }
0x21: {  	s3 =	sadd.s32 s3, s9;
	s6 =	sadd.s32 @!p0 $0x88, s6;
	s7 =	simm.s32 @p2 $0x1082  }
0x22: {  	[simem:s7], [sflag:s8] =	dma.local @!p0 [hbm:s6], $0xF7A  }
0x23: {  	s9 =	sor.u32 $0xD0000000, s2;
	s6 =	simm.s32 $0x108;
	_ =	swait.ge @!p0 [sflag:s8], $0x0  }
0x24: {  	s3 =	sadd.s32 $0x88, s3;
	s6 =	simm.s32 @!p1 $0x1082;
	[sflag:s4] =	ssyncset.s32 $0xFFFFF086  }
0x25: {  	[simem:s6], [sflag:s4] =	dma.local [hbm:s3], $0xF7A  }
0x26: {  	[smem:$0x3F91] =	sst s1;
	(tag) =	ssettag s2;
	_ =	strace s9  }
0x27: {  	s1 =	sld [smem:$0x3FA1]  }
0x28: {  	s2 =	sld [smem:$0x3FA2]  }
0x29: {  	s4 =	sld [smem:$0x3FA4]  }
0x2a: {  	p0 =	seq.s32 s5, $0x0;
	s5 =	sld [smem:$0x3FA5]  }
0x2b: {  	s6 =	sld [smem:$0x3FA6]  }
0x2c: {  	s7 =	sld [smem:$0x3FA7]  }
0x2d: {  	s3 =	simm.s32 $0x108;
	s8 =	sld [smem:$0x3FA8]  }
0x2e: {  	s3 =	simm.s32 @!p0 $0x1082;
	s9 =	sld [smem:$0x3FA9]  }
0x2f: {  	lr =	sadd.s32 s0, s3;
	s0 =	sld [smem:$0x3FA0]  }
0x30: {  	s3 =	sld [smem:$0x3FA3]  }
0x31: {  	[smem:$0x3FAC] =	sst s10  }
0x32: {  	s10 =	sld [smem:$0x3FAA];
	_ =	sdelay $0x3  }
0x33: {  	p0 =	seq.s32 s10, $0x1;
	s10 =	sld [smem:$0x3FAC];
	_ =	sdelay $0x3  }
0x34: {  	[smem:$0x3FAC] =	sst s10  }
0x35: {  	s10 =	sld [smem:$0x3FAB];
	_ =	sdelay $0x3  }
0x36: {  	p1 =	seq.s32 s10, $0x1;
	s10 =	sld [smem:$0x3FAC];
	_ =	sdelay $0x3  }
0x37: {  	[smem:$0x3FAC] =	sst s10  }
0x38: {  	s10 =	sld [smem:$0x3FAD]  }
0x39: {  	_ = 	snop;
	(pc) =	sbr.ind lr, $3  }
0x3a: {  	_ = 	snop  }
0x3b: {  	_ = 	snop  }
0x3c: {  	p2 =	seq.s32 s10, $0x1;
	s10 =	sld [smem:$0x3FAC]  }
0x3d: {  	_ =	shalt  }
0x3e: {  	_ =	shalt  }
0x3f: {  	_ =	shalt  }
0x40: {  	_ =	shalt  }
0x41: {  	_ =	shalt  }
0x42: {  	_ =	shalt  }
0x43: {  	_ =	shalt  }
0x44: {  	_ =	shalt  }
0x45: {  	_ =	shalt  }
0x46: {  	_ =	shalt  }
0x47: {  	_ =	shalt  }
0x48: {  	_ =	shalt  }
0x49: {  	_ =	shalt  }
0x4a: {  	_ =	shalt  }
0x4b: {  	_ =	shalt  }
0x4c: {  	_ =	shalt  }
0x4d: {  	_ =	shalt  }
0x4e: {  	_ =	shalt  }
0x4f: {  	_ =	shalt  }
0x50: {  	_ =	shalt  }
0x51: {  	_ =	shalt  }
0x52: {  	_ =	shalt  }
0x53: {  	_ =	shalt  }
0x54: {  	_ =	shalt  }
0x55: {  	_ =	shalt  }
0x56: {  	_ =	shalt  }
0x57: {  	_ =	shalt  }
0x58: {  	_ =	shalt  }
0x59: {  	_ =	shalt  }
0x5a: {  	_ =	shalt  }
0x5b: {  	_ =	shalt  }
0x5c: {  	_ =	shalt  }
0x5d: {  	_ =	shalt  }
0x5e: {  	_ =	shalt  }
0x5f: {  	_ =	shalt  }
0x60: {  	_ =	shalt  }
0x61: {  	_ =	shalt  }
0x62: {  	_ =	shalt  }
0x63: {  	_ =	shalt  }
0x64: {  	_ =	shalt  }
0x65: {  	_ =	shalt  }
0x66: {  	_ =	shalt  }
0x67: {  	_ =	shalt  }
0x68: {  	_ =	shalt  }
0x69: {  	_ =	shalt  }
0x6a: {  	_ =	shalt  }
0x6b: {  	_ =	shalt  }
0x6c: {  	_ =	shalt  }
0x6d: {  	_ =	shalt  }
0x6e: {  	_ =	shalt  }
0x6f: {  	_ =	shalt  }
0x70: {  	_ =	shalt  }
0x71: {  	_ =	shalt  }
0x72: {  	_ =	shalt  }
0x73: {  	_ =	shalt  }
0x74: {  	_ =	shalt  }
0x75: {  	_ =	shalt  }
0x76: {  	_ =	shalt  }
0x77: {  	_ =	shalt  }
0x78: {  	_ =	shalt  }
0x79: {  	_ =	shalt  }
0x7a: {  	_ =	shalt  }
0x7b: {  	_ =	shalt  }
0x7c: {  	_ =	shalt  }
0x7d: {  	_ =	shalt  }
0x7e: {  	_ =	shalt  }
0x7f: {  	_ =	shalt  }
0x80: {  	_ =	shalt  }
0x81: {  	_ =	shalt  }
0x82: {  	_ =	shalt  }
0x83: {  	_ =	shalt  }
0x84: {  	_ =	shalt  }
0x85: {  	_ =	shalt  }
0x86: {  	_ =	shalt  }
0x87: {  	_ =	shalt  }
.Lfunc_end0:
.L_simem_size_0:
called_computation.1_lowered:
.L_overlay_start_0:
0x88: {  	s2 =	sld [smem:$0x3FD9]  }
0x89: {  	s3 =	sld [smem:$0x3FFE];
	_ =	sdelay $0x1  }
0x8a: {  	s1 =	srdreg.scid  }
0x8b: {  	s0 =	sand.u32 $0x1, s1  }
0x8c: {  	s16 =	sshll.u32 s0, $0xA;
	s2 =	sadd.s32 s3, s2  }
0x8d: {  	s2 =	sadd.s32 s2, s16  }
0x8e: {  	[smem:$0x3FB8] =	sst s2  }
0x8f: {  	_ = 	snop  }
0x90: {  	(tm) =	ssettm $0x1  }
0x91: {  	s17 =	sld [smem:$0x3FFB];
	_ =	sdelay $0x3  }
0x92: {  	_ =	strace s17  }
0x93: {  	s2 =	sld [smem:$0x3FFC];
	_ =	sdelay $0x3  }
0x94: {  	_ =	strace s2  }
0x95: {  	s2 =	sld [smem:$0x3FFD];
	_ =	sdelay $0x3  }
0x96: {  	_ =	strace s2  }
0x97: {  	_ =	strace $0x8FFFFFFF  }
0x98: {  	s18 =	sld [smem:$0x3FDB];
	_ =	sdelay $0x1  }
0x99: {  	s19 =	simm.s32 $_scs_section_size  }
0x9a: {  	s4 =	simm.s32 $_size__tile_overlayer_lowered;
	s5 =	simm.s32 $_tile_overlayer_lowered  }
0x9b: {  	s22 =	simm.s32 $0x1BFF;
	s21 =	sshll.u32 s5, $0x1;
	s2 =	sadd.s32 s19, s18  }
0x9c: {  	s6 =	simm.s32 $0x0;
	s20 =	sshll.u32 s4, $0x1;
	s4 =	sadd.s32 s21, s2  }
0x9d: {  	[timem:s6], [sflag:s22] =	dma.local [hbm:s4], s20  }
0x9e: {  	_ =	swait.ge [sflag:s22], s20  }
0x9f: {  	s3 =	ssub.s32 $0x0, s20;
	[sflag:s22] =	ssyncset.done $0x0  }
0xa0: {  	[sflag:s22] =	ssyncadd.s32 s3;
	_ =	sdelay $0x1  }
0xa1: {  	s23 =	simm.s32 $0x1B8B  }
0xa2: {  	_ =	swait.ge [sflag:s23], $0x1  }
0xa3: {  	[sflag:s23] =	ssyncset.done $0x0  }
0xa4: {  	s25 =	simm.s32 $0x1B8E;
	s24 =	sld [smem:$0x3FFE];
	[sflag:s23] =	ssyncadd.s32 $0xFFFFFFFF  }
0xa5: {  	s26 =	simm.s32 $execute0_lowered;
	[smem:$0x3FD2] =	sst s25  }
0xa6: {  	s4 =	sshll.u32 s26, $0x1;
	_ =	strace $0x80000049;
	[dreg:$0x1] =	wrdreg $0xFFFFFFFF  }
0xa7: {  	s28 =	simm.s32 $_size_execute0_lowered;
	s2 =	sadd.s32 s2, s4;
	[dreg:$0x0] =	wrdreg $0x0  }
0xa8: {  	s4 =	sshll.u32 s28, $0x1;
	[dreg:$0x2] =	wrdreg s2  }
0xa9: {  	[dreg:$0x3] =	wrdreg s4  }
0xaa: {  	[dreg:$0x4] =	wrdreg $0xC0  }
0xab: {  	_ =	task [dreg:s6], $0x5FFFF  }
0xac: {  	[dreg:$0x1] =	wrdreg $0xFFFFFFFF  }
0xad: {  	[dreg:$0x0] =	wrdreg $0x60  }
0xae: {  	[dreg:$0x2] =	wrdreg s24  }
0xaf: {  	[dreg:$0x3] =	wrdreg $0x9  }
0xb0: {  	_ =	task.clear_ibuf [dreg:s6], $0x4FFFF;
	_ =	strace $0x90000049  }
0xb1: {  	s29 =	simm.s32 $0x9;
	_ =	strace $0x8000004B  }
0xb2: {  	_ =	swait.ge [sflag:s29], $0x1  }
0xb3: {  	[sflag:s29] =	ssyncadd.s32 $0xFFFFFFFF  }
0xb4: {  	_ =	strace $0x9000004B  }
0xb5: {  	_ =	sfence  }
0xb6: {  	s30 =	sld [smem:$0x0];
	_ =	sdelay $0x2  }
0xb7: {  	s31 =	sshll.u32 s1, $0xD;
	s1 =	sshrl.u32 s1, $0x2  }
0xb8: {  	s3 =	sand.u32 $0x4000, s31;
	s1 =	sadd.s32 s1, s30  }
0xb9: {  	s0 =	sor.u32 s3, s0;
	s1 =	sshll.u32 s1, $0x11  }
0xba: {  	s0 =	sor.u32 s1, s0  }
0xbb: {  	s0 =	sadd.s32 $0x8F2B, s0  }
0xbc: {  	[sflag:s0] =	ssyncadd.remote.s32 $0x1  }
0xbd: {  	_ =	sfence.sel $0xFFFF  }
0xbe: {  	[dreg:$0x0] =	wrdreg $0xFFFFFFFF;
	(pc) =	sbr.abs _section_cstart, $3  }
0xbf: {  	[dreg:$0x1] =	wrdreg $0xFFFFFFFF  }
0xc0: {  	_ =	task.clear_ibuf [dreg:s6], $0x2FFFF;
	_ =	strace $0x9FFFFFFF  }
0xc1: {  	(tm) =	ssettm $0x7FFFFFFF  }
tec
execute0_lowered:
.L_overlay_start_1:
0x0: {  	(tag) =	ssettag $0x1  }
0x1: {  	s4 =	rddreg [dreg:$0x0]  }
0x2: {  	s0 =	rddreg [dreg:$0x1];
	s3 =	srdreg.scid  }
0x3: {  	s1 =	stileid.u32;
	s2 =	simm.s32 $0x0;
	s10 =	simm.s32 $0x2200  }
0x4: {  	s11 =	simm.s32 $0x80;
	s12 =	simm.s32 $0x4200;
	s13 =	simm.s32 $0xC0  }
0x5: {  	s14 =	simm.s32 $0x6200;
	s15 =	simm.s32 $0x100;
	s16 =	simm.s32 $0x8200  }
0x6: {  	s17 =	simm.s32 $0x140;
	s18 =	simm.s32 $0xA200;
	s19 =	simm.s32 $0x180  }
0x7: {  	s20 =	simm.s32 $0xC200;
	s21 =	simm.s32 $0x1C0;
	s22 =	simm.s32 $0xE200  }
0x8: {  	s23 =	simm.s32 $0x1;
	s24 =	simm.s32 $0x0;
	s6 =	smul.u32 $0x5000, s1  }
0x9: {  	s5 =	sand.u32 $0x1, s3;
	[smem:$0x7FF] =	sst s2;
	s8 =	smul.u32 $0x50000, s1  }
0xa: {  	s3 =	sadd.s32 $0x43C00, s4;
	s7 =	smul.u32 $0x2800, s5;
	s30 =	ssub.s32 $0x2, s5  }
0xb: {  	_ =	strace $0x8000004A;
	s5 =	smul.u32 $0x28000, s5;
	s9 =	sshrl.u32 s30, $0x1  }
0xc: {  	s8 =	sadd.s32 s8, s4;
	s6 =	sadd.s32 s7, s6;
	s31 =	ssub.s32 s30, s9  }
0xd: {  	s5 =	sadd.s32 s5, s8;
	s7 =	simm.s32 $0x2;
	s6 =	sshrl.u32 s6, $0x3  }
0xe: {  	s8 =	simm.s32 $0x40;
	s9 =	simm.s32 $0x200;
	s6 =	sadd.s32 s6, s4  }
0xf: {  	s5 =	sadd.s32 $0x8DC00, s5;
	s4 =	smax.u32 s31, $0x1;
	s6 =	sadd.s32 $0x83C00, s6  }
.LBB2_1:
0x10: {  	s25 =	sadd.s32 $0x0, s6  }
0x11: {  	[tilespmem:s2], [sflag:$0x2] =	stream.linear.gather [hbm4b:s25+s2], $0x200, $0x38;
	[tilespmem:$0x10200] =	vst v63  }
0x12: {  	_ =	swait.ge [sflag:s7], $0x200  }
0x13: {  	[sflag:s7] =	ssyncset.done $0x0  }
0x14: {  	[sflag:s7] =	ssyncadd.s32 $0xFFFFFE00  }
0x15: {  	[tilespmem:s9], [sflag:$0x1] =	stream.indirect.gather [hbm4b:s3+s8], $0x80, s2, s8, $0xb8;
	[tilespmem:$0x10200] =	vst v63  }
0x16: {  	_ = 	snop  }
0x17: {  	[tilespmem:s10], [sflag:$0x1] =	stream.indirect.gather [hbm4b:s3+s8], $0x80, s8, s8, $0xb8;
	[tilespmem:$0x10200] =	vst v63  }
0x18: {  	_ = 	snop  }
0x19: {  	[tilespmem:s12], [sflag:$0x1] =	stream.indirect.gather [hbm4b:s3+s8], $0x80, s11, s8, $0xb8;
	[tilespmem:$0x10200] =	vst v63  }
0x1a: {  	_ = 	snop  }
0x1b: {  	[tilespmem:s14], [sflag:$0x1] =	stream.indirect.gather [hbm4b:s3+s8], $0x80, s13, s8, $0xb8;
	[tilespmem:$0x10200] =	vst v63  }
0x1c: {  	_ = 	snop  }
0x1d: {  	[tilespmem:s16], [sflag:$0x1] =	stream.indirect.gather [hbm4b:s3+s8], $0x80, s15, s8, $0xb8;
	[tilespmem:$0x10200] =	vst v63  }
0x1e: {  	_ = 	snop  }
0x1f: {  	[tilespmem:s18], [sflag:$0x1] =	stream.indirect.gather [hbm4b:s3+s8], $0x80, s17, s8, $0xb8;
	[tilespmem:$0x10200] =	vst v63  }
0x20: {  	_ = 	snop  }
0x21: {  	[tilespmem:s20], [sflag:$0x1] =	stream.indirect.gather [hbm4b:s3+s8], $0x80, s19, s8, $0xb8;
	[tilespmem:$0x10200] =	vst v63  }
0x22: {  	_ = 	snop  }
0x23: {  	[tilespmem:s22], [sflag:$0x1] =	stream.indirect.gather [hbm4b:s3+s8], $0x80, s21, s8, $0xb8;
	[tilespmem:$0x10200] =	vst v63  }
0x24: {  	_ =	swait.ge [sflag:s23], $0x2000  }
0x25: {  	[sflag:s23] =	ssyncset.done $0x0  }
0x26: {  	[sflag:s23] =	ssyncadd.s32 $0xFFFFE000  }
0x27: {  	_ =	swait.ge [sflag:s23], $0x2000  }
0x28: {  	[sflag:s23] =	ssyncset.done $0x0  }
0x29: {  	[sflag:s23] =	ssyncadd.s32 $0xFFFFE000  }
0x2a: {  	_ =	swait.ge [sflag:s23], $0x2000  }
0x2b: {  	[sflag:s23] =	ssyncset.done $0x0  }
0x2c: {  	[sflag:s23] =	ssyncadd.s32 $0xFFFFE000  }
0x2d: {  	_ =	swait.ge [sflag:s23], $0x2000  }
0x2e: {  	[sflag:s23] =	ssyncset.done $0x0  }
0x2f: {  	[sflag:s23] =	ssyncadd.s32 $0xFFFFE000  }
0x30: {  	_ =	swait.ge [sflag:s23], $0x2000  }
0x31: {  	[sflag:s23] =	ssyncset.done $0x0  }
0x32: {  	[sflag:s23] =	ssyncadd.s32 $0xFFFFE000  }
0x33: {  	_ =	swait.ge [sflag:s23], $0x2000  }
0x34: {  	[sflag:s23] =	ssyncset.done $0x0  }
0x35: {  	[sflag:s23] =	ssyncadd.s32 $0xFFFFE000  }
0x36: {  	_ =	swait.ge [sflag:s23], $0x2000  }
0x37: {  	[sflag:s23] =	ssyncset.done $0x0  }
0x38: {  	[sflag:s23] =	ssyncadd.s32 $0xFFFFE000  }
0x39: {  	_ =	swait.ge [sflag:s23], $0x2000  }
0x3a: {  	[sflag:s23] =	ssyncset.done $0x0  }
0x3b: {  	[sflag:s23] =	ssyncadd.s32 $0xFFFFE000  }
0x3c: {  	[hbm4b:s5+s2] =	stream.linear.scatter [tilespmem:s9], [sflag:$0x2], $0x10000, $0x38;
	[tilespmem:$0x10200] =	vst v63  }
0x3d: {  	s26 =	simm.s32 $0x40;
	_ =	swait.ge [sflag:s7], $0x10000  }
0x3e: {  	s29 =	simm.s32 $0x80;
	s25 =	sadd.s32 $0x2000, s5;
	[sflag:s7] =	ssyncset.done $0x0  }
.LBB2_2:
0x3f: {  	s30 =	sadd.s32 s26, s6  }
0x40: {  	[sflag:s7] =	ssyncadd.s32 $0xFFFF0000;
	s26 =	smov.u32 s29;
	s28 =	sadd.s32 $0x40, s29  }
0x41: {  	[tilespmem:s2], [sflag:$0x2] =	stream.linear.gather [hbm4b:s30+s2], $0x200, $0x38;
	[tilespmem:$0x10200] =	vst v63  }
0x42: {  	p0 =	sne.s32 s29, $0x4C0;
	_ =	swait.ge [sflag:s7], $0x200  }
0x43: {  	[sflag:s7] =	ssyncset.done $0x0  }
0x44: {  	[sflag:s7] =	ssyncadd.s32 $0xFFFFFE00  }
0x45: {  	[tilespmem:s9], [sflag:$0x1] =	stream.indirect.gather [hbm4b:s3+s8], $0x80, s2, s8, $0xb8;
	[tilespmem:$0x10200] =	vst v63  }
0x46: {  	_ = 	snop  }
0x47: {  	[tilespmem:s10], [sflag:$0x1] =	stream.indirect.gather [hbm4b:s3+s8], $0x80, s8, s8, $0xb8;
	[tilespmem:$0x10200] =	vst v63  }
0x48: {  	_ = 	snop  }
0x49: {  	[tilespmem:s12], [sflag:$0x1] =	stream.indirect.gather [hbm4b:s3+s8], $0x80, s11, s8, $0xb8;
	[tilespmem:$0x10200] =	vst v63  }
0x4a: {  	_ = 	snop  }
0x4b: {  	[tilespmem:s14], [sflag:$0x1] =	stream.indirect.gather [hbm4b:s3+s8], $0x80, s13, s8, $0xb8;
	[tilespmem:$0x10200] =	vst v63  }
0x4c: {  	_ = 	snop  }
0x4d: {  	[tilespmem:s16], [sflag:$0x1] =	stream.indirect.gather [hbm4b:s3+s8], $0x80, s15, s8, $0xb8;
	[tilespmem:$0x10200] =	vst v63  }
0x4e: {  	_ = 	snop  }
0x4f: {  	[tilespmem:s18], [sflag:$0x1] =	stream.indirect.gather [hbm4b:s3+s8], $0x80, s17, s8, $0xb8;
	[tilespmem:$0x10200] =	vst v63  }
0x50: {  	_ = 	snop  }
0x51: {  	[tilespmem:s20], [sflag:$0x1] =	stream.indirect.gather [hbm4b:s3+s8], $0x80, s19, s8, $0xb8;
	[tilespmem:$0x10200] =	vst v63  }
0x52: {  	_ = 	snop  }
0x53: {  	[tilespmem:s22], [sflag:$0x1] =	stream.indirect.gather [hbm4b:s3+s8], $0x80, s21, s8, $0xb8;
	[tilespmem:$0x10200] =	vst v63  }
0x54: {  	_ =	swait.ge [sflag:s23], $0x2000  }
0x55: {  	[sflag:s23] =	ssyncset.done $0x0  }
0x56: {  	[sflag:s23] =	ssyncadd.s32 $0xFFFFE000  }
0x57: {  	_ =	swait.ge [sflag:s23], $0x2000  }
0x58: {  	[sflag:s23] =	ssyncset.done $0x0  }
0x59: {  	[sflag:s23] =	ssyncadd.s32 $0xFFFFE000  }
0x5a: {  	_ =	swait.ge [sflag:s23], $0x2000  }
0x5b: {  	[sflag:s23] =	ssyncset.done $0x0  }
0x5c: {  	[sflag:s23] =	ssyncadd.s32 $0xFFFFE000  }
0x5d: {  	_ =	swait.ge [sflag:s23], $0x2000  }
0x5e: {  	[sflag:s23] =	ssyncset.done $0x0  }
0x5f: {  	[sflag:s23] =	ssyncadd.s32 $0xFFFFE000  }
0x60: {  	_ =	swait.ge [sflag:s23], $0x2000  }
0x61: {  	[sflag:s23] =	ssyncset.done $0x0  }
0x62: {  	[sflag:s23] =	ssyncadd.s32 $0xFFFFE000  }
0x63: {  	_ =	swait.ge [sflag:s23], $0x2000  }
0x64: {  	[sflag:s23] =	ssyncset.done $0x0  }
0x65: {  	[sflag:s23] =	ssyncadd.s32 $0xFFFFE000  }
0x66: {  	_ =	swait.ge [sflag:s23], $0x2000  }
0x67: {  	[sflag:s23] =	ssyncset.done $0x0  }
0x68: {  	[sflag:s23] =	ssyncadd.s32 $0xFFFFE000  }
0x69: {  	_ =	swait.ge [sflag:s23], $0x2000  }
.Ltmp0:
0x6a: {  	[sflag:s23] =	ssyncset.done $0x0;
	(pc) =	sbr.rel @p0 .LBB2_2-.Ltmp0, $4  }
0x6b: {  	[sflag:s23] =	ssyncadd.s32 $0xFFFFE000  }
0x6c: {  	[hbm4b:s25+s2] =	stream.linear.scatter [tilespmem:s9], [sflag:$0x2], $0x10000, $0x38;
	[tilespmem:$0x10200] =	vst v63  }
0x6d: {  	_ =	swait.ge [sflag:s7], $0x10000  }
0x6e: {  	s29 =	smov.u32 s28;
	s25 =	sadd.s32 $0x2000, s25;
	[sflag:s7] =	ssyncset.done $0x0  }
0x6f: {  	s26 =	sadd.s32 s26, s6;
	[sflag:s7] =	ssyncadd.s32 $0xFFFF0000  }
0x70: {  	[tilespmem:s2], [sflag:$0x2] =	stream.linear.gather [hbm4b:s26+s2], $0x200, $0x38;
	[tilespmem:$0x10200] =	vst v63  }
0x71: {  	_ =	swait.ge [sflag:s7], $0x200  }
0x72: {  	[sflag:s7] =	ssyncset.done $0x0  }
0x73: {  	[sflag:s7] =	ssyncadd.s32 $0xFFFFFE00  }
0x74: {  	[tilespmem:s9], [sflag:$0x1] =	stream.indirect.gather [hbm4b:s3+s8], $0x80, s2, s8, $0xb8;
	[tilespmem:$0x10200] =	vst v63  }
0x75: {  	_ = 	snop  }
0x76: {  	[tilespmem:s10], [sflag:$0x1] =	stream.indirect.gather [hbm4b:s3+s8], $0x80, s8, s8, $0xb8;
	[tilespmem:$0x10200] =	vst v63  }
0x77: {  	_ = 	snop  }
0x78: {  	[tilespmem:s12], [sflag:$0x1] =	stream.indirect.gather [hbm4b:s3+s8], $0x80, s11, s8, $0xb8;
	[tilespmem:$0x10200] =	vst v63  }
0x79: {  	_ = 	snop  }
0x7a: {  	[tilespmem:s14], [sflag:$0x1] =	stream.indirect.gather [hbm4b:s3+s8], $0x80, s13, s8, $0xb8;
	[tilespmem:$0x10200] =	vst v63  }
0x7b: {  	_ = 	snop  }
0x7c: {  	[tilespmem:s16], [sflag:$0x1] =	stream.indirect.gather [hbm4b:s3+s8], $0x80, s15, s8, $0xb8;
	[tilespmem:$0x10200] =	vst v63  }
0x7d: {  	_ = 	snop  }
0x7e: {  	[tilespmem:s18], [sflag:$0x1] =	stream.indirect.gather [hbm4b:s3+s8], $0x80, s17, s8, $0xb8;
	[tilespmem:$0x10200] =	vst v63  }
0x7f: {  	_ = 	snop  }
0x80: {  	[tilespmem:s20], [sflag:$0x1] =	stream.indirect.gather [hbm4b:s3+s8], $0x80, s19, s8, $0xb8;
	[tilespmem:$0x10200] =	vst v63  }
0x81: {  	_ = 	snop  }
0x82: {  	[tilespmem:s22], [sflag:$0x1] =	stream.indirect.gather [hbm4b:s3+s8], $0x80, s21, s8, $0xb8;
	[tilespmem:$0x10200] =	vst v63  }
0x83: {  	_ =	swait.ge [sflag:s23], $0x2000  }
0x84: {  	[sflag:s23] =	ssyncset.done $0x0  }
0x85: {  	[sflag:s23] =	ssyncadd.s32 $0xFFFFE000  }
0x86: {  	_ =	swait.ge [sflag:s23], $0x2000  }
0x87: {  	[sflag:s23] =	ssyncset.done $0x0  }
0x88: {  	[sflag:s23] =	ssyncadd.s32 $0xFFFFE000  }
0x89: {  	_ =	swait.ge [sflag:s23], $0x2000  }
0x8a: {  	[sflag:s23] =	ssyncset.done $0x0  }
0x8b: {  	[sflag:s23] =	ssyncadd.s32 $0xFFFFE000  }
0x8c: {  	_ =	swait.ge [sflag:s23], $0x2000  }
0x8d: {  	[sflag:s23] =	ssyncset.done $0x0  }
0x8e: {  	[sflag:s23] =	ssyncadd.s32 $0xFFFFE000  }
0x8f: {  	_ =	swait.ge [sflag:s23], $0x2000  }
0x90: {  	[sflag:s23] =	ssyncset.done $0x0  }
0x91: {  	[sflag:s23] =	ssyncadd.s32 $0xFFFFE000  }
0x92: {  	_ =	swait.ge [sflag:s23], $0x2000  }
0x93: {  	[sflag:s23] =	ssyncset.done $0x0  }
0x94: {  	[sflag:s23] =	ssyncadd.s32 $0xFFFFE000  }
0x95: {  	_ =	swait.ge [sflag:s23], $0x2000  }
0x96: {  	[sflag:s23] =	ssyncset.done $0x0  }
0x97: {  	[sflag:s23] =	ssyncadd.s32 $0xFFFFE000  }
0x98: {  	s24 =	sadd.s32 $0x1, s24;
	_ =	swait.ge [sflag:s23], $0x2000  }
0x99: {  	p0 =	sne.s32 s24, s4;
	[sflag:s23] =	ssyncset.done $0x0  }
.Ltmp1:
0x9a: {  	[sflag:s23] =	ssyncadd.s32 $0xFFFFE000;
	(pc) =	sbr.rel @p0 .LBB2_1-.Ltmp1, $4  }
0x9b: {  	[hbm4b:s25+s2] =	stream.linear.scatter [tilespmem:s9], [sflag:$0x2], $0x10000, $0x38;
	[tilespmem:$0x10200] =	vst v63  }
0x9c: {  	_ =	swait.ge [sflag:s7], $0x10000  }
0x9d: {  	[sflag:s7] =	ssyncset.done $0x0  }
0x9e: {  	[sflag:s7] =	ssyncadd.s32 $0xFFFF0000  }
0x9f: {  	_ =	sfence.sel $0x180000  }
0xa0: {  	[bflag:$0x0] =	sbarrier.arrive $0xFFFF  }
0xa1: {  	p0 =	sne.s32 s1, $0x0;
	_ =	strace $0x9000004A  }
0xa2: {  	s0 =	sadd.s32 @!p0 $0x100000, s0;
	[bflag:$0x2] =	sbarrier.arrive $0xFFFF  }
0xa3: {  	[sflag:s0] =	ssyncadd.tile.s32 @!p0 $0x1;
	_ =	shalt  }
.Lfunc_end2:
_tile_overlayer_lowered:
.L_overlay_start_2:
0xa4: {  	(tag) =	ssettag $0x2  }
0xa5: {  	s0 =	rddreg [dreg:$0x0];
	s2 =	stileid.u32  }
0xa6: {  	s1 =	rddreg [dreg:$0x1];
	p0 =	sne.s32 s2, $0x0  }
0xa7: {  	s3 =	rddreg [dreg:$0x2];
	[bflag:$0x3] =	sbarrier.arrive $0xFFFF;
	s2 =	simm.s32 @!p0 $0x1C02  }
0xa8: {  	[timem:s3], [sflag:s2] =	dma.local @!p0 [hbm:s0], s1  }
0xa9: {  	s0 =	simm.s32 @!p0 $0x2  }
0xaa: {  	_ =	swait.ge @!p0 [sflag:s0], s1  }
0xab: {  	s1 =	ssub.s32 @!p0 $0x0, s1;
	[sflag:s0] =	ssyncset.done @!p0 $0x0  }
0xac: {  	[sflag:s0] =	ssyncadd.s32 @!p0 s1  }
0xad: {  	[bflag:$0x3] =	sbarrier.arrive $0xFFFF  }
0xae: {  	_ =	shalt  }

// kernel: kernel.26.cloned.1.call-start
scs
__scs_entry_jumppad:
0x0: {  	(pc) =	sbr.rel $0x88, $3  }
0x1: {  	(tag) =	ssettag $0x0;
	lr =	simm.s32 $0x1  }
0x2: {  	[smem:$0x3F91] =	sst lr;
	_ =	strace $0xD0000000  }
0x3: {  	_ = 	snop  }
0x4: {  	_ = 	snop  }
0x5: {  	_ = 	snop  }
0x6: {  	_ = 	snop  }
0x7: {  	_ = 	snop  }
__scs_overlays_trampoline_lowered:
0x8: {  	[smem:$0x3FA0] =	sst s0  }
0x9: {  	[smem:$0x3FA1] =	sst s1  }
0xa: {  	[smem:$0x3FA2] =	sst s2  }
0xb: {  	[smem:$0x3FA3] =	sst s3  }
0xc: {  	[smem:$0x3FA4] =	sst s4  }
0xd: {  	[smem:$0x3FA5] =	sst s5  }
0xe: {  	[smem:$0x3FA6] =	sst s6  }
0xf: {  	[smem:$0x3FA7] =	sst s7  }
0x10: {  	[smem:$0x3FA8] =	sst s8  }
0x11: {  	[smem:$0x3FA9] =	sst s9;
	s0 =	simm.s32 @!p0 $0x0  }
0x12: {  	s1 =	sld [smem:$0x3F8F];
	s0 =	simm.s32 @p0 $0x1  }
0x13: {  	[smem:$0x3FAA] =	sst s0;
	s0 =	simm.s32 @!p1 $0x0  }
0x14: {  	s2 =	sld [smem:$0x3F8E];
	s0 =	simm.s32 @p1 $0x1  }
0x15: {  	[smem:$0x3FAB] =	sst s0;
	s0 =	simm.s32 @!p2 $0x0  }
0x16: {  	s3 =	sld [smem:$0x3FDB];
	s0 =	simm.s32 @p2 $0x1  }
0x17: {  	s4 =	simm.s32 $0x1BF5;
	[smem:$0x3FAD] =	sst s0  }
0x18: {  	s0 =	sld [smem:$0x3F90];
	_ =	swait.ge [sflag:s4], $0x0  }
0x19: {  	s7 =	sld [smem:$0x3F91]  }
0x1a: {  	s8 =	sadd.s32 $0xFFFFE003, lr  }
0x1b: {  	s9 =	sadd.s32 $0xFFFFFEF7, lr;
	s5 =	simm.s32 $0xFFFFFFFF;
	p2 =	slt.u32 s8, $0xFFFFF086  }
0x1c: {  	p1 =	slt.u32 s9, $0xF7A;
	s5 =	simm.s32 @!p2 $0x0  }
0x1d: {  	s5 =	simm.s32 @p1 $0x1;
	p0 =	seq.s32 s7, s2  }
0x1e: {  	s7 =	smul.u32 @!p0 $0xF7A, s2;
	p2 =	seq.s32 @!p0 s5, $0x0  }
0x1f: {  	s9 =	smul.u32 $0xF7A, s1;
	s8 =	simm.s32 @!p0 $0x1BF5;
	p2 =	por !p2, p0  }
0x20: {  	[sflag:s8] =	ssyncset.s32 @!p0 $0xFFFFF086;
	s6 =	sadd.s32 @!p0 s3, s7;
	s7 =	simm.s32 @!p0 $0x108  }
0x21: {  	s3 =	sadd.s32 s3, s9;
	s6 =	sadd.s32 @!p0 $0x88, s6;
	s7 =	simm.s32 @p2 $0x1082  }
0x22: {  	[simem:s7], [sflag:s8] =	dma.local @!p0 [hbm:s6], $0xF7A  }
0x23: {  	s9 =	sor.u32 $0xD0000000, s2;
	s6 =	simm.s32 $0x108;
	_ =	swait.ge @!p0 [sflag:s8], $0x0  }
0x24: {  	s3 =	sadd.s32 $0x88, s3;
	s6 =	simm.s32 @!p1 $0x1082;
	[sflag:s4] =	ssyncset.s32 $0xFFFFF086  }
0x25: {  	[simem:s6], [sflag:s4] =	dma.local [hbm:s3], $0xF7A  }
0x26: {  	[smem:$0x3F91] =	sst s1;
	(tag) =	ssettag s2;
	_ =	strace s9  }
0x27: {  	s1 =	sld [smem:$0x3FA1]  }
0x28: {  	s2 =	sld [smem:$0x3FA2]  }
0x29: {  	s4 =	sld [smem:$0x3FA4]  }
0x2a: {  	p0 =	seq.s32 s5, $0x0;
	s5 =	sld [smem:$0x3FA5]  }
0x2b: {  	s6 =	sld [smem:$0x3FA6]  }
0x2c: {  	s7 =	sld [smem:$0x3FA7]  }
0x2d: {  	s3 =	simm.s32 $0x108;
	s8 =	sld [smem:$0x3FA8]  }
0x2e: {  	s3 =	simm.s32 @!p0 $0x1082;
	s9 =	sld [smem:$0x3FA9]  }
0x2f: {  	lr =	sadd.s32 s0, s3;
	s0 =	sld [smem:$0x3FA0]  }
0x30: {  	s3 =	sld [smem:$0x3FA3]  }
0x31: {  	[smem:$0x3FAC] =	sst s10  }
0x32: {  	s10 =	sld [smem:$0x3FAA];
	_ =	sdelay $0x3  }
0x33: {  	p0 =	seq.s32 s10, $0x1;
	s10 =	sld [smem:$0x3FAC];
	_ =	sdelay $0x3  }
0x34: {  	[smem:$0x3FAC] =	sst s10  }
0x35: {  	s10 =	sld [smem:$0x3FAB];
	_ =	sdelay $0x3  }
0x36: {  	p1 =	seq.s32 s10, $0x1;
	s10 =	sld [smem:$0x3FAC];
	_ =	sdelay $0x3  }
0x37: {  	[smem:$0x3FAC] =	sst s10  }
0x38: {  	s10 =	sld [smem:$0x3FAD]  }
0x39: {  	_ = 	snop;
	(pc) =	sbr.ind lr, $3  }
0x3a: {  	_ = 	snop  }
0x3b: {  	_ = 	snop  }
0x3c: {  	p2 =	seq.s32 s10, $0x1;
	s10 =	sld [smem:$0x3FAC]  }
0x3d: {  	_ =	shalt  }
0x3e: {  	_ =	shalt  }
0x3f: {  	_ =	shalt  }
0x40: {  	_ =	shalt  }
0x41: {  	_ =	shalt  }
0x42: {  	_ =	shalt  }
0x43: {  	_ =	shalt  }
0x44: {  	_ =	shalt  }
0x45: {  	_ =	shalt  }
0x46: {  	_ =	shalt  }
0x47: {  	_ =	shalt  }
0x48: {  	_ =	shalt  }
0x49: {  	_ =	shalt  }
0x4a: {  	_ =	shalt  }
0x4b: {  	_ =	shalt  }
0x4c: {  	_ =	shalt  }
0x4d: {  	_ =	shalt  }
0x4e: {  	_ =	shalt  }
0x4f: {  	_ =	shalt  }
0x50: {  	_ =	shalt  }
0x51: {  	_ =	shalt  }
0x52: {  	_ =	shalt  }
0x53: {  	_ =	shalt  }
0x54: {  	_ =	shalt  }
0x55: {  	_ =	shalt  }
0x56: {  	_ =	shalt  }
0x57: {  	_ =	shalt  }
0x58: {  	_ =	shalt  }
0x59: {  	_ =	shalt  }
0x5a: {  	_ =	shalt  }
0x5b: {  	_ =	shalt  }
0x5c: {  	_ =	shalt  }
0x5d: {  	_ =	shalt  }
0x5e: {  	_ =	shalt  }
0x5f: {  	_ =	shalt  }
0x60: {  	_ =	shalt  }
0x61: {  	_ =	shalt  }
0x62: {  	_ =	shalt  }
0x63: {  	_ =	shalt  }
0x64: {  	_ =	shalt  }
0x65: {  	_ =	shalt  }
0x66: {  	_ =	shalt  }
0x67: {  	_ =	shalt  }
0x68: {  	_ =	shalt  }
0x69: {  	_ =	shalt  }
0x6a: {  	_ =	shalt  }
0x6b: {  	_ =	shalt  }
0x6c: {  	_ =	shalt  }
0x6d: {  	_ =	shalt  }
0x6e: {  	_ =	shalt  }
0x6f: {  	_ =	shalt  }
0x70: {  	_ =	shalt  }
0x71: {  	_ =	shalt  }
0x72: {  	_ =	shalt  }
0x73: {  	_ =	shalt  }
0x74: {  	_ =	shalt  }
0x75: {  	_ =	shalt  }
0x76: {  	_ =	shalt  }
0x77: {  	_ =	shalt  }
0x78: {  	_ =	shalt  }
0x79: {  	_ =	shalt  }
0x7a: {  	_ =	shalt  }
0x7b: {  	_ =	shalt  }
0x7c: {  	_ =	shalt  }
0x7d: {  	_ =	shalt  }
0x7e: {  	_ =	shalt  }
0x7f: {  	_ =	shalt  }
0x80: {  	_ =	shalt  }
0x81: {  	_ =	shalt  }
0x82: {  	_ =	shalt  }
0x83: {  	_ =	shalt  }
0x84: {  	_ =	shalt  }
0x85: {  	_ =	shalt  }
0x86: {  	_ =	shalt  }
0x87: {  	_ =	shalt  }
.Lfunc_end0:
.L_simem_size_0:
called_computation.2_lowered:
.L_overlay_start_0:
0x88: {  	s2 =	sld [smem:$0x3FD9]  }
0x89: {  	s3 =	sld [smem:$0x3FFE];
	_ =	sdelay $0x1  }
0x8a: {  	s1 =	srdreg.scid  }
0x8b: {  	s0 =	sand.u32 $0x1, s1  }
0x8c: {  	s16 =	sshll.u32 s0, $0xA;
	s2 =	sadd.s32 s3, s2  }
0x8d: {  	s2 =	sadd.s32 s2, s16  }
0x8e: {  	[smem:$0x3FB8] =	sst s2  }
0x8f: {  	_ = 	snop  }
0x90: {  	(tm) =	ssettm $0x1  }
0x91: {  	s17 =	sld [smem:$0x3FFB];
	_ =	sdelay $0x3  }
0x92: {  	_ =	strace s17  }
0x93: {  	s2 =	sld [smem:$0x3FFC];
	_ =	sdelay $0x3  }
0x94: {  	_ =	strace s2  }
0x95: {  	s2 =	sld [smem:$0x3FFD];
	_ =	sdelay $0x3  }
0x96: {  	_ =	strace s2  }
0x97: {  	_ =	strace $0x8FFFFFFF  }
0x98: {  	s18 =	sld [smem:$0x3FDB];
	_ =	sdelay $0x1  }
0x99: {  	s19 =	simm.s32 $_scs_section_size  }
0x9a: {  	s4 =	simm.s32 $_size__tile_overlayer_lowered;
	s5 =	simm.s32 $_tile_overlayer_lowered  }
0x9b: {  	s22 =	simm.s32 $0x1BFF;
	s21 =	sshll.u32 s5, $0x1;
	s2 =	sadd.s32 s19, s18  }
0x9c: {  	s6 =	simm.s32 $0x0;
	s20 =	sshll.u32 s4, $0x1;
	s4 =	sadd.s32 s21, s2  }
0x9d: {  	[timem:s6], [sflag:s22] =	dma.local [hbm:s4], s20  }
0x9e: {  	_ =	swait.ge [sflag:s22], s20  }
0x9f: {  	s3 =	ssub.s32 $0x0, s20;
	[sflag:s22] =	ssyncset.done $0x0  }
0xa0: {  	[sflag:s22] =	ssyncadd.s32 s3;
	_ =	sdelay $0x1  }
0xa1: {  	s23 =	simm.s32 $0x1B8B  }
0xa2: {  	_ =	swait.ge [sflag:s23], $0x1  }
0xa3: {  	[sflag:s23] =	ssyncset.done $0x0  }
0xa4: {  	s25 =	simm.s32 $0x1B8E;
	s24 =	sld [smem:$0x3FFE];
	[sflag:s23] =	ssyncadd.s32 $0xFFFFFFFF  }
0xa5: {  	s26 =	simm.s32 $execute0_lowered;
	[smem:$0x3FD2] =	sst s25  }
0xa6: {  	s4 =	sshll.u32 s26, $0x1;
	_ =	strace $0x8000004C;
	[dreg:$0x1] =	wrdreg $0xFFFFFFFF  }
0xa7: {  	s28 =	simm.s32 $_size_execute0_lowered;
	s2 =	sadd.s32 s2, s4;
	[dreg:$0x0] =	wrdreg $0x0  }
0xa8: {  	s4 =	sshll.u32 s28, $0x1;
	[dreg:$0x2] =	wrdreg s2  }
0xa9: {  	[dreg:$0x3] =	wrdreg s4  }
0xaa: {  	[dreg:$0x4] =	wrdreg $0xC0  }
0xab: {  	_ =	task [dreg:s6], $0x5FFFF  }
0xac: {  	[dreg:$0x1] =	wrdreg $0xFFFFFFFF  }
0xad: {  	[dreg:$0x0] =	wrdreg $0x60  }
0xae: {  	[dreg:$0x2] =	wrdreg s24  }
0xaf: {  	[dreg:$0x3] =	wrdreg $0x9  }
0xb0: {  	_ =	task.clear_ibuf [dreg:s6], $0x4FFFF;
	_ =	strace $0x9000004C  }
0xb1: {  	s29 =	simm.s32 $0x9;
	_ =	strace $0x8000004E  }
0xb2: {  	_ =	swait.ge [sflag:s29], $0x1  }
0xb3: {  	[sflag:s29] =	ssyncadd.s32 $0xFFFFFFFF  }
0xb4: {  	_ =	strace $0x9000004E  }
0xb5: {  	_ =	sfence  }
0xb6: {  	s30 =	sld [smem:$0x0];
	_ =	sdelay $0x2  }
0xb7: {  	s31 =	sshll.u32 s1, $0xD;
	s1 =	sshrl.u32 s1, $0x2  }
0xb8: {  	s3 =	sand.u32 $0x4000, s31;
	s1 =	sadd.s32 s1, s30  }
0xb9: {  	s0 =	sor.u32 s3, s0;
	s1 =	sshll.u32 s1, $0x11  }
0xba: {  	s0 =	sor.u32 s1, s0  }
0xbb: {  	s0 =	sadd.s32 $0x8F2B, s0  }
0xbc: {  	[sflag:s0] =	ssyncadd.remote.s32 $0x1  }
0xbd: {  	_ =	sfence.sel $0xFFFF  }
0xbe: {  	[dreg:$0x0] =	wrdreg $0xFFFFFFFF;
	(pc) =	sbr.abs _section_cstart, $3  }
0xbf: {  	[dreg:$0x1] =	wrdreg $0xFFFFFFFF  }
0xc0: {  	_ =	task.clear_ibuf [dreg:s6], $0x2FFFF;
	_ =	strace $0x9FFFFFFF  }
0xc1: {  	(tm) =	ssettm $0x7FFFFFFF  }
tec
execute0_lowered:
.L_overlay_start_1:
0x0: {  	(tag) =	ssettag $0x1  }
0x1: {  	s4 =	rddreg [dreg:$0x0]  }
0x2: {  	s0 =	rddreg [dreg:$0x1];
	s3 =	srdreg.scid  }
0x3: {  	s1 =	stileid.u32;
	s2 =	simm.s32 $0x0;
	s10 =	simm.s32 $0x2200  }
0x4: {  	s11 =	simm.s32 $0x80;
	s12 =	simm.s32 $0x4200;
	s13 =	simm.s32 $0xC0  }
0x5: {  	s14 =	simm.s32 $0x6200;
	s15 =	simm.s32 $0x100;
	s16 =	simm.s32 $0x8200  }
0x6: {  	s17 =	simm.s32 $0x140;
	s18 =	simm.s32 $0xA200;
	s19 =	simm.s32 $0x180  }
0x7: {  	s20 =	simm.s32 $0xC200;
	s21 =	simm.s32 $0x1C0;
	s22 =	simm.s32 $0xE200  }
0x8: {  	s23 =	simm.s32 $0x1;
	s24 =	simm.s32 $0x0;
	s6 =	smul.u32 $0x5000, s1  }
0x9: {  	s5 =	sand.u32 $0x1, s3;
	[smem:$0x7FF] =	sst s2;
	s8 =	smul.u32 $0x50000, s1  }
0xa: {  	s3 =	sadd.s32 $0x83C00, s4;
	s7 =	smul.u32 $0x2800, s5;
	s30 =	ssub.s32 $0x2, s5  }
0xb: {  	_ =	strace $0x8000004D;
	s5 =	smul.u32 $0x28000, s5;
	s9 =	sshrl.u32 s30, $0x1  }
0xc: {  	s8 =	sadd.s32 s8, s4;
	s6 =	sadd.s32 s7, s6;
	s31 =	ssub.s32 s30, s9  }
0xd: {  	s5 =	sadd.s32 s5, s8;
	s7 =	simm.s32 $0x2;
	s6 =	sshrl.u32 s6, $0x3  }
0xe: {  	s8 =	simm.s32 $0x40;
	s9 =	simm.s32 $0x200;
	s6 =	sadd.s32 s6, s4  }
0xf: {  	s5 =	sadd.s32 $0xCDC00, s5;
	s4 =	smax.u32 s31, $0x1;
	s6 =	sadd.s32 $0xC3C00, s6  }
.LBB2_1:
0x10: {  	s25 =	sadd.s32 $0x0, s6  }
0x11: {  	[tilespmem:s2], [sflag:$0x2] =	stream.linear.gather [hbm4b:s25+s2], $0x200, $0x38;
	[tilespmem:$0x10200] =	vst v63  }
0x12: {  	_ =	swait.ge [sflag:s7], $0x200  }
0x13: {  	[sflag:s7] =	ssyncset.done $0x0  }
0x14: {  	[sflag:s7] =	ssyncadd.s32 $0xFFFFFE00  }
0x15: {  	[tilespmem:s9], [sflag:$0x1] =	stream.indirect.gather [hbm4b:s3+s8], $0x80, s2, s8, $0xb8;
	[tilespmem:$0x10200] =	vst v63  }
0x16: {  	_ = 	snop  }
0x17: {  	[tilespmem:s10], [sflag:$0x1] =	stream.indirect.gather [hbm4b:s3+s8], $0x80, s8, s8, $0xb8;
	[tilespmem:$0x10200] =	vst v63  }
0x18: {  	_ = 	snop  }
0x19: {  	[tilespmem:s12], [sflag:$0x1] =	stream.indirect.gather [hbm4b:s3+s8], $0x80, s11, s8, $0xb8;
	[tilespmem:$0x10200] =	vst v63  }
0x1a: {  	_ = 	snop  }
0x1b: {  	[tilespmem:s14], [sflag:$0x1] =	stream.indirect.gather [hbm4b:s3+s8], $0x80, s13, s8, $0xb8;
	[tilespmem:$0x10200] =	vst v63  }
0x1c: {  	_ = 	snop  }
0x1d: {  	[tilespmem:s16], [sflag:$0x1] =	stream.indirect.gather [hbm4b:s3+s8], $0x80, s15, s8, $0xb8;
	[tilespmem:$0x10200] =	vst v63  }
0x1e: {  	_ = 	snop  }
0x1f: {  	[tilespmem:s18], [sflag:$0x1] =	stream.indirect.gather [hbm4b:s3+s8], $0x80, s17, s8, $0xb8;
	[tilespmem:$0x10200] =	vst v63  }
0x20: {  	_ = 	snop  }
0x21: {  	[tilespmem:s20], [sflag:$0x1] =	stream.indirect.gather [hbm4b:s3+s8], $0x80, s19, s8, $0xb8;
	[tilespmem:$0x10200] =	vst v63  }
0x22: {  	_ = 	snop  }
0x23: {  	[tilespmem:s22], [sflag:$0x1] =	stream.indirect.gather [hbm4b:s3+s8], $0x80, s21, s8, $0xb8;
	[tilespmem:$0x10200] =	vst v63  }
0x24: {  	_ =	swait.ge [sflag:s23], $0x2000  }
0x25: {  	[sflag:s23] =	ssyncset.done $0x0  }
0x26: {  	[sflag:s23] =	ssyncadd.s32 $0xFFFFE000  }
0x27: {  	_ =	swait.ge [sflag:s23], $0x2000  }
0x28: {  	[sflag:s23] =	ssyncset.done $0x0  }
0x29: {  	[sflag:s23] =	ssyncadd.s32 $0xFFFFE000  }
0x2a: {  	_ =	swait.ge [sflag:s23], $0x2000  }
0x2b: {  	[sflag:s23] =	ssyncset.done $0x0  }
0x2c: {  	[sflag:s23] =	ssyncadd.s32 $0xFFFFE000  }
0x2d: {  	_ =	swait.ge [sflag:s23], $0x2000  }
0x2e: {  	[sflag:s23] =	ssyncset.done $0x0  }
0x2f: {  	[sflag:s23] =	ssyncadd.s32 $0xFFFFE000  }
0x30: {  	_ =	swait.ge [sflag:s23], $0x2000  }
0x31: {  	[sflag:s23] =	ssyncset.done $0x0  }
0x32: {  	[sflag:s23] =	ssyncadd.s32 $0xFFFFE000  }
0x33: {  	_ =	swait.ge [sflag:s23], $0x2000  }
0x34: {  	[sflag:s23] =	ssyncset.done $0x0  }
0x35: {  	[sflag:s23] =	ssyncadd.s32 $0xFFFFE000  }
0x36: {  	_ =	swait.ge [sflag:s23], $0x2000  }
0x37: {  	[sflag:s23] =	ssyncset.done $0x0  }
0x38: {  	[sflag:s23] =	ssyncadd.s32 $0xFFFFE000  }
0x39: {  	_ =	swait.ge [sflag:s23], $0x2000  }
0x3a: {  	[sflag:s23] =	ssyncset.done $0x0  }
0x3b: {  	[sflag:s23] =	ssyncadd.s32 $0xFFFFE000  }
0x3c: {  	[hbm4b:s5+s2] =	stream.linear.scatter [tilespmem:s9], [sflag:$0x2], $0x10000, $0x38;
	[tilespmem:$0x10200] =	vst v63  }
0x3d: {  	s26 =	simm.s32 $0x40;
	_ =	swait.ge [sflag:s7], $0x10000  }
0x3e: {  	s29 =	simm.s32 $0x80;
	s25 =	sadd.s32 $0x2000, s5;
	[sflag:s7] =	ssyncset.done $0x0  }
.LBB2_2:
0x3f: {  	s30 =	sadd.s32 s26, s6  }
0x40: {  	[sflag:s7] =	ssyncadd.s32 $0xFFFF0000;
	s26 =	smov.u32 s29;
	s28 =	sadd.s32 $0x40, s29  }
0x41: {  	[tilespmem:s2], [sflag:$0x2] =	stream.linear.gather [hbm4b:s30+s2], $0x200, $0x38;
	[tilespmem:$0x10200] =	vst v63  }
0x42: {  	p0 =	sne.s32 s29, $0x4C0;
	_ =	swait.ge [sflag:s7], $0x200  }
0x43: {  	[sflag:s7] =	ssyncset.done $0x0  }
0x44: {  	[sflag:s7] =	ssyncadd.s32 $0xFFFFFE00  }
0x45: {  	[tilespmem:s9], [sflag:$0x1] =	stream.indirect.gather [hbm4b:s3+s8], $0x80, s2, s8, $0xb8;
	[tilespmem:$0x10200] =	vst v63  }
0x46: {  	_ = 	snop  }
0x47: {  	[tilespmem:s10], [sflag:$0x1] =	stream.indirect.gather [hbm4b:s3+s8], $0x80, s8, s8, $0xb8;
	[tilespmem:$0x10200] =	vst v63  }
0x48: {  	_ = 	snop  }
0x49: {  	[tilespmem:s12], [sflag:$0x1] =	stream.indirect.gather [hbm4b:s3+s8], $0x80, s11, s8, $0xb8;
	[tilespmem:$0x10200] =	vst v63  }
0x4a: {  	_ = 	snop  }
0x4b: {  	[tilespmem:s14], [sflag:$0x1] =	stream.indirect.gather [hbm4b:s3+s8], $0x80, s13, s8, $0xb8;
	[tilespmem:$0x10200] =	vst v63  }
0x4c: {  	_ = 	snop  }
0x4d: {  	[tilespmem:s16], [sflag:$0x1] =	stream.indirect.gather [hbm4b:s3+s8], $0x80, s15, s8, $0xb8;
	[tilespmem:$0x10200] =	vst v63  }
0x4e: {  	_ = 	snop  }
0x4f: {  	[tilespmem:s18], [sflag:$0x1] =	stream.indirect.gather [hbm4b:s3+s8], $0x80, s17, s8, $0xb8;
	[tilespmem:$0x10200] =	vst v63  }
0x50: {  	_ = 	snop  }
0x51: {  	[tilespmem:s20], [sflag:$0x1] =	stream.indirect.gather [hbm4b:s3+s8], $0x80, s19, s8, $0xb8;
	[tilespmem:$0x10200] =	vst v63  }
0x52: {  	_ = 	snop  }
0x53: {  	[tilespmem:s22], [sflag:$0x1] =	stream.indirect.gather [hbm4b:s3+s8], $0x80, s21, s8, $0xb8;
	[tilespmem:$0x10200] =	vst v63  }
0x54: {  	_ =	swait.ge [sflag:s23], $0x2000  }
0x55: {  	[sflag:s23] =	ssyncset.done $0x0  }
0x56: {  	[sflag:s23] =	ssyncadd.s32 $0xFFFFE000  }
0x57: {  	_ =	swait.ge [sflag:s23], $0x2000  }
0x58: {  	[sflag:s23] =	ssyncset.done $0x0  }
0x59: {  	[sflag:s23] =	ssyncadd.s32 $0xFFFFE000  }
0x5a: {  	_ =	swait.ge [sflag:s23], $0x2000  }
0x5b: {  	[sflag:s23] =	ssyncset.done $0x0  }
0x5c: {  	[sflag:s23] =	ssyncadd.s32 $0xFFFFE000  }
0x5d: {  	_ =	swait.ge [sflag:s23], $0x2000  }
0x5e: {  	[sflag:s23] =	ssyncset.done $0x0  }
0x5f: {  	[sflag:s23] =	ssyncadd.s32 $0xFFFFE000  }
0x60: {  	_ =	swait.ge [sflag:s23], $0x2000  }
0x61: {  	[sflag:s23] =	ssyncset.done $0x0  }
0x62: {  	[sflag:s23] =	ssyncadd.s32 $0xFFFFE000  }
0x63: {  	_ =	swait.ge [sflag:s23], $0x2000  }
0x64: {  	[sflag:s23] =	ssyncset.done $0x0  }
0x65: {  	[sflag:s23] =	ssyncadd.s32 $0xFFFFE000  }
0x66: {  	_ =	swait.ge [sflag:s23], $0x2000  }
0x67: {  	[sflag:s23] =	ssyncset.done $0x0  }
0x68: {  	[sflag:s23] =	ssyncadd.s32 $0xFFFFE000  }
0x69: {  	_ =	swait.ge [sflag:s23], $0x2000  }
.Ltmp0:
0x6a: {  	[sflag:s23] =	ssyncset.done $0x0;
	(pc) =	sbr.rel @p0 .LBB2_2-.Ltmp0, $4  }
0x6b: {  	[sflag:s23] =	ssyncadd.s32 $0xFFFFE000  }
0x6c: {  	[hbm4b:s25+s2] =	stream.linear.scatter [tilespmem:s9], [sflag:$0x2], $0x10000, $0x38;
	[tilespmem:$0x10200] =	vst v63  }
0x6d: {  	_ =	swait.ge [sflag:s7], $0x10000  }
0x6e: {  	s29 =	smov.u32 s28;
	s25 =	sadd.s32 $0x2000, s25;
	[sflag:s7] =	ssyncset.done $0x0  }
0x6f: {  	s26 =	sadd.s32 s26, s6;
	[sflag:s7] =	ssyncadd.s32 $0xFFFF0000  }
0x70: {  	[tilespmem:s2], [sflag:$0x2] =	stream.linear.gather [hbm4b:s26+s2], $0x200, $0x38;
	[tilespmem:$0x10200] =	vst v63  }
0x71: {  	_ =	swait.ge [sflag:s7], $0x200  }
0x72: {  	[sflag:s7] =	ssyncset.done $0x0  }
0x73: {  	[sflag:s7] =	ssyncadd.s32 $0xFFFFFE00  }
0x74: {  	[tilespmem:s9], [sflag:$0x1] =	stream.indirect.gather [hbm4b:s3+s8], $0x80, s2, s8, $0xb8;
	[tilespmem:$0x10200] =	vst v63  }
0x75: {  	_ = 	snop  }
0x76: {  	[tilespmem:s10], [sflag:$0x1] =	stream.indirect.gather [hbm4b:s3+s8], $0x80, s8, s8, $0xb8;
	[tilespmem:$0x10200] =	vst v63  }
0x77: {  	_ = 	snop  }
0x78: {  	[tilespmem:s12], [sflag:$0x1] =	stream.indirect.gather [hbm4b:s3+s8], $0x80, s11, s8, $0xb8;
	[tilespmem:$0x10200] =	vst v63  }
0x79: {  	_ = 	snop  }
0x7a: {  	[tilespmem:s14], [sflag:$0x1] =	stream.indirect.gather [hbm4b:s3+s8], $0x80, s13, s8, $0xb8;
	[tilespmem:$0x10200] =	vst v63  }
0x7b: {  	_ = 	snop  }
0x7c: {  	[tilespmem:s16], [sflag:$0x1] =	stream.indirect.gather [hbm4b:s3+s8], $0x80, s15, s8, $0xb8;
	[tilespmem:$0x10200] =	vst v63  }
0x7d: {  	_ = 	snop  }
0x7e: {  	[tilespmem:s18], [sflag:$0x1] =	stream.indirect.gather [hbm4b:s3+s8], $0x80, s17, s8, $0xb8;
	[tilespmem:$0x10200] =	vst v63  }
0x7f: {  	_ = 	snop  }
0x80: {  	[tilespmem:s20], [sflag:$0x1] =	stream.indirect.gather [hbm4b:s3+s8], $0x80, s19, s8, $0xb8;
	[tilespmem:$0x10200] =	vst v63  }
0x81: {  	_ = 	snop  }
0x82: {  	[tilespmem:s22], [sflag:$0x1] =	stream.indirect.gather [hbm4b:s3+s8], $0x80, s21, s8, $0xb8;
	[tilespmem:$0x10200] =	vst v63  }
0x83: {  	_ =	swait.ge [sflag:s23], $0x2000  }
0x84: {  	[sflag:s23] =	ssyncset.done $0x0  }
0x85: {  	[sflag:s23] =	ssyncadd.s32 $0xFFFFE000  }
0x86: {  	_ =	swait.ge [sflag:s23], $0x2000  }
0x87: {  	[sflag:s23] =	ssyncset.done $0x0  }
0x88: {  	[sflag:s23] =	ssyncadd.s32 $0xFFFFE000  }
0x89: {  	_ =	swait.ge [sflag:s23], $0x2000  }
0x8a: {  	[sflag:s23] =	ssyncset.done $0x0  }
0x8b: {  	[sflag:s23] =	ssyncadd.s32 $0xFFFFE000  }
0x8c: {  	_ =	swait.ge [sflag:s23], $0x2000  }
0x8d: {  	[sflag:s23] =	ssyncset.done $0x0  }
0x8e: {  	[sflag:s23] =	ssyncadd.s32 $0xFFFFE000  }
0x8f: {  	_ =	swait.ge [sflag:s23], $0x2000  }
0x90: {  	[sflag:s23] =	ssyncset.done $0x0  }
0x91: {  	[sflag:s23] =	ssyncadd.s32 $0xFFFFE000  }
0x92: {  	_ =	swait.ge [sflag:s23], $0x2000  }
0x93: {  	[sflag:s23] =	ssyncset.done $0x0  }
0x94: {  	[sflag:s23] =	ssyncadd.s32 $0xFFFFE000  }
0x95: {  	_ =	swait.ge [sflag:s23], $0x2000  }
0x96: {  	[sflag:s23] =	ssyncset.done $0x0  }
0x97: {  	[sflag:s23] =	ssyncadd.s32 $0xFFFFE000  }
0x98: {  	s24 =	sadd.s32 $0x1, s24;
	_ =	swait.ge [sflag:s23], $0x2000  }
0x99: {  	p0 =	sne.s32 s24, s4;
	[sflag:s23] =	ssyncset.done $0x0  }
.Ltmp1:
0x9a: {  	[sflag:s23] =	ssyncadd.s32 $0xFFFFE000;
	(pc) =	sbr.rel @p0 .LBB2_1-.Ltmp1, $4  }
0x9b: {  	[hbm4b:s25+s2] =	stream.linear.scatter [tilespmem:s9], [sflag:$0x2], $0x10000, $0x38;
	[tilespmem:$0x10200] =	vst v63  }
0x9c: {  	_ =	swait.ge [sflag:s7], $0x10000  }
0x9d: {  	[sflag:s7] =	ssyncset.done $0x0  }
0x9e: {  	[sflag:s7] =	ssyncadd.s32 $0xFFFF0000  }
0x9f: {  	_ =	sfence.sel $0x180000  }
0xa0: {  	[bflag:$0x0] =	sbarrier.arrive $0xFFFF  }
0xa1: {  	p0 =	sne.s32 s1, $0x0;
	_ =	strace $0x9000004D  }
0xa2: {  	s0 =	sadd.s32 @!p0 $0x100000, s0;
	[bflag:$0x2] =	sbarrier.arrive $0xFFFF  }
0xa3: {  	[sflag:s0] =	ssyncadd.tile.s32 @!p0 $0x1;
	_ =	shalt  }
.Lfunc_end2:
_tile_overlayer_lowered:
.L_overlay_start_2:
0xa4: {  	(tag) =	ssettag $0x2  }
0xa5: {  	s0 =	rddreg [dreg:$0x0];
	s2 =	stileid.u32  }
0xa6: {  	s1 =	rddreg [dreg:$0x1];
	p0 =	sne.s32 s2, $0x0  }
0xa7: {  	s3 =	rddreg [dreg:$0x2];
	[bflag:$0x3] =	sbarrier.arrive $0xFFFF;
	s2 =	simm.s32 @!p0 $0x1C02  }
0xa8: {  	[timem:s3], [sflag:s2] =	dma.local @!p0 [hbm:s0], s1  }
0xa9: {  	s0 =	simm.s32 @!p0 $0x2  }
0xaa: {  	_ =	swait.ge @!p0 [sflag:s0], s1  }
0xab: {  	s1 =	ssub.s32 @!p0 $0x0, s1;
	[sflag:s0] =	ssyncset.done @!p0 $0x0  }
0xac: {  	[sflag:s0] =	ssyncadd.s32 @!p0 s1  }
0xad: {  	[bflag:$0x3] =	sbarrier.arrive $0xFFFF  }
0xae: {  	_ =	shalt  }

// kernel: kernel.29.cloned.1.call-start
scs
__scs_entry_jumppad:
0x0: {  	(pc) =	sbr.rel $0x88, $3  }
0x1: {  	(tag) =	ssettag $0x0;
	lr =	simm.s32 $0x1  }
0x2: {  	[smem:$0x3F91] =	sst lr;
	_ =	strace $0xD0000000  }
0x3: {  	_ = 	snop  }
0x4: {  	_ = 	snop  }
0x5: {  	_ = 	snop  }
0x6: {  	_ = 	snop  }
0x7: {  	_ = 	snop  }
__scs_overlays_trampoline_lowered:
0x8: {  	[smem:$0x3FA0] =	sst s0  }
0x9: {  	[smem:$0x3FA1] =	sst s1  }
0xa: {  	[smem:$0x3FA2] =	sst s2  }
0xb: {  	[smem:$0x3FA3] =	sst s3  }
0xc: {  	[smem:$0x3FA4] =	sst s4  }
0xd: {  	[smem:$0x3FA5] =	sst s5  }
0xe: {  	[smem:$0x3FA6] =	sst s6  }
0xf: {  	[smem:$0x3FA7] =	sst s7  }
0x10: {  	[smem:$0x3FA8] =	sst s8  }
0x11: {  	[smem:$0x3FA9] =	sst s9;
	s0 =	simm.s32 @!p0 $0x0  }
0x12: {  	s1 =	sld [smem:$0x3F8F];
	s0 =	simm.s32 @p0 $0x1  }
0x13: {  	[smem:$0x3FAA] =	sst s0;
	s0 =	simm.s32 @!p1 $0x0  }
0x14: {  	s2 =	sld [smem:$0x3F8E];
	s0 =	simm.s32 @p1 $0x1  }
0x15: {  	[smem:$0x3FAB] =	sst s0;
	s0 =	simm.s32 @!p2 $0x0  }
0x16: {  	s3 =	sld [smem:$0x3FDB];
	s0 =	simm.s32 @p2 $0x1  }
0x17: {  	s4 =	simm.s32 $0x1BF5;
	[smem:$0x3FAD] =	sst s0  }
0x18: {  	s0 =	sld [smem:$0x3F90];
	_ =	swait.ge [sflag:s4], $0x0  }
0x19: {  	s7 =	sld [smem:$0x3F91]  }
0x1a: {  	s8 =	sadd.s32 $0xFFFFE003, lr  }
0x1b: {  	s9 =	sadd.s32 $0xFFFFFEF7, lr;
	s5 =	simm.s32 $0xFFFFFFFF;
	p2 =	slt.u32 s8, $0xFFFFF086  }
0x1c: {  	p1 =	slt.u32 s9, $0xF7A;
	s5 =	simm.s32 @!p2 $0x0  }
0x1d: {  	s5 =	simm.s32 @p1 $0x1;
	p0 =	seq.s32 s7, s2  }
0x1e: {  	s7 =	smul.u32 @!p0 $0xF7A, s2;
	p2 =	seq.s32 @!p0 s5, $0x0  }
0x1f: {  	s9 =	smul.u32 $0xF7A, s1;
	s8 =	simm.s32 @!p0 $0x1BF5;
	p2 =	por !p2, p0  }
0x20: {  	[sflag:s8] =	ssyncset.s32 @!p0 $0xFFFFF086;
	s6 =	sadd.s32 @!p0 s3, s7;
	s7 =	simm.s32 @!p0 $0x108  }
0x21: {  	s3 =	sadd.s32 s3, s9;
	s6 =	sadd.s32 @!p0 $0x88, s6;
	s7 =	simm.s32 @p2 $0x1082  }
0x22: {  	[simem:s7], [sflag:s8] =	dma.local @!p0 [hbm:s6], $0xF7A  }
0x23: {  	s9 =	sor.u32 $0xD0000000, s2;
	s6 =	simm.s32 $0x108;
	_ =	swait.ge @!p0 [sflag:s8], $0x0  }
0x24: {  	s3 =	sadd.s32 $0x88, s3;
	s6 =	simm.s32 @!p1 $0x1082;
	[sflag:s4] =	ssyncset.s32 $0xFFFFF086  }
0x25: {  	[simem:s6], [sflag:s4] =	dma.local [hbm:s3], $0xF7A  }
0x26: {  	[smem:$0x3F91] =	sst s1;
	(tag) =	ssettag s2;
	_ =	strace s9  }
0x27: {  	s1 =	sld [smem:$0x3FA1]  }
0x28: {  	s2 =	sld [smem:$0x3FA2]  }
0x29: {  	s4 =	sld [smem:$0x3FA4]  }
0x2a: {  	p0 =	seq.s32 s5, $0x0;
	s5 =	sld [smem:$0x3FA5]  }
0x2b: {  	s6 =	sld [smem:$0x3FA6]  }
0x2c: {  	s7 =	sld [smem:$0x3FA7]  }
0x2d: {  	s3 =	simm.s32 $0x108;
	s8 =	sld [smem:$0x3FA8]  }
0x2e: {  	s3 =	simm.s32 @!p0 $0x1082;
	s9 =	sld [smem:$0x3FA9]  }
0x2f: {  	lr =	sadd.s32 s0, s3;
	s0 =	sld [smem:$0x3FA0]  }
0x30: {  	s3 =	sld [smem:$0x3FA3]  }
0x31: {  	[smem:$0x3FAC] =	sst s10  }
0x32: {  	s10 =	sld [smem:$0x3FAA];
	_ =	sdelay $0x3  }
0x33: {  	p0 =	seq.s32 s10, $0x1;
	s10 =	sld [smem:$0x3FAC];
	_ =	sdelay $0x3  }
0x34: {  	[smem:$0x3FAC] =	sst s10  }
0x35: {  	s10 =	sld [smem:$0x3FAB];
	_ =	sdelay $0x3  }
0x36: {  	p1 =	seq.s32 s10, $0x1;
	s10 =	sld [smem:$0x3FAC];
	_ =	sdelay $0x3  }
0x37: {  	[smem:$0x3FAC] =	sst s10  }
0x38: {  	s10 =	sld [smem:$0x3FAD]  }
0x39: {  	_ = 	snop;
	(pc) =	sbr.ind lr, $3  }
0x3a: {  	_ = 	snop  }
0x3b: {  	_ = 	snop  }
0x3c: {  	p2 =	seq.s32 s10, $0x1;
	s10 =	sld [smem:$0x3FAC]  }
0x3d: {  	_ =	shalt  }
0x3e: {  	_ =	shalt  }
0x3f: {  	_ =	shalt  }
0x40: {  	_ =	shalt  }
0x41: {  	_ =	shalt  }
0x42: {  	_ =	shalt  }
0x43: {  	_ =	shalt  }
0x44: {  	_ =	shalt  }
0x45: {  	_ =	shalt  }
0x46: {  	_ =	shalt  }
0x47: {  	_ =	shalt  }
0x48: {  	_ =	shalt  }
0x49: {  	_ =	shalt  }
0x4a: {  	_ =	shalt  }
0x4b: {  	_ =	shalt  }
0x4c: {  	_ =	shalt  }
0x4d: {  	_ =	shalt  }
0x4e: {  	_ =	shalt  }
0x4f: {  	_ =	shalt  }
0x50: {  	_ =	shalt  }
0x51: {  	_ =	shalt  }
0x52: {  	_ =	shalt  }
0x53: {  	_ =	shalt  }
0x54: {  	_ =	shalt  }
0x55: {  	_ =	shalt  }
0x56: {  	_ =	shalt  }
0x57: {  	_ =	shalt  }
0x58: {  	_ =	shalt  }
0x59: {  	_ =	shalt  }
0x5a: {  	_ =	shalt  }
0x5b: {  	_ =	shalt  }
0x5c: {  	_ =	shalt  }
0x5d: {  	_ =	shalt  }
0x5e: {  	_ =	shalt  }
0x5f: {  	_ =	shalt  }
0x60: {  	_ =	shalt  }
0x61: {  	_ =	shalt  }
0x62: {  	_ =	shalt  }
0x63: {  	_ =	shalt  }
0x64: {  	_ =	shalt  }
0x65: {  	_ =	shalt  }
0x66: {  	_ =	shalt  }
0x67: {  	_ =	shalt  }
0x68: {  	_ =	shalt  }
0x69: {  	_ =	shalt  }
0x6a: {  	_ =	shalt  }
0x6b: {  	_ =	shalt  }
0x6c: {  	_ =	shalt  }
0x6d: {  	_ =	shalt  }
0x6e: {  	_ =	shalt  }
0x6f: {  	_ =	shalt  }
0x70: {  	_ =	shalt  }
0x71: {  	_ =	shalt  }
0x72: {  	_ =	shalt  }
0x73: {  	_ =	shalt  }
0x74: {  	_ =	shalt  }
0x75: {  	_ =	shalt  }
0x76: {  	_ =	shalt  }
0x77: {  	_ =	shalt  }
0x78: {  	_ =	shalt  }
0x79: {  	_ =	shalt  }
0x7a: {  	_ =	shalt  }
0x7b: {  	_ =	shalt  }
0x7c: {  	_ =	shalt  }
0x7d: {  	_ =	shalt  }
0x7e: {  	_ =	shalt  }
0x7f: {  	_ =	shalt  }
0x80: {  	_ =	shalt  }
0x81: {  	_ =	shalt  }
0x82: {  	_ =	shalt  }
0x83: {  	_ =	shalt  }
0x84: {  	_ =	shalt  }
0x85: {  	_ =	shalt  }
0x86: {  	_ =	shalt  }
0x87: {  	_ =	shalt  }
.Lfunc_end0:
.L_simem_size_0:
called_computation.3_lowered:
.L_overlay_start_0:
0x88: {  	s2 =	sld [smem:$0x3FD9]  }
0x89: {  	s3 =	sld [smem:$0x3FFE];
	_ =	sdelay $0x1  }
0x8a: {  	s1 =	srdreg.scid  }
0x8b: {  	s0 =	sand.u32 $0x1, s1  }
0x8c: {  	s16 =	sshll.u32 s0, $0xA;
	s2 =	sadd.s32 s3, s2  }
0x8d: {  	s2 =	sadd.s32 s2, s16  }
0x8e: {  	[smem:$0x3FB8] =	sst s2  }
0x8f: {  	_ = 	snop  }
0x90: {  	(tm) =	ssettm $0x1  }
0x91: {  	s17 =	sld [smem:$0x3FFB];
	_ =	sdelay $0x3  }
0x92: {  	_ =	strace s17  }
0x93: {  	s2 =	sld [smem:$0x3FFC];
	_ =	sdelay $0x3  }
0x94: {  	_ =	strace s2  }
0x95: {  	s2 =	sld [smem:$0x3FFD];
	_ =	sdelay $0x3  }
0x96: {  	_ =	strace s2  }
0x97: {  	_ =	strace $0x8FFFFFFF  }
0x98: {  	s18 =	sld [smem:$0x3FDB];
	_ =	sdelay $0x1  }
0x99: {  	s19 =	simm.s32 $_scs_section_size  }
0x9a: {  	s4 =	simm.s32 $_size__tile_overlayer_lowered;
	s5 =	simm.s32 $_tile_overlayer_lowered  }
0x9b: {  	s22 =	simm.s32 $0x1BFF;
	s21 =	sshll.u32 s5, $0x1;
	s2 =	sadd.s32 s19, s18  }
0x9c: {  	s6 =	simm.s32 $0x0;
	s20 =	sshll.u32 s4, $0x1;
	s4 =	sadd.s32 s21, s2  }
0x9d: {  	[timem:s6], [sflag:s22] =	dma.local [hbm:s4], s20  }
0x9e: {  	_ =	swait.ge [sflag:s22], s20  }
0x9f: {  	s3 =	ssub.s32 $0x0, s20;
	[sflag:s22] =	ssyncset.done $0x0  }
0xa0: {  	[sflag:s22] =	ssyncadd.s32 s3;
	_ =	sdelay $0x1  }
0xa1: {  	s23 =	simm.s32 $0x1B8B  }
0xa2: {  	_ =	swait.ge [sflag:s23], $0x1  }
0xa3: {  	[sflag:s23] =	ssyncset.done $0x0  }
0xa4: {  	s25 =	simm.s32 $0x1B8E;
	s24 =	sld [smem:$0x3FFE];
	[sflag:s23] =	ssyncadd.s32 $0xFFFFFFFF  }
0xa5: {  	s26 =	simm.s32 $execute0_lowered;
	[smem:$0x3FD2] =	sst s25  }
0xa6: {  	s4 =	sshll.u32 s26, $0x1;
	_ =	strace $0x8000004F;
	[dreg:$0x1] =	wrdreg $0xFFFFFFFF  }
0xa7: {  	s28 =	simm.s32 $_size_execute0_lowered;
	s2 =	sadd.s32 s2, s4;
	[dreg:$0x0] =	wrdreg $0x0  }
0xa8: {  	s4 =	sshll.u32 s28, $0x1;
	[dreg:$0x2] =	wrdreg s2  }
0xa9: {  	[dreg:$0x3] =	wrdreg s4  }
0xaa: {  	[dreg:$0x4] =	wrdreg $0xC0  }
0xab: {  	_ =	task [dreg:s6], $0x5FFFF  }
0xac: {  	[dreg:$0x1] =	wrdreg $0xFFFFFFFF  }
0xad: {  	[dreg:$0x0] =	wrdreg $0x60  }
0xae: {  	[dreg:$0x2] =	wrdreg s24  }
0xaf: {  	[dreg:$0x3] =	wrdreg $0x9  }
0xb0: {  	_ =	task.clear_ibuf [dreg:s6], $0x4FFFF;
	_ =	strace $0x9000004F  }
0xb1: {  	s29 =	simm.s32 $0x9;
	_ =	strace $0x80000051  }
0xb2: {  	_ =	swait.ge [sflag:s29], $0x1  }
0xb3: {  	[sflag:s29] =	ssyncadd.s32 $0xFFFFFFFF  }
0xb4: {  	_ =	strace $0x90000051  }
0xb5: {  	_ =	sfence  }
0xb6: {  	s30 =	sld [smem:$0x0];
	_ =	sdelay $0x2  }
0xb7: {  	s31 =	sshll.u32 s1, $0xD;
	s1 =	sshrl.u32 s1, $0x2  }
0xb8: {  	s3 =	sand.u32 $0x4000, s31;
	s1 =	sadd.s32 s1, s30  }
0xb9: {  	s0 =	sor.u32 s3, s0;
	s1 =	sshll.u32 s1, $0x11  }
0xba: {  	s0 =	sor.u32 s1, s0  }
0xbb: {  	s0 =	sadd.s32 $0x8F2B, s0  }
0xbc: {  	[sflag:s0] =	ssyncadd.remote.s32 $0x1  }
0xbd: {  	_ =	sfence.sel $0xFFFF  }
0xbe: {  	[dreg:$0x0] =	wrdreg $0xFFFFFFFF;
	(pc) =	sbr.abs _section_cstart, $3  }
0xbf: {  	[dreg:$0x1] =	wrdreg $0xFFFFFFFF  }
0xc0: {  	_ =	task.clear_ibuf [dreg:s6], $0x2FFFF;
	_ =	strace $0x9FFFFFFF  }
0xc1: {  	(tm) =	ssettm $0x7FFFFFFF  }
tec
execute0_lowered:
.L_overlay_start_1:
0x0: {  	(tag) =	ssettag $0x1  }
0x1: {  	s4 =	rddreg [dreg:$0x0]  }
0x2: {  	s0 =	rddreg [dreg:$0x1];
	s3 =	srdreg.scid  }
0x3: {  	s1 =	stileid.u32;
	s2 =	simm.s32 $0x0;
	s10 =	simm.s32 $0x2200  }
0x4: {  	s11 =	simm.s32 $0x80;
	s12 =	simm.s32 $0x4200;
	s13 =	simm.s32 $0xC0  }
0x5: {  	s14 =	simm.s32 $0x6200;
	s15 =	simm.s32 $0x100;
	s16 =	simm.s32 $0x8200  }
0x6: {  	s17 =	simm.s32 $0x140;
	s18 =	simm.s32 $0xA200;
	s19 =	simm.s32 $0x180  }
0x7: {  	s20 =	simm.s32 $0xC200;
	s21 =	simm.s32 $0x1C0;
	s22 =	simm.s32 $0xE200  }
0x8: {  	s23 =	simm.s32 $0x1;
	s24 =	simm.s32 $0x0;
	s6 =	smul.u32 $0x5000, s1  }
0x9: {  	s5 =	sand.u32 $0x1, s3;
	[smem:$0x7FF] =	sst s2;
	s8 =	smul.u32 $0x50000, s1  }
0xa: {  	s3 =	sadd.s32 $0x83C00, s4;
	s7 =	smul.u32 $0x2800, s5;
	s30 =	ssub.s32 $0x2, s5  }
0xb: {  	_ =	strace $0x80000050;
	s5 =	smul.u32 $0x28000, s5;
	s9 =	sshrl.u32 s30, $0x1  }
0xc: {  	s8 =	sadd.s32 s8, s4;
	s6 =	sadd.s32 s7, s6;
	s31 =	ssub.s32 s30, s9  }
0xd: {  	s5 =	sadd.s32 s5, s8;
	s7 =	simm.s32 $0x2;
	s6 =	sshrl.u32 s6, $0x3  }
0xe: {  	s8 =	simm.s32 $0x40;
	s9 =	simm.s32 $0x200;
	s6 =	sadd.s32 s6, s4  }
0xf: {  	s5 =	sadd.s32 $0xCDC00, s5;
	s4 =	smax.u32 s31, $0x1;
	s6 =	sadd.s32 $0xC3C00, s6  }
.LBB2_1:
0x10: {  	s25 =	sadd.s32 $0x0, s6  }
0x11: {  	[tilespmem:s2], [sflag:$0x2] =	stream.linear.gather [hbm4b:s25+s2], $0x200, $0x38;
	[tilespmem:$0x10200] =	vst v63  }
0x12: {  	_ =	swait.ge [sflag:s7], $0x200  }
0x13: {  	[sflag:s7] =	ssyncset.done $0x0  }
0x14: {  	[sflag:s7] =	ssyncadd.s32 $0xFFFFFE00  }
0x15: {  	[tilespmem:s9], [sflag:$0x1] =	stream.indirect.gather [hbm4b:s3+s8], $0x80, s2, s8, $0xb8;
	[tilespmem:$0x10200] =	vst v63  }
0x16: {  	_ = 	snop  }
0x17: {  	[tilespmem:s10], [sflag:$0x1] =	stream.indirect.gather [hbm4b:s3+s8], $0x80, s8, s8, $0xb8;
	[tilespmem:$0x10200] =	vst v63  }
0x18: {  	_ = 	snop  }
0x19: {  	[tilespmem:s12], [sflag:$0x1] =	stream.indirect.gather [hbm4b:s3+s8], $0x80, s11, s8, $0xb8;
	[tilespmem:$0x10200] =	vst v63  }
0x1a: {  	_ = 	snop  }
0x1b: {  	[tilespmem:s14], [sflag:$0x1] =	stream.indirect.gather [hbm4b:s3+s8], $0x80, s13, s8, $0xb8;
	[tilespmem:$0x10200] =	vst v63  }
0x1c: {  	_ = 	snop  }
0x1d: {  	[tilespmem:s16], [sflag:$0x1] =	stream.indirect.gather [hbm4b:s3+s8], $0x80, s15, s8, $0xb8;
	[tilespmem:$0x10200] =	vst v63  }
0x1e: {  	_ = 	snop  }
0x1f: {  	[tilespmem:s18], [sflag:$0x1] =	stream.indirect.gather [hbm4b:s3+s8], $0x80, s17, s8, $0xb8;
	[tilespmem:$0x10200] =	vst v63  }
0x20: {  	_ = 	snop  }
0x21: {  	[tilespmem:s20], [sflag:$0x1] =	stream.indirect.gather [hbm4b:s3+s8], $0x80, s19, s8, $0xb8;
	[tilespmem:$0x10200] =	vst v63  }
0x22: {  	_ = 	snop  }
0x23: {  	[tilespmem:s22], [sflag:$0x1] =	stream.indirect.gather [hbm4b:s3+s8], $0x80, s21, s8, $0xb8;
	[tilespmem:$0x10200] =	vst v63  }
0x24: {  	_ =	swait.ge [sflag:s23], $0x2000  }
0x25: {  	[sflag:s23] =	ssyncset.done $0x0  }
0x26: {  	[sflag:s23] =	ssyncadd.s32 $0xFFFFE000  }
0x27: {  	_ =	swait.ge [sflag:s23], $0x2000  }
0x28: {  	[sflag:s23] =	ssyncset.done $0x0  }
0x29: {  	[sflag:s23] =	ssyncadd.s32 $0xFFFFE000  }
0x2a: {  	_ =	swait.ge [sflag:s23], $0x2000  }
0x2b: {  	[sflag:s23] =	ssyncset.done $0x0  }
0x2c: {  	[sflag:s23] =	ssyncadd.s32 $0xFFFFE000  }
0x2d: {  	_ =	swait.ge [sflag:s23], $0x2000  }
0x2e: {  	[sflag:s23] =	ssyncset.done $0x0  }
0x2f: {  	[sflag:s23] =	ssyncadd.s32 $0xFFFFE000  }
0x30: {  	_ =	swait.ge [sflag:s23], $0x2000  }
0x31: {  	[sflag:s23] =	ssyncset.done $0x0  }
0x32: {  	[sflag:s23] =	ssyncadd.s32 $0xFFFFE000  }
0x33: {  	_ =	swait.ge [sflag:s23], $0x2000  }
0x34: {  	[sflag:s23] =	ssyncset.done $0x0  }
0x35: {  	[sflag:s23] =	ssyncadd.s32 $0xFFFFE000  }
0x36: {  	_ =	swait.ge [sflag:s23], $0x2000  }
0x37: {  	[sflag:s23] =	ssyncset.done $0x0  }
0x38: {  	[sflag:s23] =	ssyncadd.s32 $0xFFFFE000  }
0x39: {  	_ =	swait.ge [sflag:s23], $0x2000  }
0x3a: {  	[sflag:s23] =	ssyncset.done $0x0  }
0x3b: {  	[sflag:s23] =	ssyncadd.s32 $0xFFFFE000  }
0x3c: {  	[hbm4b:s5+s2] =	stream.linear.scatter [tilespmem:s9], [sflag:$0x2], $0x10000, $0x38;
	[tilespmem:$0x10200] =	vst v63  }
0x3d: {  	s26 =	simm.s32 $0x40;
	_ =	swait.ge [sflag:s7], $0x10000  }
0x3e: {  	s29 =	simm.s32 $0x80;
	s25 =	sadd.s32 $0x2000, s5;
	[sflag:s7] =	ssyncset.done $0x0  }
.LBB2_2:
0x3f: {  	s30 =	sadd.s32 s26, s6  }
0x40: {  	[sflag:s7] =	ssyncadd.s32 $0xFFFF0000;
	s26 =	smov.u32 s29;
	s28 =	sadd.s32 $0x40, s29  }
0x41: {  	[tilespmem:s2], [sflag:$0x2] =	stream.linear.gather [hbm4b:s30+s2], $0x200, $0x38;
	[tilespmem:$0x10200] =	vst v63  }
0x42: {  	p0 =	sne.s32 s29, $0x4C0;
	_ =	swait.ge [sflag:s7], $0x200  }
0x43: {  	[sflag:s7] =	ssyncset.done $0x0  }
0x44: {  	[sflag:s7] =	ssyncadd.s32 $0xFFFFFE00  }
0x45: {  	[tilespmem:s9], [sflag:$0x1] =	stream.indirect.gather [hbm4b:s3+s8], $0x80, s2, s8, $0xb8;
	[tilespmem:$0x10200] =	vst v63  }
0x46: {  	_ = 	snop  }
0x47: {  	[tilespmem:s10], [sflag:$0x1] =	stream.indirect.gather [hbm4b:s3+s8], $0x80, s8, s8, $0xb8;
	[tilespmem:$0x10200] =	vst v63  }
0x48: {  	_ = 	snop  }
0x49: {  	[tilespmem:s12], [sflag:$0x1] =	stream.indirect.gather [hbm4b:s3+s8], $0x80, s11, s8, $0xb8;
	[tilespmem:$0x10200] =	vst v63  }
0x4a: {  	_ = 	snop  }
0x4b: {  	[tilespmem:s14], [sflag:$0x1] =	stream.indirect.gather [hbm4b:s3+s8], $0x80, s13, s8, $0xb8;
	[tilespmem:$0x10200] =	vst v63  }
0x4c: {  	_ = 	snop  }
0x4d: {  	[tilespmem:s16], [sflag:$0x1] =	stream.indirect.gather [hbm4b:s3+s8], $0x80, s15, s8, $0xb8;
	[tilespmem:$0x10200] =	vst v63  }
0x4e: {  	_ = 	snop  }
0x4f: {  	[tilespmem:s18], [sflag:$0x1] =	stream.indirect.gather [hbm4b:s3+s8], $0x80, s17, s8, $0xb8;
	[tilespmem:$0x10200] =	vst v63  }
0x50: {  	_ = 	snop  }
0x51: {  	[tilespmem:s20], [sflag:$0x1] =	stream.indirect.gather [hbm4b:s3+s8], $0x80, s19, s8, $0xb8;
	[tilespmem:$0x10200] =	vst v63  }
0x52: {  	_ = 	snop  }
0x53: {  	[tilespmem:s22], [sflag:$0x1] =	stream.indirect.gather [hbm4b:s3+s8], $0x80, s21, s8, $0xb8;
	[tilespmem:$0x10200] =	vst v63  }
0x54: {  	_ =	swait.ge [sflag:s23], $0x2000  }
0x55: {  	[sflag:s23] =	ssyncset.done $0x0  }
0x56: {  	[sflag:s23] =	ssyncadd.s32 $0xFFFFE000  }
0x57: {  	_ =	swait.ge [sflag:s23], $0x2000  }
0x58: {  	[sflag:s23] =	ssyncset.done $0x0  }
0x59: {  	[sflag:s23] =	ssyncadd.s32 $0xFFFFE000  }
0x5a: {  	_ =	swait.ge [sflag:s23], $0x2000  }
0x5b: {  	[sflag:s23] =	ssyncset.done $0x0  }
0x5c: {  	[sflag:s23] =	ssyncadd.s32 $0xFFFFE000  }
0x5d: {  	_ =	swait.ge [sflag:s23], $0x2000  }
0x5e: {  	[sflag:s23] =	ssyncset.done $0x0  }
0x5f: {  	[sflag:s23] =	ssyncadd.s32 $0xFFFFE000  }
0x60: {  	_ =	swait.ge [sflag:s23], $0x2000  }
0x61: {  	[sflag:s23] =	ssyncset.done $0x0  }
0x62: {  	[sflag:s23] =	ssyncadd.s32 $0xFFFFE000  }
0x63: {  	_ =	swait.ge [sflag:s23], $0x2000  }
0x64: {  	[sflag:s23] =	ssyncset.done $0x0  }
0x65: {  	[sflag:s23] =	ssyncadd.s32 $0xFFFFE000  }
0x66: {  	_ =	swait.ge [sflag:s23], $0x2000  }
0x67: {  	[sflag:s23] =	ssyncset.done $0x0  }
0x68: {  	[sflag:s23] =	ssyncadd.s32 $0xFFFFE000  }
0x69: {  	_ =	swait.ge [sflag:s23], $0x2000  }
.Ltmp0:
0x6a: {  	[sflag:s23] =	ssyncset.done $0x0;
	(pc) =	sbr.rel @p0 .LBB2_2-.Ltmp0, $4  }
0x6b: {  	[sflag:s23] =	ssyncadd.s32 $0xFFFFE000  }
0x6c: {  	[hbm4b:s25+s2] =	stream.linear.scatter [tilespmem:s9], [sflag:$0x2], $0x10000, $0x38;
	[tilespmem:$0x10200] =	vst v63  }
0x6d: {  	_ =	swait.ge [sflag:s7], $0x10000  }
0x6e: {  	s29 =	smov.u32 s28;
	s25 =	sadd.s32 $0x2000, s25;
	[sflag:s7] =	ssyncset.done $0x0  }
0x6f: {  	s26 =	sadd.s32 s26, s6;
	[sflag:s7] =	ssyncadd.s32 $0xFFFF0000  }
0x70: {  	[tilespmem:s2], [sflag:$0x2] =	stream.linear.gather [hbm4b:s26+s2], $0x200, $0x38;
	[tilespmem:$0x10200] =	vst v63  }
0x71: {  	_ =	swait.ge [sflag:s7], $0x200  }
0x72: {  	[sflag:s7] =	ssyncset.done $0x0  }
0x73: {  	[sflag:s7] =	ssyncadd.s32 $0xFFFFFE00  }
0x74: {  	[tilespmem:s9], [sflag:$0x1] =	stream.indirect.gather [hbm4b:s3+s8], $0x80, s2, s8, $0xb8;
	[tilespmem:$0x10200] =	vst v63  }
0x75: {  	_ = 	snop  }
0x76: {  	[tilespmem:s10], [sflag:$0x1] =	stream.indirect.gather [hbm4b:s3+s8], $0x80, s8, s8, $0xb8;
	[tilespmem:$0x10200] =	vst v63  }
0x77: {  	_ = 	snop  }
0x78: {  	[tilespmem:s12], [sflag:$0x1] =	stream.indirect.gather [hbm4b:s3+s8], $0x80, s11, s8, $0xb8;
	[tilespmem:$0x10200] =	vst v63  }
0x79: {  	_ = 	snop  }
0x7a: {  	[tilespmem:s14], [sflag:$0x1] =	stream.indirect.gather [hbm4b:s3+s8], $0x80, s13, s8, $0xb8;
	[tilespmem:$0x10200] =	vst v63  }
0x7b: {  	_ = 	snop  }
0x7c: {  	[tilespmem:s16], [sflag:$0x1] =	stream.indirect.gather [hbm4b:s3+s8], $0x80, s15, s8, $0xb8;
	[tilespmem:$0x10200] =	vst v63  }
0x7d: {  	_ = 	snop  }
0x7e: {  	[tilespmem:s18], [sflag:$0x1] =	stream.indirect.gather [hbm4b:s3+s8], $0x80, s17, s8, $0xb8;
	[tilespmem:$0x10200] =	vst v63  }
0x7f: {  	_ = 	snop  }
0x80: {  	[tilespmem:s20], [sflag:$0x1] =	stream.indirect.gather [hbm4b:s3+s8], $0x80, s19, s8, $0xb8;
	[tilespmem:$0x10200] =	vst v63  }
0x81: {  	_ = 	snop  }
0x82: {  	[tilespmem:s22], [sflag:$0x1] =	stream.indirect.gather [hbm4b:s3+s8], $0x80, s21, s8, $0xb8;
	[tilespmem:$0x10200] =	vst v63  }
0x83: {  	_ =	swait.ge [sflag:s23], $0x2000  }
0x84: {  	[sflag:s23] =	ssyncset.done $0x0  }
0x85: {  	[sflag:s23] =	ssyncadd.s32 $0xFFFFE000  }
0x86: {  	_ =	swait.ge [sflag:s23], $0x2000  }
0x87: {  	[sflag:s23] =	ssyncset.done $0x0  }
0x88: {  	[sflag:s23] =	ssyncadd.s32 $0xFFFFE000  }
0x89: {  	_ =	swait.ge [sflag:s23], $0x2000  }
0x8a: {  	[sflag:s23] =	ssyncset.done $0x0  }
0x8b: {  	[sflag:s23] =	ssyncadd.s32 $0xFFFFE000  }
0x8c: {  	_ =	swait.ge [sflag:s23], $0x2000  }
0x8d: {  	[sflag:s23] =	ssyncset.done $0x0  }
0x8e: {  	[sflag:s23] =	ssyncadd.s32 $0xFFFFE000  }
0x8f: {  	_ =	swait.ge [sflag:s23], $0x2000  }
0x90: {  	[sflag:s23] =	ssyncset.done $0x0  }
0x91: {  	[sflag:s23] =	ssyncadd.s32 $0xFFFFE000  }
0x92: {  	_ =	swait.ge [sflag:s23], $0x2000  }
0x93: {  	[sflag:s23] =	ssyncset.done $0x0  }
0x94: {  	[sflag:s23] =	ssyncadd.s32 $0xFFFFE000  }
0x95: {  	_ =	swait.ge [sflag:s23], $0x2000  }
0x96: {  	[sflag:s23] =	ssyncset.done $0x0  }
0x97: {  	[sflag:s23] =	ssyncadd.s32 $0xFFFFE000  }
0x98: {  	s24 =	sadd.s32 $0x1, s24;
	_ =	swait.ge [sflag:s23], $0x2000  }
0x99: {  	p0 =	sne.s32 s24, s4;
	[sflag:s23] =	ssyncset.done $0x0  }
.Ltmp1:
0x9a: {  	[sflag:s23] =	ssyncadd.s32 $0xFFFFE000;
	(pc) =	sbr.rel @p0 .LBB2_1-.Ltmp1, $4  }
0x9b: {  	[hbm4b:s25+s2] =	stream.linear.scatter [tilespmem:s9], [sflag:$0x2], $0x10000, $0x38;
	[tilespmem:$0x10200] =	vst v63  }
0x9c: {  	_ =	swait.ge [sflag:s7], $0x10000  }
0x9d: {  	[sflag:s7] =	ssyncset.done $0x0  }
0x9e: {  	[sflag:s7] =	ssyncadd.s32 $0xFFFF0000  }
0x9f: {  	_ =	sfence.sel $0x180000  }
0xa0: {  	[bflag:$0x0] =	sbarrier.arrive $0xFFFF  }
0xa1: {  	p0 =	sne.s32 s1, $0x0;
	_ =	strace $0x90000050  }
0xa2: {  	s0 =	sadd.s32 @!p0 $0x100000, s0;
	[bflag:$0x2] =	sbarrier.arrive $0xFFFF  }
0xa3: {  	[sflag:s0] =	ssyncadd.tile.s32 @!p0 $0x1;
	_ =	shalt  }
.Lfunc_end2:
_tile_overlayer_lowered:
.L_overlay_start_2:
0xa4: {  	(tag) =	ssettag $0x2  }
0xa5: {  	s0 =	rddreg [dreg:$0x0];
	s2 =	stileid.u32  }
0xa6: {  	s1 =	rddreg [dreg:$0x1];
	p0 =	sne.s32 s2, $0x0  }
0xa7: {  	s3 =	rddreg [dreg:$0x2];
	[bflag:$0x3] =	sbarrier.arrive $0xFFFF;
	s2 =	simm.s32 @!p0 $0x1C02  }
0xa8: {  	[timem:s3], [sflag:s2] =	dma.local @!p0 [hbm:s0], s1  }
0xa9: {  	s0 =	simm.s32 @!p0 $0x2  }
0xaa: {  	_ =	swait.ge @!p0 [sflag:s0], s1  }
0xab: {  	s1 =	ssub.s32 @!p0 $0x0, s1;
	[sflag:s0] =	ssyncset.done @!p0 $0x0  }
0xac: {  	[sflag:s0] =	ssyncadd.s32 @!p0 s1  }
0xad: {  	[bflag:$0x3] =	sbarrier.arrive $0xFFFF  }
0xae: {  	_ =	shalt  }

</sc_bundles>
